<compile_context>
chip_gen: v7x
topology: tpu7x:2x2x1
jax: 0.10.2.dev20260603
libtpu: 0.0.44.dev20260713+nightly
codegen_flags: <defaults>
</compile_context>

<pallas_src>
import functools

import jax
import jax.numpy as jnp
from jax import lax
from jax.experimental import pallas as pl
from jax.experimental.pallas import tpu as pltpu
from jax.experimental.pallas import tpu_sc as plsc

N = 50000
NE = 100000
K = 4
H = 64

NWORK = 32
CH = 128
PER_W = 12544
P = NWORK * PER_W
NCH_G = PER_W // CH

NEP2 = P // K
HALF = N // 2
TRASH = HALF
ACC_ROWS = HALF + 8
PER_T = P // 16
NCH_S = PER_T // CH
ROWS_T = 1562


def _gelu(x):
    return 0.5 * x * (1.0 + lax.erf(x * 0.7071067811865476))


def _dot(a, b):
    return jnp.dot(a, b, preferred_element_type=jnp.float32)



def _bd(w):
    return jnp.kron(jnp.eye(2, dtype=jnp.float32), w)


def _jp():
    return jnp.kron(jnp.eye(2, dtype=jnp.float32),
                    jnp.full((H, H), 1.0 / H, jnp.float32))


def _t2(v):
    return jnp.concatenate([v, v]).reshape(1, -1)


def _ln_p(y, jp, g, b):
    mu = _dot(y, jp)
    d = y - mu
    var = _dot(d * d, jp)
    return d * lax.rsqrt(var + 1e-5) * g + b



def _mlp_rows(x, p, norm):
    R, nin = x.shape
    nout = p["l3"]["W"].shape[1]
    BR = 4000 if R % 4000 == 0 else (5000 if R % 5000 == 0 else 2500)
    w = [_bd(p["l1"]["W"]), _t2(p["l1"]["b"]),
         _bd(p["l2"]["W"]), _t2(p["l2"]["b"]),
         _bd(p["l3"]["W"]), _t2(p["l3"]["b"]), _jp()]
    if norm:
        w += [_t2(p["g"]), _t2(p["be"])]

    def body(x_ref, *refs):
        o_ref = refs[-1]
        ws = [r[...] for r in refs[:-1]]
        h = _gelu(_dot(x_ref[...], ws[0]) + ws[1])
        h = _gelu(_dot(h, ws[2]) + ws[3])
        y = _dot(h, ws[4]) + ws[5]
        if norm:
            y = _ln_p(y, ws[6], ws[7], ws[8])
        o_ref[...] = y

    full = lambda a: pl.BlockSpec(a.shape, lambda i: (0,) * a.ndim)
    return pl.pallas_call(
        body,
        grid=(R // BR,),
        in_specs=[pl.BlockSpec((BR, nin), lambda i: (i, 0))] + [full(a) for a in w],
        out_specs=pl.BlockSpec((BR, 2 * nout), lambda i: (i, 0)),
        out_shape=jax.ShapeDtypeStruct((R, 2 * nout), jnp.float32),
    )(x, *w)


def _layer_tc(lp, g3, en3, ex_p):
    BX = 1000
    BR = K * BX

    def split_w(p):
        W1 = p["l1"]["W"]
        return [_bd(W1[:H]), _bd(W1[H:2 * H]), _bd(W1[2 * H:]),
                _t2(p["l1"]["b"]), _bd(p["l2"]["W"]), _t2(p["l2"]["b"]),
                _bd(p["l3"]["W"]), _t2(p["l3"]["b"]), _t2(p["g"]), _t2(p["be"])]

    ew = split_w(lp["elem"])
    nw = split_w(lp["node"])
    jp = _jp()

    def bc4(tp):
        return jnp.broadcast_to(tp[None], (K, BX, 2 * H)).reshape(BR, 2 * H)

    def body(g_ref, en_ref, ex_ref, jp_ref, *refs):
        exo_ref, int_ref = refs[-2], refs[-1]
        ws = [r[...] for r in refs[:-2]]
        e = ws[:10]
        n = ws[10:]
        g = g_ref[...].reshape(BR, 2 * H)
        en = en_ref[...].reshape(BR, 2 * H)
        ex = ex_ref[...]
        jpm = jp_ref[...]
        pre = _dot(g, e[0]) + _dot(en, e[1]) + bc4(_dot(ex, e[2])) + e[3]
        h = _gelu(pre)
        h = _gelu(_dot(h, e[4]) + e[5])
        y = _ln_p(_dot(h, e[6]) + e[7], jpm, e[8], e[9])
        y3 = y.reshape(K, BX, 2 * H)
        exn = ex + (y3[0] + y3[1] + y3[2] + y3[3]) * 0.25
        exo_ref[...] = exn
        pre2 = _dot(g, n[0]) + _dot(en, n[1]) + bc4(_dot(exn, n[2])) + n[3]
        h2 = _gelu(pre2)
        h2 = _gelu(_dot(h2, n[4]) + n[5])
        y2 = _ln_p(_dot(h2, n[6]) + n[7], jpm, n[8], n[9])
        int_ref[...] = y2.reshape(K, BX, 2 * H)

    full = lambda a: pl.BlockSpec(a.shape, lambda i: (0,) * a.ndim)
    return pl.pallas_call(
        body,
        grid=(NE // (2 * BX),),
        in_specs=[pl.BlockSpec((K, BX, 2 * H), lambda i: (0, i, 0)),
                  pl.BlockSpec((K, BX, 2 * H), lambda i: (0, i, 0)),
                  pl.BlockSpec((BX, 2 * H), lambda i: (i, 0)),
                  full(jp)]
                 + [full(a) for a in ew + nw],
        out_specs=[pl.BlockSpec((BX, 2 * H), lambda i: (i, 0)),
                   pl.BlockSpec((K, BX, 2 * H), lambda i: (0, i, 0))],
        out_shape=[jax.ShapeDtypeStruct((NE // 2, 2 * H), jnp.float32),
                   jax.ShapeDtypeStruct((K, NEP2 // 2, 2 * H), jnp.float32)],
    )(g3, en3, ex_p, jp, *ew, *nw)



NB = 6
NBS = 3


@functools.cache
def _sc_gather_kernel():
    mesh = plsc.VectorSubcoreMesh(core_axis_name="c", subcore_axis_name="s")

    @functools.partial(
        pl.kernel,
        out_type=jax.ShapeDtypeStruct((P, H), jnp.float32),
        mesh=mesh,
        scratch_types=[pltpu.VMEM((NCH_G, CH), jnp.int32),
                       pltpu.VMEM((NB, CH, H), jnp.float32),
                       pltpu.SemaphoreType.DMA((NB,)),
                       pltpu.SemaphoreType.DMA((NB,))],
        compiler_params=pltpu.CompilerParams(use_tc_tiling_on_sc=False),
    )
    def _sc_gather(tab, idx2d, out, idx_v, rows_v, gsem, wsem):
        c = lax.axis_index("c")
        s = lax.axis_index("s")
        wid = s * 2 + c
        base = wid * PER_W
        pltpu.sync_copy(idx2d.at[pl.ds(wid * NCH_G, NCH_G)], idx_v)

        def g_desc(i):
            slot = lax.rem(i, NB)
            return pltpu.make_async_copy(tab.at[idx_v.at[i]],
                                         rows_v.at[slot], gsem.at[slot])

        def w_desc(i):
            slot = lax.rem(i, NB)
            return pltpu.make_async_copy(rows_v.at[slot],
                                         out.at[pl.ds(base + i * CH, CH)],
                                         wsem.at[slot])

        for j in range(NB - 2):
            g_desc(j).start()

        def body(i, carry):
            nxt = i + (NB - 2)

            @pl.when(nxt < NCH_G)
            def _():
                @pl.when(nxt >= NB)
                def _():
                    w_desc(nxt - NB).wait()

                g_desc(nxt).start()

            g_desc(i).wait()
            w_desc(i).start()
            return carry

        lax.fori_loop(0, NCH_G, body, 0)
        for k in range(NCH_G - NB, NCH_G):
            w_desc(k).wait()

    return _sc_gather


@functools.cache
def _sc_scatter_kernel():
    mesh = plsc.VectorSubcoreMesh(core_axis_name="c", subcore_axis_name="s")

    @functools.partial(
        pl.kernel,
        out_type=jax.ShapeDtypeStruct((N, H), jnp.float32),
        mesh=mesh,
        scratch_types=[pltpu.VMEM((NBS, CH), jnp.int32),
                       pltpu.VMEM((NBS, CH, H), jnp.float32),
                       pltpu.VMEM_SHARED((ACC_ROWS, H), jnp.float32),
                       pltpu.SemaphoreType.DMA((NBS,)),
                       pltpu.SemaphoreType.DMA((NBS,)),
                       pltpu.SemaphoreType.DMA((NBS,))],
        compiler_params=pltpu.CompilerParams(use_tc_tiling_on_sc=False),
    )
    def _sc_scatter(interim, scidx, nodes, out, idx_v, rows_v, acc,
                    isem, lsem, ssem):
        c = lax.axis_index("c")
        s = lax.axis_index("s")
        pltpu.sync_copy(nodes.at[pl.ds(c * HALF + s * ROWS_T, ROWS_T)],
                        acc.at[pl.ds(s * ROWS_T, ROWS_T)])

        @pl.when(s == 15)
        def _():
            pltpu.sync_copy(
                nodes.at[pl.ds(c * HALF + 16 * ROWS_T, HALF - 16 * ROWS_T)],
                acc.at[pl.ds(16 * ROWS_T, HALF - 16 * ROWS_T)])

        plsc.subcore_barrier()

        def i_desc(i):
            slot = lax.rem(i, NBS)
            return pltpu.make_async_copy(scidx.at[c, s * NCH_S + i],
                                         idx_v.at[slot], isem.at[slot])

        def l_desc(i):
            slot = lax.rem(i, NBS)
            return pltpu.make_async_copy(
                interim.at[pl.ds(s * PER_T + i * CH, CH)],
                rows_v.at[slot], lsem.at[slot])

        def s_desc(i):
            slot = lax.rem(i, NBS)
            return pltpu.make_async_copy(rows_v.at[slot],
                                         acc.at[idx_v.at[slot]], ssem.at[slot])

        def fire(i):
            i_desc(i).start()
            l_desc(i).start()

        fire(0)
        fire(1)

        def body(i, carry):
            @pl.when(i + 2 < NCH_S)
            def _():
                @pl.when(i >= 1)
                def _():
                    s_desc(i - 1).wait()

                fire(i + 2)

            i_desc(i).wait()
            l_desc(i).wait()
            s_desc(i).start(add=True)
            return carry

        lax.fori_loop(0, NCH_S, body, 0)
        for k in range(NCH_S - 3, NCH_S):
            s_desc(k).wait()
        plsc.subcore_barrier()
        pltpu.sync_copy(acc.at[pl.ds(s * ROWS_T, ROWS_T)],
                        out.at[pl.ds(c * HALF + s * ROWS_T, ROWS_T)])

        @pl.when(s == 15)
        def _():
            pltpu.sync_copy(
                acc.at[pl.ds(16 * ROWS_T, HALF - 16 * ROWS_T)],
                out.at[pl.ds(c * HALF + 16 * ROWS_T, HALF - 16 * ROWS_T)])

    return _sc_scatter



def kernel(nodes, elemNodes, elems, elemConn, params):
    nodes2 = nodes[0]
    ex2 = elems[0]
    conn = elemConn[0]
    en_km = jnp.transpose(elemNodes[0], (1, 0, 2)).reshape(NE * K // 2, 32)

    gat_idx = jnp.pad(conn.T, ((0, 0), (0, NEP2 - NE))).reshape(P // CH, CH)

    tgt = jnp.stack([conn[k::K].T.reshape(-1) for k in range(K)])
    tgt = jnp.pad(tgt, ((0, 0), (0, NEP2 - NE)),
                  constant_values=N).reshape(-1)
    halves = []
    for c in range(2):
        halves.append(jnp.where((tgt >= c * HALF) & (tgt < (c + 1) * HALF),
                                tgt - c * HALF, TRASH))
    scat_idx = jnp.stack(halves).reshape(2, P // CH, CH)

    node_p = _mlp_rows(nodes2.reshape(N // 2, 256),
                       params["nodeEnc"], norm=True)
    en_p = _mlp_rows(en_km, params["elemNodeEnc"], norm=True)
    ex_p = _mlp_rows(ex2.reshape(NE // 2, 32),
                     params["elemEnc"], norm=True)

    en3 = en_p.reshape(K, NE // 2, 2 * H)
    node_h = node_p.reshape(N, H)
    for lp in params["layers"]:
        gathered = _sc_gather_kernel()(node_h, gat_idx)
        ex_p, interim3 = _layer_tc(lp, gathered.reshape(K, NEP2 // 2, 2 * H),
                                   en3, ex_p)
        node_h = _sc_scatter_kernel()(interim3.reshape(P, H),
                                      scat_idx, node_h)

    out = _mlp_rows(node_h.reshape(N // 2, 2 * H),
                    params["nodeDec"], norm=False)
    return out.reshape(1, N, 128)

# --- scband reference (transcript-rebuilt; emitter-appended) ---
"""Pipeline reference for scband-graph-net-v2-4449586119105 (READ-ONLY COPY).

The authoritative reference and input builder live on the scoring server;
editing this copy changes nothing except your own understanding.
"""

import jax, jax.numpy as jnp
import numpy as np

B, N, NE, K = 1, 50000, 100000, 4
NODE_DIM, EN_DIM, E_DIM, OUT_DIM, HID, NLAYERS = 128, 16, 16, 128, 64, 2


def _lin(key, nin, nout):
    k1, k2 = jax.random.split(key)
    s = 1.0 / np.sqrt(nin)
    return {"W": jax.random.uniform(k1, (nin, nout), minval=-s, maxval=s, dtype=jnp.float32),
            "b": jax.random.uniform(k2, (nout,), minval=-s, maxval=s, dtype=jnp.float32)}


def _mlp_p(key, nin, nout, hid):
    ks = jax.random.split(key, 3)
    return {"l1": _lin(ks[0], nin, hid), "l2": _lin(ks[1], hid, hid), "l3": _lin(ks[2], hid, nout)}


def _mlpnorm_p(key, nin, nout, hid):
    p = _mlp_p(key, nin, nout, hid)
    p["g"] = jnp.ones((nout,), jnp.float32)
    p["be"] = jnp.zeros((nout,), jnp.float32)
    return p


def _mlp(p, x):
    x = jnp.dot(x, p["l1"]["W"]) + p["l1"]["b"]
    x = jax.nn.gelu(x, approximate=False)
    x = jnp.dot(x, p["l2"]["W"]) + p["l2"]["b"]
    x = jax.nn.gelu(x, approximate=False)
    return jnp.dot(x, p["l3"]["W"]) + p["l3"]["b"]


def _mlpnorm(p, x):
    y = _mlp(p, x)
    mu = jnp.mean(y, axis=-1, keepdims=True)
    var = jnp.var(y, axis=-1, keepdims=True)
    return (y - mu) / jnp.sqrt(var + 1e-5) * p["g"] + p["be"]


def setup_inputs(seed: int = 0):
    key = jax.random.key(seed)
    ks = jax.random.split(key, 5)
    nodes = jax.random.normal(ks[0], (B, N, NODE_DIM), dtype=jnp.float32)
    elemNodes = jax.random.normal(ks[1], (B, NE, K, EN_DIM), dtype=jnp.float32)
    elems = jax.random.normal(ks[2], (B, NE, E_DIM), dtype=jnp.float32)
    elemConn = jax.random.randint(ks[3], (B, NE, K), 0, N, dtype=jnp.int32)
    pk = jax.random.split(ks[4], 4 + 2 * NLAYERS)
    params = {
        "nodeEnc": _mlpnorm_p(pk[0], NODE_DIM, HID, HID),
        "elemNodeEnc": _mlpnorm_p(pk[1], EN_DIM, HID, HID),
        "elemEnc": _mlpnorm_p(pk[2], E_DIM, HID, HID),
        "nodeDec": _mlp_p(pk[3], HID, OUT_DIM, HID),
        "layers": [{"elem": _mlpnorm_p(pk[4 + 2 * i], 3 * HID, HID, HID),
                    "node": _mlpnorm_p(pk[5 + 2 * i], 3 * HID, HID, HID)} for i in range(NLAYERS)],
    }
    return {"nodes": nodes, "elemNodes": elemNodes, "elems": elems,
            "elemConn": elemConn, "params": params}


def reference(nodes, elemNodes, elems, elemConn, params):
    # encoders
    nodes = _mlpnorm(params["nodeEnc"], nodes)
    elemNodes = _mlpnorm(params["elemNodeEnc"], elemNodes)
    elems = _mlpnorm(params["elemEnc"], elems)
    b, n, h = nodes.shape
    gather = jax.vmap(lambda nd, c: nd[c])  # gather nodes per element corner: [B,NE,K,H]
    for lp in params["layers"]:
        gathered = gather(nodes, elemConn)
        # element block (uses pre-update elems)
        ex = jnp.broadcast_to(elems[:, :, None, :], gathered.shape)
        elem_out = _mlpnorm(lp["elem"], jnp.concatenate((gathered, elemNodes, ex), axis=-1))
        elems = elems + jnp.mean(elem_out, axis=-2)
        # node block (uses updated elems, same gathered nodes)
        ex2 = jnp.broadcast_to(elems[:, :, None, :], gathered.shape)
        interim = _mlpnorm(lp["node"], jnp.concatenate((gathered, elemNodes, ex2), axis=-1))
        src = interim.reshape(b, -1, h)  # [B, NE*K, H] (element-major flatten, as in torch)
        idx = jnp.transpose(elemConn, (0, 2, 1)).reshape(b, -1)  # [B, K*NE] (corner-major flatten, as in torch)
        agg = jax.vmap(lambda s, i: jax.ops.segment_sum(s, i, num_segments=n))(src, idx)
        nodes = nodes + agg
    return _mlp(params["nodeDec"], nodes)

if __name__ == "__main__":
    import jax
    _d = setup_inputs()
    print(jax.jit(kernel)(*tuple(_d.values())))

</pallas_src>

<mosaic_0001>
#map = affine_map<(d0, d1) -> (0, 0)>
module attributes {stable_mosaic.version = 14 : i64} {
  func.func @_sc_gather(%arg0: i32, %arg1: i32, %arg2: memref<50000x64xf32, #tpu.memory_space<hbm>>, %arg3: memref<3136x128xi32, #tpu.memory_space<hbm>>, %arg4: memref<401408x64xf32, #tpu.memory_space<hbm>>, %arg5: memref<98x128xi32, #tpu.memory_space<vmem>>, %arg6: memref<6x128x64xf32, #tpu.memory_space<vmem>>, %arg7: memref<6x!tpu.dma_semaphore, #tpu.memory_space<semaphore_mem>>, %arg8: memref<6x!tpu.dma_semaphore, #tpu.memory_space<semaphore_mem>>) attributes {dimension_semantics = [#tpu.dimension_semantics<core_parallel>, #tpu.dimension_semantics<subcore_parallel>], iteration_bounds = array<i64: 2, 16>, scalar_prefetch = 0 : i64, scratch_operands = 4 : i64, tpu.core_type = #tpu.core_type<sc_vector_subcore>, window_params = [{transform_indices = #map}, {transform_indices = #map}, {transform_indices = #map}]} {
    %mul3A = arith.constant 2 : i32
    %mul3A_0 = arith.muli %arg1, %mul3A : i32
    %add3A = arith.addi %mul3A_0, %arg0 : i32
    %mul3A_1 = arith.constant 12544 : i32
    %mul3A_2 = arith.muli %add3A, %mul3A_1 : i32
    %mul3A_3 = arith.constant 98 : i32
    %mul3A_4 = arith.muli %add3A, %mul3A_3 : i32
    "tpu.region"() ({
      %run_scoped3A = tpu.sem_alloc : memref<!tpu.dma_semaphore, #tpu.memory_space<semaphore_mem>>
      %dma_start3A_185 = arith.constant 0 : i32
      %dma_start3A_186 = tpu.memref_slice %arg3[%mul3A_4, %dma_start3A_185] : memref<3136x128xi32, #tpu.memory_space<hbm>> -> memref<98x128xi32, #tpu.memory_space<hbm>>
      %dma_start3A_187 = arith.constant 0 : i32
      %dma_start3A_188 = tpu.memref_slice %arg3[%mul3A_4, %dma_start3A_187] : memref<3136x128xi32, #tpu.memory_space<hbm>> -> memref<98x128xi32, #tpu.memory_space<hbm>>
      tpu.enqueue_dma source(%dma_start3A_188 : memref<98x128xi32, #tpu.memory_space<hbm>>) target(%arg5 : memref<98x128xi32, #tpu.memory_space<vmem>>) target_semaphore(%run_scoped3A : memref<!tpu.dma_semaphore, #tpu.memory_space<semaphore_mem>>)
      %dma_wait3A_189 = arith.constant 0 : i32
      %dma_wait3A_190 = tpu.memref_slice %arg3[%mul3A_4, %dma_wait3A_189] : memref<3136x128xi32, #tpu.memory_space<hbm>> -> memref<98x128xi32, #tpu.memory_space<hbm>>
      %dma_wait3A_191 = arith.constant 0 : i32
      %dma_wait3A_192 = tpu.memref_slice %arg3[%mul3A_4, %dma_wait3A_191] : memref<3136x128xi32, #tpu.memory_space<hbm>> -> memref<98x128xi32, #tpu.memory_space<hbm>>
      tpu.wait_dma2 semaphore(%run_scoped3A : memref<!tpu.dma_semaphore, #tpu.memory_space<semaphore_mem>>) src(%dma_wait3A_192 : memref<98x128xi32, #tpu.memory_space<hbm>>) dst(%arg5 : memref<98x128xi32, #tpu.memory_space<vmem>>)
      tpu.yield
    }) : () -> ()
    %rem3A = arith.constant 0 : i32
    %rem3A_5 = arith.constant 6 : i32
    %rem3A_6 = arith.remsi %rem3A, %rem3A_5 : i32
    %dma_start3A = arith.constant 0 : i32
    %dma_start3A_7 = arith.constant 0 : i32
    %dma_start3A_8 = arith.constant 0 : i32
    %dma_start3A_9 = tpu.memref_slice %arg6[%rem3A_6, %dma_start3A_7, %dma_start3A_8] : memref<6x128x64xf32, #tpu.memory_space<vmem>> -> memref<1x128x64xf32, #tpu.memory_space<vmem>>
    %dma_start3A_10 = tpu.memref_squeeze %dma_start3A_9 : memref<1x128x64xf32, #tpu.memory_space<vmem>> -> memref<128x64xf32, #tpu.memory_space<vmem>>
    %dma_start3A_11 = arith.constant 0 : i32
    %dma_start3A_12 = tpu.memref_slice %arg5[%dma_start3A, %dma_start3A_11] : memref<98x128xi32, #tpu.memory_space<vmem>> -> memref<1x128xi32, #tpu.memory_space<vmem>>
    %dma_start3A_13 = tpu.memref_squeeze %dma_start3A_12 : memref<1x128xi32, #tpu.memory_space<vmem>> -> memref<128xi32, #tpu.memory_space<vmem>>
    %dma_start3A_14 = arith.constant 0 : i32
    %dma_start3A_15 = arith.constant 0 : i32
    %dma_start3A_16 = tpu.memref_slice %arg2[%dma_start3A_14, %dma_start3A_15] : memref<50000x64xf32, #tpu.memory_space<hbm>> -> memref<50000x64xf32, #tpu.memory_space<hbm>>
    %dma_start3A_17 = tpu.memref_slice %arg7[%rem3A_6] : memref<6x!tpu.dma_semaphore, #tpu.memory_space<semaphore_mem>> -> memref<1x!tpu.dma_semaphore, #tpu.memory_space<semaphore_mem>>
    %dma_start3A_18 = tpu.memref_squeeze %dma_start3A_17 : memref<1x!tpu.dma_semaphore, #tpu.memory_space<semaphore_mem>> -> memref<!tpu.dma_semaphore, #tpu.memory_space<semaphore_mem>>
    tpu.enqueue_indirect_dma source(%dma_start3A_16 : memref<50000x64xf32, #tpu.memory_space<hbm>>) target(%dma_start3A_10 : memref<128x64xf32, #tpu.memory_space<vmem>>) offsets(%dma_start3A_13 : memref<128xi32, #tpu.memory_space<vmem>>) semaphore(%dma_start3A_18 : memref<!tpu.dma_semaphore, #tpu.memory_space<semaphore_mem>>)
    %rem3A_19 = arith.constant 1 : i32
    %rem3A_20 = arith.constant 6 : i32
    %rem3A_21 = arith.remsi %rem3A_19, %rem3A_20 : i32
    %dma_start3A_22 = arith.constant 1 : i32
    %dma_start3A_23 = arith.constant 0 : i32
    %dma_start3A_24 = arith.constant 0 : i32
    %dma_start3A_25 = tpu.memref_slice %arg6[%rem3A_21, %dma_start3A_23, %dma_start3A_24] : memref<6x128x64xf32, #tpu.memory_space<vmem>> -> memref<1x128x64xf32, #tpu.memory_space<vmem>>
    %dma_start3A_26 = tpu.memref_squeeze %dma_start3A_25 : memref<1x128x64xf32, #tpu.memory_space<vmem>> -> memref<128x64xf32, #tpu.memory_space<vmem>>
    %dma_start3A_27 = arith.constant 0 : i32
    %dma_start3A_28 = tpu.memref_slice %arg5[%dma_start3A_22, %dma_start3A_27] : memref<98x128xi32, #tpu.memory_space<vmem>> -> memref<1x128xi32, #tpu.memory_space<vmem>>
    %dma_start3A_29 = tpu.memref_squeeze %dma_start3A_28 : memref<1x128xi32, #tpu.memory_space<vmem>> -> memref<128xi32, #tpu.memory_space<vmem>>
    %dma_start3A_30 = arith.constant 0 : i32
    %dma_start3A_31 = arith.constant 0 : i32
    %dma_start3A_32 = tpu.memref_slice %arg2[%dma_start3A_30, %dma_start3A_31] : memref<50000x64xf32, #tpu.memory_space<hbm>> -> memref<50000x64xf32, #tpu.memory_space<hbm>>
    %dma_start3A_33 = tpu.memref_slice %arg7[%rem3A_21] : memref<6x!tpu.dma_semaphore, #tpu.memory_space<semaphore_mem>> -> memref<1x!tpu.dma_semaphore, #tpu.memory_space<semaphore_mem>>
    %dma_start3A_34 = tpu.memref_squeeze %dma_start3A_33 : memref<1x!tpu.dma_semaphore, #tpu.memory_space<semaphore_mem>> -> memref<!tpu.dma_semaphore, #tpu.memory_space<semaphore_mem>>
    tpu.enqueue_indirect_dma source(%dma_start3A_32 : memref<50000x64xf32, #tpu.memory_space<hbm>>) target(%dma_start3A_26 : memref<128x64xf32, #tpu.memory_space<vmem>>) offsets(%dma_start3A_29 : memref<128xi32, #tpu.memory_space<vmem>>) semaphore(%dma_start3A_34 : memref<!tpu.dma_semaphore, #tpu.memory_space<semaphore_mem>>)
    %rem3A_35 = arith.constant 2 : i32
    %rem3A_36 = arith.constant 6 : i32
    %rem3A_37 = arith.remsi %rem3A_35, %rem3A_36 : i32
    %dma_start3A_38 = arith.constant 2 : i32
    %dma_start3A_39 = arith.constant 0 : i32
    %dma_start3A_40 = arith.constant 0 : i32
    %dma_start3A_41 = tpu.memref_slice %arg6[%rem3A_37, %dma_start3A_39, %dma_start3A_40] : memref<6x128x64xf32, #tpu.memory_space<vmem>> -> memref<1x128x64xf32, #tpu.memory_space<vmem>>
    %dma_start3A_42 = tpu.memref_squeeze %dma_start3A_41 : memref<1x128x64xf32, #tpu.memory_space<vmem>> -> memref<128x64xf32, #tpu.memory_space<vmem>>
    %dma_start3A_43 = arith.constant 0 : i32
    %dma_start3A_44 = tpu.memref_slice %arg5[%dma_start3A_38, %dma_start3A_43] : memref<98x128xi32, #tpu.memory_space<vmem>> -> memref<1x128xi32, #tpu.memory_space<vmem>>
    %dma_start3A_45 = tpu.memref_squeeze %dma_start3A_44 : memref<1x128xi32, #tpu.memory_space<vmem>> -> memref<128xi32, #tpu.memory_space<vmem>>
    %dma_start3A_46 = arith.constant 0 : i32
    %dma_start3A_47 = arith.constant 0 : i32
    %dma_start3A_48 = tpu.memref_slice %arg2[%dma_start3A_46, %dma_start3A_47] : memref<50000x64xf32, #tpu.memory_space<hbm>> -> memref<50000x64xf32, #tpu.memory_space<hbm>>
    %dma_start3A_49 = tpu.memref_slice %arg7[%rem3A_37] : memref<6x!tpu.dma_semaphore, #tpu.memory_space<semaphore_mem>> -> memref<1x!tpu.dma_semaphore, #tpu.memory_space<semaphore_mem>>
    %dma_start3A_50 = tpu.memref_squeeze %dma_start3A_49 : memref<1x!tpu.dma_semaphore, #tpu.memory_space<semaphore_mem>> -> memref<!tpu.dma_semaphore, #tpu.memory_space<semaphore_mem>>
    tpu.enqueue_indirect_dma source(%dma_start3A_48 : memref<50000x64xf32, #tpu.memory_space<hbm>>) target(%dma_start3A_42 : memref<128x64xf32, #tpu.memory_space<vmem>>) offsets(%dma_start3A_45 : memref<128xi32, #tpu.memory_space<vmem>>) semaphore(%dma_start3A_50 : memref<!tpu.dma_semaphore, #tpu.memory_space<semaphore_mem>>)
    %rem3A_51 = arith.constant 3 : i32
    %rem3A_52 = arith.constant 6 : i32
    %rem3A_53 = arith.remsi %rem3A_51, %rem3A_52 : i32
    %dma_start3A_54 = arith.constant 3 : i32
    %dma_start3A_55 = arith.constant 0 : i32
    %dma_start3A_56 = arith.constant 0 : i32
    %dma_start3A_57 = tpu.memref_slice %arg6[%rem3A_53, %dma_start3A_55, %dma_start3A_56] : memref<6x128x64xf32, #tpu.memory_space<vmem>> -> memref<1x128x64xf32, #tpu.memory_space<vmem>>
    %dma_start3A_58 = tpu.memref_squeeze %dma_start3A_57 : memref<1x128x64xf32, #tpu.memory_space<vmem>> -> memref<128x64xf32, #tpu.memory_space<vmem>>
    %dma_start3A_59 = arith.constant 0 : i32
    %dma_start3A_60 = tpu.memref_slice %arg5[%dma_start3A_54, %dma_start3A_59] : memref<98x128xi32, #tpu.memory_space<vmem>> -> memref<1x128xi32, #tpu.memory_space<vmem>>
    %dma_start3A_61 = tpu.memref_squeeze %dma_start3A_60 : memref<1x128xi32, #tpu.memory_space<vmem>> -> memref<128xi32, #tpu.memory_space<vmem>>
    %dma_start3A_62 = arith.constant 0 : i32
    %dma_start3A_63 = arith.constant 0 : i32
    %dma_start3A_64 = tpu.memref_slice %arg2[%dma_start3A_62, %dma_start3A_63] : memref<50000x64xf32, #tpu.memory_space<hbm>> -> memref<50000x64xf32, #tpu.memory_space<hbm>>
    %dma_start3A_65 = tpu.memref_slice %arg7[%rem3A_53] : memref<6x!tpu.dma_semaphore, #tpu.memory_space<semaphore_mem>> -> memref<1x!tpu.dma_semaphore, #tpu.memory_space<semaphore_mem>>
    %dma_start3A_66 = tpu.memref_squeeze %dma_start3A_65 : memref<1x!tpu.dma_semaphore, #tpu.memory_space<semaphore_mem>> -> memref<!tpu.dma_semaphore, #tpu.memory_space<semaphore_mem>>
    tpu.enqueue_indirect_dma source(%dma_start3A_64 : memref<50000x64xf32, #tpu.memory_space<hbm>>) target(%dma_start3A_58 : memref<128x64xf32, #tpu.memory_space<vmem>>) offsets(%dma_start3A_61 : memref<128xi32, #tpu.memory_space<vmem>>) semaphore(%dma_start3A_66 : memref<!tpu.dma_semaphore, #tpu.memory_space<semaphore_mem>>)
    %scan3A = arith.constant 0 : i32
    %scan3A_67 = arith.constant 0 : i32
    %scan3A_68 = arith.constant 98 : i32
    %scan3A_69 = arith.addi %scan3A_67, %scan3A_68 : i32
    %scan3A_70 = arith.constant 1 : i32
    scf.for %scan3A_185 = %scan3A_67 to %scan3A_69 step %scan3A_70  : i32 {
      %add3A_186 = arith.constant 4 : i32
      %add3A_187 = arith.addi %scan3A_185, %add3A_186 : i32
      %lt3A = arith.constant 98 : i32
      %lt3A_188 = arith.cmpi slt, %add3A_187, %lt3A : i32
      %convert_element_type3A = arith.extui %lt3A_188 : i1 to i32
      %cond3A = arith.constant 0 : i32
      %cond3A_189 = arith.cmpi ne, %convert_element_type3A, %cond3A : i32
      scf.if %cond3A_189 {
        %ge3A = arith.constant 6 : i32
        %ge3A_223 = arith.cmpi sge, %add3A_187, %ge3A : i32
        %convert_element_type3A_224 = arith.extui %ge3A_223 : i1 to i32
        %cond3A_225 = arith.constant 0 : i32
        %cond3A_226 = arith.cmpi ne, %convert_element_type3A_224, %cond3A_225 : i32
        scf.if %cond3A_226 {
          %sub3A = arith.constant 6 : i32
          %sub3A_241 = arith.subi %add3A_187, %sub3A : i32
          %rem3A_242 = arith.constant 6 : i32
          %rem3A_243 = arith.remsi %sub3A_241, %rem3A_242 : i32
          %mul3A_244 = arith.constant 128 : i32
          %mul3A_245 = arith.muli %sub3A_241, %mul3A_244 : i32
          %add3A_246 = arith.addi %mul3A_2, %mul3A_245 : i32
          %dma_wait3A_247 = arith.constant 0 : i32
          %dma_wait3A_248 = arith.constant 0 : i32
          %dma_wait3A_249 = tpu.memref_slice %arg6[%rem3A_243, %dma_wait3A_247, %dma_wait3A_248] : memref<6x128x64xf32, #tpu.memory_space<vmem>> -> memref<1x128x64xf32, #tpu.memory_space<vmem>>
          %dma_wait3A_250 = tpu.memref_squeeze %dma_wait3A_249 : memref<1x128x64xf32, #tpu.memory_space<vmem>> -> memref<128x64xf32, #tpu.memory_space<vmem>>
          %dma_wait3A_251 = arith.constant 0 : i32
          %dma_wait3A_252 = tpu.memref_slice %arg4[%add3A_246, %dma_wait3A_251] : memref<401408x64xf32, #tpu.memory_space<hbm>> -> memref<128x64xf32, #tpu.memory_space<hbm>>
          %dma_wait3A_253 = tpu.memref_slice %arg8[%rem3A_243] : memref<6x!tpu.dma_semaphore, #tpu.memory_space<semaphore_mem>> -> memref<1x!tpu.dma_semaphore, #tpu.memory_space<semaphore_mem>>
          %dma_wait3A_254 = tpu.memref_squeeze %dma_wait3A_253 : memref<1x!tpu.dma_semaphore, #tpu.memory_space<semaphore_mem>> -> memref<!tpu.dma_semaphore, #tpu.memory_space<semaphore_mem>>
          %dma_wait3A_255 = arith.constant 0 : i32
          %dma_wait3A_256 = tpu.memref_slice %arg4[%add3A_246, %dma_wait3A_255] : memref<401408x64xf32, #tpu.memory_space<hbm>> -> memref<128x64xf32, #tpu.memory_space<hbm>>
          %dma_wait3A_257 = arith.constant 0 : i32
          %dma_wait3A_258 = arith.constant 0 : i32
          %dma_wait3A_259 = tpu.memref_slice %arg6[%rem3A_243, %dma_wait3A_257, %dma_wait3A_258] : memref<6x128x64xf32, #tpu.memory_space<vmem>> -> memref<1x128x64xf32, #tpu.memory_space<vmem>>
          %dma_wait3A_260 = tpu.memref_squeeze %dma_wait3A_259 : memref<1x128x64xf32, #tpu.memory_space<vmem>> -> memref<128x64xf32, #tpu.memory_space<vmem>>
          tpu.wait_dma2 semaphore(%dma_wait3A_254 : memref<!tpu.dma_semaphore, #tpu.memory_space<semaphore_mem>>) src(%dma_wait3A_260 : memref<128x64xf32, #tpu.memory_space<vmem>>) dst(%dma_wait3A_256 : memref<128x64xf32, #tpu.memory_space<hbm>>)
        } else {
        }
        %rem3A_227 = arith.constant 6 : i32
        %rem3A_228 = arith.remsi %add3A_187, %rem3A_227 : i32
        %dma_start3A_229 = arith.constant 0 : i32
        %dma_start3A_230 = arith.constant 0 : i32
        %dma_start3A_231 = tpu.memref_slice %arg6[%rem3A_228, %dma_start3A_229, %dma_start3A_230] : memref<6x128x64xf32, #tpu.memory_space<vmem>> -> memref<1x128x64xf32, #tpu.memory_space<vmem>>
        %dma_start3A_232 = tpu.memref_squeeze %dma_start3A_231 : memref<1x128x64xf32, #tpu.memory_space<vmem>> -> memref<128x64xf32, #tpu.memory_space<vmem>>
        %dma_start3A_233 = arith.constant 0 : i32
        %dma_start3A_234 = tpu.memref_slice %arg5[%add3A_187, %dma_start3A_233] : memref<98x128xi32, #tpu.memory_space<vmem>> -> memref<1x128xi32, #tpu.memory_space<vmem>>
        %dma_start3A_235 = tpu.memref_squeeze %dma_start3A_234 : memref<1x128xi32, #tpu.memory_space<vmem>> -> memref<128xi32, #tpu.memory_space<vmem>>
        %dma_start3A_236 = arith.constant 0 : i32
        %dma_start3A_237 = arith.constant 0 : i32
        %dma_start3A_238 = tpu.memref_slice %arg2[%dma_start3A_236, %dma_start3A_237] : memref<50000x64xf32, #tpu.memory_space<hbm>> -> memref<50000x64xf32, #tpu.memory_space<hbm>>
        %dma_start3A_239 = tpu.memref_slice %arg7[%rem3A_228] : memref<6x!tpu.dma_semaphore, #tpu.memory_space<semaphore_mem>> -> memref<1x!tpu.dma_semaphore, #tpu.memory_space<semaphore_mem>>
        %dma_start3A_240 = tpu.memref_squeeze %dma_start3A_239 : memref<1x!tpu.dma_semaphore, #tpu.memory_space<semaphore_mem>> -> memref<!tpu.dma_semaphore, #tpu.memory_space<semaphore_mem>>
        tpu.enqueue_indirect_dma source(%dma_start3A_238 : memref<50000x64xf32, #tpu.memory_space<hbm>>) target(%dma_start3A_232 : memref<128x64xf32, #tpu.memory_space<vmem>>) offsets(%dma_start3A_235 : memref<128xi32, #tpu.memory_space<vmem>>) semaphore(%dma_start3A_240 : memref<!tpu.dma_semaphore, #tpu.memory_space<semaphore_mem>>)
      } else {
      }
      %rem3A_190 = arith.constant 6 : i32
      %rem3A_191 = arith.remsi %scan3A_185, %rem3A_190 : i32
      %dma_wait3A_192 = arith.constant 0 : i32
      %dma_wait3A_193 = arith.constant 0 : i32
      %dma_wait3A_194 = tpu.memref_slice %arg6[%rem3A_191, %dma_wait3A_192, %dma_wait3A_193] : memref<6x128x64xf32, #tpu.memory_space<vmem>> -> memref<1x128x64xf32, #tpu.memory_space<vmem>>
      %dma_wait3A_195 = tpu.memref_squeeze %dma_wait3A_194 : memref<1x128x64xf32, #tpu.memory_space<vmem>> -> memref<128x64xf32, #tpu.memory_space<vmem>>
      %dma_wait3A_196 = arith.constant 0 : i32
      %dma_wait3A_197 = tpu.memref_slice %arg5[%scan3A_185, %dma_wait3A_196] : memref<98x128xi32, #tpu.memory_space<vmem>> -> memref<1x128xi32, #tpu.memory_space<vmem>>
      %dma_wait3A_198 = tpu.memref_squeeze %dma_wait3A_197 : memref<1x128xi32, #tpu.memory_space<vmem>> -> memref<128xi32, #tpu.memory_space<vmem>>
      %dma_wait3A_199 = arith.constant 0 : i32
      %dma_wait3A_200 = arith.constant 0 : i32
      %dma_wait3A_201 = tpu.memref_slice %arg2[%dma_wait3A_199, %dma_wait3A_200] : memref<50000x64xf32, #tpu.memory_space<hbm>> -> memref<50000x64xf32, #tpu.memory_space<hbm>>
      %dma_wait3A_202 = tpu.memref_slice %arg7[%rem3A_191] : memref<6x!tpu.dma_semaphore, #tpu.memory_space<semaphore_mem>> -> memref<1x!tpu.dma_semaphore, #tpu.memory_space<semaphore_mem>>
      %dma_wait3A_203 = tpu.memref_squeeze %dma_wait3A_202 : memref<1x!tpu.dma_semaphore, #tpu.memory_space<semaphore_mem>> -> memref<!tpu.dma_semaphore, #tpu.memory_space<semaphore_mem>>
      tpu.wait_indirect_dma semaphore(%dma_wait3A_203 : memref<!tpu.dma_semaphore, #tpu.memory_space<semaphore_mem>>) src(%dma_wait3A_201 : memref<50000x64xf32, #tpu.memory_space<hbm>>) dst(%dma_wait3A_195 : memref<128x64xf32, #tpu.memory_space<vmem>>)
      %rem3A_204 = arith.constant 6 : i32
      %rem3A_205 = arith.remsi %scan3A_185, %rem3A_204 : i32
      %mul3A_206 = arith.constant 128 : i32
      %mul3A_207 = arith.muli %scan3A_185, %mul3A_206 : i32
      %add3A_208 = arith.addi %mul3A_2, %mul3A_207 : i32
      %dma_start3A_209 = arith.constant 0 : i32
      %dma_start3A_210 = arith.constant 0 : i32
      %dma_start3A_211 = tpu.memref_slice %arg6[%rem3A_205, %dma_start3A_209, %dma_start3A_210] : memref<6x128x64xf32, #tpu.memory_space<vmem>> -> memref<1x128x64xf32, #tpu.memory_space<vmem>>
      %dma_start3A_212 = tpu.memref_squeeze %dma_start3A_211 : memref<1x128x64xf32, #tpu.memory_space<vmem>> -> memref<128x64xf32, #tpu.memory_space<vmem>>
      %dma_start3A_213 = arith.constant 0 : i32
      %dma_start3A_214 = tpu.memref_slice %arg4[%add3A_208, %dma_start3A_213] : memref<401408x64xf32, #tpu.memory_space<hbm>> -> memref<128x64xf32, #tpu.memory_space<hbm>>
      %dma_start3A_215 = tpu.memref_slice %arg8[%rem3A_205] : memref<6x!tpu.dma_semaphore, #tpu.memory_space<semaphore_mem>> -> memref<1x!tpu.dma_semaphore, #tpu.memory_space<semaphore_mem>>
      %dma_start3A_216 = tpu.memref_squeeze %dma_start3A_215 : memref<1x!tpu.dma_semaphore, #tpu.memory_space<semaphore_mem>> -> memref<!tpu.dma_semaphore, #tpu.memory_space<semaphore_mem>>
      %dma_start3A_217 = arith.constant 0 : i32
      %dma_start3A_218 = tpu.memref_slice %arg4[%add3A_208, %dma_start3A_217] : memref<401408x64xf32, #tpu.memory_space<hbm>> -> memref<128x64xf32, #tpu.memory_space<hbm>>
      %dma_start3A_219 = arith.constant 0 : i32
      %dma_start3A_220 = arith.constant 0 : i32
      %dma_start3A_221 = tpu.memref_slice %arg6[%rem3A_205, %dma_start3A_219, %dma_start3A_220] : memref<6x128x64xf32, #tpu.memory_space<vmem>> -> memref<1x128x64xf32, #tpu.memory_space<vmem>>
      %dma_start3A_222 = tpu.memref_squeeze %dma_start3A_221 : memref<1x128x64xf32, #tpu.memory_space<vmem>> -> memref<128x64xf32, #tpu.memory_space<vmem>>
      tpu.enqueue_dma source(%dma_start3A_222 : memref<128x64xf32, #tpu.memory_space<vmem>>) target(%dma_start3A_218 : memref<128x64xf32, #tpu.memory_space<hbm>>) target_semaphore(%dma_start3A_216 : memref<!tpu.dma_semaphore, #tpu.memory_space<semaphore_mem>>)
    }
    %scan3A_71 = arith.constant 98 : i32
    %rem3A_72 = arith.constant 92 : i32
    %rem3A_73 = arith.constant 6 : i32
    %rem3A_74 = arith.remsi %rem3A_72, %rem3A_73 : i32
    %add3A_75 = arith.constant 11776 : i32
    %add3A_76 = arith.addi %mul3A_2, %add3A_75 : i32
    %dma_wait3A = arith.constant 0 : i32
    %dma_wait3A_77 = arith.constant 0 : i32
    %dma_wait3A_78 = tpu.memref_slice %arg6[%rem3A_74, %dma_wait3A, %dma_wait3A_77] : memref<6x128x64xf32, #tpu.memory_space<vmem>> -> memref<1x128x64xf32, #tpu.memory_space<vmem>>
    %dma_wait3A_79 = tpu.memref_squeeze %dma_wait3A_78 : memref<1x128x64xf32, #tpu.memory_space<vmem>> -> memref<128x64xf32, #tpu.memory_space<vmem>>
    %dma_wait3A_80 = arith.constant 0 : i32
    %dma_wait3A_81 = tpu.memref_slice %arg4[%add3A_76, %dma_wait3A_80] : memref<401408x64xf32, #tpu.memory_space<hbm>> -> memref<128x64xf32, #tpu.memory_space<hbm>>
    %dma_wait3A_82 = tpu.memref_slice %arg8[%rem3A_74] : memref<6x!tpu.dma_semaphore, #tpu.memory_space<semaphore_mem>> -> memref<1x!tpu.dma_semaphore, #tpu.memory_space<semaphore_mem>>
    %dma_wait3A_83 = tpu.memref_squeeze %dma_wait3A_82 : memref<1x!tpu.dma_semaphore, #tpu.memory_space<semaphore_mem>> -> memref<!tpu.dma_semaphore, #tpu.memory_space<semaphore_mem>>
    %dma_wait3A_84 = arith.constant 0 : i32
    %dma_wait3A_85 = tpu.memref_slice %arg4[%add3A_76, %dma_wait3A_84] : memref<401408x64xf32, #tpu.memory_space<hbm>> -> memref<128x64xf32, #tpu.memory_space<hbm>>
    %dma_wait3A_86 = arith.constant 0 : i32
    %dma_wait3A_87 = arith.constant 0 : i32
    %dma_wait3A_88 = tpu.memref_slice %arg6[%rem3A_74, %dma_wait3A_86, %dma_wait3A_87] : memref<6x128x64xf32, #tpu.memory_space<vmem>> -> memref<1x128x64xf32, #tpu.memory_space<vmem>>
    %dma_wait3A_89 = tpu.memref_squeeze %dma_wait3A_88 : memref<1x128x64xf32, #tpu.memory_space<vmem>> -> memref<128x64xf32, #tpu.memory_space<vmem>>
    tpu.wait_dma2 semaphore(%dma_wait3A_83 : memref<!tpu.dma_semaphore, #tpu.memory_space<semaphore_mem>>) src(%dma_wait3A_89 : memref<128x64xf32, #tpu.memory_space<vmem>>) dst(%dma_wait3A_85 : memref<128x64xf32, #tpu.memory_space<hbm>>)
    %rem3A_90 = arith.constant 93 : i32
    %rem3A_91 = arith.constant 6 : i32
    %rem3A_92 = arith.remsi %rem3A_90, %rem3A_91 : i32
    %add3A_93 = arith.constant 11904 : i32
    %add3A_94 = arith.addi %mul3A_2, %add3A_93 : i32
    %dma_wait3A_95 = arith.constant 0 : i32
    %dma_wait3A_96 = arith.constant 0 : i32
    %dma_wait3A_97 = tpu.memref_slice %arg6[%rem3A_92, %dma_wait3A_95, %dma_wait3A_96] : memref<6x128x64xf32, #tpu.memory_space<vmem>> -> memref<1x128x64xf32, #tpu.memory_space<vmem>>
    %dma_wait3A_98 = tpu.memref_squeeze %dma_wait3A_97 : memref<1x128x64xf32, #tpu.memory_space<vmem>> -> memref<128x64xf32, #tpu.memory_space<vmem>>
    %dma_wait3A_99 = arith.constant 0 : i32
    %dma_wait3A_100 = tpu.memref_slice %arg4[%add3A_94, %dma_wait3A_99] : memref<401408x64xf32, #tpu.memory_space<hbm>> -> memref<128x64xf32, #tpu.memory_space<hbm>>
    %dma_wait3A_101 = tpu.memref_slice %arg8[%rem3A_92] : memref<6x!tpu.dma_semaphore, #tpu.memory_space<semaphore_mem>> -> memref<1x!tpu.dma_semaphore, #tpu.memory_space<semaphore_mem>>
    %dma_wait3A_102 = tpu.memref_squeeze %dma_wait3A_101 : memref<1x!tpu.dma_semaphore, #tpu.memory_space<semaphore_mem>> -> memref<!tpu.dma_semaphore, #tpu.memory_space<semaphore_mem>>
    %dma_wait3A_103 = arith.constant 0 : i32
    %dma_wait3A_104 = tpu.memref_slice %arg4[%add3A_94, %dma_wait3A_103] : memref<401408x64xf32, #tpu.memory_space<hbm>> -> memref<128x64xf32, #tpu.memory_space<hbm>>
    %dma_wait3A_105 = arith.constant 0 : i32
    %dma_wait3A_106 = arith.constant 0 : i32
    %dma_wait3A_107 = tpu.memref_slice %arg6[%rem3A_92, %dma_wait3A_105, %dma_wait3A_106] : memref<6x128x64xf32, #tpu.memory_space<vmem>> -> memref<1x128x64xf32, #tpu.memory_space<vmem>>
    %dma_wait3A_108 = tpu.memref_squeeze %dma_wait3A_107 : memref<1x128x64xf32, #tpu.memory_space<vmem>> -> memref<128x64xf32, #tpu.memory_space<vmem>>
    tpu.wait_dma2 semaphore(%dma_wait3A_102 : memref<!tpu.dma_semaphore, #tpu.memory_space<semaphore_mem>>) src(%dma_wait3A_108 : memref<128x64xf32, #tpu.memory_space<vmem>>) dst(%dma_wait3A_104 : memref<128x64xf32, #tpu.memory_space<hbm>>)
    %rem3A_109 = arith.constant 94 : i32
    %rem3A_110 = arith.constant 6 : i32
    %rem3A_111 = arith.remsi %rem3A_109, %rem3A_110 : i32
    %add3A_112 = arith.constant 12032 : i32
    %add3A_113 = arith.addi %mul3A_2, %add3A_112 : i32
    %dma_wait3A_114 = arith.constant 0 : i32
    %dma_wait3A_115 = arith.constant 0 : i32
    %dma_wait3A_116 = tpu.memref_slice %arg6[%rem3A_111, %dma_wait3A_114, %dma_wait3A_115] : memref<6x128x64xf32, #tpu.memory_space<vmem>> -> memref<1x128x64xf32, #tpu.memory_space<vmem>>
    %dma_wait3A_117 = tpu.memref_squeeze %dma_wait3A_116 : memref<1x128x64xf32, #tpu.memory_space<vmem>> -> memref<128x64xf32, #tpu.memory_space<vmem>>
    %dma_wait3A_118 = arith.constant 0 : i32
    %dma_wait3A_119 = tpu.memref_slice %arg4[%add3A_113, %dma_wait3A_118] : memref<401408x64xf32, #tpu.memory_space<hbm>> -> memref<128x64xf32, #tpu.memory_space<hbm>>
    %dma_wait3A_120 = tpu.memref_slice %arg8[%rem3A_111] : memref<6x!tpu.dma_semaphore, #tpu.memory_space<semaphore_mem>> -> memref<1x!tpu.dma_semaphore, #tpu.memory_space<semaphore_mem>>
    %dma_wait3A_121 = tpu.memref_squeeze %dma_wait3A_120 : memref<1x!tpu.dma_semaphore, #tpu.memory_space<semaphore_mem>> -> memref<!tpu.dma_semaphore, #tpu.memory_space<semaphore_mem>>
    %dma_wait3A_122 = arith.constant 0 : i32
    %dma_wait3A_123 = tpu.memref_slice %arg4[%add3A_113, %dma_wait3A_122] : memref<401408x64xf32, #tpu.memory_space<hbm>> -> memref<128x64xf32, #tpu.memory_space<hbm>>
    %dma_wait3A_124 = arith.constant 0 : i32
    %dma_wait3A_125 = arith.constant 0 : i32
    %dma_wait3A_126 = tpu.memref_slice %arg6[%rem3A_111, %dma_wait3A_124, %dma_wait3A_125] : memref<6x128x64xf32, #tpu.memory_space<vmem>> -> memref<1x128x64xf32, #tpu.memory_space<vmem>>
    %dma_wait3A_127 = tpu.memref_squeeze %dma_wait3A_126 : memref<1x128x64xf32, #tpu.memory_space<vmem>> -> memref<128x64xf32, #tpu.memory_space<vmem>>
    tpu.wait_dma2 semaphore(%dma_wait3A_121 : memref<!tpu.dma_semaphore, #tpu.memory_space<semaphore_mem>>) src(%dma_wait3A_127 : memref<128x64xf32, #tpu.memory_space<vmem>>) dst(%dma_wait3A_123 : memref<128x64xf32, #tpu.memory_space<hbm>>)
    %rem3A_128 = arith.constant 95 : i32
    %rem3A_129 = arith.constant 6 : i32
    %rem3A_130 = arith.remsi %rem3A_128, %rem3A_129 : i32
    %add3A_131 = arith.constant 12160 : i32
    %add3A_132 = arith.addi %mul3A_2, %add3A_131 : i32
    %dma_wait3A_133 = arith.constant 0 : i32
    %dma_wait3A_134 = arith.constant 0 : i32
    %dma_wait3A_135 = tpu.memref_slice %arg6[%rem3A_130, %dma_wait3A_133, %dma_wait3A_134] : memref<6x128x64xf32, #tpu.memory_space<vmem>> -> memref<1x128x64xf32, #tpu.memory_space<vmem>>
    %dma_wait3A_136 = tpu.memref_squeeze %dma_wait3A_135 : memref<1x128x64xf32, #tpu.memory_space<vmem>> -> memref<128x64xf32, #tpu.memory_space<vmem>>
    %dma_wait3A_137 = arith.constant 0 : i32
    %dma_wait3A_138 = tpu.memref_slice %arg4[%add3A_132, %dma_wait3A_137] : memref<401408x64xf32, #tpu.memory_space<hbm>> -> memref<128x64xf32, #tpu.memory_space<hbm>>
    %dma_wait3A_139 = tpu.memref_slice %arg8[%rem3A_130] : memref<6x!tpu.dma_semaphore, #tpu.memory_space<semaphore_mem>> -> memref<1x!tpu.dma_semaphore, #tpu.memory_space<semaphore_mem>>
    %dma_wait3A_140 = tpu.memref_squeeze %dma_wait3A_139 : memref<1x!tpu.dma_semaphore, #tpu.memory_space<semaphore_mem>> -> memref<!tpu.dma_semaphore, #tpu.memory_space<semaphore_mem>>
    %dma_wait3A_141 = arith.constant 0 : i32
    %dma_wait3A_142 = tpu.memref_slice %arg4[%add3A_132, %dma_wait3A_141] : memref<401408x64xf32, #tpu.memory_space<hbm>> -> memref<128x64xf32, #tpu.memory_space<hbm>>
    %dma_wait3A_143 = arith.constant 0 : i32
    %dma_wait3A_144 = arith.constant 0 : i32
    %dma_wait3A_145 = tpu.memref_slice %arg6[%rem3A_130, %dma_wait3A_143, %dma_wait3A_144] : memref<6x128x64xf32, #tpu.memory_space<vmem>> -> memref<1x128x64xf32, #tpu.memory_space<vmem>>
    %dma_wait3A_146 = tpu.memref_squeeze %dma_wait3A_145 : memref<1x128x64xf32, #tpu.memory_space<vmem>> -> memref<128x64xf32, #tpu.memory_space<vmem>>
    tpu.wait_dma2 semaphore(%dma_wait3A_140 : memref<!tpu.dma_semaphore, #tpu.memory_space<semaphore_mem>>) src(%dma_wait3A_146 : memref<128x64xf32, #tpu.memory_space<vmem>>) dst(%dma_wait3A_142 : memref<128x64xf32, #tpu.memory_space<hbm>>)
    %rem3A_147 = arith.constant 96 : i32
    %rem3A_148 = arith.constant 6 : i32
    %rem3A_149 = arith.remsi %rem3A_147, %rem3A_148 : i32
    %add3A_150 = arith.constant 12288 : i32
    %add3A_151 = arith.addi %mul3A_2, %add3A_150 : i32
    %dma_wait3A_152 = arith.constant 0 : i32
    %dma_wait3A_153 = arith.constant 0 : i32
    %dma_wait3A_154 = tpu.memref_slice %arg6[%rem3A_149, %dma_wait3A_152, %dma_wait3A_153] : memref<6x128x64xf32, #tpu.memory_space<vmem>> -> memref<1x128x64xf32, #tpu.memory_space<vmem>>
    %dma_wait3A_155 = tpu.memref_squeeze %dma_wait3A_154 : memref<1x128x64xf32, #tpu.memory_space<vmem>> -> memref<128x64xf32, #tpu.memory_space<vmem>>
    %dma_wait3A_156 = arith.constant 0 : i32
    %dma_wait3A_157 = tpu.memref_slice %arg4[%add3A_151, %dma_wait3A_156] : memref<401408x64xf32, #tpu.memory_space<hbm>> -> memref<128x64xf32, #tpu.memory_space<hbm>>
    %dma_wait3A_158 = tpu.memref_slice %arg8[%rem3A_149] : memref<6x!tpu.dma_semaphore, #tpu.memory_space<semaphore_mem>> -> memref<1x!tpu.dma_semaphore, #tpu.memory_space<semaphore_mem>>
    %dma_wait3A_159 = tpu.memref_squeeze %dma_wait3A_158 : memref<1x!tpu.dma_semaphore, #tpu.memory_space<semaphore_mem>> -> memref<!tpu.dma_semaphore, #tpu.memory_space<semaphore_mem>>
    %dma_wait3A_160 = arith.constant 0 : i32
    %dma_wait3A_161 = tpu.memref_slice %arg4[%add3A_151, %dma_wait3A_160] : memref<401408x64xf32, #tpu.memory_space<hbm>> -> memref<128x64xf32, #tpu.memory_space<hbm>>
    %dma_wait3A_162 = arith.constant 0 : i32
    %dma_wait3A_163 = arith.constant 0 : i32
    %dma_wait3A_164 = tpu.memref_slice %arg6[%rem3A_149, %dma_wait3A_162, %dma_wait3A_163] : memref<6x128x64xf32, #tpu.memory_space<vmem>> -> memref<1x128x64xf32, #tpu.memory_space<vmem>>
    %dma_wait3A_165 = tpu.memref_squeeze %dma_wait3A_164 : memref<1x128x64xf32, #tpu.memory_space<vmem>> -> memref<128x64xf32, #tpu.memory_space<vmem>>
    tpu.wait_dma2 semaphore(%dma_wait3A_159 : memref<!tpu.dma_semaphore, #tpu.memory_space<semaphore_mem>>) src(%dma_wait3A_165 : memref<128x64xf32, #tpu.memory_space<vmem>>) dst(%dma_wait3A_161 : memref<128x64xf32, #tpu.memory_space<hbm>>)
    %rem3A_166 = arith.constant 97 : i32
    %rem3A_167 = arith.constant 6 : i32
    %rem3A_168 = arith.remsi %rem3A_166, %rem3A_167 : i32
    %add3A_169 = arith.constant 12416 : i32
    %add3A_170 = arith.addi %mul3A_2, %add3A_169 : i32
    %dma_wait3A_171 = arith.constant 0 : i32
    %dma_wait3A_172 = arith.constant 0 : i32
    %dma_wait3A_173 = tpu.memref_slice %arg6[%rem3A_168, %dma_wait3A_171, %dma_wait3A_172] : memref<6x128x64xf32, #tpu.memory_space<vmem>> -> memref<1x128x64xf32, #tpu.memory_space<vmem>>
    %dma_wait3A_174 = tpu.memref_squeeze %dma_wait3A_173 : memref<1x128x64xf32, #tpu.memory_space<vmem>> -> memref<128x64xf32, #tpu.memory_space<vmem>>
    %dma_wait3A_175 = arith.constant 0 : i32
    %dma_wait3A_176 = tpu.memref_slice %arg4[%add3A_170, %dma_wait3A_175] : memref<401408x64xf32, #tpu.memory_space<hbm>> -> memref<128x64xf32, #tpu.memory_space<hbm>>
    %dma_wait3A_177 = tpu.memref_slice %arg8[%rem3A_168] : memref<6x!tpu.dma_semaphore, #tpu.memory_space<semaphore_mem>> -> memref<1x!tpu.dma_semaphore, #tpu.memory_space<semaphore_mem>>
    %dma_wait3A_178 = tpu.memref_squeeze %dma_wait3A_177 : memref<1x!tpu.dma_semaphore, #tpu.memory_space<semaphore_mem>> -> memref<!tpu.dma_semaphore, #tpu.memory_space<semaphore_mem>>
    %dma_wait3A_179 = arith.constant 0 : i32
    %dma_wait3A_180 = tpu.memref_slice %arg4[%add3A_170, %dma_wait3A_179] : memref<401408x64xf32, #tpu.memory_space<hbm>> -> memref<128x64xf32, #tpu.memory_space<hbm>>
    %dma_wait3A_181 = arith.constant 0 : i32
    %dma_wait3A_182 = arith.constant 0 : i32
    %dma_wait3A_183 = tpu.memref_slice %arg6[%rem3A_168, %dma_wait3A_181, %dma_wait3A_182] : memref<6x128x64xf32, #tpu.memory_space<vmem>> -> memref<1x128x64xf32, #tpu.memory_space<vmem>>
    %dma_wait3A_184 = tpu.memref_squeeze %dma_wait3A_183 : memref<1x128x64xf32, #tpu.memory_space<vmem>> -> memref<128x64xf32, #tpu.memory_space<vmem>>
    tpu.wait_dma2 semaphore(%dma_wait3A_178 : memref<!tpu.dma_semaphore, #tpu.memory_space<semaphore_mem>>) src(%dma_wait3A_184 : memref<128x64xf32, #tpu.memory_space<vmem>>) dst(%dma_wait3A_180 : memref<128x64xf32, #tpu.memory_space<hbm>>)
    return
  }
}

#map = affine_map<(d0, d1) -> (0, 0)>
#map1 = affine_map<(d0, d1) -> (0, 0, 0)>
module attributes {stable_mosaic.version = 14 : i64} {
  func.func @_sc_scatter(%arg0: i32, %arg1: i32, %arg2: memref<401408x64xf32, #tpu.memory_space<hbm>>, %arg3: memref<2x3136x128xi32, #tpu.memory_space<hbm>>, %arg4: memref<50000x64xf32, #tpu.memory_space<hbm>>, %arg5: memref<50000x64xf32, #tpu.memory_space<hbm>>, %arg6: memref<3x128xi32, #tpu.memory_space<vmem>>, %arg7: memref<3x128x64xf32, #tpu.memory_space<vmem>>, %arg8: memref<25008x64xf32, #tpu.memory_space<vmem_shared>>, %arg9: memref<3x!tpu.dma_semaphore, #tpu.memory_space<semaphore_mem>>, %arg10: memref<3x!tpu.dma_semaphore, #tpu.memory_space<semaphore_mem>>, %arg11: memref<3x!tpu.dma_semaphore, #tpu.memory_space<semaphore_mem>>) attributes {dimension_semantics = [#tpu.dimension_semantics<core_parallel>, #tpu.dimension_semantics<subcore_parallel>], iteration_bounds = array<i64: 2, 16>, scalar_prefetch = 0 : i64, scratch_operands = 6 : i64, tpu.core_type = #tpu.core_type<sc_vector_subcore>, window_params = [{transform_indices = #map}, {transform_indices = #map1}, {transform_indices = #map}, {transform_indices = #map}]} {
    %mul3A = arith.constant 25000 : i32
    %mul3A_0 = arith.muli %arg0, %mul3A : i32
    %mul3A_1 = arith.constant 1562 : i32
    %mul3A_2 = arith.muli %arg1, %mul3A_1 : i32
    %add3A = arith.addi %mul3A_0, %mul3A_2 : i32
    %mul3A_3 = arith.constant 1562 : i32
    %mul3A_4 = arith.muli %arg1, %mul3A_3 : i32
    "tpu.region"() ({
      %run_scoped3A = tpu.sem_alloc : memref<!tpu.dma_semaphore, #tpu.memory_space<semaphore_mem>>
      %dma_start3A_151 = arith.constant 0 : i32
      %dma_start3A_152 = tpu.memref_slice %arg8[%mul3A_4, %dma_start3A_151] : memref<25008x64xf32, #tpu.memory_space<vmem_shared>> -> memref<1562x64xf32, #tpu.memory_space<vmem_shared>>
      %dma_start3A_153 = arith.constant 0 : i32
      %dma_start3A_154 = tpu.memref_slice %arg4[%add3A, %dma_start3A_153] : memref<50000x64xf32, #tpu.memory_space<hbm>> -> memref<1562x64xf32, #tpu.memory_space<hbm>>
      tpu.enqueue_dma source(%dma_start3A_154 : memref<1562x64xf32, #tpu.memory_space<hbm>>) target(%dma_start3A_152 : memref<1562x64xf32, #tpu.memory_space<vmem_shared>>) target_semaphore(%run_scoped3A : memref<!tpu.dma_semaphore, #tpu.memory_space<semaphore_mem>>)
      %dma_wait3A_155 = arith.constant 0 : i32
      %dma_wait3A_156 = tpu.memref_slice %arg8[%mul3A_4, %dma_wait3A_155] : memref<25008x64xf32, #tpu.memory_space<vmem_shared>> -> memref<1562x64xf32, #tpu.memory_space<vmem_shared>>
      %dma_wait3A_157 = arith.constant 0 : i32
      %dma_wait3A_158 = tpu.memref_slice %arg4[%add3A, %dma_wait3A_157] : memref<50000x64xf32, #tpu.memory_space<hbm>> -> memref<1562x64xf32, #tpu.memory_space<hbm>>
      tpu.wait_dma2 semaphore(%run_scoped3A : memref<!tpu.dma_semaphore, #tpu.memory_space<semaphore_mem>>) src(%dma_wait3A_158 : memref<1562x64xf32, #tpu.memory_space<hbm>>) dst(%dma_wait3A_156 : memref<1562x64xf32, #tpu.memory_space<vmem_shared>>)
      tpu.yield
    }) : () -> ()
    %eq3A = arith.constant 15 : i32
    %eq3A_5 = arith.cmpi eq, %arg1, %eq3A : i32
    %convert_element_type3A = arith.extui %eq3A_5 : i1 to i32
    %cond3A = arith.constant 0 : i32
    %cond3A_6 = arith.cmpi ne, %convert_element_type3A, %cond3A : i32
    scf.if %cond3A_6 {
      %mul3A_151 = arith.constant 25000 : i32
      %mul3A_152 = arith.muli %arg0, %mul3A_151 : i32
      %add3A_153 = arith.constant 24992 : i32
      %add3A_154 = arith.addi %mul3A_152, %add3A_153 : i32
      "tpu.region"() ({
        %run_scoped3A = tpu.sem_alloc : memref<!tpu.dma_semaphore, #tpu.memory_space<semaphore_mem>>
        %dma_start3A_155 = arith.constant 24992 : i32
        %dma_start3A_156 = arith.constant 0 : i32
        %dma_start3A_157 = tpu.memref_slice %arg8[%dma_start3A_155, %dma_start3A_156] : memref<25008x64xf32, #tpu.memory_space<vmem_shared>> -> memref<8x64xf32, #tpu.memory_space<vmem_shared>>
        %dma_start3A_158 = arith.constant 0 : i32
        %dma_start3A_159 = tpu.memref_slice %arg4[%add3A_154, %dma_start3A_158] : memref<50000x64xf32, #tpu.memory_space<hbm>> -> memref<8x64xf32, #tpu.memory_space<hbm>>
        tpu.enqueue_dma source(%dma_start3A_159 : memref<8x64xf32, #tpu.memory_space<hbm>>) target(%dma_start3A_157 : memref<8x64xf32, #tpu.memory_space<vmem_shared>>) target_semaphore(%run_scoped3A : memref<!tpu.dma_semaphore, #tpu.memory_space<semaphore_mem>>)
        %dma_wait3A_160 = arith.constant 24992 : i32
        %dma_wait3A_161 = arith.constant 0 : i32
        %dma_wait3A_162 = tpu.memref_slice %arg8[%dma_wait3A_160, %dma_wait3A_161] : memref<25008x64xf32, #tpu.memory_space<vmem_shared>> -> memref<8x64xf32, #tpu.memory_space<vmem_shared>>
        %dma_wait3A_163 = arith.constant 0 : i32
        %dma_wait3A_164 = tpu.memref_slice %arg4[%add3A_154, %dma_wait3A_163] : memref<50000x64xf32, #tpu.memory_space<hbm>> -> memref<8x64xf32, #tpu.memory_space<hbm>>
        tpu.wait_dma2 semaphore(%run_scoped3A : memref<!tpu.dma_semaphore, #tpu.memory_space<semaphore_mem>>) src(%dma_wait3A_164 : memref<8x64xf32, #tpu.memory_space<hbm>>) dst(%dma_wait3A_162 : memref<8x64xf32, #tpu.memory_space<vmem_shared>>)
        tpu.yield
      }) : () -> ()
    } else {
    }
    %barrier3A = arith.constant 0 : index
    tpu.barrier barrier_id(%barrier3A)
    %rem3A = arith.constant 0 : i32
    %rem3A_7 = arith.constant 3 : i32
    %rem3A_8 = arith.remsi %rem3A, %rem3A_7 : i32
    %mul3A_9 = arith.constant 196 : i32
    %mul3A_10 = arith.muli %arg1, %mul3A_9 : i32
    %add3A_11 = arith.constant 0 : i32
    %add3A_12 = arith.addi %mul3A_10, %add3A_11 : i32
    %dma_start3A = arith.constant 0 : i32
    %dma_start3A_13 = tpu.memref_slice %arg6[%rem3A_8, %dma_start3A] : memref<3x128xi32, #tpu.memory_space<vmem>> -> memref<1x128xi32, #tpu.memory_space<vmem>>
    %dma_start3A_14 = tpu.memref_squeeze %dma_start3A_13 : memref<1x128xi32, #tpu.memory_space<vmem>> -> memref<128xi32, #tpu.memory_space<vmem>>
    %dma_start3A_15 = arith.constant 0 : i32
    %dma_start3A_16 = tpu.memref_slice %arg3[%arg0, %add3A_12, %dma_start3A_15] : memref<2x3136x128xi32, #tpu.memory_space<hbm>> -> memref<1x1x128xi32, #tpu.memory_space<hbm>>
    %dma_start3A_17 = tpu.memref_squeeze %dma_start3A_16 : memref<1x1x128xi32, #tpu.memory_space<hbm>> -> memref<128xi32, #tpu.memory_space<hbm>>
    %dma_start3A_18 = tpu.memref_slice %arg9[%rem3A_8] : memref<3x!tpu.dma_semaphore, #tpu.memory_space<semaphore_mem>> -> memref<1x!tpu.dma_semaphore, #tpu.memory_space<semaphore_mem>>
    %dma_start3A_19 = tpu.memref_squeeze %dma_start3A_18 : memref<1x!tpu.dma_semaphore, #tpu.memory_space<semaphore_mem>> -> memref<!tpu.dma_semaphore, #tpu.memory_space<semaphore_mem>>
    %dma_start3A_20 = arith.constant 0 : i32
    %dma_start3A_21 = tpu.memref_slice %arg6[%rem3A_8, %dma_start3A_20] : memref<3x128xi32, #tpu.memory_space<vmem>> -> memref<1x128xi32, #tpu.memory_space<vmem>>
    %dma_start3A_22 = tpu.memref_squeeze %dma_start3A_21 : memref<1x128xi32, #tpu.memory_space<vmem>> -> memref<128xi32, #tpu.memory_space<vmem>>
    %dma_start3A_23 = arith.constant 0 : i32
    %dma_start3A_24 = tpu.memref_slice %arg3[%arg0, %add3A_12, %dma_start3A_23] : memref<2x3136x128xi32, #tpu.memory_space<hbm>> -> memref<1x1x128xi32, #tpu.memory_space<hbm>>
    %dma_start3A_25 = tpu.memref_squeeze %dma_start3A_24 : memref<1x1x128xi32, #tpu.memory_space<hbm>> -> memref<128xi32, #tpu.memory_space<hbm>>
    tpu.enqueue_dma source(%dma_start3A_25 : memref<128xi32, #tpu.memory_space<hbm>>) target(%dma_start3A_22 : memref<128xi32, #tpu.memory_space<vmem>>) target_semaphore(%dma_start3A_19 : memref<!tpu.dma_semaphore, #tpu.memory_space<semaphore_mem>>)
    %rem3A_26 = arith.constant 0 : i32
    %rem3A_27 = arith.constant 3 : i32
    %rem3A_28 = arith.remsi %rem3A_26, %rem3A_27 : i32
    %mul3A_29 = arith.constant 25088 : i32
    %mul3A_30 = arith.muli %arg1, %mul3A_29 : i32
    %add3A_31 = arith.constant 0 : i32
    %add3A_32 = arith.addi %mul3A_30, %add3A_31 : i32
    %dma_start3A_33 = arith.constant 0 : i32
    %dma_start3A_34 = arith.constant 0 : i32
    %dma_start3A_35 = tpu.memref_slice %arg7[%rem3A_28, %dma_start3A_33, %dma_start3A_34] : memref<3x128x64xf32, #tpu.memory_space<vmem>> -> memref<1x128x64xf32, #tpu.memory_space<vmem>>
    %dma_start3A_36 = tpu.memref_squeeze %dma_start3A_35 : memref<1x128x64xf32, #tpu.memory_space<vmem>> -> memref<128x64xf32, #tpu.memory_space<vmem>>
    %dma_start3A_37 = arith.constant 0 : i32
    %dma_start3A_38 = tpu.memref_slice %arg2[%add3A_32, %dma_start3A_37] : memref<401408x64xf32, #tpu.memory_space<hbm>> -> memref<128x64xf32, #tpu.memory_space<hbm>>
    %dma_start3A_39 = tpu.memref_slice %arg10[%rem3A_28] : memref<3x!tpu.dma_semaphore, #tpu.memory_space<semaphore_mem>> -> memref<1x!tpu.dma_semaphore, #tpu.memory_space<semaphore_mem>>
    %dma_start3A_40 = tpu.memref_squeeze %dma_start3A_39 : memref<1x!tpu.dma_semaphore, #tpu.memory_space<semaphore_mem>> -> memref<!tpu.dma_semaphore, #tpu.memory_space<semaphore_mem>>
    %dma_start3A_41 = arith.constant 0 : i32
    %dma_start3A_42 = arith.constant 0 : i32
    %dma_start3A_43 = tpu.memref_slice %arg7[%rem3A_28, %dma_start3A_41, %dma_start3A_42] : memref<3x128x64xf32, #tpu.memory_space<vmem>> -> memref<1x128x64xf32, #tpu.memory_space<vmem>>
    %dma_start3A_44 = tpu.memref_squeeze %dma_start3A_43 : memref<1x128x64xf32, #tpu.memory_space<vmem>> -> memref<128x64xf32, #tpu.memory_space<vmem>>
    %dma_start3A_45 = arith.constant 0 : i32
    %dma_start3A_46 = tpu.memref_slice %arg2[%add3A_32, %dma_start3A_45] : memref<401408x64xf32, #tpu.memory_space<hbm>> -> memref<128x64xf32, #tpu.memory_space<hbm>>
    tpu.enqueue_dma source(%dma_start3A_46 : memref<128x64xf32, #tpu.memory_space<hbm>>) target(%dma_start3A_44 : memref<128x64xf32, #tpu.memory_space<vmem>>) target_semaphore(%dma_start3A_40 : memref<!tpu.dma_semaphore, #tpu.memory_space<semaphore_mem>>)
    %rem3A_47 = arith.constant 1 : i32
    %rem3A_48 = arith.constant 3 : i32
    %rem3A_49 = arith.remsi %rem3A_47, %rem3A_48 : i32
    %mul3A_50 = arith.constant 196 : i32
    %mul3A_51 = arith.muli %arg1, %mul3A_50 : i32
    %add3A_52 = arith.constant 1 : i32
    %add3A_53 = arith.addi %mul3A_51, %add3A_52 : i32
    %dma_start3A_54 = arith.constant 0 : i32
    %dma_start3A_55 = tpu.memref_slice %arg6[%rem3A_49, %dma_start3A_54] : memref<3x128xi32, #tpu.memory_space<vmem>> -> memref<1x128xi32, #tpu.memory_space<vmem>>
    %dma_start3A_56 = tpu.memref_squeeze %dma_start3A_55 : memref<1x128xi32, #tpu.memory_space<vmem>> -> memref<128xi32, #tpu.memory_space<vmem>>
    %dma_start3A_57 = arith.constant 0 : i32
    %dma_start3A_58 = tpu.memref_slice %arg3[%arg0, %add3A_53, %dma_start3A_57] : memref<2x3136x128xi32, #tpu.memory_space<hbm>> -> memref<1x1x128xi32, #tpu.memory_space<hbm>>
    %dma_start3A_59 = tpu.memref_squeeze %dma_start3A_58 : memref<1x1x128xi32, #tpu.memory_space<hbm>> -> memref<128xi32, #tpu.memory_space<hbm>>
    %dma_start3A_60 = tpu.memref_slice %arg9[%rem3A_49] : memref<3x!tpu.dma_semaphore, #tpu.memory_space<semaphore_mem>> -> memref<1x!tpu.dma_semaphore, #tpu.memory_space<semaphore_mem>>
    %dma_start3A_61 = tpu.memref_squeeze %dma_start3A_60 : memref<1x!tpu.dma_semaphore, #tpu.memory_space<semaphore_mem>> -> memref<!tpu.dma_semaphore, #tpu.memory_space<semaphore_mem>>
    %dma_start3A_62 = arith.constant 0 : i32
    %dma_start3A_63 = tpu.memref_slice %arg6[%rem3A_49, %dma_start3A_62] : memref<3x128xi32, #tpu.memory_space<vmem>> -> memref<1x128xi32, #tpu.memory_space<vmem>>
    %dma_start3A_64 = tpu.memref_squeeze %dma_start3A_63 : memref<1x128xi32, #tpu.memory_space<vmem>> -> memref<128xi32, #tpu.memory_space<vmem>>
    %dma_start3A_65 = arith.constant 0 : i32
    %dma_start3A_66 = tpu.memref_slice %arg3[%arg0, %add3A_53, %dma_start3A_65] : memref<2x3136x128xi32, #tpu.memory_space<hbm>> -> memref<1x1x128xi32, #tpu.memory_space<hbm>>
    %dma_start3A_67 = tpu.memref_squeeze %dma_start3A_66 : memref<1x1x128xi32, #tpu.memory_space<hbm>> -> memref<128xi32, #tpu.memory_space<hbm>>
    tpu.enqueue_dma source(%dma_start3A_67 : memref<128xi32, #tpu.memory_space<hbm>>) target(%dma_start3A_64 : memref<128xi32, #tpu.memory_space<vmem>>) target_semaphore(%dma_start3A_61 : memref<!tpu.dma_semaphore, #tpu.memory_space<semaphore_mem>>)
    %rem3A_68 = arith.constant 1 : i32
    %rem3A_69 = arith.constant 3 : i32
    %rem3A_70 = arith.remsi %rem3A_68, %rem3A_69 : i32
    %mul3A_71 = arith.constant 25088 : i32
    %mul3A_72 = arith.muli %arg1, %mul3A_71 : i32
    %add3A_73 = arith.constant 128 : i32
    %add3A_74 = arith.addi %mul3A_72, %add3A_73 : i32
    %dma_start3A_75 = arith.constant 0 : i32
    %dma_start3A_76 = arith.constant 0 : i32
    %dma_start3A_77 = tpu.memref_slice %arg7[%rem3A_70, %dma_start3A_75, %dma_start3A_76] : memref<3x128x64xf32, #tpu.memory_space<vmem>> -> memref<1x128x64xf32, #tpu.memory_space<vmem>>
    %dma_start3A_78 = tpu.memref_squeeze %dma_start3A_77 : memref<1x128x64xf32, #tpu.memory_space<vmem>> -> memref<128x64xf32, #tpu.memory_space<vmem>>
    %dma_start3A_79 = arith.constant 0 : i32
    %dma_start3A_80 = tpu.memref_slice %arg2[%add3A_74, %dma_start3A_79] : memref<401408x64xf32, #tpu.memory_space<hbm>> -> memref<128x64xf32, #tpu.memory_space<hbm>>
    %dma_start3A_81 = tpu.memref_slice %arg10[%rem3A_70] : memref<3x!tpu.dma_semaphore, #tpu.memory_space<semaphore_mem>> -> memref<1x!tpu.dma_semaphore, #tpu.memory_space<semaphore_mem>>
    %dma_start3A_82 = tpu.memref_squeeze %dma_start3A_81 : memref<1x!tpu.dma_semaphore, #tpu.memory_space<semaphore_mem>> -> memref<!tpu.dma_semaphore, #tpu.memory_space<semaphore_mem>>
    %dma_start3A_83 = arith.constant 0 : i32
    %dma_start3A_84 = arith.constant 0 : i32
    %dma_start3A_85 = tpu.memref_slice %arg7[%rem3A_70, %dma_start3A_83, %dma_start3A_84] : memref<3x128x64xf32, #tpu.memory_space<vmem>> -> memref<1x128x64xf32, #tpu.memory_space<vmem>>
    %dma_start3A_86 = tpu.memref_squeeze %dma_start3A_85 : memref<1x128x64xf32, #tpu.memory_space<vmem>> -> memref<128x64xf32, #tpu.memory_space<vmem>>
    %dma_start3A_87 = arith.constant 0 : i32
    %dma_start3A_88 = tpu.memref_slice %arg2[%add3A_74, %dma_start3A_87] : memref<401408x64xf32, #tpu.memory_space<hbm>> -> memref<128x64xf32, #tpu.memory_space<hbm>>
    tpu.enqueue_dma source(%dma_start3A_88 : memref<128x64xf32, #tpu.memory_space<hbm>>) target(%dma_start3A_86 : memref<128x64xf32, #tpu.memory_space<vmem>>) target_semaphore(%dma_start3A_82 : memref<!tpu.dma_semaphore, #tpu.memory_space<semaphore_mem>>)
    %scan3A = arith.constant 0 : i32
    %scan3A_89 = arith.constant 0 : i32
    %scan3A_90 = arith.constant 196 : i32
    %scan3A_91 = arith.addi %scan3A_89, %scan3A_90 : i32
    %scan3A_92 = arith.constant 1 : i32
    scf.for %scan3A_151 = %scan3A_89 to %scan3A_91 step %scan3A_92  : i32 {
      %add3A_152 = arith.constant 2 : i32
      %add3A_153 = arith.addi %scan3A_151, %add3A_152 : i32
      %lt3A = arith.constant 196 : i32
      %lt3A_154 = arith.cmpi slt, %add3A_153, %lt3A : i32
      %convert_element_type3A_155 = arith.extui %lt3A_154 : i1 to i32
      %cond3A_156 = arith.constant 0 : i32
      %cond3A_157 = arith.cmpi ne, %convert_element_type3A_155, %cond3A_156 : i32
      scf.if %cond3A_157 {
        %ge3A = arith.constant 1 : i32
        %ge3A_212 = arith.cmpi sge, %scan3A_151, %ge3A : i32
        %convert_element_type3A_213 = arith.extui %ge3A_212 : i1 to i32
        %cond3A_214 = arith.constant 0 : i32
        %cond3A_215 = arith.cmpi ne, %convert_element_type3A_213, %cond3A_214 : i32
        scf.if %cond3A_215 {
          %sub3A = arith.constant 1 : i32
          %sub3A_258 = arith.subi %scan3A_151, %sub3A : i32
          %rem3A_259 = arith.constant 3 : i32
          %rem3A_260 = arith.remsi %sub3A_258, %rem3A_259 : i32
          %dma_wait3A_261 = arith.constant 0 : i32
          %dma_wait3A_262 = arith.constant 0 : i32
          %dma_wait3A_263 = tpu.memref_slice %arg7[%rem3A_260, %dma_wait3A_261, %dma_wait3A_262] : memref<3x128x64xf32, #tpu.memory_space<vmem>> -> memref<1x128x64xf32, #tpu.memory_space<vmem>>
          %dma_wait3A_264 = tpu.memref_squeeze %dma_wait3A_263 : memref<1x128x64xf32, #tpu.memory_space<vmem>> -> memref<128x64xf32, #tpu.memory_space<vmem>>
          %dma_wait3A_265 = arith.constant 0 : i32
          %dma_wait3A_266 = tpu.memref_slice %arg6[%rem3A_260, %dma_wait3A_265] : memref<3x128xi32, #tpu.memory_space<vmem>> -> memref<1x128xi32, #tpu.memory_space<vmem>>
          %dma_wait3A_267 = tpu.memref_squeeze %dma_wait3A_266 : memref<1x128xi32, #tpu.memory_space<vmem>> -> memref<128xi32, #tpu.memory_space<vmem>>
          %dma_wait3A_268 = arith.constant 0 : i32
          %dma_wait3A_269 = arith.constant 0 : i32
          %dma_wait3A_270 = tpu.memref_slice %arg8[%dma_wait3A_268, %dma_wait3A_269] : memref<25008x64xf32, #tpu.memory_space<vmem_shared>> -> memref<25008x64xf32, #tpu.memory_space<vmem_shared>>
          %dma_wait3A_271 = tpu.memref_slice %arg11[%rem3A_260] : memref<3x!tpu.dma_semaphore, #tpu.memory_space<semaphore_mem>> -> memref<1x!tpu.dma_semaphore, #tpu.memory_space<semaphore_mem>>
          %dma_wait3A_272 = tpu.memref_squeeze %dma_wait3A_271 : memref<1x!tpu.dma_semaphore, #tpu.memory_space<semaphore_mem>> -> memref<!tpu.dma_semaphore, #tpu.memory_space<semaphore_mem>>
          tpu.wait_indirect_dma semaphore(%dma_wait3A_272 : memref<!tpu.dma_semaphore, #tpu.memory_space<semaphore_mem>>) src(%dma_wait3A_264 : memref<128x64xf32, #tpu.memory_space<vmem>>) dst(%dma_wait3A_270 : memref<25008x64xf32, #tpu.memory_space<vmem_shared>>)
        } else {
        }
        %add3A_216 = arith.constant 2 : i32
        %add3A_217 = arith.addi %scan3A_151, %add3A_216 : i32
        %rem3A_218 = arith.constant 3 : i32
        %rem3A_219 = arith.remsi %add3A_217, %rem3A_218 : i32
        %mul3A_220 = arith.constant 196 : i32
        %mul3A_221 = arith.muli %arg1, %mul3A_220 : i32
        %add3A_222 = arith.addi %mul3A_221, %add3A_217 : i32
        %dma_start3A_223 = arith.constant 0 : i32
        %dma_start3A_224 = tpu.memref_slice %arg6[%rem3A_219, %dma_start3A_223] : memref<3x128xi32, #tpu.memory_space<vmem>> -> memref<1x128xi32, #tpu.memory_space<vmem>>
        %dma_start3A_225 = tpu.memref_squeeze %dma_start3A_224 : memref<1x128xi32, #tpu.memory_space<vmem>> -> memref<128xi32, #tpu.memory_space<vmem>>
        %dma_start3A_226 = arith.constant 0 : i32
        %dma_start3A_227 = tpu.memref_slice %arg3[%arg0, %add3A_222, %dma_start3A_226] : memref<2x3136x128xi32, #tpu.memory_space<hbm>> -> memref<1x1x128xi32, #tpu.memory_space<hbm>>
        %dma_start3A_228 = tpu.memref_squeeze %dma_start3A_227 : memref<1x1x128xi32, #tpu.memory_space<hbm>> -> memref<128xi32, #tpu.memory_space<hbm>>
        %dma_start3A_229 = tpu.memref_slice %arg9[%rem3A_219] : memref<3x!tpu.dma_semaphore, #tpu.memory_space<semaphore_mem>> -> memref<1x!tpu.dma_semaphore, #tpu.memory_space<semaphore_mem>>
        %dma_start3A_230 = tpu.memref_squeeze %dma_start3A_229 : memref<1x!tpu.dma_semaphore, #tpu.memory_space<semaphore_mem>> -> memref<!tpu.dma_semaphore, #tpu.memory_space<semaphore_mem>>
        %dma_start3A_231 = arith.constant 0 : i32
        %dma_start3A_232 = tpu.memref_slice %arg6[%rem3A_219, %dma_start3A_231] : memref<3x128xi32, #tpu.memory_space<vmem>> -> memref<1x128xi32, #tpu.memory_space<vmem>>
        %dma_start3A_233 = tpu.memref_squeeze %dma_start3A_232 : memref<1x128xi32, #tpu.memory_space<vmem>> -> memref<128xi32, #tpu.memory_space<vmem>>
        %dma_start3A_234 = arith.constant 0 : i32
        %dma_start3A_235 = tpu.memref_slice %arg3[%arg0, %add3A_222, %dma_start3A_234] : memref<2x3136x128xi32, #tpu.memory_space<hbm>> -> memref<1x1x128xi32, #tpu.memory_space<hbm>>
        %dma_start3A_236 = tpu.memref_squeeze %dma_start3A_235 : memref<1x1x128xi32, #tpu.memory_space<hbm>> -> memref<128xi32, #tpu.memory_space<hbm>>
        tpu.enqueue_dma source(%dma_start3A_236 : memref<128xi32, #tpu.memory_space<hbm>>) target(%dma_start3A_233 : memref<128xi32, #tpu.memory_space<vmem>>) target_semaphore(%dma_start3A_230 : memref<!tpu.dma_semaphore, #tpu.memory_space<semaphore_mem>>)
        %rem3A_237 = arith.constant 3 : i32
        %rem3A_238 = arith.remsi %add3A_217, %rem3A_237 : i32
        %mul3A_239 = arith.constant 25088 : i32
        %mul3A_240 = arith.muli %arg1, %mul3A_239 : i32
        %mul3A_241 = arith.constant 128 : i32
        %mul3A_242 = arith.muli %add3A_217, %mul3A_241 : i32
        %add3A_243 = arith.addi %mul3A_240, %mul3A_242 : i32
        %dma_start3A_244 = arith.constant 0 : i32
        %dma_start3A_245 = arith.constant 0 : i32
        %dma_start3A_246 = tpu.memref_slice %arg7[%rem3A_238, %dma_start3A_244, %dma_start3A_245] : memref<3x128x64xf32, #tpu.memory_space<vmem>> -> memref<1x128x64xf32, #tpu.memory_space<vmem>>
        %dma_start3A_247 = tpu.memref_squeeze %dma_start3A_246 : memref<1x128x64xf32, #tpu.memory_space<vmem>> -> memref<128x64xf32, #tpu.memory_space<vmem>>
        %dma_start3A_248 = arith.constant 0 : i32
        %dma_start3A_249 = tpu.memref_slice %arg2[%add3A_243, %dma_start3A_248] : memref<401408x64xf32, #tpu.memory_space<hbm>> -> memref<128x64xf32, #tpu.memory_space<hbm>>
        %dma_start3A_250 = tpu.memref_slice %arg10[%rem3A_238] : memref<3x!tpu.dma_semaphore, #tpu.memory_space<semaphore_mem>> -> memref<1x!tpu.dma_semaphore, #tpu.memory_space<semaphore_mem>>
        %dma_start3A_251 = tpu.memref_squeeze %dma_start3A_250 : memref<1x!tpu.dma_semaphore, #tpu.memory_space<semaphore_mem>> -> memref<!tpu.dma_semaphore, #tpu.memory_space<semaphore_mem>>
        %dma_start3A_252 = arith.constant 0 : i32
        %dma_start3A_253 = arith.constant 0 : i32
        %dma_start3A_254 = tpu.memref_slice %arg7[%rem3A_238, %dma_start3A_252, %dma_start3A_253] : memref<3x128x64xf32, #tpu.memory_space<vmem>> -> memref<1x128x64xf32, #tpu.memory_space<vmem>>
        %dma_start3A_255 = tpu.memref_squeeze %dma_start3A_254 : memref<1x128x64xf32, #tpu.memory_space<vmem>> -> memref<128x64xf32, #tpu.memory_space<vmem>>
        %dma_start3A_256 = arith.constant 0 : i32
        %dma_start3A_257 = tpu.memref_slice %arg2[%add3A_243, %dma_start3A_256] : memref<401408x64xf32, #tpu.memory_space<hbm>> -> memref<128x64xf32, #tpu.memory_space<hbm>>
        tpu.enqueue_dma source(%dma_start3A_257 : memref<128x64xf32, #tpu.memory_space<hbm>>) target(%dma_start3A_255 : memref<128x64xf32, #tpu.memory_space<vmem>>) target_semaphore(%dma_start3A_251 : memref<!tpu.dma_semaphore, #tpu.memory_space<semaphore_mem>>)
      } else {
      }
      %rem3A_158 = arith.constant 3 : i32
      %rem3A_159 = arith.remsi %scan3A_151, %rem3A_158 : i32
      %mul3A_160 = arith.constant 196 : i32
      %mul3A_161 = arith.muli %arg1, %mul3A_160 : i32
      %add3A_162 = arith.addi %mul3A_161, %scan3A_151 : i32
      %dma_wait3A_163 = arith.constant 0 : i32
      %dma_wait3A_164 = tpu.memref_slice %arg6[%rem3A_159, %dma_wait3A_163] : memref<3x128xi32, #tpu.memory_space<vmem>> -> memref<1x128xi32, #tpu.memory_space<vmem>>
      %dma_wait3A_165 = tpu.memref_squeeze %dma_wait3A_164 : memref<1x128xi32, #tpu.memory_space<vmem>> -> memref<128xi32, #tpu.memory_space<vmem>>
      %dma_wait3A_166 = arith.constant 0 : i32
      %dma_wait3A_167 = tpu.memref_slice %arg3[%arg0, %add3A_162, %dma_wait3A_166] : memref<2x3136x128xi32, #tpu.memory_space<hbm>> -> memref<1x1x128xi32, #tpu.memory_space<hbm>>
      %dma_wait3A_168 = tpu.memref_squeeze %dma_wait3A_167 : memref<1x1x128xi32, #tpu.memory_space<hbm>> -> memref<128xi32, #tpu.memory_space<hbm>>
      %dma_wait3A_169 = tpu.memref_slice %arg9[%rem3A_159] : memref<3x!tpu.dma_semaphore, #tpu.memory_space<semaphore_mem>> -> memref<1x!tpu.dma_semaphore, #tpu.memory_space<semaphore_mem>>
      %dma_wait3A_170 = tpu.memref_squeeze %dma_wait3A_169 : memref<1x!tpu.dma_semaphore, #tpu.memory_space<semaphore_mem>> -> memref<!tpu.dma_semaphore, #tpu.memory_space<semaphore_mem>>
      %dma_wait3A_171 = arith.constant 0 : i32
      %dma_wait3A_172 = tpu.memref_slice %arg6[%rem3A_159, %dma_wait3A_171] : memref<3x128xi32, #tpu.memory_space<vmem>> -> memref<1x128xi32, #tpu.memory_space<vmem>>
      %dma_wait3A_173 = tpu.memref_squeeze %dma_wait3A_172 : memref<1x128xi32, #tpu.memory_space<vmem>> -> memref<128xi32, #tpu.memory_space<vmem>>
      %dma_wait3A_174 = arith.constant 0 : i32
      %dma_wait3A_175 = tpu.memref_slice %arg3[%arg0, %add3A_162, %dma_wait3A_174] : memref<2x3136x128xi32, #tpu.memory_space<hbm>> -> memref<1x1x128xi32, #tpu.memory_space<hbm>>
      %dma_wait3A_176 = tpu.memref_squeeze %dma_wait3A_175 : memref<1x1x128xi32, #tpu.memory_space<hbm>> -> memref<128xi32, #tpu.memory_space<hbm>>
      tpu.wait_dma2 semaphore(%dma_wait3A_170 : memref<!tpu.dma_semaphore, #tpu.memory_space<semaphore_mem>>) src(%dma_wait3A_176 : memref<128xi32, #tpu.memory_space<hbm>>) dst(%dma_wait3A_173 : memref<128xi32, #tpu.memory_space<vmem>>)
      %rem3A_177 = arith.constant 3 : i32
      %rem3A_178 = arith.remsi %scan3A_151, %rem3A_177 : i32
      %mul3A_179 = arith.constant 25088 : i32
      %mul3A_180 = arith.muli %arg1, %mul3A_179 : i32
      %mul3A_181 = arith.constant 128 : i32
      %mul3A_182 = arith.muli %scan3A_151, %mul3A_181 : i32
      %add3A_183 = arith.addi %mul3A_180, %mul3A_182 : i32
      %dma_wait3A_184 = arith.constant 0 : i32
      %dma_wait3A_185 = arith.constant 0 : i32
      %dma_wait3A_186 = tpu.memref_slice %arg7[%rem3A_178, %dma_wait3A_184, %dma_wait3A_185] : memref<3x128x64xf32, #tpu.memory_space<vmem>> -> memref<1x128x64xf32, #tpu.memory_space<vmem>>
      %dma_wait3A_187 = tpu.memref_squeeze %dma_wait3A_186 : memref<1x128x64xf32, #tpu.memory_space<vmem>> -> memref<128x64xf32, #tpu.memory_space<vmem>>
      %dma_wait3A_188 = arith.constant 0 : i32
      %dma_wait3A_189 = tpu.memref_slice %arg2[%add3A_183, %dma_wait3A_188] : memref<401408x64xf32, #tpu.memory_space<hbm>> -> memref<128x64xf32, #tpu.memory_space<hbm>>
      %dma_wait3A_190 = tpu.memref_slice %arg10[%rem3A_178] : memref<3x!tpu.dma_semaphore, #tpu.memory_space<semaphore_mem>> -> memref<1x!tpu.dma_semaphore, #tpu.memory_space<semaphore_mem>>
      %dma_wait3A_191 = tpu.memref_squeeze %dma_wait3A_190 : memref<1x!tpu.dma_semaphore, #tpu.memory_space<semaphore_mem>> -> memref<!tpu.dma_semaphore, #tpu.memory_space<semaphore_mem>>
      %dma_wait3A_192 = arith.constant 0 : i32
      %dma_wait3A_193 = arith.constant 0 : i32
      %dma_wait3A_194 = tpu.memref_slice %arg7[%rem3A_178, %dma_wait3A_192, %dma_wait3A_193] : memref<3x128x64xf32, #tpu.memory_space<vmem>> -> memref<1x128x64xf32, #tpu.memory_space<vmem>>
      %dma_wait3A_195 = tpu.memref_squeeze %dma_wait3A_194 : memref<1x128x64xf32, #tpu.memory_space<vmem>> -> memref<128x64xf32, #tpu.memory_space<vmem>>
      %dma_wait3A_196 = arith.constant 0 : i32
      %dma_wait3A_197 = tpu.memref_slice %arg2[%add3A_183, %dma_wait3A_196] : memref<401408x64xf32, #tpu.memory_space<hbm>> -> memref<128x64xf32, #tpu.memory_space<hbm>>
      tpu.wait_dma2 semaphore(%dma_wait3A_191 : memref<!tpu.dma_semaphore, #tpu.memory_space<semaphore_mem>>) src(%dma_wait3A_197 : memref<128x64xf32, #tpu.memory_space<hbm>>) dst(%dma_wait3A_195 : memref<128x64xf32, #tpu.memory_space<vmem>>)
      %rem3A_198 = arith.constant 3 : i32
      %rem3A_199 = arith.remsi %scan3A_151, %rem3A_198 : i32
      %dma_start3A_200 = arith.constant 0 : i32
      %dma_start3A_201 = arith.constant 0 : i32
      %dma_start3A_202 = tpu.memref_slice %arg7[%rem3A_199, %dma_start3A_200, %dma_start3A_201] : memref<3x128x64xf32, #tpu.memory_space<vmem>> -> memref<1x128x64xf32, #tpu.memory_space<vmem>>
      %dma_start3A_203 = tpu.memref_squeeze %dma_start3A_202 : memref<1x128x64xf32, #tpu.memory_space<vmem>> -> memref<128x64xf32, #tpu.memory_space<vmem>>
      %dma_start3A_204 = arith.constant 0 : i32
      %dma_start3A_205 = tpu.memref_slice %arg6[%rem3A_199, %dma_start3A_204] : memref<3x128xi32, #tpu.memory_space<vmem>> -> memref<1x128xi32, #tpu.memory_space<vmem>>
      %dma_start3A_206 = tpu.memref_squeeze %dma_start3A_205 : memref<1x128xi32, #tpu.memory_space<vmem>> -> memref<128xi32, #tpu.memory_space<vmem>>
      %dma_start3A_207 = arith.constant 0 : i32
      %dma_start3A_208 = arith.constant 0 : i32
      %dma_start3A_209 = tpu.memref_slice %arg8[%dma_start3A_207, %dma_start3A_208] : memref<25008x64xf32, #tpu.memory_space<vmem_shared>> -> memref<25008x64xf32, #tpu.memory_space<vmem_shared>>
      %dma_start3A_210 = tpu.memref_slice %arg11[%rem3A_199] : memref<3x!tpu.dma_semaphore, #tpu.memory_space<semaphore_mem>> -> memref<1x!tpu.dma_semaphore, #tpu.memory_space<semaphore_mem>>
      %dma_start3A_211 = tpu.memref_squeeze %dma_start3A_210 : memref<1x!tpu.dma_semaphore, #tpu.memory_space<semaphore_mem>> -> memref<!tpu.dma_semaphore, #tpu.memory_space<semaphore_mem>>
      tpu.enqueue_indirect_dma source(%dma_start3A_203 : memref<128x64xf32, #tpu.memory_space<vmem>>) target(%dma_start3A_209 : memref<25008x64xf32, #tpu.memory_space<vmem_shared>>) offsets(%dma_start3A_206 : memref<128xi32, #tpu.memory_space<vmem>>) semaphore(%dma_start3A_211 : memref<!tpu.dma_semaphore, #tpu.memory_space<semaphore_mem>>) {add = true}
    }
    %scan3A_93 = arith.constant 196 : i32
    %rem3A_94 = arith.constant 193 : i32
    %rem3A_95 = arith.constant 3 : i32
    %rem3A_96 = arith.remsi %rem3A_94, %rem3A_95 : i32
    %dma_wait3A = arith.constant 0 : i32
    %dma_wait3A_97 = arith.constant 0 : i32
    %dma_wait3A_98 = tpu.memref_slice %arg7[%rem3A_96, %dma_wait3A, %dma_wait3A_97] : memref<3x128x64xf32, #tpu.memory_space<vmem>> -> memref<1x128x64xf32, #tpu.memory_space<vmem>>
    %dma_wait3A_99 = tpu.memref_squeeze %dma_wait3A_98 : memref<1x128x64xf32, #tpu.memory_space<vmem>> -> memref<128x64xf32, #tpu.memory_space<vmem>>
    %dma_wait3A_100 = arith.constant 0 : i32
    %dma_wait3A_101 = tpu.memref_slice %arg6[%rem3A_96, %dma_wait3A_100] : memref<3x128xi32, #tpu.memory_space<vmem>> -> memref<1x128xi32, #tpu.memory_space<vmem>>
    %dma_wait3A_102 = tpu.memref_squeeze %dma_wait3A_101 : memref<1x128xi32, #tpu.memory_space<vmem>> -> memref<128xi32, #tpu.memory_space<vmem>>
    %dma_wait3A_103 = arith.constant 0 : i32
    %dma_wait3A_104 = arith.constant 0 : i32
    %dma_wait3A_105 = tpu.memref_slice %arg8[%dma_wait3A_103, %dma_wait3A_104] : memref<25008x64xf32, #tpu.memory_space<vmem_shared>> -> memref<25008x64xf32, #tpu.memory_space<vmem_shared>>
    %dma_wait3A_106 = tpu.memref_slice %arg11[%rem3A_96] : memref<3x!tpu.dma_semaphore, #tpu.memory_space<semaphore_mem>> -> memref<1x!tpu.dma_semaphore, #tpu.memory_space<semaphore_mem>>
    %dma_wait3A_107 = tpu.memref_squeeze %dma_wait3A_106 : memref<1x!tpu.dma_semaphore, #tpu.memory_space<semaphore_mem>> -> memref<!tpu.dma_semaphore, #tpu.memory_space<semaphore_mem>>
    tpu.wait_indirect_dma semaphore(%dma_wait3A_107 : memref<!tpu.dma_semaphore, #tpu.memory_space<semaphore_mem>>) src(%dma_wait3A_99 : memref<128x64xf32, #tpu.memory_space<vmem>>) dst(%dma_wait3A_105 : memref<25008x64xf32, #tpu.memory_space<vmem_shared>>)
    %rem3A_108 = arith.constant 194 : i32
    %rem3A_109 = arith.constant 3 : i32
    %rem3A_110 = arith.remsi %rem3A_108, %rem3A_109 : i32
    %dma_wait3A_111 = arith.constant 0 : i32
    %dma_wait3A_112 = arith.constant 0 : i32
    %dma_wait3A_113 = tpu.memref_slice %arg7[%rem3A_110, %dma_wait3A_111, %dma_wait3A_112] : memref<3x128x64xf32, #tpu.memory_space<vmem>> -> memref<1x128x64xf32, #tpu.memory_space<vmem>>
    %dma_wait3A_114 = tpu.memref_squeeze %dma_wait3A_113 : memref<1x128x64xf32, #tpu.memory_space<vmem>> -> memref<128x64xf32, #tpu.memory_space<vmem>>
    %dma_wait3A_115 = arith.constant 0 : i32
    %dma_wait3A_116 = tpu.memref_slice %arg6[%rem3A_110, %dma_wait3A_115] : memref<3x128xi32, #tpu.memory_space<vmem>> -> memref<1x128xi32, #tpu.memory_space<vmem>>
    %dma_wait3A_117 = tpu.memref_squeeze %dma_wait3A_116 : memref<1x128xi32, #tpu.memory_space<vmem>> -> memref<128xi32, #tpu.memory_space<vmem>>
    %dma_wait3A_118 = arith.constant 0 : i32
    %dma_wait3A_119 = arith.constant 0 : i32
    %dma_wait3A_120 = tpu.memref_slice %arg8[%dma_wait3A_118, %dma_wait3A_119] : memref<25008x64xf32, #tpu.memory_space<vmem_shared>> -> memref<25008x64xf32, #tpu.memory_space<vmem_shared>>
    %dma_wait3A_121 = tpu.memref_slice %arg11[%rem3A_110] : memref<3x!tpu.dma_semaphore, #tpu.memory_space<semaphore_mem>> -> memref<1x!tpu.dma_semaphore, #tpu.memory_space<semaphore_mem>>
    %dma_wait3A_122 = tpu.memref_squeeze %dma_wait3A_121 : memref<1x!tpu.dma_semaphore, #tpu.memory_space<semaphore_mem>> -> memref<!tpu.dma_semaphore, #tpu.memory_space<semaphore_mem>>
    tpu.wait_indirect_dma semaphore(%dma_wait3A_122 : memref<!tpu.dma_semaphore, #tpu.memory_space<semaphore_mem>>) src(%dma_wait3A_114 : memref<128x64xf32, #tpu.memory_space<vmem>>) dst(%dma_wait3A_120 : memref<25008x64xf32, #tpu.memory_space<vmem_shared>>)
    %rem3A_123 = arith.constant 195 : i32
    %rem3A_124 = arith.constant 3 : i32
    %rem3A_125 = arith.remsi %rem3A_123, %rem3A_124 : i32
    %dma_wait3A_126 = arith.constant 0 : i32
    %dma_wait3A_127 = arith.constant 0 : i32
    %dma_wait3A_128 = tpu.memref_slice %arg7[%rem3A_125, %dma_wait3A_126, %dma_wait3A_127] : memref<3x128x64xf32, #tpu.memory_space<vmem>> -> memref<1x128x64xf32, #tpu.memory_space<vmem>>
    %dma_wait3A_129 = tpu.memref_squeeze %dma_wait3A_128 : memref<1x128x64xf32, #tpu.memory_space<vmem>> -> memref<128x64xf32, #tpu.memory_space<vmem>>
    %dma_wait3A_130 = arith.constant 0 : i32
    %dma_wait3A_131 = tpu.memref_slice %arg6[%rem3A_125, %dma_wait3A_130] : memref<3x128xi32, #tpu.memory_space<vmem>> -> memref<1x128xi32, #tpu.memory_space<vmem>>
    %dma_wait3A_132 = tpu.memref_squeeze %dma_wait3A_131 : memref<1x128xi32, #tpu.memory_space<vmem>> -> memref<128xi32, #tpu.memory_space<vmem>>
    %dma_wait3A_133 = arith.constant 0 : i32
    %dma_wait3A_134 = arith.constant 0 : i32
    %dma_wait3A_135 = tpu.memref_slice %arg8[%dma_wait3A_133, %dma_wait3A_134] : memref<25008x64xf32, #tpu.memory_space<vmem_shared>> -> memref<25008x64xf32, #tpu.memory_space<vmem_shared>>
    %dma_wait3A_136 = tpu.memref_slice %arg11[%rem3A_125] : memref<3x!tpu.dma_semaphore, #tpu.memory_space<semaphore_mem>> -> memref<1x!tpu.dma_semaphore, #tpu.memory_space<semaphore_mem>>
    %dma_wait3A_137 = tpu.memref_squeeze %dma_wait3A_136 : memref<1x!tpu.dma_semaphore, #tpu.memory_space<semaphore_mem>> -> memref<!tpu.dma_semaphore, #tpu.memory_space<semaphore_mem>>
    tpu.wait_indirect_dma semaphore(%dma_wait3A_137 : memref<!tpu.dma_semaphore, #tpu.memory_space<semaphore_mem>>) src(%dma_wait3A_129 : memref<128x64xf32, #tpu.memory_space<vmem>>) dst(%dma_wait3A_135 : memref<25008x64xf32, #tpu.memory_space<vmem_shared>>)
    %barrier3A_138 = arith.constant 0 : index
    tpu.barrier barrier_id(%barrier3A_138)
    %mul3A_139 = arith.constant 1562 : i32
    %mul3A_140 = arith.muli %arg1, %mul3A_139 : i32
    %mul3A_141 = arith.constant 25000 : i32
    %mul3A_142 = arith.muli %arg0, %mul3A_141 : i32
    %mul3A_143 = arith.constant 1562 : i32
    %mul3A_144 = arith.muli %arg1, %mul3A_143 : i32
    %add3A_145 = arith.addi %mul3A_142, %mul3A_144 : i32
    "tpu.region"() ({
      %run_scoped3A = tpu.sem_alloc : memref<!tpu.dma_semaphore, #tpu.memory_space<semaphore_mem>>
      %dma_start3A_151 = arith.constant 0 : i32
      %dma_start3A_152 = tpu.memref_slice %arg5[%add3A_145, %dma_start3A_151] : memref<50000x64xf32, #tpu.memory_space<hbm>> -> memref<1562x64xf32, #tpu.memory_space<hbm>>
      %dma_start3A_153 = arith.constant 0 : i32
      %dma_start3A_154 = tpu.memref_slice %arg8[%mul3A_140, %dma_start3A_153] : memref<25008x64xf32, #tpu.memory_space<vmem_shared>> -> memref<1562x64xf32, #tpu.memory_space<vmem_shared>>
      tpu.enqueue_dma source(%dma_start3A_154 : memref<1562x64xf32, #tpu.memory_space<vmem_shared>>) target(%dma_start3A_152 : memref<1562x64xf32, #tpu.memory_space<hbm>>) target_semaphore(%run_scoped3A : memref<!tpu.dma_semaphore, #tpu.memory_space<semaphore_mem>>)
      %dma_wait3A_155 = arith.constant 0 : i32
      %dma_wait3A_156 = tpu.memref_slice %arg5[%add3A_145, %dma_wait3A_155] : memref<50000x64xf32, #tpu.memory_space<hbm>> -> memref<1562x64xf32, #tpu.memory_space<hbm>>
      %dma_wait3A_157 = arith.constant 0 : i32
      %dma_wait3A_158 = tpu.memref_slice %arg8[%mul3A_140, %dma_wait3A_157] : memref<25008x64xf32, #tpu.memory_space<vmem_shared>> -> memref<1562x64xf32, #tpu.memory_space<vmem_shared>>
      tpu.wait_dma2 semaphore(%run_scoped3A : memref<!tpu.dma_semaphore, #tpu.memory_space<semaphore_mem>>) src(%dma_wait3A_158 : memref<1562x64xf32, #tpu.memory_space<vmem_shared>>) dst(%dma_wait3A_156 : memref<1562x64xf32, #tpu.memory_space<hbm>>)
      tpu.yield
    }) : () -> ()
    %eq3A_146 = arith.constant 15 : i32
    %eq3A_147 = arith.cmpi eq, %arg1, %eq3A_146 : i32
    %convert_element_type3A_148 = arith.extui %eq3A_147 : i1 to i32
    %cond3A_149 = arith.constant 0 : i32
    %cond3A_150 = arith.cmpi ne, %convert_element_type3A_148, %cond3A_149 : i32
    scf.if %cond3A_150 {
      %mul3A_151 = arith.constant 25000 : i32
      %mul3A_152 = arith.muli %arg0, %mul3A_151 : i32
      %add3A_153 = arith.constant 24992 : i32
      %add3A_154 = arith.addi %mul3A_152, %add3A_153 : i32
      "tpu.region"() ({
        %run_scoped3A = tpu.sem_alloc : memref<!tpu.dma_semaphore, #tpu.memory_space<semaphore_mem>>
        %dma_start3A_155 = arith.constant 0 : i32
        %dma_start3A_156 = tpu.memref_slice %arg5[%add3A_154, %dma_start3A_155] : memref<50000x64xf32, #tpu.memory_space<hbm>> -> memref<8x64xf32, #tpu.memory_space<hbm>>
        %dma_start3A_157 = arith.constant 24992 : i32
        %dma_start3A_158 = arith.constant 0 : i32
        %dma_start3A_159 = tpu.memref_slice %arg8[%dma_start3A_157, %dma_start3A_158] : memref<25008x64xf32, #tpu.memory_space<vmem_shared>> -> memref<8x64xf32, #tpu.memory_space<vmem_shared>>
        tpu.enqueue_dma source(%dma_start3A_159 : memref<8x64xf32, #tpu.memory_space<vmem_shared>>) target(%dma_start3A_156 : memref<8x64xf32, #tpu.memory_space<hbm>>) target_semaphore(%run_scoped3A : memref<!tpu.dma_semaphore, #tpu.memory_space<semaphore_mem>>)
        %dma_wait3A_160 = arith.constant 0 : i32
        %dma_wait3A_161 = tpu.memref_slice %arg5[%add3A_154, %dma_wait3A_160] : memref<50000x64xf32, #tpu.memory_space<hbm>> -> memref<8x64xf32, #tpu.memory_space<hbm>>
        %dma_wait3A_162 = arith.constant 24992 : i32
        %dma_wait3A_163 = arith.constant 0 : i32
        %dma_wait3A_164 = tpu.memref_slice %arg8[%dma_wait3A_162, %dma_wait3A_163] : memref<25008x64xf32, #tpu.memory_space<vmem_shared>> -> memref<8x64xf32, #tpu.memory_space<vmem_shared>>
        tpu.wait_dma2 semaphore(%run_scoped3A : memref<!tpu.dma_semaphore, #tpu.memory_space<semaphore_mem>>) src(%dma_wait3A_164 : memref<8x64xf32, #tpu.memory_space<vmem_shared>>) dst(%dma_wait3A_161 : memref<8x64xf32, #tpu.memory_space<hbm>>)
        tpu.yield
      }) : () -> ()
    } else {
    }
    return
  }
}

#map = affine_map<(d0, d1) -> (0, 0)>
module attributes {stable_mosaic.version = 14 : i64} {
  func.func @_sc_gather(%arg0: i32, %arg1: i32, %arg2: memref<50000x64xf32, #tpu.memory_space<hbm>>, %arg3: memref<3136x128xi32, #tpu.memory_space<hbm>>, %arg4: memref<401408x64xf32, #tpu.memory_space<hbm>>, %arg5: memref<98x128xi32, #tpu.memory_space<vmem>>, %arg6: memref<6x128x64xf32, #tpu.memory_space<vmem>>, %arg7: memref<6x!tpu.dma_semaphore, #tpu.memory_space<semaphore_mem>>, %arg8: memref<6x!tpu.dma_semaphore, #tpu.memory_space<semaphore_mem>>) attributes {dimension_semantics = [#tpu.dimension_semantics<core_parallel>, #tpu.dimension_semantics<subcore_parallel>], iteration_bounds = array<i64: 2, 16>, scalar_prefetch = 0 : i64, scratch_operands = 4 : i64, tpu.core_type = #tpu.core_type<sc_vector_subcore>, window_params = [{transform_indices = #map}, {transform_indices = #map}, {transform_indices = #map}]} {
    %mul3A = arith.constant 2 : i32
    %mul3A_0 = arith.muli %arg1, %mul3A : i32
    %add3A = arith.addi %mul3A_0, %arg0 : i32
    %mul3A_1 = arith.constant 12544 : i32
    %mul3A_2 = arith.muli %add3A, %mul3A_1 : i32
    %mul3A_3 = arith.constant 98 : i32
    %mul3A_4 = arith.muli %add3A, %mul3A_3 : i32
    "tpu.region"() ({
      %run_scoped3A = tpu.sem_alloc : memref<!tpu.dma_semaphore, #tpu.memory_space<semaphore_mem>>
      %dma_start3A_185 = arith.constant 0 : i32
      %dma_start3A_186 = tpu.memref_slice %arg3[%mul3A_4, %dma_start3A_185] : memref<3136x128xi32, #tpu.memory_space<hbm>> -> memref<98x128xi32, #tpu.memory_space<hbm>>
      %dma_start3A_187 = arith.constant 0 : i32
      %dma_start3A_188 = tpu.memref_slice %arg3[%mul3A_4, %dma_start3A_187] : memref<3136x128xi32, #tpu.memory_space<hbm>> -> memref<98x128xi32, #tpu.memory_space<hbm>>
      tpu.enqueue_dma source(%dma_start3A_188 : memref<98x128xi32, #tpu.memory_space<hbm>>) target(%arg5 : memref<98x128xi32, #tpu.memory_space<vmem>>) target_semaphore(%run_scoped3A : memref<!tpu.dma_semaphore, #tpu.memory_space<semaphore_mem>>)
      %dma_wait3A_189 = arith.constant 0 : i32
      %dma_wait3A_190 = tpu.memref_slice %arg3[%mul3A_4, %dma_wait3A_189] : memref<3136x128xi32, #tpu.memory_space<hbm>> -> memref<98x128xi32, #tpu.memory_space<hbm>>
      %dma_wait3A_191 = arith.constant 0 : i32
      %dma_wait3A_192 = tpu.memref_slice %arg3[%mul3A_4, %dma_wait3A_191] : memref<3136x128xi32, #tpu.memory_space<hbm>> -> memref<98x128xi32, #tpu.memory_space<hbm>>
      tpu.wait_dma2 semaphore(%run_scoped3A : memref<!tpu.dma_semaphore, #tpu.memory_space<semaphore_mem>>) src(%dma_wait3A_192 : memref<98x128xi32, #tpu.memory_space<hbm>>) dst(%arg5 : memref<98x128xi32, #tpu.memory_space<vmem>>)
      tpu.yield
    }) : () -> ()
    %rem3A = arith.constant 0 : i32
    %rem3A_5 = arith.constant 6 : i32
    %rem3A_6 = arith.remsi %rem3A, %rem3A_5 : i32
    %dma_start3A = arith.constant 0 : i32
    %dma_start3A_7 = arith.constant 0 : i32
    %dma_start3A_8 = arith.constant 0 : i32
    %dma_start3A_9 = tpu.memref_slice %arg6[%rem3A_6, %dma_start3A_7, %dma_start3A_8] : memref<6x128x64xf32, #tpu.memory_space<vmem>> -> memref<1x128x64xf32, #tpu.memory_space<vmem>>
    %dma_start3A_10 = tpu.memref_squeeze %dma_start3A_9 : memref<1x128x64xf32, #tpu.memory_space<vmem>> -> memref<128x64xf32, #tpu.memory_space<vmem>>
    %dma_start3A_11 = arith.constant 0 : i32
    %dma_start3A_12 = tpu.memref_slice %arg5[%dma_start3A, %dma_start3A_11] : memref<98x128xi32, #tpu.memory_space<vmem>> -> memref<1x128xi32, #tpu.memory_space<vmem>>
    %dma_start3A_13 = tpu.memref_squeeze %dma_start3A_12 : memref<1x128xi32, #tpu.memory_space<vmem>> -> memref<128xi32, #tpu.memory_space<vmem>>
    %dma_start3A_14 = arith.constant 0 : i32
    %dma_start3A_15 = arith.constant 0 : i32
    %dma_start3A_16 = tpu.memref_slice %arg2[%dma_start3A_14, %dma_start3A_15] : memref<50000x64xf32, #tpu.memory_space<hbm>> -> memref<50000x64xf32, #tpu.memory_space<hbm>>
    %dma_start3A_17 = tpu.memref_slice %arg7[%rem3A_6] : memref<6x!tpu.dma_semaphore, #tpu.memory_space<semaphore_mem>> -> memref<1x!tpu.dma_semaphore, #tpu.memory_space<semaphore_mem>>
    %dma_start3A_18 = tpu.memref_squeeze %dma_start3A_17 : memref<1x!tpu.dma_semaphore, #tpu.memory_space<semaphore_mem>> -> memref<!tpu.dma_semaphore, #tpu.memory_space<semaphore_mem>>
    tpu.enqueue_indirect_dma source(%dma_start3A_16 : memref<50000x64xf32, #tpu.memory_space<hbm>>) target(%dma_start3A_10 : memref<128x64xf32, #tpu.memory_space<vmem>>) offsets(%dma_start3A_13 : memref<128xi32, #tpu.memory_space<vmem>>) semaphore(%dma_start3A_18 : memref<!tpu.dma_semaphore, #tpu.memory_space<semaphore_mem>>)
    %rem3A_19 = arith.constant 1 : i32
    %rem3A_20 = arith.constant 6 : i32
    %rem3A_21 = arith.remsi %rem3A_19, %rem3A_20 : i32
    %dma_start3A_22 = arith.constant 1 : i32
    %dma_start3A_23 = arith.constant 0 : i32
    %dma_start3A_24 = arith.constant 0 : i32
    %dma_start3A_25 = tpu.memref_slice %arg6[%rem3A_21, %dma_start3A_23, %dma_start3A_24] : memref<6x128x64xf32, #tpu.memory_space<vmem>> -> memref<1x128x64xf32, #tpu.memory_space<vmem>>
    %dma_start3A_26 = tpu.memref_squeeze %dma_start3A_25 : memref<1x128x64xf32, #tpu.memory_space<vmem>> -> memref<128x64xf32, #tpu.memory_space<vmem>>
    %dma_start3A_27 = arith.constant 0 : i32
    %dma_start3A_28 = tpu.memref_slice %arg5[%dma_start3A_22, %dma_start3A_27] : memref<98x128xi32, #tpu.memory_space<vmem>> -> memref<1x128xi32, #tpu.memory_space<vmem>>
    %dma_start3A_29 = tpu.memref_squeeze %dma_start3A_28 : memref<1x128xi32, #tpu.memory_space<vmem>> -> memref<128xi32, #tpu.memory_space<vmem>>
    %dma_start3A_30 = arith.constant 0 : i32
    %dma_start3A_31 = arith.constant 0 : i32
    %dma_start3A_32 = tpu.memref_slice %arg2[%dma_start3A_30, %dma_start3A_31] : memref<50000x64xf32, #tpu.memory_space<hbm>> -> memref<50000x64xf32, #tpu.memory_space<hbm>>
    %dma_start3A_33 = tpu.memref_slice %arg7[%rem3A_21] : memref<6x!tpu.dma_semaphore, #tpu.memory_space<semaphore_mem>> -> memref<1x!tpu.dma_semaphore, #tpu.memory_space<semaphore_mem>>
    %dma_start3A_34 = tpu.memref_squeeze %dma_start3A_33 : memref<1x!tpu.dma_semaphore, #tpu.memory_space<semaphore_mem>> -> memref<!tpu.dma_semaphore, #tpu.memory_space<semaphore_mem>>
    tpu.enqueue_indirect_dma source(%dma_start3A_32 : memref<50000x64xf32, #tpu.memory_space<hbm>>) target(%dma_start3A_26 : memref<128x64xf32, #tpu.memory_space<vmem>>) offsets(%dma_start3A_29 : memref<128xi32, #tpu.memory_space<vmem>>) semaphore(%dma_start3A_34 : memref<!tpu.dma_semaphore, #tpu.memory_space<semaphore_mem>>)
    %rem3A_35 = arith.constant 2 : i32
    %rem3A_36 = arith.constant 6 : i32
    %rem3A_37 = arith.remsi %rem3A_35, %rem3A_36 : i32
    %dma_start3A_38 = arith.constant 2 : i32
    %dma_start3A_39 = arith.constant 0 : i32
    %dma_start3A_40 = arith.constant 0 : i32
    %dma_start3A_41 = tpu.memref_slice %arg6[%rem3A_37, %dma_start3A_39, %dma_start3A_40] : memref<6x128x64xf32, #tpu.memory_space<vmem>> -> memref<1x128x64xf32, #tpu.memory_space<vmem>>
    %dma_start3A_42 = tpu.memref_squeeze %dma_start3A_41 : memref<1x128x64xf32, #tpu.memory_space<vmem>> -> memref<128x64xf32, #tpu.memory_space<vmem>>
    %dma_start3A_43 = arith.constant 0 : i32
    %dma_start3A_44 = tpu.memref_slice %arg5[%dma_start3A_38, %dma_start3A_43] : memref<98x128xi32, #tpu.memory_space<vmem>> -> memref<1x128xi32, #tpu.memory_space<vmem>>
    %dma_start3A_45 = tpu.memref_squeeze %dma_start3A_44 : memref<1x128xi32, #tpu.memory_space<vmem>> -> memref<128xi32, #tpu.memory_space<vmem>>
    %dma_start3A_46 = arith.constant 0 : i32
    %dma_start3A_47 = arith.constant 0 : i32
    %dma_start3A_48 = tpu.memref_slice %arg2[%dma_start3A_46, %dma_start3A_47] : memref<50000x64xf32, #tpu.memory_space<hbm>> -> memref<50000x64xf32, #tpu.memory_space<hbm>>
    %dma_start3A_49 = tpu.memref_slice %arg7[%rem3A_37] : memref<6x!tpu.dma_semaphore, #tpu.memory_space<semaphore_mem>> -> memref<1x!tpu.dma_semaphore, #tpu.memory_space<semaphore_mem>>
    %dma_start3A_50 = tpu.memref_squeeze %dma_start3A_49 : memref<1x!tpu.dma_semaphore, #tpu.memory_space<semaphore_mem>> -> memref<!tpu.dma_semaphore, #tpu.memory_space<semaphore_mem>>
    tpu.enqueue_indirect_dma source(%dma_start3A_48 : memref<50000x64xf32, #tpu.memory_space<hbm>>) target(%dma_start3A_42 : memref<128x64xf32, #tpu.memory_space<vmem>>) offsets(%dma_start3A_45 : memref<128xi32, #tpu.memory_space<vmem>>) semaphore(%dma_start3A_50 : memref<!tpu.dma_semaphore, #tpu.memory_space<semaphore_mem>>)
    %rem3A_51 = arith.constant 3 : i32
    %rem3A_52 = arith.constant 6 : i32
    %rem3A_53 = arith.remsi %rem3A_51, %rem3A_52 : i32
    %dma_start3A_54 = arith.constant 3 : i32
    %dma_start3A_55 = arith.constant 0 : i32
    %dma_start3A_56 = arith.constant 0 : i32
    %dma_start3A_57 = tpu.memref_slice %arg6[%rem3A_53, %dma_start3A_55, %dma_start3A_56] : memref<6x128x64xf32, #tpu.memory_space<vmem>> -> memref<1x128x64xf32, #tpu.memory_space<vmem>>
    %dma_start3A_58 = tpu.memref_squeeze %dma_start3A_57 : memref<1x128x64xf32, #tpu.memory_space<vmem>> -> memref<128x64xf32, #tpu.memory_space<vmem>>
    %dma_start3A_59 = arith.constant 0 : i32
    %dma_start3A_60 = tpu.memref_slice %arg5[%dma_start3A_54, %dma_start3A_59] : memref<98x128xi32, #tpu.memory_space<vmem>> -> memref<1x128xi32, #tpu.memory_space<vmem>>
    %dma_start3A_61 = tpu.memref_squeeze %dma_start3A_60 : memref<1x128xi32, #tpu.memory_space<vmem>> -> memref<128xi32, #tpu.memory_space<vmem>>
    %dma_start3A_62 = arith.constant 0 : i32
    %dma_start3A_63 = arith.constant 0 : i32
    %dma_start3A_64 = tpu.memref_slice %arg2[%dma_start3A_62, %dma_start3A_63] : memref<50000x64xf32, #tpu.memory_space<hbm>> -> memref<50000x64xf32, #tpu.memory_space<hbm>>
    %dma_start3A_65 = tpu.memref_slice %arg7[%rem3A_53] : memref<6x!tpu.dma_semaphore, #tpu.memory_space<semaphore_mem>> -> memref<1x!tpu.dma_semaphore, #tpu.memory_space<semaphore_mem>>
    %dma_start3A_66 = tpu.memref_squeeze %dma_start3A_65 : memref<1x!tpu.dma_semaphore, #tpu.memory_space<semaphore_mem>> -> memref<!tpu.dma_semaphore, #tpu.memory_space<semaphore_mem>>
    tpu.enqueue_indirect_dma source(%dma_start3A_64 : memref<50000x64xf32, #tpu.memory_space<hbm>>) target(%dma_start3A_58 : memref<128x64xf32, #tpu.memory_space<vmem>>) offsets(%dma_start3A_61 : memref<128xi32, #tpu.memory_space<vmem>>) semaphore(%dma_start3A_66 : memref<!tpu.dma_semaphore, #tpu.memory_space<semaphore_mem>>)
    %scan3A = arith.constant 0 : i32
    %scan3A_67 = arith.constant 0 : i32
    %scan3A_68 = arith.constant 98 : i32
    %scan3A_69 = arith.addi %scan3A_67, %scan3A_68 : i32
    %scan3A_70 = arith.constant 1 : i32
    scf.for %scan3A_185 = %scan3A_67 to %scan3A_69 step %scan3A_70  : i32 {
      %add3A_186 = arith.constant 4 : i32
      %add3A_187 = arith.addi %scan3A_185, %add3A_186 : i32
      %lt3A = arith.constant 98 : i32
      %lt3A_188 = arith.cmpi slt, %add3A_187, %lt3A : i32
      %convert_element_type3A = arith.extui %lt3A_188 : i1 to i32
      %cond3A = arith.constant 0 : i32
      %cond3A_189 = arith.cmpi ne, %convert_element_type3A, %cond3A : i32
      scf.if %cond3A_189 {
        %ge3A = arith.constant 6 : i32
        %ge3A_223 = arith.cmpi sge, %add3A_187, %ge3A : i32
        %convert_element_type3A_224 = arith.extui %ge3A_223 : i1 to i32
        %cond3A_225 = arith.constant 0 : i32
        %cond3A_226 = arith.cmpi ne, %convert_element_type3A_224, %cond3A_225 : i32
        scf.if %cond3A_226 {
          %sub3A = arith.constant 6 : i32
          %sub3A_241 = arith.subi %add3A_187, %sub3A : i32
          %rem3A_242 = arith.constant 6 : i32
          %rem3A_243 = arith.remsi %sub3A_241, %rem3A_242 : i32
          %mul3A_244 = arith.constant 128 : i32
          %mul3A_245 = arith.muli %sub3A_241, %mul3A_244 : i32
          %add3A_246 = arith.addi %mul3A_2, %mul3A_245 : i32
          %dma_wait3A_247 = arith.constant 0 : i32
          %dma_wait3A_248 = arith.constant 0 : i32
          %dma_wait3A_249 = tpu.memref_slice %arg6[%rem3A_243, %dma_wait3A_247, %dma_wait3A_248] : memref<6x128x64xf32, #tpu.memory_space<vmem>> -> memref<1x128x64xf32, #tpu.memory_space<vmem>>
          %dma_wait3A_250 = tpu.memref_squeeze %dma_wait3A_249 : memref<1x128x64xf32, #tpu.memory_space<vmem>> -> memref<128x64xf32, #tpu.memory_space<vmem>>
          %dma_wait3A_251 = arith.constant 0 : i32
          %dma_wait3A_252 = tpu.memref_slice %arg4[%add3A_246, %dma_wait3A_251] : memref<401408x64xf32, #tpu.memory_space<hbm>> -> memref<128x64xf32, #tpu.memory_space<hbm>>
          %dma_wait3A_253 = tpu.memref_slice %arg8[%rem3A_243] : memref<6x!tpu.dma_semaphore, #tpu.memory_space<semaphore_mem>> -> memref<1x!tpu.dma_semaphore, #tpu.memory_space<semaphore_mem>>
          %dma_wait3A_254 = tpu.memref_squeeze %dma_wait3A_253 : memref<1x!tpu.dma_semaphore, #tpu.memory_space<semaphore_mem>> -> memref<!tpu.dma_semaphore, #tpu.memory_space<semaphore_mem>>
          %dma_wait3A_255 = arith.constant 0 : i32
          %dma_wait3A_256 = tpu.memref_slice %arg4[%add3A_246, %dma_wait3A_255] : memref<401408x64xf32, #tpu.memory_space<hbm>> -> memref<128x64xf32, #tpu.memory_space<hbm>>
          %dma_wait3A_257 = arith.constant 0 : i32
          %dma_wait3A_258 = arith.constant 0 : i32
          %dma_wait3A_259 = tpu.memref_slice %arg6[%rem3A_243, %dma_wait3A_257, %dma_wait3A_258] : memref<6x128x64xf32, #tpu.memory_space<vmem>> -> memref<1x128x64xf32, #tpu.memory_space<vmem>>
          %dma_wait3A_260 = tpu.memref_squeeze %dma_wait3A_259 : memref<1x128x64xf32, #tpu.memory_space<vmem>> -> memref<128x64xf32, #tpu.memory_space<vmem>>
          tpu.wait_dma2 semaphore(%dma_wait3A_254 : memref<!tpu.dma_semaphore, #tpu.memory_space<semaphore_mem>>) src(%dma_wait3A_260 : memref<128x64xf32, #tpu.memory_space<vmem>>) dst(%dma_wait3A_256 : memref<128x64xf32, #tpu.memory_space<hbm>>)
        } else {
        }
        %rem3A_227 = arith.constant 6 : i32
        %rem3A_228 = arith.remsi %add3A_187, %rem3A_227 : i32
        %dma_start3A_229 = arith.constant 0 : i32
        %dma_start3A_230 = arith.constant 0 : i32
        %dma_start3A_231 = tpu.memref_slice %arg6[%rem3A_228, %dma_start3A_229, %dma_start3A_230] : memref<6x128x64xf32, #tpu.memory_space<vmem>> -> memref<1x128x64xf32, #tpu.memory_space<vmem>>
        %dma_start3A_232 = tpu.memref_squeeze %dma_start3A_231 : memref<1x128x64xf32, #tpu.memory_space<vmem>> -> memref<128x64xf32, #tpu.memory_space<vmem>>
        %dma_start3A_233 = arith.constant 0 : i32
        %dma_start3A_234 = tpu.memref_slice %arg5[%add3A_187, %dma_start3A_233] : memref<98x128xi32, #tpu.memory_space<vmem>> -> memref<1x128xi32, #tpu.memory_space<vmem>>
        %dma_start3A_235 = tpu.memref_squeeze %dma_start3A_234 : memref<1x128xi32, #tpu.memory_space<vmem>> -> memref<128xi32, #tpu.memory_space<vmem>>
        %dma_start3A_236 = arith.constant 0 : i32
        %dma_start3A_237 = arith.constant 0 : i32
        %dma_start3A_238 = tpu.memref_slice %arg2[%dma_start3A_236, %dma_start3A_237] : memref<50000x64xf32, #tpu.memory_space<hbm>> -> memref<50000x64xf32, #tpu.memory_space<hbm>>
        %dma_start3A_239 = tpu.memref_slice %arg7[%rem3A_228] : memref<6x!tpu.dma_semaphore, #tpu.memory_space<semaphore_mem>> -> memref<1x!tpu.dma_semaphore, #tpu.memory_space<semaphore_mem>>
        %dma_start3A_240 = tpu.memref_squeeze %dma_start3A_239 : memref<1x!tpu.dma_semaphore, #tpu.memory_space<semaphore_mem>> -> memref<!tpu.dma_semaphore, #tpu.memory_space<semaphore_mem>>
        tpu.enqueue_indirect_dma source(%dma_start3A_238 : memref<50000x64xf32, #tpu.memory_space<hbm>>) target(%dma_start3A_232 : memref<128x64xf32, #tpu.memory_space<vmem>>) offsets(%dma_start3A_235 : memref<128xi32, #tpu.memory_space<vmem>>) semaphore(%dma_start3A_240 : memref<!tpu.dma_semaphore, #tpu.memory_space<semaphore_mem>>)
      } else {
      }
      %rem3A_190 = arith.constant 6 : i32
      %rem3A_191 = arith.remsi %scan3A_185, %rem3A_190 : i32
      %dma_wait3A_192 = arith.constant 0 : i32
      %dma_wait3A_193 = arith.constant 0 : i32
      %dma_wait3A_194 = tpu.memref_slice %arg6[%rem3A_191, %dma_wait3A_192, %dma_wait3A_193] : memref<6x128x64xf32, #tpu.memory_space<vmem>> -> memref<1x128x64xf32, #tpu.memory_space<vmem>>
      %dma_wait3A_195 = tpu.memref_squeeze %dma_wait3A_194 : memref<1x128x64xf32, #tpu.memory_space<vmem>> -> memref<128x64xf32, #tpu.memory_space<vmem>>
      %dma_wait3A_196 = arith.constant 0 : i32
      %dma_wait3A_197 = tpu.memref_slice %arg5[%scan3A_185, %dma_wait3A_196] : memref<98x128xi32, #tpu.memory_space<vmem>> -> memref<1x128xi32, #tpu.memory_space<vmem>>
      %dma_wait3A_198 = tpu.memref_squeeze %dma_wait3A_197 : memref<1x128xi32, #tpu.memory_space<vmem>> -> memref<128xi32, #tpu.memory_space<vmem>>
      %dma_wait3A_199 = arith.constant 0 : i32
      %dma_wait3A_200 = arith.constant 0 : i32
      %dma_wait3A_201 = tpu.memref_slice %arg2[%dma_wait3A_199, %dma_wait3A_200] : memref<50000x64xf32, #tpu.memory_space<hbm>> -> memref<50000x64xf32, #tpu.memory_space<hbm>>
      %dma_wait3A_202 = tpu.memref_slice %arg7[%rem3A_191] : memref<6x!tpu.dma_semaphore, #tpu.memory_space<semaphore_mem>> -> memref<1x!tpu.dma_semaphore, #tpu.memory_space<semaphore_mem>>
      %dma_wait3A_203 = tpu.memref_squeeze %dma_wait3A_202 : memref<1x!tpu.dma_semaphore, #tpu.memory_space<semaphore_mem>> -> memref<!tpu.dma_semaphore, #tpu.memory_space<semaphore_mem>>
      tpu.wait_indirect_dma semaphore(%dma_wait3A_203 : memref<!tpu.dma_semaphore, #tpu.memory_space<semaphore_mem>>) src(%dma_wait3A_201 : memref<50000x64xf32, #tpu.memory_space<hbm>>) dst(%dma_wait3A_195 : memref<128x64xf32, #tpu.memory_space<vmem>>)
      %rem3A_204 = arith.constant 6 : i32
      %rem3A_205 = arith.remsi %scan3A_185, %rem3A_204 : i32
      %mul3A_206 = arith.constant 128 : i32
      %mul3A_207 = arith.muli %scan3A_185, %mul3A_206 : i32
      %add3A_208 = arith.addi %mul3A_2, %mul3A_207 : i32
      %dma_start3A_209 = arith.constant 0 : i32
      %dma_start3A_210 = arith.constant 0 : i32
      %dma_start3A_211 = tpu.memref_slice %arg6[%rem3A_205, %dma_start3A_209, %dma_start3A_210] : memref<6x128x64xf32, #tpu.memory_space<vmem>> -> memref<1x128x64xf32, #tpu.memory_space<vmem>>
      %dma_start3A_212 = tpu.memref_squeeze %dma_start3A_211 : memref<1x128x64xf32, #tpu.memory_space<vmem>> -> memref<128x64xf32, #tpu.memory_space<vmem>>
      %dma_start3A_213 = arith.constant 0 : i32
      %dma_start3A_214 = tpu.memref_slice %arg4[%add3A_208, %dma_start3A_213] : memref<401408x64xf32, #tpu.memory_space<hbm>> -> memref<128x64xf32, #tpu.memory_space<hbm>>
      %dma_start3A_215 = tpu.memref_slice %arg8[%rem3A_205] : memref<6x!tpu.dma_semaphore, #tpu.memory_space<semaphore_mem>> -> memref<1x!tpu.dma_semaphore, #tpu.memory_space<semaphore_mem>>
      %dma_start3A_216 = tpu.memref_squeeze %dma_start3A_215 : memref<1x!tpu.dma_semaphore, #tpu.memory_space<semaphore_mem>> -> memref<!tpu.dma_semaphore, #tpu.memory_space<semaphore_mem>>
      %dma_start3A_217 = arith.constant 0 : i32
      %dma_start3A_218 = tpu.memref_slice %arg4[%add3A_208, %dma_start3A_217] : memref<401408x64xf32, #tpu.memory_space<hbm>> -> memref<128x64xf32, #tpu.memory_space<hbm>>
      %dma_start3A_219 = arith.constant 0 : i32
      %dma_start3A_220 = arith.constant 0 : i32
      %dma_start3A_221 = tpu.memref_slice %arg6[%rem3A_205, %dma_start3A_219, %dma_start3A_220] : memref<6x128x64xf32, #tpu.memory_space<vmem>> -> memref<1x128x64xf32, #tpu.memory_space<vmem>>
      %dma_start3A_222 = tpu.memref_squeeze %dma_start3A_221 : memref<1x128x64xf32, #tpu.memory_space<vmem>> -> memref<128x64xf32, #tpu.memory_space<vmem>>
      tpu.enqueue_dma source(%dma_start3A_222 : memref<128x64xf32, #tpu.memory_space<vmem>>) target(%dma_start3A_218 : memref<128x64xf32, #tpu.memory_space<hbm>>) target_semaphore(%dma_start3A_216 : memref<!tpu.dma_semaphore, #tpu.memory_space<semaphore_mem>>)
    }
    %scan3A_71 = arith.constant 98 : i32
    %rem3A_72 = arith.constant 92 : i32
    %rem3A_73 = arith.constant 6 : i32
    %rem3A_74 = arith.remsi %rem3A_72, %rem3A_73 : i32
    %add3A_75 = arith.constant 11776 : i32
    %add3A_76 = arith.addi %mul3A_2, %add3A_75 : i32
    %dma_wait3A = arith.constant 0 : i32
    %dma_wait3A_77 = arith.constant 0 : i32
    %dma_wait3A_78 = tpu.memref_slice %arg6[%rem3A_74, %dma_wait3A, %dma_wait3A_77] : memref<6x128x64xf32, #tpu.memory_space<vmem>> -> memref<1x128x64xf32, #tpu.memory_space<vmem>>
    %dma_wait3A_79 = tpu.memref_squeeze %dma_wait3A_78 : memref<1x128x64xf32, #tpu.memory_space<vmem>> -> memref<128x64xf32, #tpu.memory_space<vmem>>
    %dma_wait3A_80 = arith.constant 0 : i32
    %dma_wait3A_81 = tpu.memref_slice %arg4[%add3A_76, %dma_wait3A_80] : memref<401408x64xf32, #tpu.memory_space<hbm>> -> memref<128x64xf32, #tpu.memory_space<hbm>>
    %dma_wait3A_82 = tpu.memref_slice %arg8[%rem3A_74] : memref<6x!tpu.dma_semaphore, #tpu.memory_space<semaphore_mem>> -> memref<1x!tpu.dma_semaphore, #tpu.memory_space<semaphore_mem>>
    %dma_wait3A_83 = tpu.memref_squeeze %dma_wait3A_82 : memref<1x!tpu.dma_semaphore, #tpu.memory_space<semaphore_mem>> -> memref<!tpu.dma_semaphore, #tpu.memory_space<semaphore_mem>>
    %dma_wait3A_84 = arith.constant 0 : i32
    %dma_wait3A_85 = tpu.memref_slice %arg4[%add3A_76, %dma_wait3A_84] : memref<401408x64xf32, #tpu.memory_space<hbm>> -> memref<128x64xf32, #tpu.memory_space<hbm>>
    %dma_wait3A_86 = arith.constant 0 : i32
    %dma_wait3A_87 = arith.constant 0 : i32
    %dma_wait3A_88 = tpu.memref_slice %arg6[%rem3A_74, %dma_wait3A_86, %dma_wait3A_87] : memref<6x128x64xf32, #tpu.memory_space<vmem>> -> memref<1x128x64xf32, #tpu.memory_space<vmem>>
    %dma_wait3A_89 = tpu.memref_squeeze %dma_wait3A_88 : memref<1x128x64xf32, #tpu.memory_space<vmem>> -> memref<128x64xf32, #tpu.memory_space<vmem>>
    tpu.wait_dma2 semaphore(%dma_wait3A_83 : memref<!tpu.dma_semaphore, #tpu.memory_space<semaphore_mem>>) src(%dma_wait3A_89 : memref<128x64xf32, #tpu.memory_space<vmem>>) dst(%dma_wait3A_85 : memref<128x64xf32, #tpu.memory_space<hbm>>)
    %rem3A_90 = arith.constant 93 : i32
    %rem3A_91 = arith.constant 6 : i32
    %rem3A_92 = arith.remsi %rem3A_90, %rem3A_91 : i32
    %add3A_93 = arith.constant 11904 : i32
    %add3A_94 = arith.addi %mul3A_2, %add3A_93 : i32
    %dma_wait3A_95 = arith.constant 0 : i32
    %dma_wait3A_96 = arith.constant 0 : i32
    %dma_wait3A_97 = tpu.memref_slice %arg6[%rem3A_92, %dma_wait3A_95, %dma_wait3A_96] : memref<6x128x64xf32, #tpu.memory_space<vmem>> -> memref<1x128x64xf32, #tpu.memory_space<vmem>>
    %dma_wait3A_98 = tpu.memref_squeeze %dma_wait3A_97 : memref<1x128x64xf32, #tpu.memory_space<vmem>> -> memref<128x64xf32, #tpu.memory_space<vmem>>
    %dma_wait3A_99 = arith.constant 0 : i32
    %dma_wait3A_100 = tpu.memref_slice %arg4[%add3A_94, %dma_wait3A_99] : memref<401408x64xf32, #tpu.memory_space<hbm>> -> memref<128x64xf32, #tpu.memory_space<hbm>>
    %dma_wait3A_101 = tpu.memref_slice %arg8[%rem3A_92] : memref<6x!tpu.dma_semaphore, #tpu.memory_space<semaphore_mem>> -> memref<1x!tpu.dma_semaphore, #tpu.memory_space<semaphore_mem>>
    %dma_wait3A_102 = tpu.memref_squeeze %dma_wait3A_101 : memref<1x!tpu.dma_semaphore, #tpu.memory_space<semaphore_mem>> -> memref<!tpu.dma_semaphore, #tpu.memory_space<semaphore_mem>>
    %dma_wait3A_103 = arith.constant 0 : i32
    %dma_wait3A_104 = tpu.memref_slice %arg4[%add3A_94, %dma_wait3A_103] : memref<401408x64xf32, #tpu.memory_space<hbm>> -> memref<128x64xf32, #tpu.memory_space<hbm>>
    %dma_wait3A_105 = arith.constant 0 : i32
    %dma_wait3A_106 = arith.constant 0 : i32
    %dma_wait3A_107 = tpu.memref_slice %arg6[%rem3A_92, %dma_wait3A_105, %dma_wait3A_106] : memref<6x128x64xf32, #tpu.memory_space<vmem>> -> memref<1x128x64xf32, #tpu.memory_space<vmem>>
    %dma_wait3A_108 = tpu.memref_squeeze %dma_wait3A_107 : memref<1x128x64xf32, #tpu.memory_space<vmem>> -> memref<128x64xf32, #tpu.memory_space<vmem>>
    tpu.wait_dma2 semaphore(%dma_wait3A_102 : memref<!tpu.dma_semaphore, #tpu.memory_space<semaphore_mem>>) src(%dma_wait3A_108 : memref<128x64xf32, #tpu.memory_space<vmem>>) dst(%dma_wait3A_104 : memref<128x64xf32, #tpu.memory_space<hbm>>)
    %rem3A_109 = arith.constant 94 : i32
    %rem3A_110 = arith.constant 6 : i32
    %rem3A_111 = arith.remsi %rem3A_109, %rem3A_110 : i32
    %add3A_112 = arith.constant 12032 : i32
    %add3A_113 = arith.addi %mul3A_2, %add3A_112 : i32
    %dma_wait3A_114 = arith.constant 0 : i32
    %dma_wait3A_115 = arith.constant 0 : i32
    %dma_wait3A_116 = tpu.memref_slice %arg6[%rem3A_111, %dma_wait3A_114, %dma_wait3A_115] : memref<6x128x64xf32, #tpu.memory_space<vmem>> -> memref<1x128x64xf32, #tpu.memory_space<vmem>>
    %dma_wait3A_117 = tpu.memref_squeeze %dma_wait3A_116 : memref<1x128x64xf32, #tpu.memory_space<vmem>> -> memref<128x64xf32, #tpu.memory_space<vmem>>
    %dma_wait3A_118 = arith.constant 0 : i32
    %dma_wait3A_119 = tpu.memref_slice %arg4[%add3A_113, %dma_wait3A_118] : memref<401408x64xf32, #tpu.memory_space<hbm>> -> memref<128x64xf32, #tpu.memory_space<hbm>>
    %dma_wait3A_120 = tpu.memref_slice %arg8[%rem3A_111] : memref<6x!tpu.dma_semaphore, #tpu.memory_space<semaphore_mem>> -> memref<1x!tpu.dma_semaphore, #tpu.memory_space<semaphore_mem>>
    %dma_wait3A_121 = tpu.memref_squeeze %dma_wait3A_120 : memref<1x!tpu.dma_semaphore, #tpu.memory_space<semaphore_mem>> -> memref<!tpu.dma_semaphore, #tpu.memory_space<semaphore_mem>>
    %dma_wait3A_122 = arith.constant 0 : i32
    %dma_wait3A_123 = tpu.memref_slice %arg4[%add3A_113, %dma_wait3A_122] : memref<401408x64xf32, #tpu.memory_space<hbm>> -> memref<128x64xf32, #tpu.memory_space<hbm>>
    %dma_wait3A_124 = arith.constant 0 : i32
    %dma_wait3A_125 = arith.constant 0 : i32
    %dma_wait3A_126 = tpu.memref_slice %arg6[%rem3A_111, %dma_wait3A_124, %dma_wait3A_125] : memref<6x128x64xf32, #tpu.memory_space<vmem>> -> memref<1x128x64xf32, #tpu.memory_space<vmem>>
    %dma_wait3A_127 = tpu.memref_squeeze %dma_wait3A_126 : memref<1x128x64xf32, #tpu.memory_space<vmem>> -> memref<128x64xf32, #tpu.memory_space<vmem>>
    tpu.wait_dma2 semaphore(%dma_wait3A_121 : memref<!tpu.dma_semaphore, #tpu.memory_space<semaphore_mem>>) src(%dma_wait3A_127 : memref<128x64xf32, #tpu.memory_space<vmem>>) dst(%dma_wait3A_123 : memref<128x64xf32, #tpu.memory_space<hbm>>)
    %rem3A_128 = arith.constant 95 : i32
    %rem3A_129 = arith.constant 6 : i32
    %rem3A_130 = arith.remsi %rem3A_128, %rem3A_129 : i32
    %add3A_131 = arith.constant 12160 : i32
    %add3A_132 = arith.addi %mul3A_2, %add3A_131 : i32
    %dma_wait3A_133 = arith.constant 0 : i32
    %dma_wait3A_134 = arith.constant 0 : i32
    %dma_wait3A_135 = tpu.memref_slice %arg6[%rem3A_130, %dma_wait3A_133, %dma_wait3A_134] : memref<6x128x64xf32, #tpu.memory_space<vmem>> -> memref<1x128x64xf32, #tpu.memory_space<vmem>>
    %dma_wait3A_136 = tpu.memref_squeeze %dma_wait3A_135 : memref<1x128x64xf32, #tpu.memory_space<vmem>> -> memref<128x64xf32, #tpu.memory_space<vmem>>
    %dma_wait3A_137 = arith.constant 0 : i32
    %dma_wait3A_138 = tpu.memref_slice %arg4[%add3A_132, %dma_wait3A_137] : memref<401408x64xf32, #tpu.memory_space<hbm>> -> memref<128x64xf32, #tpu.memory_space<hbm>>
    %dma_wait3A_139 = tpu.memref_slice %arg8[%rem3A_130] : memref<6x!tpu.dma_semaphore, #tpu.memory_space<semaphore_mem>> -> memref<1x!tpu.dma_semaphore, #tpu.memory_space<semaphore_mem>>
    %dma_wait3A_140 = tpu.memref_squeeze %dma_wait3A_139 : memref<1x!tpu.dma_semaphore, #tpu.memory_space<semaphore_mem>> -> memref<!tpu.dma_semaphore, #tpu.memory_space<semaphore_mem>>
    %dma_wait3A_141 = arith.constant 0 : i32
    %dma_wait3A_142 = tpu.memref_slice %arg4[%add3A_132, %dma_wait3A_141] : memref<401408x64xf32, #tpu.memory_space<hbm>> -> memref<128x64xf32, #tpu.memory_space<hbm>>
    %dma_wait3A_143 = arith.constant 0 : i32
    %dma_wait3A_144 = arith.constant 0 : i32
    %dma_wait3A_145 = tpu.memref_slice %arg6[%rem3A_130, %dma_wait3A_143, %dma_wait3A_144] : memref<6x128x64xf32, #tpu.memory_space<vmem>> -> memref<1x128x64xf32, #tpu.memory_space<vmem>>
    %dma_wait3A_146 = tpu.memref_squeeze %dma_wait3A_145 : memref<1x128x64xf32, #tpu.memory_space<vmem>> -> memref<128x64xf32, #tpu.memory_space<vmem>>
    tpu.wait_dma2 semaphore(%dma_wait3A_140 : memref<!tpu.dma_semaphore, #tpu.memory_space<semaphore_mem>>) src(%dma_wait3A_146 : memref<128x64xf32, #tpu.memory_space<vmem>>) dst(%dma_wait3A_142 : memref<128x64xf32, #tpu.memory_space<hbm>>)
    %rem3A_147 = arith.constant 96 : i32
    %rem3A_148 = arith.constant 6 : i32
    %rem3A_149 = arith.remsi %rem3A_147, %rem3A_148 : i32
    %add3A_150 = arith.constant 12288 : i32
    %add3A_151 = arith.addi %mul3A_2, %add3A_150 : i32
    %dma_wait3A_152 = arith.constant 0 : i32
    %dma_wait3A_153 = arith.constant 0 : i32
    %dma_wait3A_154 = tpu.memref_slice %arg6[%rem3A_149, %dma_wait3A_152, %dma_wait3A_153] : memref<6x128x64xf32, #tpu.memory_space<vmem>> -> memref<1x128x64xf32, #tpu.memory_space<vmem>>
    %dma_wait3A_155 = tpu.memref_squeeze %dma_wait3A_154 : memref<1x128x64xf32, #tpu.memory_space<vmem>> -> memref<128x64xf32, #tpu.memory_space<vmem>>
    %dma_wait3A_156 = arith.constant 0 : i32
    %dma_wait3A_157 = tpu.memref_slice %arg4[%add3A_151, %dma_wait3A_156] : memref<401408x64xf32, #tpu.memory_space<hbm>> -> memref<128x64xf32, #tpu.memory_space<hbm>>
    %dma_wait3A_158 = tpu.memref_slice %arg8[%rem3A_149] : memref<6x!tpu.dma_semaphore, #tpu.memory_space<semaphore_mem>> -> memref<1x!tpu.dma_semaphore, #tpu.memory_space<semaphore_mem>>
    %dma_wait3A_159 = tpu.memref_squeeze %dma_wait3A_158 : memref<1x!tpu.dma_semaphore, #tpu.memory_space<semaphore_mem>> -> memref<!tpu.dma_semaphore, #tpu.memory_space<semaphore_mem>>
    %dma_wait3A_160 = arith.constant 0 : i32
    %dma_wait3A_161 = tpu.memref_slice %arg4[%add3A_151, %dma_wait3A_160] : memref<401408x64xf32, #tpu.memory_space<hbm>> -> memref<128x64xf32, #tpu.memory_space<hbm>>
    %dma_wait3A_162 = arith.constant 0 : i32
    %dma_wait3A_163 = arith.constant 0 : i32
    %dma_wait3A_164 = tpu.memref_slice %arg6[%rem3A_149, %dma_wait3A_162, %dma_wait3A_163] : memref<6x128x64xf32, #tpu.memory_space<vmem>> -> memref<1x128x64xf32, #tpu.memory_space<vmem>>
    %dma_wait3A_165 = tpu.memref_squeeze %dma_wait3A_164 : memref<1x128x64xf32, #tpu.memory_space<vmem>> -> memref<128x64xf32, #tpu.memory_space<vmem>>
    tpu.wait_dma2 semaphore(%dma_wait3A_159 : memref<!tpu.dma_semaphore, #tpu.memory_space<semaphore_mem>>) src(%dma_wait3A_165 : memref<128x64xf32, #tpu.memory_space<vmem>>) dst(%dma_wait3A_161 : memref<128x64xf32, #tpu.memory_space<hbm>>)
    %rem3A_166 = arith.constant 97 : i32
    %rem3A_167 = arith.constant 6 : i32
    %rem3A_168 = arith.remsi %rem3A_166, %rem3A_167 : i32
    %add3A_169 = arith.constant 12416 : i32
    %add3A_170 = arith.addi %mul3A_2, %add3A_169 : i32
    %dma_wait3A_171 = arith.constant 0 : i32
    %dma_wait3A_172 = arith.constant 0 : i32
    %dma_wait3A_173 = tpu.memref_slice %arg6[%rem3A_168, %dma_wait3A_171, %dma_wait3A_172] : memref<6x128x64xf32, #tpu.memory_space<vmem>> -> memref<1x128x64xf32, #tpu.memory_space<vmem>>
    %dma_wait3A_174 = tpu.memref_squeeze %dma_wait3A_173 : memref<1x128x64xf32, #tpu.memory_space<vmem>> -> memref<128x64xf32, #tpu.memory_space<vmem>>
    %dma_wait3A_175 = arith.constant 0 : i32
    %dma_wait3A_176 = tpu.memref_slice %arg4[%add3A_170, %dma_wait3A_175] : memref<401408x64xf32, #tpu.memory_space<hbm>> -> memref<128x64xf32, #tpu.memory_space<hbm>>
    %dma_wait3A_177 = tpu.memref_slice %arg8[%rem3A_168] : memref<6x!tpu.dma_semaphore, #tpu.memory_space<semaphore_mem>> -> memref<1x!tpu.dma_semaphore, #tpu.memory_space<semaphore_mem>>
    %dma_wait3A_178 = tpu.memref_squeeze %dma_wait3A_177 : memref<1x!tpu.dma_semaphore, #tpu.memory_space<semaphore_mem>> -> memref<!tpu.dma_semaphore, #tpu.memory_space<semaphore_mem>>
    %dma_wait3A_179 = arith.constant 0 : i32
    %dma_wait3A_180 = tpu.memref_slice %arg4[%add3A_170, %dma_wait3A_179] : memref<401408x64xf32, #tpu.memory_space<hbm>> -> memref<128x64xf32, #tpu.memory_space<hbm>>
    %dma_wait3A_181 = arith.constant 0 : i32
    %dma_wait3A_182 = arith.constant 0 : i32
    %dma_wait3A_183 = tpu.memref_slice %arg6[%rem3A_168, %dma_wait3A_181, %dma_wait3A_182] : memref<6x128x64xf32, #tpu.memory_space<vmem>> -> memref<1x128x64xf32, #tpu.memory_space<vmem>>
    %dma_wait3A_184 = tpu.memref_squeeze %dma_wait3A_183 : memref<1x128x64xf32, #tpu.memory_space<vmem>> -> memref<128x64xf32, #tpu.memory_space<vmem>>
    tpu.wait_dma2 semaphore(%dma_wait3A_178 : memref<!tpu.dma_semaphore, #tpu.memory_space<semaphore_mem>>) src(%dma_wait3A_184 : memref<128x64xf32, #tpu.memory_space<vmem>>) dst(%dma_wait3A_180 : memref<128x64xf32, #tpu.memory_space<hbm>>)
    return
  }
}

#map = affine_map<(d0, d1) -> (0, 0)>
#map1 = affine_map<(d0, d1) -> (0, 0, 0)>
module attributes {stable_mosaic.version = 14 : i64} {
  func.func @_sc_scatter(%arg0: i32, %arg1: i32, %arg2: memref<401408x64xf32, #tpu.memory_space<hbm>>, %arg3: memref<2x3136x128xi32, #tpu.memory_space<hbm>>, %arg4: memref<50000x64xf32, #tpu.memory_space<hbm>>, %arg5: memref<50000x64xf32, #tpu.memory_space<hbm>>, %arg6: memref<3x128xi32, #tpu.memory_space<vmem>>, %arg7: memref<3x128x64xf32, #tpu.memory_space<vmem>>, %arg8: memref<25008x64xf32, #tpu.memory_space<vmem_shared>>, %arg9: memref<3x!tpu.dma_semaphore, #tpu.memory_space<semaphore_mem>>, %arg10: memref<3x!tpu.dma_semaphore, #tpu.memory_space<semaphore_mem>>, %arg11: memref<3x!tpu.dma_semaphore, #tpu.memory_space<semaphore_mem>>) attributes {dimension_semantics = [#tpu.dimension_semantics<core_parallel>, #tpu.dimension_semantics<subcore_parallel>], iteration_bounds = array<i64: 2, 16>, scalar_prefetch = 0 : i64, scratch_operands = 6 : i64, tpu.core_type = #tpu.core_type<sc_vector_subcore>, window_params = [{transform_indices = #map}, {transform_indices = #map1}, {transform_indices = #map}, {transform_indices = #map}]} {
    %mul3A = arith.constant 25000 : i32
    %mul3A_0 = arith.muli %arg0, %mul3A : i32
    %mul3A_1 = arith.constant 1562 : i32
    %mul3A_2 = arith.muli %arg1, %mul3A_1 : i32
    %add3A = arith.addi %mul3A_0, %mul3A_2 : i32
    %mul3A_3 = arith.constant 1562 : i32
    %mul3A_4 = arith.muli %arg1, %mul3A_3 : i32
    "tpu.region"() ({
      %run_scoped3A = tpu.sem_alloc : memref<!tpu.dma_semaphore, #tpu.memory_space<semaphore_mem>>
      %dma_start3A_151 = arith.constant 0 : i32
      %dma_start3A_152 = tpu.memref_slice %arg8[%mul3A_4, %dma_start3A_151] : memref<25008x64xf32, #tpu.memory_space<vmem_shared>> -> memref<1562x64xf32, #tpu.memory_space<vmem_shared>>
      %dma_start3A_153 = arith.constant 0 : i32
      %dma_start3A_154 = tpu.memref_slice %arg4[%add3A, %dma_start3A_153] : memref<50000x64xf32, #tpu.memory_space<hbm>> -> memref<1562x64xf32, #tpu.memory_space<hbm>>
      tpu.enqueue_dma source(%dma_start3A_154 : memref<1562x64xf32, #tpu.memory_space<hbm>>) target(%dma_start3A_152 : memref<1562x64xf32, #tpu.memory_space<vmem_shared>>) target_semaphore(%run_scoped3A : memref<!tpu.dma_semaphore, #tpu.memory_space<semaphore_mem>>)
      %dma_wait3A_155 = arith.constant 0 : i32
      %dma_wait3A_156 = tpu.memref_slice %arg8[%mul3A_4, %dma_wait3A_155] : memref<25008x64xf32, #tpu.memory_space<vmem_shared>> -> memref<1562x64xf32, #tpu.memory_space<vmem_shared>>
      %dma_wait3A_157 = arith.constant 0 : i32
      %dma_wait3A_158 = tpu.memref_slice %arg4[%add3A, %dma_wait3A_157] : memref<50000x64xf32, #tpu.memory_space<hbm>> -> memref<1562x64xf32, #tpu.memory_space<hbm>>
      tpu.wait_dma2 semaphore(%run_scoped3A : memref<!tpu.dma_semaphore, #tpu.memory_space<semaphore_mem>>) src(%dma_wait3A_158 : memref<1562x64xf32, #tpu.memory_space<hbm>>) dst(%dma_wait3A_156 : memref<1562x64xf32, #tpu.memory_space<vmem_shared>>)
      tpu.yield
    }) : () -> ()
    %eq3A = arith.constant 15 : i32
    %eq3A_5 = arith.cmpi eq, %arg1, %eq3A : i32
    %convert_element_type3A = arith.extui %eq3A_5 : i1 to i32
    %cond3A = arith.constant 0 : i32
    %cond3A_6 = arith.cmpi ne, %convert_element_type3A, %cond3A : i32
    scf.if %cond3A_6 {
      %mul3A_151 = arith.constant 25000 : i32
      %mul3A_152 = arith.muli %arg0, %mul3A_151 : i32
      %add3A_153 = arith.constant 24992 : i32
      %add3A_154 = arith.addi %mul3A_152, %add3A_153 : i32
      "tpu.region"() ({
        %run_scoped3A = tpu.sem_alloc : memref<!tpu.dma_semaphore, #tpu.memory_space<semaphore_mem>>
        %dma_start3A_155 = arith.constant 24992 : i32
        %dma_start3A_156 = arith.constant 0 : i32
        %dma_start3A_157 = tpu.memref_slice %arg8[%dma_start3A_155, %dma_start3A_156] : memref<25008x64xf32, #tpu.memory_space<vmem_shared>> -> memref<8x64xf32, #tpu.memory_space<vmem_shared>>
        %dma_start3A_158 = arith.constant 0 : i32
        %dma_start3A_159 = tpu.memref_slice %arg4[%add3A_154, %dma_start3A_158] : memref<50000x64xf32, #tpu.memory_space<hbm>> -> memref<8x64xf32, #tpu.memory_space<hbm>>
        tpu.enqueue_dma source(%dma_start3A_159 : memref<8x64xf32, #tpu.memory_space<hbm>>) target(%dma_start3A_157 : memref<8x64xf32, #tpu.memory_space<vmem_shared>>) target_semaphore(%run_scoped3A : memref<!tpu.dma_semaphore, #tpu.memory_space<semaphore_mem>>)
        %dma_wait3A_160 = arith.constant 24992 : i32
        %dma_wait3A_161 = arith.constant 0 : i32
        %dma_wait3A_162 = tpu.memref_slice %arg8[%dma_wait3A_160, %dma_wait3A_161] : memref<25008x64xf32, #tpu.memory_space<vmem_shared>> -> memref<8x64xf32, #tpu.memory_space<vmem_shared>>
        %dma_wait3A_163 = arith.constant 0 : i32
        %dma_wait3A_164 = tpu.memref_slice %arg4[%add3A_154, %dma_wait3A_163] : memref<50000x64xf32, #tpu.memory_space<hbm>> -> memref<8x64xf32, #tpu.memory_space<hbm>>
        tpu.wait_dma2 semaphore(%run_scoped3A : memref<!tpu.dma_semaphore, #tpu.memory_space<semaphore_mem>>) src(%dma_wait3A_164 : memref<8x64xf32, #tpu.memory_space<hbm>>) dst(%dma_wait3A_162 : memref<8x64xf32, #tpu.memory_space<vmem_shared>>)
        tpu.yield
      }) : () -> ()
    } else {
    }
    %barrier3A = arith.constant 0 : index
    tpu.barrier barrier_id(%barrier3A)
    %rem3A = arith.constant 0 : i32
    %rem3A_7 = arith.constant 3 : i32
    %rem3A_8 = arith.remsi %rem3A, %rem3A_7 : i32
    %mul3A_9 = arith.constant 196 : i32
    %mul3A_10 = arith.muli %arg1, %mul3A_9 : i32
    %add3A_11 = arith.constant 0 : i32
    %add3A_12 = arith.addi %mul3A_10, %add3A_11 : i32
    %dma_start3A = arith.constant 0 : i32
    %dma_start3A_13 = tpu.memref_slice %arg6[%rem3A_8, %dma_start3A] : memref<3x128xi32, #tpu.memory_space<vmem>> -> memref<1x128xi32, #tpu.memory_space<vmem>>
    %dma_start3A_14 = tpu.memref_squeeze %dma_start3A_13 : memref<1x128xi32, #tpu.memory_space<vmem>> -> memref<128xi32, #tpu.memory_space<vmem>>
    %dma_start3A_15 = arith.constant 0 : i32
    %dma_start3A_16 = tpu.memref_slice %arg3[%arg0, %add3A_12, %dma_start3A_15] : memref<2x3136x128xi32, #tpu.memory_space<hbm>> -> memref<1x1x128xi32, #tpu.memory_space<hbm>>
    %dma_start3A_17 = tpu.memref_squeeze %dma_start3A_16 : memref<1x1x128xi32, #tpu.memory_space<hbm>> -> memref<128xi32, #tpu.memory_space<hbm>>
    %dma_start3A_18 = tpu.memref_slice %arg9[%rem3A_8] : memref<3x!tpu.dma_semaphore, #tpu.memory_space<semaphore_mem>> -> memref<1x!tpu.dma_semaphore, #tpu.memory_space<semaphore_mem>>
    %dma_start3A_19 = tpu.memref_squeeze %dma_start3A_18 : memref<1x!tpu.dma_semaphore, #tpu.memory_space<semaphore_mem>> -> memref<!tpu.dma_semaphore, #tpu.memory_space<semaphore_mem>>
    %dma_start3A_20 = arith.constant 0 : i32
    %dma_start3A_21 = tpu.memref_slice %arg6[%rem3A_8, %dma_start3A_20] : memref<3x128xi32, #tpu.memory_space<vmem>> -> memref<1x128xi32, #tpu.memory_space<vmem>>
    %dma_start3A_22 = tpu.memref_squeeze %dma_start3A_21 : memref<1x128xi32, #tpu.memory_space<vmem>> -> memref<128xi32, #tpu.memory_space<vmem>>
    %dma_start3A_23 = arith.constant 0 : i32
    %dma_start3A_24 = tpu.memref_slice %arg3[%arg0, %add3A_12, %dma_start3A_23] : memref<2x3136x128xi32, #tpu.memory_space<hbm>> -> memref<1x1x128xi32, #tpu.memory_space<hbm>>
    %dma_start3A_25 = tpu.memref_squeeze %dma_start3A_24 : memref<1x1x128xi32, #tpu.memory_space<hbm>> -> memref<128xi32, #tpu.memory_space<hbm>>
    tpu.enqueue_dma source(%dma_start3A_25 : memref<128xi32, #tpu.memory_space<hbm>>) target(%dma_start3A_22 : memref<128xi32, #tpu.memory_space<vmem>>) target_semaphore(%dma_start3A_19 : memref<!tpu.dma_semaphore, #tpu.memory_space<semaphore_mem>>)
    %rem3A_26 = arith.constant 0 : i32
    %rem3A_27 = arith.constant 3 : i32
    %rem3A_28 = arith.remsi %rem3A_26, %rem3A_27 : i32
    %mul3A_29 = arith.constant 25088 : i32
    %mul3A_30 = arith.muli %arg1, %mul3A_29 : i32
    %add3A_31 = arith.constant 0 : i32
    %add3A_32 = arith.addi %mul3A_30, %add3A_31 : i32
    %dma_start3A_33 = arith.constant 0 : i32
    %dma_start3A_34 = arith.constant 0 : i32
    %dma_start3A_35 = tpu.memref_slice %arg7[%rem3A_28, %dma_start3A_33, %dma_start3A_34] : memref<3x128x64xf32, #tpu.memory_space<vmem>> -> memref<1x128x64xf32, #tpu.memory_space<vmem>>
    %dma_start3A_36 = tpu.memref_squeeze %dma_start3A_35 : memref<1x128x64xf32, #tpu.memory_space<vmem>> -> memref<128x64xf32, #tpu.memory_space<vmem>>
    %dma_start3A_37 = arith.constant 0 : i32
    %dma_start3A_38 = tpu.memref_slice %arg2[%add3A_32, %dma_start3A_37] : memref<401408x64xf32, #tpu.memory_space<hbm>> -> memref<128x64xf32, #tpu.memory_space<hbm>>
    %dma_start3A_39 = tpu.memref_slice %arg10[%rem3A_28] : memref<3x!tpu.dma_semaphore, #tpu.memory_space<semaphore_mem>> -> memref<1x!tpu.dma_semaphore, #tpu.memory_space<semaphore_mem>>
    %dma_start3A_40 = tpu.memref_squeeze %dma_start3A_39 : memref<1x!tpu.dma_semaphore, #tpu.memory_space<semaphore_mem>> -> memref<!tpu.dma_semaphore, #tpu.memory_space<semaphore_mem>>
    %dma_start3A_41 = arith.constant 0 : i32
    %dma_start3A_42 = arith.constant 0 : i32
    %dma_start3A_43 = tpu.memref_slice %arg7[%rem3A_28, %dma_start3A_41, %dma_start3A_42] : memref<3x128x64xf32, #tpu.memory_space<vmem>> -> memref<1x128x64xf32, #tpu.memory_space<vmem>>
    %dma_start3A_44 = tpu.memref_squeeze %dma_start3A_43 : memref<1x128x64xf32, #tpu.memory_space<vmem>> -> memref<128x64xf32, #tpu.memory_space<vmem>>
    %dma_start3A_45 = arith.constant 0 : i32
    %dma_start3A_46 = tpu.memref_slice %arg2[%add3A_32, %dma_start3A_45] : memref<401408x64xf32, #tpu.memory_space<hbm>> -> memref<128x64xf32, #tpu.memory_space<hbm>>
    tpu.enqueue_dma source(%dma_start3A_46 : memref<128x64xf32, #tpu.memory_space<hbm>>) target(%dma_start3A_44 : memref<128x64xf32, #tpu.memory_space<vmem>>) target_semaphore(%dma_start3A_40 : memref<!tpu.dma_semaphore, #tpu.memory_space<semaphore_mem>>)
    %rem3A_47 = arith.constant 1 : i32
    %rem3A_48 = arith.constant 3 : i32
    %rem3A_49 = arith.remsi %rem3A_47, %rem3A_48 : i32
    %mul3A_50 = arith.constant 196 : i32
    %mul3A_51 = arith.muli %arg1, %mul3A_50 : i32
    %add3A_52 = arith.constant 1 : i32
    %add3A_53 = arith.addi %mul3A_51, %add3A_52 : i32
    %dma_start3A_54 = arith.constant 0 : i32
    %dma_start3A_55 = tpu.memref_slice %arg6[%rem3A_49, %dma_start3A_54] : memref<3x128xi32, #tpu.memory_space<vmem>> -> memref<1x128xi32, #tpu.memory_space<vmem>>
    %dma_start3A_56 = tpu.memref_squeeze %dma_start3A_55 : memref<1x128xi32, #tpu.memory_space<vmem>> -> memref<128xi32, #tpu.memory_space<vmem>>
    %dma_start3A_57 = arith.constant 0 : i32
    %dma_start3A_58 = tpu.memref_slice %arg3[%arg0, %add3A_53, %dma_start3A_57] : memref<2x3136x128xi32, #tpu.memory_space<hbm>> -> memref<1x1x128xi32, #tpu.memory_space<hbm>>
    %dma_start3A_59 = tpu.memref_squeeze %dma_start3A_58 : memref<1x1x128xi32, #tpu.memory_space<hbm>> -> memref<128xi32, #tpu.memory_space<hbm>>
    %dma_start3A_60 = tpu.memref_slice %arg9[%rem3A_49] : memref<3x!tpu.dma_semaphore, #tpu.memory_space<semaphore_mem>> -> memref<1x!tpu.dma_semaphore, #tpu.memory_space<semaphore_mem>>
    %dma_start3A_61 = tpu.memref_squeeze %dma_start3A_60 : memref<1x!tpu.dma_semaphore, #tpu.memory_space<semaphore_mem>> -> memref<!tpu.dma_semaphore, #tpu.memory_space<semaphore_mem>>
    %dma_start3A_62 = arith.constant 0 : i32
    %dma_start3A_63 = tpu.memref_slice %arg6[%rem3A_49, %dma_start3A_62] : memref<3x128xi32, #tpu.memory_space<vmem>> -> memref<1x128xi32, #tpu.memory_space<vmem>>
    %dma_start3A_64 = tpu.memref_squeeze %dma_start3A_63 : memref<1x128xi32, #tpu.memory_space<vmem>> -> memref<128xi32, #tpu.memory_space<vmem>>
    %dma_start3A_65 = arith.constant 0 : i32
    %dma_start3A_66 = tpu.memref_slice %arg3[%arg0, %add3A_53, %dma_start3A_65] : memref<2x3136x128xi32, #tpu.memory_space<hbm>> -> memref<1x1x128xi32, #tpu.memory_space<hbm>>
    %dma_start3A_67 = tpu.memref_squeeze %dma_start3A_66 : memref<1x1x128xi32, #tpu.memory_space<hbm>> -> memref<128xi32, #tpu.memory_space<hbm>>
    tpu.enqueue_dma source(%dma_start3A_67 : memref<128xi32, #tpu.memory_space<hbm>>) target(%dma_start3A_64 : memref<128xi32, #tpu.memory_space<vmem>>) target_semaphore(%dma_start3A_61 : memref<!tpu.dma_semaphore, #tpu.memory_space<semaphore_mem>>)
    %rem3A_68 = arith.constant 1 : i32
    %rem3A_69 = arith.constant 3 : i32
    %rem3A_70 = arith.remsi %rem3A_68, %rem3A_69 : i32
    %mul3A_71 = arith.constant 25088 : i32
    %mul3A_72 = arith.muli %arg1, %mul3A_71 : i32
    %add3A_73 = arith.constant 128 : i32
    %add3A_74 = arith.addi %mul3A_72, %add3A_73 : i32
    %dma_start3A_75 = arith.constant 0 : i32
    %dma_start3A_76 = arith.constant 0 : i32
    %dma_start3A_77 = tpu.memref_slice %arg7[%rem3A_70, %dma_start3A_75, %dma_start3A_76] : memref<3x128x64xf32, #tpu.memory_space<vmem>> -> memref<1x128x64xf32, #tpu.memory_space<vmem>>
    %dma_start3A_78 = tpu.memref_squeeze %dma_start3A_77 : memref<1x128x64xf32, #tpu.memory_space<vmem>> -> memref<128x64xf32, #tpu.memory_space<vmem>>
    %dma_start3A_79 = arith.constant 0 : i32
    %dma_start3A_80 = tpu.memref_slice %arg2[%add3A_74, %dma_start3A_79] : memref<401408x64xf32, #tpu.memory_space<hbm>> -> memref<128x64xf32, #tpu.memory_space<hbm>>
    %dma_start3A_81 = tpu.memref_slice %arg10[%rem3A_70] : memref<3x!tpu.dma_semaphore, #tpu.memory_space<semaphore_mem>> -> memref<1x!tpu.dma_semaphore, #tpu.memory_space<semaphore_mem>>
    %dma_start3A_82 = tpu.memref_squeeze %dma_start3A_81 : memref<1x!tpu.dma_semaphore, #tpu.memory_space<semaphore_mem>> -> memref<!tpu.dma_semaphore, #tpu.memory_space<semaphore_mem>>
    %dma_start3A_83 = arith.constant 0 : i32
    %dma_start3A_84 = arith.constant 0 : i32
    %dma_start3A_85 = tpu.memref_slice %arg7[%rem3A_70, %dma_start3A_83, %dma_start3A_84] : memref<3x128x64xf32, #tpu.memory_space<vmem>> -> memref<1x128x64xf32, #tpu.memory_space<vmem>>
    %dma_start3A_86 = tpu.memref_squeeze %dma_start3A_85 : memref<1x128x64xf32, #tpu.memory_space<vmem>> -> memref<128x64xf32, #tpu.memory_space<vmem>>
    %dma_start3A_87 = arith.constant 0 : i32
    %dma_start3A_88 = tpu.memref_slice %arg2[%add3A_74, %dma_start3A_87] : memref<401408x64xf32, #tpu.memory_space<hbm>> -> memref<128x64xf32, #tpu.memory_space<hbm>>
    tpu.enqueue_dma source(%dma_start3A_88 : memref<128x64xf32, #tpu.memory_space<hbm>>) target(%dma_start3A_86 : memref<128x64xf32, #tpu.memory_space<vmem>>) target_semaphore(%dma_start3A_82 : memref<!tpu.dma_semaphore, #tpu.memory_space<semaphore_mem>>)
    %scan3A = arith.constant 0 : i32
    %scan3A_89 = arith.constant 0 : i32
    %scan3A_90 = arith.constant 196 : i32
    %scan3A_91 = arith.addi %scan3A_89, %scan3A_90 : i32
    %scan3A_92 = arith.constant 1 : i32
    scf.for %scan3A_151 = %scan3A_89 to %scan3A_91 step %scan3A_92  : i32 {
      %add3A_152 = arith.constant 2 : i32
      %add3A_153 = arith.addi %scan3A_151, %add3A_152 : i32
      %lt3A = arith.constant 196 : i32
      %lt3A_154 = arith.cmpi slt, %add3A_153, %lt3A : i32
      %convert_element_type3A_155 = arith.extui %lt3A_154 : i1 to i32
      %cond3A_156 = arith.constant 0 : i32
      %cond3A_157 = arith.cmpi ne, %convert_element_type3A_155, %cond3A_156 : i32
      scf.if %cond3A_157 {
        %ge3A = arith.constant 1 : i32
        %ge3A_212 = arith.cmpi sge, %scan3A_151, %ge3A : i32
        %convert_element_type3A_213 = arith.extui %ge3A_212 : i1 to i32
        %cond3A_214 = arith.constant 0 : i32
        %cond3A_215 = arith.cmpi ne, %convert_element_type3A_213, %cond3A_214 : i32
        scf.if %cond3A_215 {
          %sub3A = arith.constant 1 : i32
          %sub3A_258 = arith.subi %scan3A_151, %sub3A : i32
          %rem3A_259 = arith.constant 3 : i32
          %rem3A_260 = arith.remsi %sub3A_258, %rem3A_259 : i32
          %dma_wait3A_261 = arith.constant 0 : i32
          %dma_wait3A_262 = arith.constant 0 : i32
          %dma_wait3A_263 = tpu.memref_slice %arg7[%rem3A_260, %dma_wait3A_261, %dma_wait3A_262] : memref<3x128x64xf32, #tpu.memory_space<vmem>> -> memref<1x128x64xf32, #tpu.memory_space<vmem>>
          %dma_wait3A_264 = tpu.memref_squeeze %dma_wait3A_263 : memref<1x128x64xf32, #tpu.memory_space<vmem>> -> memref<128x64xf32, #tpu.memory_space<vmem>>
          %dma_wait3A_265 = arith.constant 0 : i32
          %dma_wait3A_266 = tpu.memref_slice %arg6[%rem3A_260, %dma_wait3A_265] : memref<3x128xi32, #tpu.memory_space<vmem>> -> memref<1x128xi32, #tpu.memory_space<vmem>>
          %dma_wait3A_267 = tpu.memref_squeeze %dma_wait3A_266 : memref<1x128xi32, #tpu.memory_space<vmem>> -> memref<128xi32, #tpu.memory_space<vmem>>
          %dma_wait3A_268 = arith.constant 0 : i32
          %dma_wait3A_269 = arith.constant 0 : i32
          %dma_wait3A_270 = tpu.memref_slice %arg8[%dma_wait3A_268, %dma_wait3A_269] : memref<25008x64xf32, #tpu.memory_space<vmem_shared>> -> memref<25008x64xf32, #tpu.memory_space<vmem_shared>>
          %dma_wait3A_271 = tpu.memref_slice %arg11[%rem3A_260] : memref<3x!tpu.dma_semaphore, #tpu.memory_space<semaphore_mem>> -> memref<1x!tpu.dma_semaphore, #tpu.memory_space<semaphore_mem>>
          %dma_wait3A_272 = tpu.memref_squeeze %dma_wait3A_271 : memref<1x!tpu.dma_semaphore, #tpu.memory_space<semaphore_mem>> -> memref<!tpu.dma_semaphore, #tpu.memory_space<semaphore_mem>>
          tpu.wait_indirect_dma semaphore(%dma_wait3A_272 : memref<!tpu.dma_semaphore, #tpu.memory_space<semaphore_mem>>) src(%dma_wait3A_264 : memref<128x64xf32, #tpu.memory_space<vmem>>) dst(%dma_wait3A_270 : memref<25008x64xf32, #tpu.memory_space<vmem_shared>>)
        } else {
        }
        %add3A_216 = arith.constant 2 : i32
        %add3A_217 = arith.addi %scan3A_151, %add3A_216 : i32
        %rem3A_218 = arith.constant 3 : i32
        %rem3A_219 = arith.remsi %add3A_217, %rem3A_218 : i32
        %mul3A_220 = arith.constant 196 : i32
        %mul3A_221 = arith.muli %arg1, %mul3A_220 : i32
        %add3A_222 = arith.addi %mul3A_221, %add3A_217 : i32
        %dma_start3A_223 = arith.constant 0 : i32
        %dma_start3A_224 = tpu.memref_slice %arg6[%rem3A_219, %dma_start3A_223] : memref<3x128xi32, #tpu.memory_space<vmem>> -> memref<1x128xi32, #tpu.memory_space<vmem>>
        %dma_start3A_225 = tpu.memref_squeeze %dma_start3A_224 : memref<1x128xi32, #tpu.memory_space<vmem>> -> memref<128xi32, #tpu.memory_space<vmem>>
        %dma_start3A_226 = arith.constant 0 : i32
        %dma_start3A_227 = tpu.memref_slice %arg3[%arg0, %add3A_222, %dma_start3A_226] : memref<2x3136x128xi32, #tpu.memory_space<hbm>> -> memref<1x1x128xi32, #tpu.memory_space<hbm>>
        %dma_start3A_228 = tpu.memref_squeeze %dma_start3A_227 : memref<1x1x128xi32, #tpu.memory_space<hbm>> -> memref<128xi32, #tpu.memory_space<hbm>>
        %dma_start3A_229 = tpu.memref_slice %arg9[%rem3A_219] : memref<3x!tpu.dma_semaphore, #tpu.memory_space<semaphore_mem>> -> memref<1x!tpu.dma_semaphore, #tpu.memory_space<semaphore_mem>>
        %dma_start3A_230 = tpu.memref_squeeze %dma_start3A_229 : memref<1x!tpu.dma_semaphore, #tpu.memory_space<semaphore_mem>> -> memref<!tpu.dma_semaphore, #tpu.memory_space<semaphore_mem>>
        %dma_start3A_231 = arith.constant 0 : i32
        %dma_start3A_232 = tpu.memref_slice %arg6[%rem3A_219, %dma_start3A_231] : memref<3x128xi32, #tpu.memory_space<vmem>> -> memref<1x128xi32, #tpu.memory_space<vmem>>
        %dma_start3A_233 = tpu.memref_squeeze %dma_start3A_232 : memref<1x128xi32, #tpu.memory_space<vmem>> -> memref<128xi32, #tpu.memory_space<vmem>>
        %dma_start3A_234 = arith.constant 0 : i32
        %dma_start3A_235 = tpu.memref_slice %arg3[%arg0, %add3A_222, %dma_start3A_234] : memref<2x3136x128xi32, #tpu.memory_space<hbm>> -> memref<1x1x128xi32, #tpu.memory_space<hbm>>
        %dma_start3A_236 = tpu.memref_squeeze %dma_start3A_235 : memref<1x1x128xi32, #tpu.memory_space<hbm>> -> memref<128xi32, #tpu.memory_space<hbm>>
        tpu.enqueue_dma source(%dma_start3A_236 : memref<128xi32, #tpu.memory_space<hbm>>) target(%dma_start3A_233 : memref<128xi32, #tpu.memory_space<vmem>>) target_semaphore(%dma_start3A_230 : memref<!tpu.dma_semaphore, #tpu.memory_space<semaphore_mem>>)
        %rem3A_237 = arith.constant 3 : i32
        %rem3A_238 = arith.remsi %add3A_217, %rem3A_237 : i32
        %mul3A_239 = arith.constant 25088 : i32
        %mul3A_240 = arith.muli %arg1, %mul3A_239 : i32
        %mul3A_241 = arith.constant 128 : i32
        %mul3A_242 = arith.muli %add3A_217, %mul3A_241 : i32
        %add3A_243 = arith.addi %mul3A_240, %mul3A_242 : i32
        %dma_start3A_244 = arith.constant 0 : i32
        %dma_start3A_245 = arith.constant 0 : i32
        %dma_start3A_246 = tpu.memref_slice %arg7[%rem3A_238, %dma_start3A_244, %dma_start3A_245] : memref<3x128x64xf32, #tpu.memory_space<vmem>> -> memref<1x128x64xf32, #tpu.memory_space<vmem>>
        %dma_start3A_247 = tpu.memref_squeeze %dma_start3A_246 : memref<1x128x64xf32, #tpu.memory_space<vmem>> -> memref<128x64xf32, #tpu.memory_space<vmem>>
        %dma_start3A_248 = arith.constant 0 : i32
        %dma_start3A_249 = tpu.memref_slice %arg2[%add3A_243, %dma_start3A_248] : memref<401408x64xf32, #tpu.memory_space<hbm>> -> memref<128x64xf32, #tpu.memory_space<hbm>>
        %dma_start3A_250 = tpu.memref_slice %arg10[%rem3A_238] : memref<3x!tpu.dma_semaphore, #tpu.memory_space<semaphore_mem>> -> memref<1x!tpu.dma_semaphore, #tpu.memory_space<semaphore_mem>>
        %dma_start3A_251 = tpu.memref_squeeze %dma_start3A_250 : memref<1x!tpu.dma_semaphore, #tpu.memory_space<semaphore_mem>> -> memref<!tpu.dma_semaphore, #tpu.memory_space<semaphore_mem>>
        %dma_start3A_252 = arith.constant 0 : i32
        %dma_start3A_253 = arith.constant 0 : i32
        %dma_start3A_254 = tpu.memref_slice %arg7[%rem3A_238, %dma_start3A_252, %dma_start3A_253] : memref<3x128x64xf32, #tpu.memory_space<vmem>> -> memref<1x128x64xf32, #tpu.memory_space<vmem>>
        %dma_start3A_255 = tpu.memref_squeeze %dma_start3A_254 : memref<1x128x64xf32, #tpu.memory_space<vmem>> -> memref<128x64xf32, #tpu.memory_space<vmem>>
        %dma_start3A_256 = arith.constant 0 : i32
        %dma_start3A_257 = tpu.memref_slice %arg2[%add3A_243, %dma_start3A_256] : memref<401408x64xf32, #tpu.memory_space<hbm>> -> memref<128x64xf32, #tpu.memory_space<hbm>>
        tpu.enqueue_dma source(%dma_start3A_257 : memref<128x64xf32, #tpu.memory_space<hbm>>) target(%dma_start3A_255 : memref<128x64xf32, #tpu.memory_space<vmem>>) target_semaphore(%dma_start3A_251 : memref<!tpu.dma_semaphore, #tpu.memory_space<semaphore_mem>>)
      } else {
      }
      %rem3A_158 = arith.constant 3 : i32
      %rem3A_159 = arith.remsi %scan3A_151, %rem3A_158 : i32
      %mul3A_160 = arith.constant 196 : i32
      %mul3A_161 = arith.muli %arg1, %mul3A_160 : i32
      %add3A_162 = arith.addi %mul3A_161, %scan3A_151 : i32
      %dma_wait3A_163 = arith.constant 0 : i32
      %dma_wait3A_164 = tpu.memref_slice %arg6[%rem3A_159, %dma_wait3A_163] : memref<3x128xi32, #tpu.memory_space<vmem>> -> memref<1x128xi32, #tpu.memory_space<vmem>>
      %dma_wait3A_165 = tpu.memref_squeeze %dma_wait3A_164 : memref<1x128xi32, #tpu.memory_space<vmem>> -> memref<128xi32, #tpu.memory_space<vmem>>
      %dma_wait3A_166 = arith.constant 0 : i32
      %dma_wait3A_167 = tpu.memref_slice %arg3[%arg0, %add3A_162, %dma_wait3A_166] : memref<2x3136x128xi32, #tpu.memory_space<hbm>> -> memref<1x1x128xi32, #tpu.memory_space<hbm>>
      %dma_wait3A_168 = tpu.memref_squeeze %dma_wait3A_167 : memref<1x1x128xi32, #tpu.memory_space<hbm>> -> memref<128xi32, #tpu.memory_space<hbm>>
      %dma_wait3A_169 = tpu.memref_slice %arg9[%rem3A_159] : memref<3x!tpu.dma_semaphore, #tpu.memory_space<semaphore_mem>> -> memref<1x!tpu.dma_semaphore, #tpu.memory_space<semaphore_mem>>
      %dma_wait3A_170 = tpu.memref_squeeze %dma_wait3A_169 : memref<1x!tpu.dma_semaphore, #tpu.memory_space<semaphore_mem>> -> memref<!tpu.dma_semaphore, #tpu.memory_space<semaphore_mem>>
      %dma_wait3A_171 = arith.constant 0 : i32
      %dma_wait3A_172 = tpu.memref_slice %arg6[%rem3A_159, %dma_wait3A_171] : memref<3x128xi32, #tpu.memory_space<vmem>> -> memref<1x128xi32, #tpu.memory_space<vmem>>
      %dma_wait3A_173 = tpu.memref_squeeze %dma_wait3A_172 : memref<1x128xi32, #tpu.memory_space<vmem>> -> memref<128xi32, #tpu.memory_space<vmem>>
      %dma_wait3A_174 = arith.constant 0 : i32
      %dma_wait3A_175 = tpu.memref_slice %arg3[%arg0, %add3A_162, %dma_wait3A_174] : memref<2x3136x128xi32, #tpu.memory_space<hbm>> -> memref<1x1x128xi32, #tpu.memory_space<hbm>>
      %dma_wait3A_176 = tpu.memref_squeeze %dma_wait3A_175 : memref<1x1x128xi32, #tpu.memory_space<hbm>> -> memref<128xi32, #tpu.memory_space<hbm>>
      tpu.wait_dma2 semaphore(%dma_wait3A_170 : memref<!tpu.dma_semaphore, #tpu.memory_space<semaphore_mem>>) src(%dma_wait3A_176 : memref<128xi32, #tpu.memory_space<hbm>>) dst(%dma_wait3A_173 : memref<128xi32, #tpu.memory_space<vmem>>)
      %rem3A_177 = arith.constant 3 : i32
      %rem3A_178 = arith.remsi %scan3A_151, %rem3A_177 : i32
      %mul3A_179 = arith.constant 25088 : i32
      %mul3A_180 = arith.muli %arg1, %mul3A_179 : i32
      %mul3A_181 = arith.constant 128 : i32
      %mul3A_182 = arith.muli %scan3A_151, %mul3A_181 : i32
      %add3A_183 = arith.addi %mul3A_180, %mul3A_182 : i32
      %dma_wait3A_184 = arith.constant 0 : i32
      %dma_wait3A_185 = arith.constant 0 : i32
      %dma_wait3A_186 = tpu.memref_slice %arg7[%rem3A_178, %dma_wait3A_184, %dma_wait3A_185] : memref<3x128x64xf32, #tpu.memory_space<vmem>> -> memref<1x128x64xf32, #tpu.memory_space<vmem>>
      %dma_wait3A_187 = tpu.memref_squeeze %dma_wait3A_186 : memref<1x128x64xf32, #tpu.memory_space<vmem>> -> memref<128x64xf32, #tpu.memory_space<vmem>>
      %dma_wait3A_188 = arith.constant 0 : i32
      %dma_wait3A_189 = tpu.memref_slice %arg2[%add3A_183, %dma_wait3A_188] : memref<401408x64xf32, #tpu.memory_space<hbm>> -> memref<128x64xf32, #tpu.memory_space<hbm>>
      %dma_wait3A_190 = tpu.memref_slice %arg10[%rem3A_178] : memref<3x!tpu.dma_semaphore, #tpu.memory_space<semaphore_mem>> -> memref<1x!tpu.dma_semaphore, #tpu.memory_space<semaphore_mem>>
      %dma_wait3A_191 = tpu.memref_squeeze %dma_wait3A_190 : memref<1x!tpu.dma_semaphore, #tpu.memory_space<semaphore_mem>> -> memref<!tpu.dma_semaphore, #tpu.memory_space<semaphore_mem>>
      %dma_wait3A_192 = arith.constant 0 : i32
      %dma_wait3A_193 = arith.constant 0 : i32
      %dma_wait3A_194 = tpu.memref_slice %arg7[%rem3A_178, %dma_wait3A_192, %dma_wait3A_193] : memref<3x128x64xf32, #tpu.memory_space<vmem>> -> memref<1x128x64xf32, #tpu.memory_space<vmem>>
      %dma_wait3A_195 = tpu.memref_squeeze %dma_wait3A_194 : memref<1x128x64xf32, #tpu.memory_space<vmem>> -> memref<128x64xf32, #tpu.memory_space<vmem>>
      %dma_wait3A_196 = arith.constant 0 : i32
      %dma_wait3A_197 = tpu.memref_slice %arg2[%add3A_183, %dma_wait3A_196] : memref<401408x64xf32, #tpu.memory_space<hbm>> -> memref<128x64xf32, #tpu.memory_space<hbm>>
      tpu.wait_dma2 semaphore(%dma_wait3A_191 : memref<!tpu.dma_semaphore, #tpu.memory_space<semaphore_mem>>) src(%dma_wait3A_197 : memref<128x64xf32, #tpu.memory_space<hbm>>) dst(%dma_wait3A_195 : memref<128x64xf32, #tpu.memory_space<vmem>>)
      %rem3A_198 = arith.constant 3 : i32
      %rem3A_199 = arith.remsi %scan3A_151, %rem3A_198 : i32
      %dma_start3A_200 = arith.constant 0 : i32
      %dma_start3A_201 = arith.constant 0 : i32
      %dma_start3A_202 = tpu.memref_slice %arg7[%rem3A_199, %dma_start3A_200, %dma_start3A_201] : memref<3x128x64xf32, #tpu.memory_space<vmem>> -> memref<1x128x64xf32, #tpu.memory_space<vmem>>
      %dma_start3A_203 = tpu.memref_squeeze %dma_start3A_202 : memref<1x128x64xf32, #tpu.memory_space<vmem>> -> memref<128x64xf32, #tpu.memory_space<vmem>>
      %dma_start3A_204 = arith.constant 0 : i32
      %dma_start3A_205 = tpu.memref_slice %arg6[%rem3A_199, %dma_start3A_204] : memref<3x128xi32, #tpu.memory_space<vmem>> -> memref<1x128xi32, #tpu.memory_space<vmem>>
      %dma_start3A_206 = tpu.memref_squeeze %dma_start3A_205 : memref<1x128xi32, #tpu.memory_space<vmem>> -> memref<128xi32, #tpu.memory_space<vmem>>
      %dma_start3A_207 = arith.constant 0 : i32
      %dma_start3A_208 = arith.constant 0 : i32
      %dma_start3A_209 = tpu.memref_slice %arg8[%dma_start3A_207, %dma_start3A_208] : memref<25008x64xf32, #tpu.memory_space<vmem_shared>> -> memref<25008x64xf32, #tpu.memory_space<vmem_shared>>
      %dma_start3A_210 = tpu.memref_slice %arg11[%rem3A_199] : memref<3x!tpu.dma_semaphore, #tpu.memory_space<semaphore_mem>> -> memref<1x!tpu.dma_semaphore, #tpu.memory_space<semaphore_mem>>
      %dma_start3A_211 = tpu.memref_squeeze %dma_start3A_210 : memref<1x!tpu.dma_semaphore, #tpu.memory_space<semaphore_mem>> -> memref<!tpu.dma_semaphore, #tpu.memory_space<semaphore_mem>>
      tpu.enqueue_indirect_dma source(%dma_start3A_203 : memref<128x64xf32, #tpu.memory_space<vmem>>) target(%dma_start3A_209 : memref<25008x64xf32, #tpu.memory_space<vmem_shared>>) offsets(%dma_start3A_206 : memref<128xi32, #tpu.memory_space<vmem>>) semaphore(%dma_start3A_211 : memref<!tpu.dma_semaphore, #tpu.memory_space<semaphore_mem>>) {add = true}
    }
    %scan3A_93 = arith.constant 196 : i32
    %rem3A_94 = arith.constant 193 : i32
    %rem3A_95 = arith.constant 3 : i32
    %rem3A_96 = arith.remsi %rem3A_94, %rem3A_95 : i32
    %dma_wait3A = arith.constant 0 : i32
    %dma_wait3A_97 = arith.constant 0 : i32
    %dma_wait3A_98 = tpu.memref_slice %arg7[%rem3A_96, %dma_wait3A, %dma_wait3A_97] : memref<3x128x64xf32, #tpu.memory_space<vmem>> -> memref<1x128x64xf32, #tpu.memory_space<vmem>>
    %dma_wait3A_99 = tpu.memref_squeeze %dma_wait3A_98 : memref<1x128x64xf32, #tpu.memory_space<vmem>> -> memref<128x64xf32, #tpu.memory_space<vmem>>
    %dma_wait3A_100 = arith.constant 0 : i32
    %dma_wait3A_101 = tpu.memref_slice %arg6[%rem3A_96, %dma_wait3A_100] : memref<3x128xi32, #tpu.memory_space<vmem>> -> memref<1x128xi32, #tpu.memory_space<vmem>>
    %dma_wait3A_102 = tpu.memref_squeeze %dma_wait3A_101 : memref<1x128xi32, #tpu.memory_space<vmem>> -> memref<128xi32, #tpu.memory_space<vmem>>
    %dma_wait3A_103 = arith.constant 0 : i32
    %dma_wait3A_104 = arith.constant 0 : i32
    %dma_wait3A_105 = tpu.memref_slice %arg8[%dma_wait3A_103, %dma_wait3A_104] : memref<25008x64xf32, #tpu.memory_space<vmem_shared>> -> memref<25008x64xf32, #tpu.memory_space<vmem_shared>>
    %dma_wait3A_106 = tpu.memref_slice %arg11[%rem3A_96] : memref<3x!tpu.dma_semaphore, #tpu.memory_space<semaphore_mem>> -> memref<1x!tpu.dma_semaphore, #tpu.memory_space<semaphore_mem>>
    %dma_wait3A_107 = tpu.memref_squeeze %dma_wait3A_106 : memref<1x!tpu.dma_semaphore, #tpu.memory_space<semaphore_mem>> -> memref<!tpu.dma_semaphore, #tpu.memory_space<semaphore_mem>>
    tpu.wait_indirect_dma semaphore(%dma_wait3A_107 : memref<!tpu.dma_semaphore, #tpu.memory_space<semaphore_mem>>) src(%dma_wait3A_99 : memref<128x64xf32, #tpu.memory_space<vmem>>) dst(%dma_wait3A_105 : memref<25008x64xf32, #tpu.memory_space<vmem_shared>>)
    %rem3A_108 = arith.constant 194 : i32
    %rem3A_109 = arith.constant 3 : i32
    %rem3A_110 = arith.remsi %rem3A_108, %rem3A_109 : i32
    %dma_wait3A_111 = arith.constant 0 : i32
    %dma_wait3A_112 = arith.constant 0 : i32
    %dma_wait3A_113 = tpu.memref_slice %arg7[%rem3A_110, %dma_wait3A_111, %dma_wait3A_112] : memref<3x128x64xf32, #tpu.memory_space<vmem>> -> memref<1x128x64xf32, #tpu.memory_space<vmem>>
    %dma_wait3A_114 = tpu.memref_squeeze %dma_wait3A_113 : memref<1x128x64xf32, #tpu.memory_space<vmem>> -> memref<128x64xf32, #tpu.memory_space<vmem>>
    %dma_wait3A_115 = arith.constant 0 : i32
    %dma_wait3A_116 = tpu.memref_slice %arg6[%rem3A_110, %dma_wait3A_115] : memref<3x128xi32, #tpu.memory_space<vmem>> -> memref<1x128xi32, #tpu.memory_space<vmem>>
    %dma_wait3A_117 = tpu.memref_squeeze %dma_wait3A_116 : memref<1x128xi32, #tpu.memory_space<vmem>> -> memref<128xi32, #tpu.memory_space<vmem>>
    %dma_wait3A_118 = arith.constant 0 : i32
    %dma_wait3A_119 = arith.constant 0 : i32
    %dma_wait3A_120 = tpu.memref_slice %arg8[%dma_wait3A_118, %dma_wait3A_119] : memref<25008x64xf32, #tpu.memory_space<vmem_shared>> -> memref<25008x64xf32, #tpu.memory_space<vmem_shared>>
    %dma_wait3A_121 = tpu.memref_slice %arg11[%rem3A_110] : memref<3x!tpu.dma_semaphore, #tpu.memory_space<semaphore_mem>> -> memref<1x!tpu.dma_semaphore, #tpu.memory_space<semaphore_mem>>
    %dma_wait3A_122 = tpu.memref_squeeze %dma_wait3A_121 : memref<1x!tpu.dma_semaphore, #tpu.memory_space<semaphore_mem>> -> memref<!tpu.dma_semaphore, #tpu.memory_space<semaphore_mem>>
    tpu.wait_indirect_dma semaphore(%dma_wait3A_122 : memref<!tpu.dma_semaphore, #tpu.memory_space<semaphore_mem>>) src(%dma_wait3A_114 : memref<128x64xf32, #tpu.memory_space<vmem>>) dst(%dma_wait3A_120 : memref<25008x64xf32, #tpu.memory_space<vmem_shared>>)
    %rem3A_123 = arith.constant 195 : i32
    %rem3A_124 = arith.constant 3 : i32
    %rem3A_125 = arith.remsi %rem3A_123, %rem3A_124 : i32
    %dma_wait3A_126 = arith.constant 0 : i32
    %dma_wait3A_127 = arith.constant 0 : i32
    %dma_wait3A_128 = tpu.memref_slice %arg7[%rem3A_125, %dma_wait3A_126, %dma_wait3A_127] : memref<3x128x64xf32, #tpu.memory_space<vmem>> -> memref<1x128x64xf32, #tpu.memory_space<vmem>>
    %dma_wait3A_129 = tpu.memref_squeeze %dma_wait3A_128 : memref<1x128x64xf32, #tpu.memory_space<vmem>> -> memref<128x64xf32, #tpu.memory_space<vmem>>
    %dma_wait3A_130 = arith.constant 0 : i32
    %dma_wait3A_131 = tpu.memref_slice %arg6[%rem3A_125, %dma_wait3A_130] : memref<3x128xi32, #tpu.memory_space<vmem>> -> memref<1x128xi32, #tpu.memory_space<vmem>>
    %dma_wait3A_132 = tpu.memref_squeeze %dma_wait3A_131 : memref<1x128xi32, #tpu.memory_space<vmem>> -> memref<128xi32, #tpu.memory_space<vmem>>
    %dma_wait3A_133 = arith.constant 0 : i32
    %dma_wait3A_134 = arith.constant 0 : i32
    %dma_wait3A_135 = tpu.memref_slice %arg8[%dma_wait3A_133, %dma_wait3A_134] : memref<25008x64xf32, #tpu.memory_space<vmem_shared>> -> memref<25008x64xf32, #tpu.memory_space<vmem_shared>>
    %dma_wait3A_136 = tpu.memref_slice %arg11[%rem3A_125] : memref<3x!tpu.dma_semaphore, #tpu.memory_space<semaphore_mem>> -> memref<1x!tpu.dma_semaphore, #tpu.memory_space<semaphore_mem>>
    %dma_wait3A_137 = tpu.memref_squeeze %dma_wait3A_136 : memref<1x!tpu.dma_semaphore, #tpu.memory_space<semaphore_mem>> -> memref<!tpu.dma_semaphore, #tpu.memory_space<semaphore_mem>>
    tpu.wait_indirect_dma semaphore(%dma_wait3A_137 : memref<!tpu.dma_semaphore, #tpu.memory_space<semaphore_mem>>) src(%dma_wait3A_129 : memref<128x64xf32, #tpu.memory_space<vmem>>) dst(%dma_wait3A_135 : memref<25008x64xf32, #tpu.memory_space<vmem_shared>>)
    %barrier3A_138 = arith.constant 0 : index
    tpu.barrier barrier_id(%barrier3A_138)
    %mul3A_139 = arith.constant 1562 : i32
    %mul3A_140 = arith.muli %arg1, %mul3A_139 : i32
    %mul3A_141 = arith.constant 25000 : i32
    %mul3A_142 = arith.muli %arg0, %mul3A_141 : i32
    %mul3A_143 = arith.constant 1562 : i32
    %mul3A_144 = arith.muli %arg1, %mul3A_143 : i32
    %add3A_145 = arith.addi %mul3A_142, %mul3A_144 : i32
    "tpu.region"() ({
      %run_scoped3A = tpu.sem_alloc : memref<!tpu.dma_semaphore, #tpu.memory_space<semaphore_mem>>
      %dma_start3A_151 = arith.constant 0 : i32
      %dma_start3A_152 = tpu.memref_slice %arg5[%add3A_145, %dma_start3A_151] : memref<50000x64xf32, #tpu.memory_space<hbm>> -> memref<1562x64xf32, #tpu.memory_space<hbm>>
      %dma_start3A_153 = arith.constant 0 : i32
      %dma_start3A_154 = tpu.memref_slice %arg8[%mul3A_140, %dma_start3A_153] : memref<25008x64xf32, #tpu.memory_space<vmem_shared>> -> memref<1562x64xf32, #tpu.memory_space<vmem_shared>>
      tpu.enqueue_dma source(%dma_start3A_154 : memref<1562x64xf32, #tpu.memory_space<vmem_shared>>) target(%dma_start3A_152 : memref<1562x64xf32, #tpu.memory_space<hbm>>) target_semaphore(%run_scoped3A : memref<!tpu.dma_semaphore, #tpu.memory_space<semaphore_mem>>)
      %dma_wait3A_155 = arith.constant 0 : i32
      %dma_wait3A_156 = tpu.memref_slice %arg5[%add3A_145, %dma_wait3A_155] : memref<50000x64xf32, #tpu.memory_space<hbm>> -> memref<1562x64xf32, #tpu.memory_space<hbm>>
      %dma_wait3A_157 = arith.constant 0 : i32
      %dma_wait3A_158 = tpu.memref_slice %arg8[%mul3A_140, %dma_wait3A_157] : memref<25008x64xf32, #tpu.memory_space<vmem_shared>> -> memref<1562x64xf32, #tpu.memory_space<vmem_shared>>
      tpu.wait_dma2 semaphore(%run_scoped3A : memref<!tpu.dma_semaphore, #tpu.memory_space<semaphore_mem>>) src(%dma_wait3A_158 : memref<1562x64xf32, #tpu.memory_space<vmem_shared>>) dst(%dma_wait3A_156 : memref<1562x64xf32, #tpu.memory_space<hbm>>)
      tpu.yield
    }) : () -> ()
    %eq3A_146 = arith.constant 15 : i32
    %eq3A_147 = arith.cmpi eq, %arg1, %eq3A_146 : i32
    %convert_element_type3A_148 = arith.extui %eq3A_147 : i1 to i32
    %cond3A_149 = arith.constant 0 : i32
    %cond3A_150 = arith.cmpi ne, %convert_element_type3A_148, %cond3A_149 : i32
    scf.if %cond3A_150 {
      %mul3A_151 = arith.constant 25000 : i32
      %mul3A_152 = arith.muli %arg0, %mul3A_151 : i32
      %add3A_153 = arith.constant 24992 : i32
      %add3A_154 = arith.addi %mul3A_152, %add3A_153 : i32
      "tpu.region"() ({
        %run_scoped3A = tpu.sem_alloc : memref<!tpu.dma_semaphore, #tpu.memory_space<semaphore_mem>>
        %dma_start3A_155 = arith.constant 0 : i32
        %dma_start3A_156 = tpu.memref_slice %arg5[%add3A_154, %dma_start3A_155] : memref<50000x64xf32, #tpu.memory_space<hbm>> -> memref<8x64xf32, #tpu.memory_space<hbm>>
        %dma_start3A_157 = arith.constant 24992 : i32
        %dma_start3A_158 = arith.constant 0 : i32
        %dma_start3A_159 = tpu.memref_slice %arg8[%dma_start3A_157, %dma_start3A_158] : memref<25008x64xf32, #tpu.memory_space<vmem_shared>> -> memref<8x64xf32, #tpu.memory_space<vmem_shared>>
        tpu.enqueue_dma source(%dma_start3A_159 : memref<8x64xf32, #tpu.memory_space<vmem_shared>>) target(%dma_start3A_156 : memref<8x64xf32, #tpu.memory_space<hbm>>) target_semaphore(%run_scoped3A : memref<!tpu.dma_semaphore, #tpu.memory_space<semaphore_mem>>)
        %dma_wait3A_160 = arith.constant 0 : i32
        %dma_wait3A_161 = tpu.memref_slice %arg5[%add3A_154, %dma_wait3A_160] : memref<50000x64xf32, #tpu.memory_space<hbm>> -> memref<8x64xf32, #tpu.memory_space<hbm>>
        %dma_wait3A_162 = arith.constant 24992 : i32
        %dma_wait3A_163 = arith.constant 0 : i32
        %dma_wait3A_164 = tpu.memref_slice %arg8[%dma_wait3A_162, %dma_wait3A_163] : memref<25008x64xf32, #tpu.memory_space<vmem_shared>> -> memref<8x64xf32, #tpu.memory_space<vmem_shared>>
        tpu.wait_dma2 semaphore(%run_scoped3A : memref<!tpu.dma_semaphore, #tpu.memory_space<semaphore_mem>>) src(%dma_wait3A_164 : memref<8x64xf32, #tpu.memory_space<vmem_shared>>) dst(%dma_wait3A_161 : memref<8x64xf32, #tpu.memory_space<hbm>>)
        tpu.yield
      }) : () -> ()
    } else {
    }
    return
  }
}

module attributes {stable_mosaic.version = 14 : i64} {
  func.func @body(%arg0: i32, %arg1: memref<5000x256xf32, #tpu.memory_space<vmem>>, %arg2: memref<256x128xf32, #tpu.memory_space<vmem>>, %arg3: memref<1x128xf32, #tpu.memory_space<vmem>>, %arg4: memref<128x128xf32, #tpu.memory_space<vmem>>, %arg5: memref<1x128xf32, #tpu.memory_space<vmem>>, %arg6: memref<128x128xf32, #tpu.memory_space<vmem>>, %arg7: memref<1x128xf32, #tpu.memory_space<vmem>>, %arg8: memref<128x128xf32, #tpu.memory_space<vmem>>, %arg9: memref<1x128xf32, #tpu.memory_space<vmem>>, %arg10: memref<1x128xf32, #tpu.memory_space<vmem>>, %arg11: memref<5000x128xf32, #tpu.memory_space<vmem>>) attributes {dimension_semantics = [#tpu.dimension_semantics<arbitrary>], iteration_bounds = array<i64: 5>, scalar_prefetch = 0 : i64, scratch_operands = 0 : i64, tpu.core_type = #tpu.core_type<tc>, window_params = [{transform_indices = @transform_0, window_bounds = array<i64: 5000, 256>}, {pipeline_mode = #tpu.pipeline_mode<synchronous>, transform_indices = @transform_1, window_bounds = array<i64: 256, 128>}, {pipeline_mode = #tpu.pipeline_mode<synchronous>, transform_indices = @transform_2, window_bounds = array<i64: 1, 128>}, {pipeline_mode = #tpu.pipeline_mode<synchronous>, transform_indices = @transform_3, window_bounds = array<i64: 128, 128>}, {pipeline_mode = #tpu.pipeline_mode<synchronous>, transform_indices = @transform_4, window_bounds = array<i64: 1, 128>}, {pipeline_mode = #tpu.pipeline_mode<synchronous>, transform_indices = @transform_5, window_bounds = array<i64: 128, 128>}, {pipeline_mode = #tpu.pipeline_mode<synchronous>, transform_indices = @transform_6, window_bounds = array<i64: 1, 128>}, {pipeline_mode = #tpu.pipeline_mode<synchronous>, transform_indices = @transform_7, window_bounds = array<i64: 128, 128>}, {pipeline_mode = #tpu.pipeline_mode<synchronous>, transform_indices = @transform_8, window_bounds = array<i64: 1, 128>}, {pipeline_mode = #tpu.pipeline_mode<synchronous>, transform_indices = @transform_9, window_bounds = array<i64: 1, 128>}, {transform_indices = @transform_10, window_bounds = array<i64: 5000, 128>}]} {
    %get3A = arith.constant 0 : index
    %get3A_0 = arith.constant 0 : index
    %get3A_1 = vector.load %arg2[%get3A, %get3A_0] : memref<256x128xf32, #tpu.memory_space<vmem>>, vector<256x128xf32>
    %get3A_2 = arith.constant 0 : index
    %get3A_3 = arith.constant 0 : index
    %get3A_4 = vector.load %arg3[%get3A_2, %get3A_3] : memref<1x128xf32, #tpu.memory_space<vmem>>, vector<1x128xf32>
    %get3A_5 = arith.constant 0 : index
    %get3A_6 = arith.constant 0 : index
    %get3A_7 = vector.load %arg4[%get3A_5, %get3A_6] : memref<128x128xf32, #tpu.memory_space<vmem>>, vector<128x128xf32>
    %get3A_8 = arith.constant 0 : index
    %get3A_9 = arith.constant 0 : index
    %get3A_10 = vector.load %arg5[%get3A_8, %get3A_9] : memref<1x128xf32, #tpu.memory_space<vmem>>, vector<1x128xf32>
    %get3A_11 = arith.constant 0 : index
    %get3A_12 = arith.constant 0 : index
    %get3A_13 = vector.load %arg6[%get3A_11, %get3A_12] : memref<128x128xf32, #tpu.memory_space<vmem>>, vector<128x128xf32>
    %get3A_14 = arith.constant 0 : index
    %get3A_15 = arith.constant 0 : index
    %get3A_16 = vector.load %arg7[%get3A_14, %get3A_15] : memref<1x128xf32, #tpu.memory_space<vmem>>, vector<1x128xf32>
    %get3A_17 = arith.constant 0 : index
    %get3A_18 = arith.constant 0 : index
    %get3A_19 = vector.load %arg8[%get3A_17, %get3A_18] : memref<128x128xf32, #tpu.memory_space<vmem>>, vector<128x128xf32>
    %get3A_20 = arith.constant 0 : index
    %get3A_21 = arith.constant 0 : index
    %get3A_22 = vector.load %arg9[%get3A_20, %get3A_21] : memref<1x128xf32, #tpu.memory_space<vmem>>, vector<1x128xf32>
    %get3A_23 = arith.constant 0 : index
    %get3A_24 = arith.constant 0 : index
    %get3A_25 = vector.load %arg10[%get3A_23, %get3A_24] : memref<1x128xf32, #tpu.memory_space<vmem>>, vector<1x128xf32>
    %get3A_26 = arith.constant 0 : index
    %get3A_27 = arith.constant 0 : index
    %get3A_28 = vector.load %arg1[%get3A_26, %get3A_27] : memref<5000x256xf32, #tpu.memory_space<vmem>>, vector<5000x256xf32>
    %dot_general3A = arith.constant dense<0.000000e+00> : vector<5000x128xf32>
    %dot_general3A_29 = tpu.matmul %get3A_28, %get3A_1, %dot_general3A {dimension_numbers = #tpu.dot_dimension_numbers<[1], [0], [0], [1], [0, 0, 1, 1], [], []>, transpose_lhs_hint = false} : vector<5000x256xf32>, vector<256x128xf32>, vector<5000x128xf32> -> vector<5000x128xf32>
    %add3A = vector.broadcast %get3A_4 : vector<1x128xf32> to vector<5000x128xf32>
    %add3A_30 = arith.addf %dot_general3A_29, %add3A : vector<5000x128xf32>
    %mul3A = arith.constant 5.000000e-01 : f32
    %mul3A_31 = vector.broadcast %mul3A : f32 to vector<5000x128xf32>
    %mul3A_32 = arith.mulf %mul3A_31, %add3A_30 : vector<5000x128xf32>
    %mul3A_33 = arith.constant 0.707106769 : f32
    %mul3A_34 = vector.broadcast %mul3A_33 : f32 to vector<5000x128xf32>
    %mul3A_35 = arith.mulf %add3A_30, %mul3A_34 : vector<5000x128xf32>
    %erf3A = math.erf %mul3A_35 : vector<5000x128xf32>
    %add3A_36 = arith.constant 1.000000e+00 : f32
    %add3A_37 = vector.broadcast %add3A_36 : f32 to vector<5000x128xf32>
    %add3A_38 = arith.addf %add3A_37, %erf3A : vector<5000x128xf32>
    %mul3A_39 = arith.mulf %mul3A_32, %add3A_38 : vector<5000x128xf32>
    %dot_general3A_40 = arith.constant dense<0.000000e+00> : vector<5000x128xf32>
    %dot_general3A_41 = tpu.matmul %mul3A_39, %get3A_7, %dot_general3A_40 {dimension_numbers = #tpu.dot_dimension_numbers<[1], [0], [0], [1], [0, 0, 1, 1], [], []>, transpose_lhs_hint = false} : vector<5000x128xf32>, vector<128x128xf32>, vector<5000x128xf32> -> vector<5000x128xf32>
    %add3A_42 = vector.broadcast %get3A_10 : vector<1x128xf32> to vector<5000x128xf32>
    %add3A_43 = arith.addf %dot_general3A_41, %add3A_42 : vector<5000x128xf32>
    %mul3A_44 = arith.constant 5.000000e-01 : f32
    %mul3A_45 = vector.broadcast %mul3A_44 : f32 to vector<5000x128xf32>
    %mul3A_46 = arith.mulf %mul3A_45, %add3A_43 : vector<5000x128xf32>
    %mul3A_47 = arith.constant 0.707106769 : f32
    %mul3A_48 = vector.broadcast %mul3A_47 : f32 to vector<5000x128xf32>
    %mul3A_49 = arith.mulf %add3A_43, %mul3A_48 : vector<5000x128xf32>
    %erf3A_50 = math.erf %mul3A_49 : vector<5000x128xf32>
    %add3A_51 = arith.constant 1.000000e+00 : f32
    %add3A_52 = vector.broadcast %add3A_51 : f32 to vector<5000x128xf32>
    %add3A_53 = arith.addf %add3A_52, %erf3A_50 : vector<5000x128xf32>
    %mul3A_54 = arith.mulf %mul3A_46, %add3A_53 : vector<5000x128xf32>
    %dot_general3A_55 = arith.constant dense<0.000000e+00> : vector<5000x128xf32>
    %dot_general3A_56 = tpu.matmul %mul3A_54, %get3A_13, %dot_general3A_55 {dimension_numbers = #tpu.dot_dimension_numbers<[1], [0], [0], [1], [0, 0, 1, 1], [], []>, transpose_lhs_hint = false} : vector<5000x128xf32>, vector<128x128xf32>, vector<5000x128xf32> -> vector<5000x128xf32>
    %add3A_57 = vector.broadcast %get3A_16 : vector<1x128xf32> to vector<5000x128xf32>
    %add3A_58 = arith.addf %dot_general3A_56, %add3A_57 : vector<5000x128xf32>
    %dot_general3A_59 = arith.constant dense<0.000000e+00> : vector<5000x128xf32>
    %dot_general3A_60 = tpu.matmul %add3A_58, %get3A_19, %dot_general3A_59 {dimension_numbers = #tpu.dot_dimension_numbers<[1], [0], [0], [1], [0, 0, 1, 1], [], []>, transpose_lhs_hint = false} : vector<5000x128xf32>, vector<128x128xf32>, vector<5000x128xf32> -> vector<5000x128xf32>
    %sub3A = arith.subf %add3A_58, %dot_general3A_60 : vector<5000x128xf32>
    %mul3A_61 = arith.mulf %sub3A, %sub3A : vector<5000x128xf32>
    %dot_general3A_62 = arith.constant dense<0.000000e+00> : vector<5000x128xf32>
    %dot_general3A_63 = tpu.matmul %mul3A_61, %get3A_19, %dot_general3A_62 {dimension_numbers = #tpu.dot_dimension_numbers<[1], [0], [0], [1], [0, 0, 1, 1], [], []>, transpose_lhs_hint = false} : vector<5000x128xf32>, vector<128x128xf32>, vector<5000x128xf32> -> vector<5000x128xf32>
    %add3A_64 = arith.constant 9.99999974E-6 : f32
    %add3A_65 = vector.broadcast %add3A_64 : f32 to vector<5000x128xf32>
    %add3A_66 = arith.addf %dot_general3A_63, %add3A_65 : vector<5000x128xf32>
    %rsqrt3A = math.rsqrt %add3A_66 : vector<5000x128xf32>
    %mul3A_67 = arith.mulf %sub3A, %rsqrt3A : vector<5000x128xf32>
    %mul3A_68 = vector.broadcast %get3A_22 : vector<1x128xf32> to vector<5000x128xf32>
    %mul3A_69 = arith.mulf %mul3A_67, %mul3A_68 : vector<5000x128xf32>
    %add3A_70 = vector.broadcast %get3A_25 : vector<1x128xf32> to vector<5000x128xf32>
    %add3A_71 = arith.addf %mul3A_69, %add3A_70 : vector<5000x128xf32>
    %swap3A = arith.constant 0 : index
    %swap3A_72 = arith.constant 0 : index
    %swap3A_73 = vector.load %arg11[%swap3A, %swap3A_72] : memref<5000x128xf32, #tpu.memory_space<vmem>>, vector<5000x128xf32>
    tpu.vector_store %arg11[%swap3A, %swap3A_72], %add3A_71 {strides = array<i32>} : memref<5000x128xf32, #tpu.memory_space<vmem>>, vector<5000x128xf32>,
    return
  }
  func.func @transform_0(%arg0: i32) -> (i32, i32) {
    %c0_i32 = arith.constant 0 : i32
    %c0_i32_0 = arith.constant 0 : i32
    return %arg0, %c0_i32 : i32, i32
  }
  func.func @transform_1(%arg0: i32) -> (i32, i32) {
    %c0_i32 = arith.constant 0 : i32
    %c0_i32_0 = arith.constant 0 : i32
    %c0_i32_1 = arith.constant 0 : i32
    return %c0_i32, %c0_i32_0 : i32, i32
  }
  func.func @transform_2(%arg0: i32) -> (i32, i32) {
    %c0_i32 = arith.constant 0 : i32
    %c0_i32_0 = arith.constant 0 : i32
    %c0_i32_1 = arith.constant 0 : i32
    return %c0_i32, %c0_i32_0 : i32, i32
  }
  func.func @transform_3(%arg0: i32) -> (i32, i32) {
    %c0_i32 = arith.constant 0 : i32
    %c0_i32_0 = arith.constant 0 : i32
    %c0_i32_1 = arith.constant 0 : i32
    return %c0_i32, %c0_i32_0 : i32, i32
  }
  func.func @transform_4(%arg0: i32) -> (i32, i32) {
    %c0_i32 = arith.constant 0 : i32
    %c0_i32_0 = arith.constant 0 : i32
    %c0_i32_1 = arith.constant 0 : i32
    return %c0_i32, %c0_i32_0 : i32, i32
  }
  func.func @transform_5(%arg0: i32) -> (i32, i32) {
    %c0_i32 = arith.constant 0 : i32
    %c0_i32_0 = arith.constant 0 : i32
    %c0_i32_1 = arith.constant 0 : i32
    return %c0_i32, %c0_i32_0 : i32, i32
  }
  func.func @transform_6(%arg0: i32) -> (i32, i32) {
    %c0_i32 = arith.constant 0 : i32
    %c0_i32_0 = arith.constant 0 : i32
    %c0_i32_1 = arith.constant 0 : i32
    return %c0_i32, %c0_i32_0 : i32, i32
  }
  func.func @transform_7(%arg0: i32) -> (i32, i32) {
    %c0_i32 = arith.constant 0 : i32
    %c0_i32_0 = arith.constant 0 : i32
    %c0_i32_1 = arith.constant 0 : i32
    return %c0_i32, %c0_i32_0 : i32, i32
  }
  func.func @transform_8(%arg0: i32) -> (i32, i32) {
    %c0_i32 = arith.constant 0 : i32
    %c0_i32_0 = arith.constant 0 : i32
    %c0_i32_1 = arith.constant 0 : i32
    return %c0_i32, %c0_i32_0 : i32, i32
  }
  func.func @transform_9(%arg0: i32) -> (i32, i32) {
    %c0_i32 = arith.constant 0 : i32
    %c0_i32_0 = arith.constant 0 : i32
    %c0_i32_1 = arith.constant 0 : i32
    return %c0_i32, %c0_i32_0 : i32, i32
  }
  func.func @transform_10(%arg0: i32) -> (i32, i32) {
    %c0_i32 = arith.constant 0 : i32
    %c0_i32_0 = arith.constant 0 : i32
    return %arg0, %c0_i32 : i32, i32
  }
}

module attributes {stable_mosaic.version = 14 : i64} {
  func.func @body(%arg0: i32, %arg1: memref<4000x32xf32, #tpu.memory_space<vmem>>, %arg2: memref<32x128xf32, #tpu.memory_space<vmem>>, %arg3: memref<1x128xf32, #tpu.memory_space<vmem>>, %arg4: memref<128x128xf32, #tpu.memory_space<vmem>>, %arg5: memref<1x128xf32, #tpu.memory_space<vmem>>, %arg6: memref<128x128xf32, #tpu.memory_space<vmem>>, %arg7: memref<1x128xf32, #tpu.memory_space<vmem>>, %arg8: memref<128x128xf32, #tpu.memory_space<vmem>>, %arg9: memref<1x128xf32, #tpu.memory_space<vmem>>, %arg10: memref<1x128xf32, #tpu.memory_space<vmem>>, %arg11: memref<4000x128xf32, #tpu.memory_space<vmem>>) attributes {dimension_semantics = [#tpu.dimension_semantics<arbitrary>], iteration_bounds = array<i64: 50>, scalar_prefetch = 0 : i64, scratch_operands = 0 : i64, tpu.core_type = #tpu.core_type<tc>, window_params = [{transform_indices = @transform_0, window_bounds = array<i64: 4000, 32>}, {pipeline_mode = #tpu.pipeline_mode<synchronous>, transform_indices = @transform_1, window_bounds = array<i64: 32, 128>}, {pipeline_mode = #tpu.pipeline_mode<synchronous>, transform_indices = @transform_2, window_bounds = array<i64: 1, 128>}, {pipeline_mode = #tpu.pipeline_mode<synchronous>, transform_indices = @transform_3, window_bounds = array<i64: 128, 128>}, {pipeline_mode = #tpu.pipeline_mode<synchronous>, transform_indices = @transform_4, window_bounds = array<i64: 1, 128>}, {pipeline_mode = #tpu.pipeline_mode<synchronous>, transform_indices = @transform_5, window_bounds = array<i64: 128, 128>}, {pipeline_mode = #tpu.pipeline_mode<synchronous>, transform_indices = @transform_6, window_bounds = array<i64: 1, 128>}, {pipeline_mode = #tpu.pipeline_mode<synchronous>, transform_indices = @transform_7, window_bounds = array<i64: 128, 128>}, {pipeline_mode = #tpu.pipeline_mode<synchronous>, transform_indices = @transform_8, window_bounds = array<i64: 1, 128>}, {pipeline_mode = #tpu.pipeline_mode<synchronous>, transform_indices = @transform_9, window_bounds = array<i64: 1, 128>}, {transform_indices = @transform_10, window_bounds = array<i64: 4000, 128>}]} {
    %get3A = arith.constant 0 : index
    %get3A_0 = arith.constant 0 : index
    %get3A_1 = vector.load %arg2[%get3A, %get3A_0] : memref<32x128xf32, #tpu.memory_space<vmem>>, vector<32x128xf32>
    %get3A_2 = arith.constant 0 : index
    %get3A_3 = arith.constant 0 : index
    %get3A_4 = vector.load %arg3[%get3A_2, %get3A_3] : memref<1x128xf32, #tpu.memory_space<vmem>>, vector<1x128xf32>
    %get3A_5 = arith.constant 0 : index
    %get3A_6 = arith.constant 0 : index
    %get3A_7 = vector.load %arg4[%get3A_5, %get3A_6] : memref<128x128xf32, #tpu.memory_space<vmem>>, vector<128x128xf32>
    %get3A_8 = arith.constant 0 : index
    %get3A_9 = arith.constant 0 : index
    %get3A_10 = vector.load %arg5[%get3A_8, %get3A_9] : memref<1x128xf32, #tpu.memory_space<vmem>>, vector<1x128xf32>
    %get3A_11 = arith.constant 0 : index
    %get3A_12 = arith.constant 0 : index
    %get3A_13 = vector.load %arg6[%get3A_11, %get3A_12] : memref<128x128xf32, #tpu.memory_space<vmem>>, vector<128x128xf32>
    %get3A_14 = arith.constant 0 : index
    %get3A_15 = arith.constant 0 : index
    %get3A_16 = vector.load %arg7[%get3A_14, %get3A_15] : memref<1x128xf32, #tpu.memory_space<vmem>>, vector<1x128xf32>
    %get3A_17 = arith.constant 0 : index
    %get3A_18 = arith.constant 0 : index
    %get3A_19 = vector.load %arg8[%get3A_17, %get3A_18] : memref<128x128xf32, #tpu.memory_space<vmem>>, vector<128x128xf32>
    %get3A_20 = arith.constant 0 : index
    %get3A_21 = arith.constant 0 : index
    %get3A_22 = vector.load %arg9[%get3A_20, %get3A_21] : memref<1x128xf32, #tpu.memory_space<vmem>>, vector<1x128xf32>
    %get3A_23 = arith.constant 0 : index
    %get3A_24 = arith.constant 0 : index
    %get3A_25 = vector.load %arg10[%get3A_23, %get3A_24] : memref<1x128xf32, #tpu.memory_space<vmem>>, vector<1x128xf32>
    %get3A_26 = arith.constant 0 : index
    %get3A_27 = arith.constant 0 : index
    %get3A_28 = vector.load %arg1[%get3A_26, %get3A_27] : memref<4000x32xf32, #tpu.memory_space<vmem>>, vector<4000x32xf32>
    %dot_general3A = arith.constant dense<0.000000e+00> : vector<4000x128xf32>
    %dot_general3A_29 = tpu.matmul %get3A_28, %get3A_1, %dot_general3A {dimension_numbers = #tpu.dot_dimension_numbers<[1], [0], [0], [1], [0, 0, 1, 1], [], []>, transpose_lhs_hint = false} : vector<4000x32xf32>, vector<32x128xf32>, vector<4000x128xf32> -> vector<4000x128xf32>
    %add3A = vector.broadcast %get3A_4 : vector<1x128xf32> to vector<4000x128xf32>
    %add3A_30 = arith.addf %dot_general3A_29, %add3A : vector<4000x128xf32>
    %mul3A = arith.constant 5.000000e-01 : f32
    %mul3A_31 = vector.broadcast %mul3A : f32 to vector<4000x128xf32>
    %mul3A_32 = arith.mulf %mul3A_31, %add3A_30 : vector<4000x128xf32>
    %mul3A_33 = arith.constant 0.707106769 : f32
    %mul3A_34 = vector.broadcast %mul3A_33 : f32 to vector<4000x128xf32>
    %mul3A_35 = arith.mulf %add3A_30, %mul3A_34 : vector<4000x128xf32>
    %erf3A = math.erf %mul3A_35 : vector<4000x128xf32>
    %add3A_36 = arith.constant 1.000000e+00 : f32
    %add3A_37 = vector.broadcast %add3A_36 : f32 to vector<4000x128xf32>
    %add3A_38 = arith.addf %add3A_37, %erf3A : vector<4000x128xf32>
    %mul3A_39 = arith.mulf %mul3A_32, %add3A_38 : vector<4000x128xf32>
    %dot_general3A_40 = arith.constant dense<0.000000e+00> : vector<4000x128xf32>
    %dot_general3A_41 = tpu.matmul %mul3A_39, %get3A_7, %dot_general3A_40 {dimension_numbers = #tpu.dot_dimension_numbers<[1], [0], [0], [1], [0, 0, 1, 1], [], []>, transpose_lhs_hint = false} : vector<4000x128xf32>, vector<128x128xf32>, vector<4000x128xf32> -> vector<4000x128xf32>
    %add3A_42 = vector.broadcast %get3A_10 : vector<1x128xf32> to vector<4000x128xf32>
    %add3A_43 = arith.addf %dot_general3A_41, %add3A_42 : vector<4000x128xf32>
    %mul3A_44 = arith.constant 5.000000e-01 : f32
    %mul3A_45 = vector.broadcast %mul3A_44 : f32 to vector<4000x128xf32>
    %mul3A_46 = arith.mulf %mul3A_45, %add3A_43 : vector<4000x128xf32>
    %mul3A_47 = arith.constant 0.707106769 : f32
    %mul3A_48 = vector.broadcast %mul3A_47 : f32 to vector<4000x128xf32>
    %mul3A_49 = arith.mulf %add3A_43, %mul3A_48 : vector<4000x128xf32>
    %erf3A_50 = math.erf %mul3A_49 : vector<4000x128xf32>
    %add3A_51 = arith.constant 1.000000e+00 : f32
    %add3A_52 = vector.broadcast %add3A_51 : f32 to vector<4000x128xf32>
    %add3A_53 = arith.addf %add3A_52, %erf3A_50 : vector<4000x128xf32>
    %mul3A_54 = arith.mulf %mul3A_46, %add3A_53 : vector<4000x128xf32>
    %dot_general3A_55 = arith.constant dense<0.000000e+00> : vector<4000x128xf32>
    %dot_general3A_56 = tpu.matmul %mul3A_54, %get3A_13, %dot_general3A_55 {dimension_numbers = #tpu.dot_dimension_numbers<[1], [0], [0], [1], [0, 0, 1, 1], [], []>, transpose_lhs_hint = false} : vector<4000x128xf32>, vector<128x128xf32>, vector<4000x128xf32> -> vector<4000x128xf32>
    %add3A_57 = vector.broadcast %get3A_16 : vector<1x128xf32> to vector<4000x128xf32>
    %add3A_58 = arith.addf %dot_general3A_56, %add3A_57 : vector<4000x128xf32>
    %dot_general3A_59 = arith.constant dense<0.000000e+00> : vector<4000x128xf32>
    %dot_general3A_60 = tpu.matmul %add3A_58, %get3A_19, %dot_general3A_59 {dimension_numbers = #tpu.dot_dimension_numbers<[1], [0], [0], [1], [0, 0, 1, 1], [], []>, transpose_lhs_hint = false} : vector<4000x128xf32>, vector<128x128xf32>, vector<4000x128xf32> -> vector<4000x128xf32>
    %sub3A = arith.subf %add3A_58, %dot_general3A_60 : vector<4000x128xf32>
    %mul3A_61 = arith.mulf %sub3A, %sub3A : vector<4000x128xf32>
    %dot_general3A_62 = arith.constant dense<0.000000e+00> : vector<4000x128xf32>
    %dot_general3A_63 = tpu.matmul %mul3A_61, %get3A_19, %dot_general3A_62 {dimension_numbers = #tpu.dot_dimension_numbers<[1], [0], [0], [1], [0, 0, 1, 1], [], []>, transpose_lhs_hint = false} : vector<4000x128xf32>, vector<128x128xf32>, vector<4000x128xf32> -> vector<4000x128xf32>
    %add3A_64 = arith.constant 9.99999974E-6 : f32
    %add3A_65 = vector.broadcast %add3A_64 : f32 to vector<4000x128xf32>
    %add3A_66 = arith.addf %dot_general3A_63, %add3A_65 : vector<4000x128xf32>
    %rsqrt3A = math.rsqrt %add3A_66 : vector<4000x128xf32>
    %mul3A_67 = arith.mulf %sub3A, %rsqrt3A : vector<4000x128xf32>
    %mul3A_68 = vector.broadcast %get3A_22 : vector<1x128xf32> to vector<4000x128xf32>
    %mul3A_69 = arith.mulf %mul3A_67, %mul3A_68 : vector<4000x128xf32>
    %add3A_70 = vector.broadcast %get3A_25 : vector<1x128xf32> to vector<4000x128xf32>
    %add3A_71 = arith.addf %mul3A_69, %add3A_70 : vector<4000x128xf32>
    %swap3A = arith.constant 0 : index
    %swap3A_72 = arith.constant 0 : index
    %swap3A_73 = vector.load %arg11[%swap3A, %swap3A_72] : memref<4000x128xf32, #tpu.memory_space<vmem>>, vector<4000x128xf32>
    tpu.vector_store %arg11[%swap3A, %swap3A_72], %add3A_71 {strides = array<i32>} : memref<4000x128xf32, #tpu.memory_space<vmem>>, vector<4000x128xf32>,
    return
  }
  func.func @transform_0(%arg0: i32) -> (i32, i32) {
    %c0_i32 = arith.constant 0 : i32
    %c0_i32_0 = arith.constant 0 : i32
    return %arg0, %c0_i32 : i32, i32
  }
  func.func @transform_1(%arg0: i32) -> (i32, i32) {
    %c0_i32 = arith.constant 0 : i32
    %c0_i32_0 = arith.constant 0 : i32
    %c0_i32_1 = arith.constant 0 : i32
    return %c0_i32, %c0_i32_0 : i32, i32
  }
  func.func @transform_2(%arg0: i32) -> (i32, i32) {
    %c0_i32 = arith.constant 0 : i32
    %c0_i32_0 = arith.constant 0 : i32
    %c0_i32_1 = arith.constant 0 : i32
    return %c0_i32, %c0_i32_0 : i32, i32
  }
  func.func @transform_3(%arg0: i32) -> (i32, i32) {
    %c0_i32 = arith.constant 0 : i32
    %c0_i32_0 = arith.constant 0 : i32
    %c0_i32_1 = arith.constant 0 : i32
    return %c0_i32, %c0_i32_0 : i32, i32
  }
  func.func @transform_4(%arg0: i32) -> (i32, i32) {
    %c0_i32 = arith.constant 0 : i32
    %c0_i32_0 = arith.constant 0 : i32
    %c0_i32_1 = arith.constant 0 : i32
    return %c0_i32, %c0_i32_0 : i32, i32
  }
  func.func @transform_5(%arg0: i32) -> (i32, i32) {
    %c0_i32 = arith.constant 0 : i32
    %c0_i32_0 = arith.constant 0 : i32
    %c0_i32_1 = arith.constant 0 : i32
    return %c0_i32, %c0_i32_0 : i32, i32
  }
  func.func @transform_6(%arg0: i32) -> (i32, i32) {
    %c0_i32 = arith.constant 0 : i32
    %c0_i32_0 = arith.constant 0 : i32
    %c0_i32_1 = arith.constant 0 : i32
    return %c0_i32, %c0_i32_0 : i32, i32
  }
  func.func @transform_7(%arg0: i32) -> (i32, i32) {
    %c0_i32 = arith.constant 0 : i32
    %c0_i32_0 = arith.constant 0 : i32
    %c0_i32_1 = arith.constant 0 : i32
    return %c0_i32, %c0_i32_0 : i32, i32
  }
  func.func @transform_8(%arg0: i32) -> (i32, i32) {
    %c0_i32 = arith.constant 0 : i32
    %c0_i32_0 = arith.constant 0 : i32
    %c0_i32_1 = arith.constant 0 : i32
    return %c0_i32, %c0_i32_0 : i32, i32
  }
  func.func @transform_9(%arg0: i32) -> (i32, i32) {
    %c0_i32 = arith.constant 0 : i32
    %c0_i32_0 = arith.constant 0 : i32
    %c0_i32_1 = arith.constant 0 : i32
    return %c0_i32, %c0_i32_0 : i32, i32
  }
  func.func @transform_10(%arg0: i32) -> (i32, i32) {
    %c0_i32 = arith.constant 0 : i32
    %c0_i32_0 = arith.constant 0 : i32
    return %arg0, %c0_i32 : i32, i32
  }
}

module attributes {stable_mosaic.version = 14 : i64} {
  func.func @body(%arg0: i32, %arg1: memref<5000x32xf32, #tpu.memory_space<vmem>>, %arg2: memref<32x128xf32, #tpu.memory_space<vmem>>, %arg3: memref<1x128xf32, #tpu.memory_space<vmem>>, %arg4: memref<128x128xf32, #tpu.memory_space<vmem>>, %arg5: memref<1x128xf32, #tpu.memory_space<vmem>>, %arg6: memref<128x128xf32, #tpu.memory_space<vmem>>, %arg7: memref<1x128xf32, #tpu.memory_space<vmem>>, %arg8: memref<128x128xf32, #tpu.memory_space<vmem>>, %arg9: memref<1x128xf32, #tpu.memory_space<vmem>>, %arg10: memref<1x128xf32, #tpu.memory_space<vmem>>, %arg11: memref<5000x128xf32, #tpu.memory_space<vmem>>) attributes {dimension_semantics = [#tpu.dimension_semantics<arbitrary>], iteration_bounds = array<i64: 10>, scalar_prefetch = 0 : i64, scratch_operands = 0 : i64, tpu.core_type = #tpu.core_type<tc>, window_params = [{transform_indices = @transform_0, window_bounds = array<i64: 5000, 32>}, {pipeline_mode = #tpu.pipeline_mode<synchronous>, transform_indices = @transform_1, window_bounds = array<i64: 32, 128>}, {pipeline_mode = #tpu.pipeline_mode<synchronous>, transform_indices = @transform_2, window_bounds = array<i64: 1, 128>}, {pipeline_mode = #tpu.pipeline_mode<synchronous>, transform_indices = @transform_3, window_bounds = array<i64: 128, 128>}, {pipeline_mode = #tpu.pipeline_mode<synchronous>, transform_indices = @transform_4, window_bounds = array<i64: 1, 128>}, {pipeline_mode = #tpu.pipeline_mode<synchronous>, transform_indices = @transform_5, window_bounds = array<i64: 128, 128>}, {pipeline_mode = #tpu.pipeline_mode<synchronous>, transform_indices = @transform_6, window_bounds = array<i64: 1, 128>}, {pipeline_mode = #tpu.pipeline_mode<synchronous>, transform_indices = @transform_7, window_bounds = array<i64: 128, 128>}, {pipeline_mode = #tpu.pipeline_mode<synchronous>, transform_indices = @transform_8, window_bounds = array<i64: 1, 128>}, {pipeline_mode = #tpu.pipeline_mode<synchronous>, transform_indices = @transform_9, window_bounds = array<i64: 1, 128>}, {transform_indices = @transform_10, window_bounds = array<i64: 5000, 128>}]} {
    %get3A = arith.constant 0 : index
    %get3A_0 = arith.constant 0 : index
    %get3A_1 = vector.load %arg2[%get3A, %get3A_0] : memref<32x128xf32, #tpu.memory_space<vmem>>, vector<32x128xf32>
    %get3A_2 = arith.constant 0 : index
    %get3A_3 = arith.constant 0 : index
    %get3A_4 = vector.load %arg3[%get3A_2, %get3A_3] : memref<1x128xf32, #tpu.memory_space<vmem>>, vector<1x128xf32>
    %get3A_5 = arith.constant 0 : index
    %get3A_6 = arith.constant 0 : index
    %get3A_7 = vector.load %arg4[%get3A_5, %get3A_6] : memref<128x128xf32, #tpu.memory_space<vmem>>, vector<128x128xf32>
    %get3A_8 = arith.constant 0 : index
    %get3A_9 = arith.constant 0 : index
    %get3A_10 = vector.load %arg5[%get3A_8, %get3A_9] : memref<1x128xf32, #tpu.memory_space<vmem>>, vector<1x128xf32>
    %get3A_11 = arith.constant 0 : index
    %get3A_12 = arith.constant 0 : index
    %get3A_13 = vector.load %arg6[%get3A_11, %get3A_12] : memref<128x128xf32, #tpu.memory_space<vmem>>, vector<128x128xf32>
    %get3A_14 = arith.constant 0 : index
    %get3A_15 = arith.constant 0 : index
    %get3A_16 = vector.load %arg7[%get3A_14, %get3A_15] : memref<1x128xf32, #tpu.memory_space<vmem>>, vector<1x128xf32>
    %get3A_17 = arith.constant 0 : index
    %get3A_18 = arith.constant 0 : index
    %get3A_19 = vector.load %arg8[%get3A_17, %get3A_18] : memref<128x128xf32, #tpu.memory_space<vmem>>, vector<128x128xf32>
    %get3A_20 = arith.constant 0 : index
    %get3A_21 = arith.constant 0 : index
    %get3A_22 = vector.load %arg9[%get3A_20, %get3A_21] : memref<1x128xf32, #tpu.memory_space<vmem>>, vector<1x128xf32>
    %get3A_23 = arith.constant 0 : index
    %get3A_24 = arith.constant 0 : index
    %get3A_25 = vector.load %arg10[%get3A_23, %get3A_24] : memref<1x128xf32, #tpu.memory_space<vmem>>, vector<1x128xf32>
    %get3A_26 = arith.constant 0 : index
    %get3A_27 = arith.constant 0 : index
    %get3A_28 = vector.load %arg1[%get3A_26, %get3A_27] : memref<5000x32xf32, #tpu.memory_space<vmem>>, vector<5000x32xf32>
    %dot_general3A = arith.constant dense<0.000000e+00> : vector<5000x128xf32>
    %dot_general3A_29 = tpu.matmul %get3A_28, %get3A_1, %dot_general3A {dimension_numbers = #tpu.dot_dimension_numbers<[1], [0], [0], [1], [0, 0, 1, 1], [], []>, transpose_lhs_hint = false} : vector<5000x32xf32>, vector<32x128xf32>, vector<5000x128xf32> -> vector<5000x128xf32>
    %add3A = vector.broadcast %get3A_4 : vector<1x128xf32> to vector<5000x128xf32>
    %add3A_30 = arith.addf %dot_general3A_29, %add3A : vector<5000x128xf32>
    %mul3A = arith.constant 5.000000e-01 : f32
    %mul3A_31 = vector.broadcast %mul3A : f32 to vector<5000x128xf32>
    %mul3A_32 = arith.mulf %mul3A_31, %add3A_30 : vector<5000x128xf32>
    %mul3A_33 = arith.constant 0.707106769 : f32
    %mul3A_34 = vector.broadcast %mul3A_33 : f32 to vector<5000x128xf32>
    %mul3A_35 = arith.mulf %add3A_30, %mul3A_34 : vector<5000x128xf32>
    %erf3A = math.erf %mul3A_35 : vector<5000x128xf32>
    %add3A_36 = arith.constant 1.000000e+00 : f32
    %add3A_37 = vector.broadcast %add3A_36 : f32 to vector<5000x128xf32>
    %add3A_38 = arith.addf %add3A_37, %erf3A : vector<5000x128xf32>
    %mul3A_39 = arith.mulf %mul3A_32, %add3A_38 : vector<5000x128xf32>
    %dot_general3A_40 = arith.constant dense<0.000000e+00> : vector<5000x128xf32>
    %dot_general3A_41 = tpu.matmul %mul3A_39, %get3A_7, %dot_general3A_40 {dimension_numbers = #tpu.dot_dimension_numbers<[1], [0], [0], [1], [0, 0, 1, 1], [], []>, transpose_lhs_hint = false} : vector<5000x128xf32>, vector<128x128xf32>, vector<5000x128xf32> -> vector<5000x128xf32>
    %add3A_42 = vector.broadcast %get3A_10 : vector<1x128xf32> to vector<5000x128xf32>
    %add3A_43 = arith.addf %dot_general3A_41, %add3A_42 : vector<5000x128xf32>
    %mul3A_44 = arith.constant 5.000000e-01 : f32
    %mul3A_45 = vector.broadcast %mul3A_44 : f32 to vector<5000x128xf32>
    %mul3A_46 = arith.mulf %mul3A_45, %add3A_43 : vector<5000x128xf32>
    %mul3A_47 = arith.constant 0.707106769 : f32
    %mul3A_48 = vector.broadcast %mul3A_47 : f32 to vector<5000x128xf32>
    %mul3A_49 = arith.mulf %add3A_43, %mul3A_48 : vector<5000x128xf32>
    %erf3A_50 = math.erf %mul3A_49 : vector<5000x128xf32>
    %add3A_51 = arith.constant 1.000000e+00 : f32
    %add3A_52 = vector.broadcast %add3A_51 : f32 to vector<5000x128xf32>
    %add3A_53 = arith.addf %add3A_52, %erf3A_50 : vector<5000x128xf32>
    %mul3A_54 = arith.mulf %mul3A_46, %add3A_53 : vector<5000x128xf32>
    %dot_general3A_55 = arith.constant dense<0.000000e+00> : vector<5000x128xf32>
    %dot_general3A_56 = tpu.matmul %mul3A_54, %get3A_13, %dot_general3A_55 {dimension_numbers = #tpu.dot_dimension_numbers<[1], [0], [0], [1], [0, 0, 1, 1], [], []>, transpose_lhs_hint = false} : vector<5000x128xf32>, vector<128x128xf32>, vector<5000x128xf32> -> vector<5000x128xf32>
    %add3A_57 = vector.broadcast %get3A_16 : vector<1x128xf32> to vector<5000x128xf32>
    %add3A_58 = arith.addf %dot_general3A_56, %add3A_57 : vector<5000x128xf32>
    %dot_general3A_59 = arith.constant dense<0.000000e+00> : vector<5000x128xf32>
    %dot_general3A_60 = tpu.matmul %add3A_58, %get3A_19, %dot_general3A_59 {dimension_numbers = #tpu.dot_dimension_numbers<[1], [0], [0], [1], [0, 0, 1, 1], [], []>, transpose_lhs_hint = false} : vector<5000x128xf32>, vector<128x128xf32>, vector<5000x128xf32> -> vector<5000x128xf32>
    %sub3A = arith.subf %add3A_58, %dot_general3A_60 : vector<5000x128xf32>
    %mul3A_61 = arith.mulf %sub3A, %sub3A : vector<5000x128xf32>
    %dot_general3A_62 = arith.constant dense<0.000000e+00> : vector<5000x128xf32>
    %dot_general3A_63 = tpu.matmul %mul3A_61, %get3A_19, %dot_general3A_62 {dimension_numbers = #tpu.dot_dimension_numbers<[1], [0], [0], [1], [0, 0, 1, 1], [], []>, transpose_lhs_hint = false} : vector<5000x128xf32>, vector<128x128xf32>, vector<5000x128xf32> -> vector<5000x128xf32>
    %add3A_64 = arith.constant 9.99999974E-6 : f32
    %add3A_65 = vector.broadcast %add3A_64 : f32 to vector<5000x128xf32>
    %add3A_66 = arith.addf %dot_general3A_63, %add3A_65 : vector<5000x128xf32>
    %rsqrt3A = math.rsqrt %add3A_66 : vector<5000x128xf32>
    %mul3A_67 = arith.mulf %sub3A, %rsqrt3A : vector<5000x128xf32>
    %mul3A_68 = vector.broadcast %get3A_22 : vector<1x128xf32> to vector<5000x128xf32>
    %mul3A_69 = arith.mulf %mul3A_67, %mul3A_68 : vector<5000x128xf32>
    %add3A_70 = vector.broadcast %get3A_25 : vector<1x128xf32> to vector<5000x128xf32>
    %add3A_71 = arith.addf %mul3A_69, %add3A_70 : vector<5000x128xf32>
    %swap3A = arith.constant 0 : index
    %swap3A_72 = arith.constant 0 : index
    %swap3A_73 = vector.load %arg11[%swap3A, %swap3A_72] : memref<5000x128xf32, #tpu.memory_space<vmem>>, vector<5000x128xf32>
    tpu.vector_store %arg11[%swap3A, %swap3A_72], %add3A_71 {strides = array<i32>} : memref<5000x128xf32, #tpu.memory_space<vmem>>, vector<5000x128xf32>,
    return
  }
  func.func @transform_0(%arg0: i32) -> (i32, i32) {
    %c0_i32 = arith.constant 0 : i32
    %c0_i32_0 = arith.constant 0 : i32
    return %arg0, %c0_i32 : i32, i32
  }
  func.func @transform_1(%arg0: i32) -> (i32, i32) {
    %c0_i32 = arith.constant 0 : i32
    %c0_i32_0 = arith.constant 0 : i32
    %c0_i32_1 = arith.constant 0 : i32
    return %c0_i32, %c0_i32_0 : i32, i32
  }
  func.func @transform_2(%arg0: i32) -> (i32, i32) {
    %c0_i32 = arith.constant 0 : i32
    %c0_i32_0 = arith.constant 0 : i32
    %c0_i32_1 = arith.constant 0 : i32
    return %c0_i32, %c0_i32_0 : i32, i32
  }
  func.func @transform_3(%arg0: i32) -> (i32, i32) {
    %c0_i32 = arith.constant 0 : i32
    %c0_i32_0 = arith.constant 0 : i32
    %c0_i32_1 = arith.constant 0 : i32
    return %c0_i32, %c0_i32_0 : i32, i32
  }
  func.func @transform_4(%arg0: i32) -> (i32, i32) {
    %c0_i32 = arith.constant 0 : i32
    %c0_i32_0 = arith.constant 0 : i32
    %c0_i32_1 = arith.constant 0 : i32
    return %c0_i32, %c0_i32_0 : i32, i32
  }
  func.func @transform_5(%arg0: i32) -> (i32, i32) {
    %c0_i32 = arith.constant 0 : i32
    %c0_i32_0 = arith.constant 0 : i32
    %c0_i32_1 = arith.constant 0 : i32
    return %c0_i32, %c0_i32_0 : i32, i32
  }
  func.func @transform_6(%arg0: i32) -> (i32, i32) {
    %c0_i32 = arith.constant 0 : i32
    %c0_i32_0 = arith.constant 0 : i32
    %c0_i32_1 = arith.constant 0 : i32
    return %c0_i32, %c0_i32_0 : i32, i32
  }
  func.func @transform_7(%arg0: i32) -> (i32, i32) {
    %c0_i32 = arith.constant 0 : i32
    %c0_i32_0 = arith.constant 0 : i32
    %c0_i32_1 = arith.constant 0 : i32
    return %c0_i32, %c0_i32_0 : i32, i32
  }
  func.func @transform_8(%arg0: i32) -> (i32, i32) {
    %c0_i32 = arith.constant 0 : i32
    %c0_i32_0 = arith.constant 0 : i32
    %c0_i32_1 = arith.constant 0 : i32
    return %c0_i32, %c0_i32_0 : i32, i32
  }
  func.func @transform_9(%arg0: i32) -> (i32, i32) {
    %c0_i32 = arith.constant 0 : i32
    %c0_i32_0 = arith.constant 0 : i32
    %c0_i32_1 = arith.constant 0 : i32
    return %c0_i32, %c0_i32_0 : i32, i32
  }
  func.func @transform_10(%arg0: i32) -> (i32, i32) {
    %c0_i32 = arith.constant 0 : i32
    %c0_i32_0 = arith.constant 0 : i32
    return %arg0, %c0_i32 : i32, i32
  }
}

module attributes {stable_mosaic.version = 14 : i64} {
  func.func @body(%arg0: i32, %arg1: memref<4x1000x128xf32, #tpu.memory_space<vmem>>, %arg2: memref<4x1000x128xf32, #tpu.memory_space<vmem>>, %arg3: memref<1000x128xf32, #tpu.memory_space<vmem>>, %arg4: memref<128x128xf32, #tpu.memory_space<vmem>>, %arg5: memref<128x128xf32, #tpu.memory_space<vmem>>, %arg6: memref<128x128xf32, #tpu.memory_space<vmem>>, %arg7: memref<128x128xf32, #tpu.memory_space<vmem>>, %arg8: memref<1x128xf32, #tpu.memory_space<vmem>>, %arg9: memref<128x128xf32, #tpu.memory_space<vmem>>, %arg10: memref<1x128xf32, #tpu.memory_space<vmem>>, %arg11: memref<128x128xf32, #tpu.memory_space<vmem>>, %arg12: memref<1x128xf32, #tpu.memory_space<vmem>>, %arg13: memref<1x128xf32, #tpu.memory_space<vmem>>, %arg14: memref<1x128xf32, #tpu.memory_space<vmem>>, %arg15: memref<128x128xf32, #tpu.memory_space<vmem>>, %arg16: memref<128x128xf32, #tpu.memory_space<vmem>>, %arg17: memref<128x128xf32, #tpu.memory_space<vmem>>, %arg18: memref<1x128xf32, #tpu.memory_space<vmem>>, %arg19: memref<128x128xf32, #tpu.memory_space<vmem>>, %arg20: memref<1x128xf32, #tpu.memory_space<vmem>>, %arg21: memref<128x128xf32, #tpu.memory_space<vmem>>, %arg22: memref<1x128xf32, #tpu.memory_space<vmem>>, %arg23: memref<1x128xf32, #tpu.memory_space<vmem>>, %arg24: memref<1x128xf32, #tpu.memory_space<vmem>>, %arg25: memref<1000x128xf32, #tpu.memory_space<vmem>>, %arg26: memref<4x1000x128xf32, #tpu.memory_space<vmem>>) attributes {dimension_semantics = [#tpu.dimension_semantics<arbitrary>], iteration_bounds = array<i64: 50>, scalar_prefetch = 0 : i64, scratch_operands = 0 : i64, tpu.core_type = #tpu.core_type<tc>, window_params = [{transform_indices = @transform_0, window_bounds = array<i64: 4, 1000, 128>}, {transform_indices = @transform_1, window_bounds = array<i64: 4, 1000, 128>}, {transform_indices = @transform_2, window_bounds = array<i64: 1000, 128>}, {pipeline_mode = #tpu.pipeline_mode<synchronous>, transform_indices = @transform_3, window_bounds = array<i64: 128, 128>}, {pipeline_mode = #tpu.pipeline_mode<synchronous>, transform_indices = @transform_4, window_bounds = array<i64: 128, 128>}, {pipeline_mode = #tpu.pipeline_mode<synchronous>, transform_indices = @transform_5, window_bounds = array<i64: 128, 128>}, {pipeline_mode = #tpu.pipeline_mode<synchronous>, transform_indices = @transform_6, window_bounds = array<i64: 128, 128>}, {pipeline_mode = #tpu.pipeline_mode<synchronous>, transform_indices = @transform_7, window_bounds = array<i64: 1, 128>}, {pipeline_mode = #tpu.pipeline_mode<synchronous>, transform_indices = @transform_8, window_bounds = array<i64: 128, 128>}, {pipeline_mode = #tpu.pipeline_mode<synchronous>, transform_indices = @transform_9, window_bounds = array<i64: 1, 128>}, {pipeline_mode = #tpu.pipeline_mode<synchronous>, transform_indices = @transform_10, window_bounds = array<i64: 128, 128>}, {pipeline_mode = #tpu.pipeline_mode<synchronous>, transform_indices = @transform_11, window_bounds = array<i64: 1, 128>}, {pipeline_mode = #tpu.pipeline_mode<synchronous>, transform_indices = @transform_12, window_bounds = array<i64: 1, 128>}, {pipeline_mode = #tpu.pipeline_mode<synchronous>, transform_indices = @transform_13, window_bounds = array<i64: 1, 128>}, {pipeline_mode = #tpu.pipeline_mode<synchronous>, transform_indices = @transform_14, window_bounds = array<i64: 128, 128>}, {pipeline_mode = #tpu.pipeline_mode<synchronous>, transform_indices = @transform_15, window_bounds = array<i64: 128, 128>}, {pipeline_mode = #tpu.pipeline_mode<synchronous>, transform_indices = @transform_16, window_bounds = array<i64: 128, 128>}, {pipeline_mode = #tpu.pipeline_mode<synchronous>, transform_indices = @transform_17, window_bounds = array<i64: 1, 128>}, {pipeline_mode = #tpu.pipeline_mode<synchronous>, transform_indices = @transform_18, window_bounds = array<i64: 128, 128>}, {pipeline_mode = #tpu.pipeline_mode<synchronous>, transform_indices = @transform_19, window_bounds = array<i64: 1, 128>}, {pipeline_mode = #tpu.pipeline_mode<synchronous>, transform_indices = @transform_20, window_bounds = array<i64: 128, 128>}, {pipeline_mode = #tpu.pipeline_mode<synchronous>, transform_indices = @transform_21, window_bounds = array<i64: 1, 128>}, {pipeline_mode = #tpu.pipeline_mode<synchronous>, transform_indices = @transform_22, window_bounds = array<i64: 1, 128>}, {pipeline_mode = #tpu.pipeline_mode<synchronous>, transform_indices = @transform_23, window_bounds = array<i64: 1, 128>}, {transform_indices = @transform_24, window_bounds = array<i64: 1000, 128>}, {transform_indices = @transform_25, window_bounds = array<i64: 4, 1000, 128>}]} {
    %get3A = arith.constant 0 : index
    %get3A_0 = arith.constant 0 : index
    %get3A_1 = vector.load %arg5[%get3A, %get3A_0] : memref<128x128xf32, #tpu.memory_space<vmem>>, vector<128x128xf32>
    %get3A_2 = arith.constant 0 : index
    %get3A_3 = arith.constant 0 : index
    %get3A_4 = vector.load %arg6[%get3A_2, %get3A_3] : memref<128x128xf32, #tpu.memory_space<vmem>>, vector<128x128xf32>
    %get3A_5 = arith.constant 0 : index
    %get3A_6 = arith.constant 0 : index
    %get3A_7 = vector.load %arg7[%get3A_5, %get3A_6] : memref<128x128xf32, #tpu.memory_space<vmem>>, vector<128x128xf32>
    %get3A_8 = arith.constant 0 : index
    %get3A_9 = arith.constant 0 : index
    %get3A_10 = vector.load %arg8[%get3A_8, %get3A_9] : memref<1x128xf32, #tpu.memory_space<vmem>>, vector<1x128xf32>
    %get3A_11 = arith.constant 0 : index
    %get3A_12 = arith.constant 0 : index
    %get3A_13 = vector.load %arg9[%get3A_11, %get3A_12] : memref<128x128xf32, #tpu.memory_space<vmem>>, vector<128x128xf32>
    %get3A_14 = arith.constant 0 : index
    %get3A_15 = arith.constant 0 : index
    %get3A_16 = vector.load %arg10[%get3A_14, %get3A_15] : memref<1x128xf32, #tpu.memory_space<vmem>>, vector<1x128xf32>
    %get3A_17 = arith.constant 0 : index
    %get3A_18 = arith.constant 0 : index
    %get3A_19 = vector.load %arg11[%get3A_17, %get3A_18] : memref<128x128xf32, #tpu.memory_space<vmem>>, vector<128x128xf32>
    %get3A_20 = arith.constant 0 : index
    %get3A_21 = arith.constant 0 : index
    %get3A_22 = vector.load %arg12[%get3A_20, %get3A_21] : memref<1x128xf32, #tpu.memory_space<vmem>>, vector<1x128xf32>
    %get3A_23 = arith.constant 0 : index
    %get3A_24 = arith.constant 0 : index
    %get3A_25 = vector.load %arg13[%get3A_23, %get3A_24] : memref<1x128xf32, #tpu.memory_space<vmem>>, vector<1x128xf32>
    %get3A_26 = arith.constant 0 : index
    %get3A_27 = arith.constant 0 : index
    %get3A_28 = vector.load %arg14[%get3A_26, %get3A_27] : memref<1x128xf32, #tpu.memory_space<vmem>>, vector<1x128xf32>
    %get3A_29 = arith.constant 0 : index
    %get3A_30 = arith.constant 0 : index
    %get3A_31 = vector.load %arg15[%get3A_29, %get3A_30] : memref<128x128xf32, #tpu.memory_space<vmem>>, vector<128x128xf32>
    %get3A_32 = arith.constant 0 : index
    %get3A_33 = arith.constant 0 : index
    %get3A_34 = vector.load %arg16[%get3A_32, %get3A_33] : memref<128x128xf32, #tpu.memory_space<vmem>>, vector<128x128xf32>
    %get3A_35 = arith.constant 0 : index
    %get3A_36 = arith.constant 0 : index
    %get3A_37 = vector.load %arg17[%get3A_35, %get3A_36] : memref<128x128xf32, #tpu.memory_space<vmem>>, vector<128x128xf32>
    %get3A_38 = arith.constant 0 : index
    %get3A_39 = arith.constant 0 : index
    %get3A_40 = vector.load %arg18[%get3A_38, %get3A_39] : memref<1x128xf32, #tpu.memory_space<vmem>>, vector<1x128xf32>
    %get3A_41 = arith.constant 0 : index
    %get3A_42 = arith.constant 0 : index
    %get3A_43 = vector.load %arg19[%get3A_41, %get3A_42] : memref<128x128xf32, #tpu.memory_space<vmem>>, vector<128x128xf32>
    %get3A_44 = arith.constant 0 : index
    %get3A_45 = arith.constant 0 : index
    %get3A_46 = vector.load %arg20[%get3A_44, %get3A_45] : memref<1x128xf32, #tpu.memory_space<vmem>>, vector<1x128xf32>
    %get3A_47 = arith.constant 0 : index
    %get3A_48 = arith.constant 0 : index
    %get3A_49 = vector.load %arg21[%get3A_47, %get3A_48] : memref<128x128xf32, #tpu.memory_space<vmem>>, vector<128x128xf32>
    %get3A_50 = arith.constant 0 : index
    %get3A_51 = arith.constant 0 : index
    %get3A_52 = vector.load %arg22[%get3A_50, %get3A_51] : memref<1x128xf32, #tpu.memory_space<vmem>>, vector<1x128xf32>
    %get3A_53 = arith.constant 0 : index
    %get3A_54 = arith.constant 0 : index
    %get3A_55 = vector.load %arg23[%get3A_53, %get3A_54] : memref<1x128xf32, #tpu.memory_space<vmem>>, vector<1x128xf32>
    %get3A_56 = arith.constant 0 : index
    %get3A_57 = arith.constant 0 : index
    %get3A_58 = vector.load %arg24[%get3A_56, %get3A_57] : memref<1x128xf32, #tpu.memory_space<vmem>>, vector<1x128xf32>
    %get3A_59 = arith.constant 0 : index
    %get3A_60 = arith.constant 0 : index
    %get3A_61 = arith.constant 0 : index
    %get3A_62 = vector.load %arg1[%get3A_59, %get3A_60, %get3A_61] : memref<4x1000x128xf32, #tpu.memory_space<vmem>>, vector<4x1000x128xf32>
    %reshape3A = vector.shape_cast %get3A_62 : vector<4x1000x128xf32> to vector<4000x128xf32>
    %get3A_63 = arith.constant 0 : index
    %get3A_64 = arith.constant 0 : index
    %get3A_65 = arith.constant 0 : index
    %get3A_66 = vector.load %arg2[%get3A_63, %get3A_64, %get3A_65] : memref<4x1000x128xf32, #tpu.memory_space<vmem>>, vector<4x1000x128xf32>
    %reshape3A_67 = vector.shape_cast %get3A_66 : vector<4x1000x128xf32> to vector<4000x128xf32>
    %get3A_68 = arith.constant 0 : index
    %get3A_69 = arith.constant 0 : index
    %get3A_70 = vector.load %arg3[%get3A_68, %get3A_69] : memref<1000x128xf32, #tpu.memory_space<vmem>>, vector<1000x128xf32>
    %get3A_71 = arith.constant 0 : index
    %get3A_72 = arith.constant 0 : index
    %get3A_73 = vector.load %arg4[%get3A_71, %get3A_72] : memref<128x128xf32, #tpu.memory_space<vmem>>, vector<128x128xf32>
    %dot_general3A = arith.constant dense<0.000000e+00> : vector<4000x128xf32>
    %dot_general3A_74 = tpu.matmul %reshape3A, %get3A_1, %dot_general3A {dimension_numbers = #tpu.dot_dimension_numbers<[1], [0], [0], [1], [0, 0, 1, 1], [], []>, transpose_lhs_hint = false} : vector<4000x128xf32>, vector<128x128xf32>, vector<4000x128xf32> -> vector<4000x128xf32>
    %dot_general3A_75 = arith.constant dense<0.000000e+00> : vector<4000x128xf32>
    %dot_general3A_76 = tpu.matmul %reshape3A_67, %get3A_4, %dot_general3A_75 {dimension_numbers = #tpu.dot_dimension_numbers<[1], [0], [0], [1], [0, 0, 1, 1], [], []>, transpose_lhs_hint = false} : vector<4000x128xf32>, vector<128x128xf32>, vector<4000x128xf32> -> vector<4000x128xf32>
    %add3A = arith.addf %dot_general3A_74, %dot_general3A_76 : vector<4000x128xf32>
    %dot_general3A_77 = arith.constant dense<0.000000e+00> : vector<1000x128xf32>
    %dot_general3A_78 = tpu.matmul %get3A_70, %get3A_7, %dot_general3A_77 {dimension_numbers = #tpu.dot_dimension_numbers<[1], [0], [0], [1], [0, 0, 1, 1], [], []>, transpose_lhs_hint = false} : vector<1000x128xf32>, vector<128x128xf32>, vector<1000x128xf32> -> vector<1000x128xf32>
    %broadcast_in_dim3A = vector.shape_cast %dot_general3A_78 : vector<1000x128xf32> to vector<1x1000x128xf32>
    %broadcast_in_dim3A_79 = vector.shape_cast %broadcast_in_dim3A : vector<1x1000x128xf32> to vector<1x1000x128xf32>
    %broadcast_in_dim3A_80 = vector.broadcast %broadcast_in_dim3A_79 : vector<1x1000x128xf32> to vector<4x1000x128xf32>
    %reshape3A_81 = vector.shape_cast %broadcast_in_dim3A_80 : vector<4x1000x128xf32> to vector<4000x128xf32>
    %add3A_82 = arith.addf %add3A, %reshape3A_81 : vector<4000x128xf32>
    %add3A_83 = vector.broadcast %get3A_10 : vector<1x128xf32> to vector<4000x128xf32>
    %add3A_84 = arith.addf %add3A_82, %add3A_83 : vector<4000x128xf32>
    %mul3A = arith.constant 5.000000e-01 : f32
    %mul3A_85 = vector.broadcast %mul3A : f32 to vector<4000x128xf32>
    %mul3A_86 = arith.mulf %mul3A_85, %add3A_84 : vector<4000x128xf32>
    %mul3A_87 = arith.constant 0.707106769 : f32
    %mul3A_88 = vector.broadcast %mul3A_87 : f32 to vector<4000x128xf32>
    %mul3A_89 = arith.mulf %add3A_84, %mul3A_88 : vector<4000x128xf32>
    %erf3A = math.erf %mul3A_89 : vector<4000x128xf32>
    %add3A_90 = arith.constant 1.000000e+00 : f32
    %add3A_91 = vector.broadcast %add3A_90 : f32 to vector<4000x128xf32>
    %add3A_92 = arith.addf %add3A_91, %erf3A : vector<4000x128xf32>
    %mul3A_93 = arith.mulf %mul3A_86, %add3A_92 : vector<4000x128xf32>
    %dot_general3A_94 = arith.constant dense<0.000000e+00> : vector<4000x128xf32>
    %dot_general3A_95 = tpu.matmul %mul3A_93, %get3A_13, %dot_general3A_94 {dimension_numbers = #tpu.dot_dimension_numbers<[1], [0], [0], [1], [0, 0, 1, 1], [], []>, transpose_lhs_hint = false} : vector<4000x128xf32>, vector<128x128xf32>, vector<4000x128xf32> -> vector<4000x128xf32>
    %add3A_96 = vector.broadcast %get3A_16 : vector<1x128xf32> to vector<4000x128xf32>
    %add3A_97 = arith.addf %dot_general3A_95, %add3A_96 : vector<4000x128xf32>
    %mul3A_98 = arith.constant 5.000000e-01 : f32
    %mul3A_99 = vector.broadcast %mul3A_98 : f32 to vector<4000x128xf32>
    %mul3A_100 = arith.mulf %mul3A_99, %add3A_97 : vector<4000x128xf32>
    %mul3A_101 = arith.constant 0.707106769 : f32
    %mul3A_102 = vector.broadcast %mul3A_101 : f32 to vector<4000x128xf32>
    %mul3A_103 = arith.mulf %add3A_97, %mul3A_102 : vector<4000x128xf32>
    %erf3A_104 = math.erf %mul3A_103 : vector<4000x128xf32>
    %add3A_105 = arith.constant 1.000000e+00 : f32
    %add3A_106 = vector.broadcast %add3A_105 : f32 to vector<4000x128xf32>
    %add3A_107 = arith.addf %add3A_106, %erf3A_104 : vector<4000x128xf32>
    %mul3A_108 = arith.mulf %mul3A_100, %add3A_107 : vector<4000x128xf32>
    %dot_general3A_109 = arith.constant dense<0.000000e+00> : vector<4000x128xf32>
    %dot_general3A_110 = tpu.matmul %mul3A_108, %get3A_19, %dot_general3A_109 {dimension_numbers = #tpu.dot_dimension_numbers<[1], [0], [0], [1], [0, 0, 1, 1], [], []>, transpose_lhs_hint = false} : vector<4000x128xf32>, vector<128x128xf32>, vector<4000x128xf32> -> vector<4000x128xf32>
    %add3A_111 = vector.broadcast %get3A_22 : vector<1x128xf32> to vector<4000x128xf32>
    %add3A_112 = arith.addf %dot_general3A_110, %add3A_111 : vector<4000x128xf32>
    %dot_general3A_113 = arith.constant dense<0.000000e+00> : vector<4000x128xf32>
    %dot_general3A_114 = tpu.matmul %add3A_112, %get3A_73, %dot_general3A_113 {dimension_numbers = #tpu.dot_dimension_numbers<[1], [0], [0], [1], [0, 0, 1, 1], [], []>, transpose_lhs_hint = false} : vector<4000x128xf32>, vector<128x128xf32>, vector<4000x128xf32> -> vector<4000x128xf32>
    %sub3A = arith.subf %add3A_112, %dot_general3A_114 : vector<4000x128xf32>
    %mul3A_115 = arith.mulf %sub3A, %sub3A : vector<4000x128xf32>
    %dot_general3A_116 = arith.constant dense<0.000000e+00> : vector<4000x128xf32>
    %dot_general3A_117 = tpu.matmul %mul3A_115, %get3A_73, %dot_general3A_116 {dimension_numbers = #tpu.dot_dimension_numbers<[1], [0], [0], [1], [0, 0, 1, 1], [], []>, transpose_lhs_hint = false} : vector<4000x128xf32>, vector<128x128xf32>, vector<4000x128xf32> -> vector<4000x128xf32>
    %add3A_118 = arith.constant 9.99999974E-6 : f32
    %add3A_119 = vector.broadcast %add3A_118 : f32 to vector<4000x128xf32>
    %add3A_120 = arith.addf %dot_general3A_117, %add3A_119 : vector<4000x128xf32>
    %rsqrt3A = math.rsqrt %add3A_120 : vector<4000x128xf32>
    %mul3A_121 = arith.mulf %sub3A, %rsqrt3A : vector<4000x128xf32>
    %mul3A_122 = vector.broadcast %get3A_25 : vector<1x128xf32> to vector<4000x128xf32>
    %mul3A_123 = arith.mulf %mul3A_121, %mul3A_122 : vector<4000x128xf32>
    %add3A_124 = vector.broadcast %get3A_28 : vector<1x128xf32> to vector<4000x128xf32>
    %add3A_125 = arith.addf %mul3A_123, %add3A_124 : vector<4000x128xf32>
    %reshape3A_126 = vector.shape_cast %add3A_125 : vector<4000x128xf32> to vector<4x1000x128xf32>
    %slice3A = vector.extract_strided_slice %reshape3A_126 {offsets = [0, 0, 0], sizes = [1, 1000, 128], strides = [1, 1, 1]} : vector<4x1000x128xf32> to vector<1x1000x128xf32>
    %squeeze3A = vector.shape_cast %slice3A : vector<1x1000x128xf32> to vector<1000x128xf32>
    %slice3A_127 = vector.extract_strided_slice %reshape3A_126 {offsets = [1, 0, 0], sizes = [1, 1000, 128], strides = [1, 1, 1]} : vector<4x1000x128xf32> to vector<1x1000x128xf32>
    %squeeze3A_128 = vector.shape_cast %slice3A_127 : vector<1x1000x128xf32> to vector<1000x128xf32>
    %add3A_129 = arith.addf %squeeze3A, %squeeze3A_128 : vector<1000x128xf32>
    %slice3A_130 = vector.extract_strided_slice %reshape3A_126 {offsets = [2, 0, 0], sizes = [1, 1000, 128], strides = [1, 1, 1]} : vector<4x1000x128xf32> to vector<1x1000x128xf32>
    %squeeze3A_131 = vector.shape_cast %slice3A_130 : vector<1x1000x128xf32> to vector<1000x128xf32>
    %add3A_132 = arith.addf %add3A_129, %squeeze3A_131 : vector<1000x128xf32>
    %slice3A_133 = vector.extract_strided_slice %reshape3A_126 {offsets = [3, 0, 0], sizes = [1, 1000, 128], strides = [1, 1, 1]} : vector<4x1000x128xf32> to vector<1x1000x128xf32>
    %squeeze3A_134 = vector.shape_cast %slice3A_133 : vector<1x1000x128xf32> to vector<1000x128xf32>
    %add3A_135 = arith.addf %add3A_132, %squeeze3A_134 : vector<1000x128xf32>
    %mul3A_136 = arith.constant 2.500000e-01 : f32
    %mul3A_137 = vector.broadcast %mul3A_136 : f32 to vector<1000x128xf32>
    %mul3A_138 = arith.mulf %add3A_135, %mul3A_137 : vector<1000x128xf32>
    %add3A_139 = arith.addf %get3A_70, %mul3A_138 : vector<1000x128xf32>
    %swap3A = arith.constant 0 : index
    %swap3A_140 = arith.constant 0 : index
    %swap3A_141 = vector.load %arg25[%swap3A, %swap3A_140] : memref<1000x128xf32, #tpu.memory_space<vmem>>, vector<1000x128xf32>
    tpu.vector_store %arg25[%swap3A, %swap3A_140], %add3A_139 {strides = array<i32>} : memref<1000x128xf32, #tpu.memory_space<vmem>>, vector<1000x128xf32>,
    %dot_general3A_142 = arith.constant dense<0.000000e+00> : vector<4000x128xf32>
    %dot_general3A_143 = tpu.matmul %reshape3A, %get3A_31, %dot_general3A_142 {dimension_numbers = #tpu.dot_dimension_numbers<[1], [0], [0], [1], [0, 0, 1, 1], [], []>, transpose_lhs_hint = false} : vector<4000x128xf32>, vector<128x128xf32>, vector<4000x128xf32> -> vector<4000x128xf32>
    %dot_general3A_144 = arith.constant dense<0.000000e+00> : vector<4000x128xf32>
    %dot_general3A_145 = tpu.matmul %reshape3A_67, %get3A_34, %dot_general3A_144 {dimension_numbers = #tpu.dot_dimension_numbers<[1], [0], [0], [1], [0, 0, 1, 1], [], []>, transpose_lhs_hint = false} : vector<4000x128xf32>, vector<128x128xf32>, vector<4000x128xf32> -> vector<4000x128xf32>
    %add3A_146 = arith.addf %dot_general3A_143, %dot_general3A_145 : vector<4000x128xf32>
    %dot_general3A_147 = arith.constant dense<0.000000e+00> : vector<1000x128xf32>
    %dot_general3A_148 = tpu.matmul %add3A_139, %get3A_37, %dot_general3A_147 {dimension_numbers = #tpu.dot_dimension_numbers<[1], [0], [0], [1], [0, 0, 1, 1], [], []>, transpose_lhs_hint = false} : vector<1000x128xf32>, vector<128x128xf32>, vector<1000x128xf32> -> vector<1000x128xf32>
    %broadcast_in_dim3A_149 = vector.shape_cast %dot_general3A_148 : vector<1000x128xf32> to vector<1x1000x128xf32>
    %broadcast_in_dim3A_150 = vector.shape_cast %broadcast_in_dim3A_149 : vector<1x1000x128xf32> to vector<1x1000x128xf32>
    %broadcast_in_dim3A_151 = vector.broadcast %broadcast_in_dim3A_150 : vector<1x1000x128xf32> to vector<4x1000x128xf32>
    %reshape3A_152 = vector.shape_cast %broadcast_in_dim3A_151 : vector<4x1000x128xf32> to vector<4000x128xf32>
    %add3A_153 = arith.addf %add3A_146, %reshape3A_152 : vector<4000x128xf32>
    %add3A_154 = vector.broadcast %get3A_40 : vector<1x128xf32> to vector<4000x128xf32>
    %add3A_155 = arith.addf %add3A_153, %add3A_154 : vector<4000x128xf32>
    %mul3A_156 = arith.constant 5.000000e-01 : f32
    %mul3A_157 = vector.broadcast %mul3A_156 : f32 to vector<4000x128xf32>
    %mul3A_158 = arith.mulf %mul3A_157, %add3A_155 : vector<4000x128xf32>
    %mul3A_159 = arith.constant 0.707106769 : f32
    %mul3A_160 = vector.broadcast %mul3A_159 : f32 to vector<4000x128xf32>
    %mul3A_161 = arith.mulf %add3A_155, %mul3A_160 : vector<4000x128xf32>
    %erf3A_162 = math.erf %mul3A_161 : vector<4000x128xf32>
    %add3A_163 = arith.constant 1.000000e+00 : f32
    %add3A_164 = vector.broadcast %add3A_163 : f32 to vector<4000x128xf32>
    %add3A_165 = arith.addf %add3A_164, %erf3A_162 : vector<4000x128xf32>
    %mul3A_166 = arith.mulf %mul3A_158, %add3A_165 : vector<4000x128xf32>
    %dot_general3A_167 = arith.constant dense<0.000000e+00> : vector<4000x128xf32>
    %dot_general3A_168 = tpu.matmul %mul3A_166, %get3A_43, %dot_general3A_167 {dimension_numbers = #tpu.dot_dimension_numbers<[1], [0], [0], [1], [0, 0, 1, 1], [], []>, transpose_lhs_hint = false} : vector<4000x128xf32>, vector<128x128xf32>, vector<4000x128xf32> -> vector<4000x128xf32>
    %add3A_169 = vector.broadcast %get3A_46 : vector<1x128xf32> to vector<4000x128xf32>
    %add3A_170 = arith.addf %dot_general3A_168, %add3A_169 : vector<4000x128xf32>
    %mul3A_171 = arith.constant 5.000000e-01 : f32
    %mul3A_172 = vector.broadcast %mul3A_171 : f32 to vector<4000x128xf32>
    %mul3A_173 = arith.mulf %mul3A_172, %add3A_170 : vector<4000x128xf32>
    %mul3A_174 = arith.constant 0.707106769 : f32
    %mul3A_175 = vector.broadcast %mul3A_174 : f32 to vector<4000x128xf32>
    %mul3A_176 = arith.mulf %add3A_170, %mul3A_175 : vector<4000x128xf32>
    %erf3A_177 = math.erf %mul3A_176 : vector<4000x128xf32>
    %add3A_178 = arith.constant 1.000000e+00 : f32
    %add3A_179 = vector.broadcast %add3A_178 : f32 to vector<4000x128xf32>
    %add3A_180 = arith.addf %add3A_179, %erf3A_177 : vector<4000x128xf32>
    %mul3A_181 = arith.mulf %mul3A_173, %add3A_180 : vector<4000x128xf32>
    %dot_general3A_182 = arith.constant dense<0.000000e+00> : vector<4000x128xf32>
    %dot_general3A_183 = tpu.matmul %mul3A_181, %get3A_49, %dot_general3A_182 {dimension_numbers = #tpu.dot_dimension_numbers<[1], [0], [0], [1], [0, 0, 1, 1], [], []>, transpose_lhs_hint = false} : vector<4000x128xf32>, vector<128x128xf32>, vector<4000x128xf32> -> vector<4000x128xf32>
    %add3A_184 = vector.broadcast %get3A_52 : vector<1x128xf32> to vector<4000x128xf32>
    %add3A_185 = arith.addf %dot_general3A_183, %add3A_184 : vector<4000x128xf32>
    %dot_general3A_186 = arith.constant dense<0.000000e+00> : vector<4000x128xf32>
    %dot_general3A_187 = tpu.matmul %add3A_185, %get3A_73, %dot_general3A_186 {dimension_numbers = #tpu.dot_dimension_numbers<[1], [0], [0], [1], [0, 0, 1, 1], [], []>, transpose_lhs_hint = false} : vector<4000x128xf32>, vector<128x128xf32>, vector<4000x128xf32> -> vector<4000x128xf32>
    %sub3A_188 = arith.subf %add3A_185, %dot_general3A_187 : vector<4000x128xf32>
    %mul3A_189 = arith.mulf %sub3A_188, %sub3A_188 : vector<4000x128xf32>
    %dot_general3A_190 = arith.constant dense<0.000000e+00> : vector<4000x128xf32>
    %dot_general3A_191 = tpu.matmul %mul3A_189, %get3A_73, %dot_general3A_190 {dimension_numbers = #tpu.dot_dimension_numbers<[1], [0], [0], [1], [0, 0, 1, 1], [], []>, transpose_lhs_hint = false} : vector<4000x128xf32>, vector<128x128xf32>, vector<4000x128xf32> -> vector<4000x128xf32>
    %add3A_192 = arith.constant 9.99999974E-6 : f32
    %add3A_193 = vector.broadcast %add3A_192 : f32 to vector<4000x128xf32>
    %add3A_194 = arith.addf %dot_general3A_191, %add3A_193 : vector<4000x128xf32>
    %rsqrt3A_195 = math.rsqrt %add3A_194 : vector<4000x128xf32>
    %mul3A_196 = arith.mulf %sub3A_188, %rsqrt3A_195 : vector<4000x128xf32>
    %mul3A_197 = vector.broadcast %get3A_55 : vector<1x128xf32> to vector<4000x128xf32>
    %mul3A_198 = arith.mulf %mul3A_196, %mul3A_197 : vector<4000x128xf32>
    %add3A_199 = vector.broadcast %get3A_58 : vector<1x128xf32> to vector<4000x128xf32>
    %add3A_200 = arith.addf %mul3A_198, %add3A_199 : vector<4000x128xf32>
    %reshape3A_201 = vector.shape_cast %add3A_200 : vector<4000x128xf32> to vector<4x1000x128xf32>
    %swap3A_202 = arith.constant 0 : index
    %swap3A_203 = arith.constant 0 : index
    %swap3A_204 = arith.constant 0 : index
    %swap3A_205 = vector.load %arg26[%swap3A_202, %swap3A_203, %swap3A_204] : memref<4x1000x128xf32, #tpu.memory_space<vmem>>, vector<4x1000x128xf32>
    tpu.vector_store %arg26[%swap3A_202, %swap3A_203, %swap3A_204], %reshape3A_201 {strides = array<i32>} : memref<4x1000x128xf32, #tpu.memory_space<vmem>>, vector<4x1000x128xf32>,
    return
  }
  func.func @transform_0(%arg0: i32) -> (i32, i32, i32) {
    %c0_i32 = arith.constant 0 : i32
    %c0_i32_0 = arith.constant 0 : i32
    %c0_i32_1 = arith.constant 0 : i32
    return %c0_i32, %arg0, %c0_i32_0 : i32, i32, i32
  }
  func.func @transform_1(%arg0: i32) -> (i32, i32, i32) {
    %c0_i32 = arith.constant 0 : i32
    %c0_i32_0 = arith.constant 0 : i32
    %c0_i32_1 = arith.constant 0 : i32
    return %c0_i32, %arg0, %c0_i32_0 : i32, i32, i32
  }
  func.func @transform_2(%arg0: i32) -> (i32, i32) {
    %c0_i32 = arith.constant 0 : i32
    %c0_i32_0 = arith.constant 0 : i32
    return %arg0, %c0_i32 : i32, i32
  }
  func.func @transform_3(%arg0: i32) -> (i32, i32) {
    %c0_i32 = arith.constant 0 : i32
    %c0_i32_0 = arith.constant 0 : i32
    %c0_i32_1 = arith.constant 0 : i32
    return %c0_i32, %c0_i32_0 : i32, i32
  }
  func.func @transform_4(%arg0: i32) -> (i32, i32) {
    %c0_i32 = arith.constant 0 : i32
    %c0_i32_0 = arith.constant 0 : i32
    %c0_i32_1 = arith.constant 0 : i32
    return %c0_i32, %c0_i32_0 : i32, i32
  }
  func.func @transform_5(%arg0: i32) -> (i32, i32) {
    %c0_i32 = arith.constant 0 : i32
    %c0_i32_0 = arith.constant 0 : i32
    %c0_i32_1 = arith.constant 0 : i32
    return %c0_i32, %c0_i32_0 : i32, i32
  }
  func.func @transform_6(%arg0: i32) -> (i32, i32) {
    %c0_i32 = arith.constant 0 : i32
    %c0_i32_0 = arith.constant 0 : i32
    %c0_i32_1 = arith.constant 0 : i32
    return %c0_i32, %c0_i32_0 : i32, i32
  }
  func.func @transform_7(%arg0: i32) -> (i32, i32) {
    %c0_i32 = arith.constant 0 : i32
    %c0_i32_0 = arith.constant 0 : i32
    %c0_i32_1 = arith.constant 0 : i32
    return %c0_i32, %c0_i32_0 : i32, i32
  }
  func.func @transform_8(%arg0: i32) -> (i32, i32) {
    %c0_i32 = arith.constant 0 : i32
    %c0_i32_0 = arith.constant 0 : i32
    %c0_i32_1 = arith.constant 0 : i32
    return %c0_i32, %c0_i32_0 : i32, i32
  }
  func.func @transform_9(%arg0: i32) -> (i32, i32) {
    %c0_i32 = arith.constant 0 : i32
    %c0_i32_0 = arith.constant 0 : i32
    %c0_i32_1 = arith.constant 0 : i32
    return %c0_i32, %c0_i32_0 : i32, i32
  }
  func.func @transform_10(%arg0: i32) -> (i32, i32) {
    %c0_i32 = arith.constant 0 : i32
    %c0_i32_0 = arith.constant 0 : i32
    %c0_i32_1 = arith.constant 0 : i32
    return %c0_i32, %c0_i32_0 : i32, i32
  }
  func.func @transform_11(%arg0: i32) -> (i32, i32) {
    %c0_i32 = arith.constant 0 : i32
    %c0_i32_0 = arith.constant 0 : i32
    %c0_i32_1 = arith.constant 0 : i32
    return %c0_i32, %c0_i32_0 : i32, i32
  }
  func.func @transform_12(%arg0: i32) -> (i32, i32) {
    %c0_i32 = arith.constant 0 : i32
    %c0_i32_0 = arith.constant 0 : i32
    %c0_i32_1 = arith.constant 0 : i32
    return %c0_i32, %c0_i32_0 : i32, i32
  }
  func.func @transform_13(%arg0: i32) -> (i32, i32) {
    %c0_i32 = arith.constant 0 : i32
    %c0_i32_0 = arith.constant 0 : i32
    %c0_i32_1 = arith.constant 0 : i32
    return %c0_i32, %c0_i32_0 : i32, i32
  }
  func.func @transform_14(%arg0: i32) -> (i32, i32) {
    %c0_i32 = arith.constant 0 : i32
    %c0_i32_0 = arith.constant 0 : i32
    %c0_i32_1 = arith.constant 0 : i32
    return %c0_i32, %c0_i32_0 : i32, i32
  }
  func.func @transform_15(%arg0: i32) -> (i32, i32) {
    %c0_i32 = arith.constant 0 : i32
    %c0_i32_0 = arith.constant 0 : i32
    %c0_i32_1 = arith.constant 0 : i32
    return %c0_i32, %c0_i32_0 : i32, i32
  }
  func.func @transform_16(%arg0: i32) -> (i32, i32) {
    %c0_i32 = arith.constant 0 : i32
    %c0_i32_0 = arith.constant 0 : i32
    %c0_i32_1 = arith.constant 0 : i32
    return %c0_i32, %c0_i32_0 : i32, i32
  }
  func.func @transform_17(%arg0: i32) -> (i32, i32) {
    %c0_i32 = arith.constant 0 : i32
    %c0_i32_0 = arith.constant 0 : i32
    %c0_i32_1 = arith.constant 0 : i32
    return %c0_i32, %c0_i32_0 : i32, i32
  }
  func.func @transform_18(%arg0: i32) -> (i32, i32) {
    %c0_i32 = arith.constant 0 : i32
    %c0_i32_0 = arith.constant 0 : i32
    %c0_i32_1 = arith.constant 0 : i32
    return %c0_i32, %c0_i32_0 : i32, i32
  }
  func.func @transform_19(%arg0: i32) -> (i32, i32) {
    %c0_i32 = arith.constant 0 : i32
    %c0_i32_0 = arith.constant 0 : i32
    %c0_i32_1 = arith.constant 0 : i32
    return %c0_i32, %c0_i32_0 : i32, i32
  }
  func.func @transform_20(%arg0: i32) -> (i32, i32) {
    %c0_i32 = arith.constant 0 : i32
    %c0_i32_0 = arith.constant 0 : i32
    %c0_i32_1 = arith.constant 0 : i32
    return %c0_i32, %c0_i32_0 : i32, i32
  }
  func.func @transform_21(%arg0: i32) -> (i32, i32) {
    %c0_i32 = arith.constant 0 : i32
    %c0_i32_0 = arith.constant 0 : i32
    %c0_i32_1 = arith.constant 0 : i32
    return %c0_i32, %c0_i32_0 : i32, i32
  }
  func.func @transform_22(%arg0: i32) -> (i32, i32) {
    %c0_i32 = arith.constant 0 : i32
    %c0_i32_0 = arith.constant 0 : i32
    %c0_i32_1 = arith.constant 0 : i32
    return %c0_i32, %c0_i32_0 : i32, i32
  }
  func.func @transform_23(%arg0: i32) -> (i32, i32) {
    %c0_i32 = arith.constant 0 : i32
    %c0_i32_0 = arith.constant 0 : i32
    %c0_i32_1 = arith.constant 0 : i32
    return %c0_i32, %c0_i32_0 : i32, i32
  }
  func.func @transform_24(%arg0: i32) -> (i32, i32) {
    %c0_i32 = arith.constant 0 : i32
    %c0_i32_0 = arith.constant 0 : i32
    return %arg0, %c0_i32 : i32, i32
  }
  func.func @transform_25(%arg0: i32) -> (i32, i32, i32) {
    %c0_i32 = arith.constant 0 : i32
    %c0_i32_0 = arith.constant 0 : i32
    %c0_i32_1 = arith.constant 0 : i32
    return %c0_i32, %arg0, %c0_i32_0 : i32, i32, i32
  }
}

module attributes {stable_mosaic.version = 14 : i64} {
  func.func @body(%arg0: i32, %arg1: memref<5000x128xf32, #tpu.memory_space<vmem>>, %arg2: memref<128x128xf32, #tpu.memory_space<vmem>>, %arg3: memref<1x128xf32, #tpu.memory_space<vmem>>, %arg4: memref<128x128xf32, #tpu.memory_space<vmem>>, %arg5: memref<1x128xf32, #tpu.memory_space<vmem>>, %arg6: memref<128x256xf32, #tpu.memory_space<vmem>>, %arg7: memref<1x256xf32, #tpu.memory_space<vmem>>, %arg8: memref<128x128xf32, #tpu.memory_space<vmem>>, %arg9: memref<5000x256xf32, #tpu.memory_space<vmem>>) attributes {dimension_semantics = [#tpu.dimension_semantics<arbitrary>], iteration_bounds = array<i64: 5>, scalar_prefetch = 0 : i64, scratch_operands = 0 : i64, tpu.core_type = #tpu.core_type<tc>, window_params = [{transform_indices = @transform_0, window_bounds = array<i64: 5000, 128>}, {pipeline_mode = #tpu.pipeline_mode<synchronous>, transform_indices = @transform_1, window_bounds = array<i64: 128, 128>}, {pipeline_mode = #tpu.pipeline_mode<synchronous>, transform_indices = @transform_2, window_bounds = array<i64: 1, 128>}, {pipeline_mode = #tpu.pipeline_mode<synchronous>, transform_indices = @transform_3, window_bounds = array<i64: 128, 128>}, {pipeline_mode = #tpu.pipeline_mode<synchronous>, transform_indices = @transform_4, window_bounds = array<i64: 1, 128>}, {pipeline_mode = #tpu.pipeline_mode<synchronous>, transform_indices = @transform_5, window_bounds = array<i64: 128, 256>}, {pipeline_mode = #tpu.pipeline_mode<synchronous>, transform_indices = @transform_6, window_bounds = array<i64: 1, 256>}, {pipeline_mode = #tpu.pipeline_mode<synchronous>, transform_indices = @transform_7, window_bounds = array<i64: 128, 128>}, {transform_indices = @transform_8, window_bounds = array<i64: 5000, 256>}]} {
    %get3A = arith.constant 0 : index
    %get3A_0 = arith.constant 0 : index
    %get3A_1 = vector.load %arg2[%get3A, %get3A_0] : memref<128x128xf32, #tpu.memory_space<vmem>>, vector<128x128xf32>
    %get3A_2 = arith.constant 0 : index
    %get3A_3 = arith.constant 0 : index
    %get3A_4 = vector.load %arg3[%get3A_2, %get3A_3] : memref<1x128xf32, #tpu.memory_space<vmem>>, vector<1x128xf32>
    %get3A_5 = arith.constant 0 : index
    %get3A_6 = arith.constant 0 : index
    %get3A_7 = vector.load %arg4[%get3A_5, %get3A_6] : memref<128x128xf32, #tpu.memory_space<vmem>>, vector<128x128xf32>
    %get3A_8 = arith.constant 0 : index
    %get3A_9 = arith.constant 0 : index
    %get3A_10 = vector.load %arg5[%get3A_8, %get3A_9] : memref<1x128xf32, #tpu.memory_space<vmem>>, vector<1x128xf32>
    %get3A_11 = arith.constant 0 : index
    %get3A_12 = arith.constant 0 : index
    %get3A_13 = vector.load %arg6[%get3A_11, %get3A_12] : memref<128x256xf32, #tpu.memory_space<vmem>>, vector<128x256xf32>
    %get3A_14 = arith.constant 0 : index
    %get3A_15 = arith.constant 0 : index
    %get3A_16 = vector.load %arg7[%get3A_14, %get3A_15] : memref<1x256xf32, #tpu.memory_space<vmem>>, vector<1x256xf32>
    %get3A_17 = arith.constant 0 : index
    %get3A_18 = arith.constant 0 : index
    %get3A_19 = vector.load %arg1[%get3A_17, %get3A_18] : memref<5000x128xf32, #tpu.memory_space<vmem>>, vector<5000x128xf32>
    %dot_general3A = arith.constant dense<0.000000e+00> : vector<5000x128xf32>
    %dot_general3A_20 = tpu.matmul %get3A_19, %get3A_1, %dot_general3A {dimension_numbers = #tpu.dot_dimension_numbers<[1], [0], [0], [1], [0, 0, 1, 1], [], []>, transpose_lhs_hint = false} : vector<5000x128xf32>, vector<128x128xf32>, vector<5000x128xf32> -> vector<5000x128xf32>
    %add3A = vector.broadcast %get3A_4 : vector<1x128xf32> to vector<5000x128xf32>
    %add3A_21 = arith.addf %dot_general3A_20, %add3A : vector<5000x128xf32>
    %mul3A = arith.constant 5.000000e-01 : f32
    %mul3A_22 = vector.broadcast %mul3A : f32 to vector<5000x128xf32>
    %mul3A_23 = arith.mulf %mul3A_22, %add3A_21 : vector<5000x128xf32>
    %mul3A_24 = arith.constant 0.707106769 : f32
    %mul3A_25 = vector.broadcast %mul3A_24 : f32 to vector<5000x128xf32>
    %mul3A_26 = arith.mulf %add3A_21, %mul3A_25 : vector<5000x128xf32>
    %erf3A = math.erf %mul3A_26 : vector<5000x128xf32>
    %add3A_27 = arith.constant 1.000000e+00 : f32
    %add3A_28 = vector.broadcast %add3A_27 : f32 to vector<5000x128xf32>
    %add3A_29 = arith.addf %add3A_28, %erf3A : vector<5000x128xf32>
    %mul3A_30 = arith.mulf %mul3A_23, %add3A_29 : vector<5000x128xf32>
    %dot_general3A_31 = arith.constant dense<0.000000e+00> : vector<5000x128xf32>
    %dot_general3A_32 = tpu.matmul %mul3A_30, %get3A_7, %dot_general3A_31 {dimension_numbers = #tpu.dot_dimension_numbers<[1], [0], [0], [1], [0, 0, 1, 1], [], []>, transpose_lhs_hint = false} : vector<5000x128xf32>, vector<128x128xf32>, vector<5000x128xf32> -> vector<5000x128xf32>
    %add3A_33 = vector.broadcast %get3A_10 : vector<1x128xf32> to vector<5000x128xf32>
    %add3A_34 = arith.addf %dot_general3A_32, %add3A_33 : vector<5000x128xf32>
    %mul3A_35 = arith.constant 5.000000e-01 : f32
    %mul3A_36 = vector.broadcast %mul3A_35 : f32 to vector<5000x128xf32>
    %mul3A_37 = arith.mulf %mul3A_36, %add3A_34 : vector<5000x128xf32>
    %mul3A_38 = arith.constant 0.707106769 : f32
    %mul3A_39 = vector.broadcast %mul3A_38 : f32 to vector<5000x128xf32>
    %mul3A_40 = arith.mulf %add3A_34, %mul3A_39 : vector<5000x128xf32>
    %erf3A_41 = math.erf %mul3A_40 : vector<5000x128xf32>
    %add3A_42 = arith.constant 1.000000e+00 : f32
    %add3A_43 = vector.broadcast %add3A_42 : f32 to vector<5000x128xf32>
    %add3A_44 = arith.addf %add3A_43, %erf3A_41 : vector<5000x128xf32>
    %mul3A_45 = arith.mulf %mul3A_37, %add3A_44 : vector<5000x128xf32>
    %dot_general3A_46 = arith.constant dense<0.000000e+00> : vector<5000x256xf32>
    %dot_general3A_47 = tpu.matmul %mul3A_45, %get3A_13, %dot_general3A_46 {dimension_numbers = #tpu.dot_dimension_numbers<[1], [0], [0], [1], [0, 0, 1, 1], [], []>, transpose_lhs_hint = false} : vector<5000x128xf32>, vector<128x256xf32>, vector<5000x256xf32> -> vector<5000x256xf32>
    %add3A_48 = vector.broadcast %get3A_16 : vector<1x256xf32> to vector<5000x256xf32>
    %add3A_49 = arith.addf %dot_general3A_47, %add3A_48 : vector<5000x256xf32>
    %swap3A = arith.constant 0 : index
    %swap3A_50 = arith.constant 0 : index
    %swap3A_51 = vector.load %arg9[%swap3A, %swap3A_50] : memref<5000x256xf32, #tpu.memory_space<vmem>>, vector<5000x256xf32>
    tpu.vector_store %arg9[%swap3A, %swap3A_50], %add3A_49 {strides = array<i32>} : memref<5000x256xf32, #tpu.memory_space<vmem>>, vector<5000x256xf32>,
    return
  }
  func.func @transform_0(%arg0: i32) -> (i32, i32) {
    %c0_i32 = arith.constant 0 : i32
    %c0_i32_0 = arith.constant 0 : i32
    return %arg0, %c0_i32 : i32, i32
  }
  func.func @transform_1(%arg0: i32) -> (i32, i32) {
    %c0_i32 = arith.constant 0 : i32
    %c0_i32_0 = arith.constant 0 : i32
    %c0_i32_1 = arith.constant 0 : i32
    return %c0_i32, %c0_i32_0 : i32, i32
  }
  func.func @transform_2(%arg0: i32) -> (i32, i32) {
    %c0_i32 = arith.constant 0 : i32
    %c0_i32_0 = arith.constant 0 : i32
    %c0_i32_1 = arith.constant 0 : i32
    return %c0_i32, %c0_i32_0 : i32, i32
  }
  func.func @transform_3(%arg0: i32) -> (i32, i32) {
    %c0_i32 = arith.constant 0 : i32
    %c0_i32_0 = arith.constant 0 : i32
    %c0_i32_1 = arith.constant 0 : i32
    return %c0_i32, %c0_i32_0 : i32, i32
  }
  func.func @transform_4(%arg0: i32) -> (i32, i32) {
    %c0_i32 = arith.constant 0 : i32
    %c0_i32_0 = arith.constant 0 : i32
    %c0_i32_1 = arith.constant 0 : i32
    return %c0_i32, %c0_i32_0 : i32, i32
  }
  func.func @transform_5(%arg0: i32) -> (i32, i32) {
    %c0_i32 = arith.constant 0 : i32
    %c0_i32_0 = arith.constant 0 : i32
    %c0_i32_1 = arith.constant 0 : i32
    return %c0_i32, %c0_i32_0 : i32, i32
  }
  func.func @transform_6(%arg0: i32) -> (i32, i32) {
    %c0_i32 = arith.constant 0 : i32
    %c0_i32_0 = arith.constant 0 : i32
    %c0_i32_1 = arith.constant 0 : i32
    return %c0_i32, %c0_i32_0 : i32, i32
  }
  func.func @transform_7(%arg0: i32) -> (i32, i32) {
    %c0_i32 = arith.constant 0 : i32
    %c0_i32_0 = arith.constant 0 : i32
    %c0_i32_1 = arith.constant 0 : i32
    return %c0_i32, %c0_i32_0 : i32, i32
  }
  func.func @transform_8(%arg0: i32) -> (i32, i32) {
    %c0_i32 = arith.constant 0 : i32
    %c0_i32_0 = arith.constant 0 : i32
    return %arg0, %c0_i32 : i32, i32
  }
}

</mosaic_0001>

<sc_bundles>
// kernel: kernel.12.cloned.1.call-start
scs
__scs_entry_jumppad:
0x0: {  	(pc) =	sbr.rel $0x88, $3  }
0x1: {  	(tag) =	ssettag $0x0;
	lr =	simm.s32 $0x1  }
0x2: {  	[smem:$0x3F5F] =	sst lr;
	_ =	strace $0xD0000000  }
0x3: {  	_ = 	snop  }
0x4: {  	_ = 	snop  }
0x5: {  	_ = 	snop  }
0x6: {  	_ = 	snop  }
0x7: {  	_ = 	snop  }
__scs_overlays_trampoline_lowered:
0x8: {  	[smem:$0x3F6E] =	sst s0  }
0x9: {  	[smem:$0x3F6F] =	sst s1  }
0xa: {  	[smem:$0x3F70] =	sst s2  }
0xb: {  	[smem:$0x3F71] =	sst s3  }
0xc: {  	[smem:$0x3F72] =	sst s4  }
0xd: {  	[smem:$0x3F73] =	sst s5  }
0xe: {  	[smem:$0x3F74] =	sst s6  }
0xf: {  	[smem:$0x3F75] =	sst s7  }
0x10: {  	[smem:$0x3F76] =	sst s8  }
0x11: {  	[smem:$0x3F77] =	sst s9;
	s0 =	simm.s32 @!p0 $0x0  }
0x12: {  	s1 =	sld [smem:$0x3F5D];
	s0 =	simm.s32 @p0 $0x1  }
0x13: {  	[smem:$0x3F78] =	sst s0;
	s0 =	simm.s32 @!p1 $0x0  }
0x14: {  	s2 =	sld [smem:$0x3F5C];
	s0 =	simm.s32 @p1 $0x1  }
0x15: {  	[smem:$0x3F79] =	sst s0;
	s0 =	simm.s32 @!p2 $0x0  }
0x16: {  	s3 =	sld [smem:$0x3FDB];
	s0 =	simm.s32 @p2 $0x1  }
0x17: {  	s4 =	simm.s32 $0x1BF5;
	[smem:$0x3F7B] =	sst s0  }
0x18: {  	s0 =	sld [smem:$0x3F5E];
	_ =	swait.ge [sflag:s4], $0x0  }
0x19: {  	s7 =	sld [smem:$0x3F5F]  }
0x1a: {  	s8 =	sadd.s32 $0xFFFFE003, lr  }
0x1b: {  	s9 =	sadd.s32 $0xFFFFFEF7, lr;
	s5 =	simm.s32 $0xFFFFFFFF;
	p2 =	slt.u32 s8, $0xFFFFF086  }
0x1c: {  	p1 =	slt.u32 s9, $0xF7A;
	s5 =	simm.s32 @!p2 $0x0  }
0x1d: {  	s5 =	simm.s32 @p1 $0x1;
	p0 =	seq.s32 s7, s2  }
0x1e: {  	s7 =	smul.u32 @!p0 $0xF7A, s2;
	p2 =	seq.s32 @!p0 s5, $0x0  }
0x1f: {  	s9 =	smul.u32 $0xF7A, s1;
	s8 =	simm.s32 @!p0 $0x1BF5;
	p2 =	por !p2, p0  }
0x20: {  	[sflag:s8] =	ssyncset.s32 @!p0 $0xFFFFF086;
	s6 =	sadd.s32 @!p0 s3, s7;
	s7 =	simm.s32 @!p0 $0x108  }
0x21: {  	s3 =	sadd.s32 s3, s9;
	s6 =	sadd.s32 @!p0 $0x88, s6;
	s7 =	simm.s32 @p2 $0x1082  }
0x22: {  	[simem:s7], [sflag:s8] =	dma.local @!p0 [hbm:s6], $0xF7A  }
0x23: {  	s9 =	sor.u32 $0xD0000000, s2;
	s6 =	simm.s32 $0x108;
	_ =	swait.ge @!p0 [sflag:s8], $0x0  }
0x24: {  	s3 =	sadd.s32 $0x88, s3;
	s6 =	simm.s32 @!p1 $0x1082;
	[sflag:s4] =	ssyncset.s32 $0xFFFFF086  }
0x25: {  	[simem:s6], [sflag:s4] =	dma.local [hbm:s3], $0xF7A  }
0x26: {  	[smem:$0x3F5F] =	sst s1;
	(tag) =	ssettag s2;
	_ =	strace s9  }
0x27: {  	s1 =	sld [smem:$0x3F6F]  }
0x28: {  	s2 =	sld [smem:$0x3F70]  }
0x29: {  	s4 =	sld [smem:$0x3F72]  }
0x2a: {  	p0 =	seq.s32 s5, $0x0;
	s5 =	sld [smem:$0x3F73]  }
0x2b: {  	s6 =	sld [smem:$0x3F74]  }
0x2c: {  	s7 =	sld [smem:$0x3F75]  }
0x2d: {  	s3 =	simm.s32 $0x108;
	s8 =	sld [smem:$0x3F76]  }
0x2e: {  	s3 =	simm.s32 @!p0 $0x1082;
	s9 =	sld [smem:$0x3F77]  }
0x2f: {  	lr =	sadd.s32 s0, s3;
	s0 =	sld [smem:$0x3F6E]  }
0x30: {  	s3 =	sld [smem:$0x3F71]  }
0x31: {  	[smem:$0x3F7A] =	sst s10  }
0x32: {  	s10 =	sld [smem:$0x3F78];
	_ =	sdelay $0x3  }
0x33: {  	p0 =	seq.s32 s10, $0x1;
	s10 =	sld [smem:$0x3F7A];
	_ =	sdelay $0x3  }
0x34: {  	[smem:$0x3F7A] =	sst s10  }
0x35: {  	s10 =	sld [smem:$0x3F79];
	_ =	sdelay $0x3  }
0x36: {  	p1 =	seq.s32 s10, $0x1;
	s10 =	sld [smem:$0x3F7A];
	_ =	sdelay $0x3  }
0x37: {  	[smem:$0x3F7A] =	sst s10  }
0x38: {  	s10 =	sld [smem:$0x3F7B]  }
0x39: {  	_ = 	snop;
	(pc) =	sbr.ind lr, $3  }
0x3a: {  	_ = 	snop  }
0x3b: {  	_ = 	snop  }
0x3c: {  	p2 =	seq.s32 s10, $0x1;
	s10 =	sld [smem:$0x3F7A]  }
0x3d: {  	_ =	shalt  }
0x3e: {  	_ =	shalt  }
0x3f: {  	_ =	shalt  }
0x40: {  	_ =	shalt  }
0x41: {  	_ =	shalt  }
0x42: {  	_ =	shalt  }
0x43: {  	_ =	shalt  }
0x44: {  	_ =	shalt  }
0x45: {  	_ =	shalt  }
0x46: {  	_ =	shalt  }
0x47: {  	_ =	shalt  }
0x48: {  	_ =	shalt  }
0x49: {  	_ =	shalt  }
0x4a: {  	_ =	shalt  }
0x4b: {  	_ =	shalt  }
0x4c: {  	_ =	shalt  }
0x4d: {  	_ =	shalt  }
0x4e: {  	_ =	shalt  }
0x4f: {  	_ =	shalt  }
0x50: {  	_ =	shalt  }
0x51: {  	_ =	shalt  }
0x52: {  	_ =	shalt  }
0x53: {  	_ =	shalt  }
0x54: {  	_ =	shalt  }
0x55: {  	_ =	shalt  }
0x56: {  	_ =	shalt  }
0x57: {  	_ =	shalt  }
0x58: {  	_ =	shalt  }
0x59: {  	_ =	shalt  }
0x5a: {  	_ =	shalt  }
0x5b: {  	_ =	shalt  }
0x5c: {  	_ =	shalt  }
0x5d: {  	_ =	shalt  }
0x5e: {  	_ =	shalt  }
0x5f: {  	_ =	shalt  }
0x60: {  	_ =	shalt  }
0x61: {  	_ =	shalt  }
0x62: {  	_ =	shalt  }
0x63: {  	_ =	shalt  }
0x64: {  	_ =	shalt  }
0x65: {  	_ =	shalt  }
0x66: {  	_ =	shalt  }
0x67: {  	_ =	shalt  }
0x68: {  	_ =	shalt  }
0x69: {  	_ =	shalt  }
0x6a: {  	_ =	shalt  }
0x6b: {  	_ =	shalt  }
0x6c: {  	_ =	shalt  }
0x6d: {  	_ =	shalt  }
0x6e: {  	_ =	shalt  }
0x6f: {  	_ =	shalt  }
0x70: {  	_ =	shalt  }
0x71: {  	_ =	shalt  }
0x72: {  	_ =	shalt  }
0x73: {  	_ =	shalt  }
0x74: {  	_ =	shalt  }
0x75: {  	_ =	shalt  }
0x76: {  	_ =	shalt  }
0x77: {  	_ =	shalt  }
0x78: {  	_ =	shalt  }
0x79: {  	_ =	shalt  }
0x7a: {  	_ =	shalt  }
0x7b: {  	_ =	shalt  }
0x7c: {  	_ =	shalt  }
0x7d: {  	_ =	shalt  }
0x7e: {  	_ =	shalt  }
0x7f: {  	_ =	shalt  }
0x80: {  	_ =	shalt  }
0x81: {  	_ =	shalt  }
0x82: {  	_ =	shalt  }
0x83: {  	_ =	shalt  }
0x84: {  	_ =	shalt  }
0x85: {  	_ =	shalt  }
0x86: {  	_ =	shalt  }
0x87: {  	_ =	shalt  }
.Lfunc_end0:
.L_simem_size_0:
called_computation_lowered:
.L_overlay_start_0:
0x88: {  	s2 =	sld [smem:$0x3FD9]  }
0x89: {  	s3 =	sld [smem:$0x3FFE];
	_ =	sdelay $0x1  }
0x8a: {  	s1 =	srdreg.scid  }
0x8b: {  	s0 =	sand.u32 $0x1, s1  }
0x8c: {  	s16 =	sshll.u32 s0, $0xA;
	s2 =	sadd.s32 s3, s2  }
0x8d: {  	s2 =	sadd.s32 s2, s16  }
0x8e: {  	[smem:$0x3F86] =	sst s2  }
0x8f: {  	_ = 	snop  }
0x90: {  	(tm) =	ssettm $0x1  }
0x91: {  	s17 =	sld [smem:$0x3FFB];
	_ =	sdelay $0x3  }
0x92: {  	_ =	strace s17  }
0x93: {  	s2 =	sld [smem:$0x3FFC];
	_ =	sdelay $0x3  }
0x94: {  	_ =	strace s2  }
0x95: {  	s2 =	sld [smem:$0x3FFD];
	_ =	sdelay $0x3  }
0x96: {  	_ =	strace s2  }
0x97: {  	_ =	strace $0x8FFFFFFF  }
0x98: {  	s18 =	sld [smem:$0x3FDB];
	_ =	sdelay $0x1  }
0x99: {  	s19 =	simm.s32 $_scs_section_size  }
0x9a: {  	s4 =	simm.s32 $_size__tile_overlayer_lowered;
	s5 =	simm.s32 $_tile_overlayer_lowered  }
0x9b: {  	s22 =	simm.s32 $0x1BFF;
	s21 =	sshll.u32 s5, $0x1;
	s2 =	sadd.s32 s19, s18  }
0x9c: {  	s6 =	simm.s32 $0x0;
	s20 =	sshll.u32 s4, $0x1;
	s4 =	sadd.s32 s21, s2  }
0x9d: {  	[timem:s6], [sflag:s22] =	dma.local [hbm:s4], s20  }
0x9e: {  	_ =	swait.ge [sflag:s22], s20  }
0x9f: {  	s3 =	ssub.s32 $0x0, s20;
	[sflag:s22] =	ssyncset.done $0x0  }
0xa0: {  	[sflag:s22] =	ssyncadd.s32 s3;
	_ =	sdelay $0x1  }
0xa1: {  	s23 =	simm.s32 $0x1B8B  }
0xa2: {  	_ =	swait.ge [sflag:s23], $0x1  }
0xa3: {  	[sflag:s23] =	ssyncset.done $0x0  }
0xa4: {  	s25 =	simm.s32 $0x1B8E;
	s24 =	sld [smem:$0x3FFE];
	[sflag:s23] =	ssyncadd.s32 $0xFFFFFFFF  }
0xa5: {  	s26 =	simm.s32 $execute0_lowered;
	[smem:$0x3FD2] =	sst s25  }
0xa6: {  	s4 =	sshll.u32 s26, $0x1;
	_ =	strace $0x80000046;
	[dreg:$0x1] =	wrdreg $0xFFFFFFFF  }
0xa7: {  	s28 =	simm.s32 $_size_execute0_lowered;
	s2 =	sadd.s32 s2, s4;
	[dreg:$0x0] =	wrdreg $0x0  }
0xa8: {  	s4 =	sshll.u32 s28, $0x1;
	[dreg:$0x2] =	wrdreg s2  }
0xa9: {  	[dreg:$0x3] =	wrdreg s4  }
0xaa: {  	[dreg:$0x4] =	wrdreg $0xC0  }
0xab: {  	_ =	task [dreg:s6], $0x5FFFF  }
0xac: {  	[dreg:$0x1] =	wrdreg $0xFFFFFFFF  }
0xad: {  	[dreg:$0x0] =	wrdreg $0x60  }
0xae: {  	[dreg:$0x2] =	wrdreg s24  }
0xaf: {  	[dreg:$0x3] =	wrdreg $0x9  }
0xb0: {  	_ =	task.clear_ibuf [dreg:s6], $0x4FFFF;
	_ =	strace $0x90000046  }
0xb1: {  	s29 =	simm.s32 $0x9;
	_ =	strace $0x80000048  }
0xb2: {  	_ =	swait.ge [sflag:s29], $0x1  }
0xb3: {  	[sflag:s29] =	ssyncadd.s32 $0xFFFFFFFF  }
0xb4: {  	_ =	strace $0x90000048  }
0xb5: {  	_ =	sfence  }
0xb6: {  	s30 =	sld [smem:$0x0];
	_ =	sdelay $0x2  }
0xb7: {  	s31 =	sshll.u32 s1, $0xD;
	s1 =	sshrl.u32 s1, $0x2  }
0xb8: {  	s3 =	sand.u32 $0x4000, s31;
	s1 =	sadd.s32 s1, s30  }
0xb9: {  	s0 =	sor.u32 s3, s0;
	s1 =	sshll.u32 s1, $0x11  }
0xba: {  	s0 =	sor.u32 s1, s0  }
0xbb: {  	s0 =	sadd.s32 $0x8F2B, s0  }
0xbc: {  	[sflag:s0] =	ssyncadd.remote.s32 $0x1  }
0xbd: {  	_ =	sfence.sel $0xFFFF  }
0xbe: {  	[dreg:$0x0] =	wrdreg $0xFFFFFFFF;
	(pc) =	sbr.abs _section_cstart, $3  }
0xbf: {  	[dreg:$0x1] =	wrdreg $0xFFFFFFFF  }
0xc0: {  	_ =	task.clear_ibuf [dreg:s6], $0x2FFFF;
	_ =	strace $0x9FFFFFFF  }
0xc1: {  	(tm) =	ssettm $0x7FFFFFFF  }
tec
execute0_lowered:
.L_overlay_start_1:
0x0: {  	(tag) =	ssettag $0x1  }
0x1: {  	s4 =	rddreg [dreg:$0x0]  }
0x2: {  	s3 =	srdreg.scid;
	s0 =	stileid.u32  }
0x3: {  	s2 =	simm.s32 $0x0;
	s11 =	simm.s32 $0x100;
	s12 =	simm.s32 $0x7100  }
0x4: {  	s13 =	simm.s32 $0x180;
	s14 =	simm.s32 $0x9100;
	s15 =	simm.s32 $0x9  }
0x5: {  	s16 =	simm.s32 $0xA;
	s17 =	simm.s32 $0xB;
	s18 =	simm.s32 $0xC  }
0x6: {  	s19 =	simm.s32 $0x7;
	s20 =	simm.s32 $0x8;
	s21 =	simm.s32 $0x0  }
0x7: {  	s3 =	sand.u32 $0x1, s3;
	s5 =	smul.u32 $0x188000, s0;
	[smem:$0x7FF] =	sst s2  }
0x8: {  	s6 =	sshll.u32 s0, $0x1;
	s7 =	smul.u32 $0xC4000, s3;
	_ =	strace $0x80000047  }
0x9: {  	s6 =	sor.u32 s3, s6;
	s30 =	ssub.s32 $0x2, s3;
	s3 =	sadd.s32 $0x2D600, s4  }
0xa: {  	s6 =	smul.u32 $0x620, s6;
	s8 =	sshrl.u32 s30, $0x1;
	s5 =	sadd.s32 s7, s5  }
0xb: {  	s31 =	ssub.s32 s30, s8;
	s7 =	simm.s32 $0xD;
	s5 =	sshrl.u32 s5, $0x3  }
0xc: {  	s8 =	simm.s32 $0x80;
	s6 =	sadd.s32 s6, s4;
	s9 =	sadd.s32 s5, s4  }
0xd: {  	s4 =	sadd.s32 $0x21200, s6;
	s5 =	smax.u32 s31, $0x1;
	s6 =	sadd.s32 $0x8F200, s9  }
.LBB2_1:
0xe: {  	[tilespmem:s2], [sflag:$0xD] =	stream.linear.gather [hbm4b:s4+s2], $0x3100, $0x38;
	[tilespmem:$0xF100] =	vst v63  }
0xf: {  	p0 =	por $0x0, $0x0  }
0x10: {  	s0 =	simm.s32 $0x3100;
	_ =	swait.ge [sflag:s7], $0x3100;
	p1 =	por @!p0 $0x1, $0x1  }
0x11: {  	s22 =	simm.s32 $0x4;
	[sflag:s7] =	ssyncset.done $0x0;
	p1 =	por p1, p0  }
0x12: {  	s24 =	smul.u32 $0xAB, s2;
	[sflag:s7] =	ssyncadd.s32 $0xFFFFCF00;
	s23 =	simm.s32 @!p1 $0xFFFFFFFE  }
0x13: {  	[tilespmem:s0], [sflag:$0x1] =	stream.indirect.gather [hbm4b:s3+s8], $0x40, s2, s8, $0xb8;
	[tilespmem:$0xF100] =	vst v63  }
0x14: {  	s22 =	smul.u32 @!p0 $0xAB, s22;
	s24 =	sshrl.u32 s24, $0xA;
	s23 =	sand.u32 @!p1 $0xFF, s23  }
0x15: {  	s9 =	simm.s32 $0x5100;
	s24 =	sand.u32 $0x3F, s24;
	s23 =	smul.u32 @!p1 $0xAB, s23  }
0x16: {  	[tilespmem:s9], [sflag:$0x2] =	stream.indirect.gather [hbm4b:s3+s8], $0x40, s8, s8, $0xb8;
	[tilespmem:$0xF100] =	vst v63  }
0x17: {  	s22 =	sshrl.u32 @!p0 s22, $0xA;
	s24 =	smul.u32 $0x6, s24;
	s23 =	sshrl.u32 @!p1 s23, $0xA  }
0x18: {  	[tilespmem:s12], [sflag:$0x3] =	stream.indirect.gather [hbm4b:s3+s8], $0x40, s11, s8, $0xb8;
	[tilespmem:$0xF100] =	vst v63  }
0x19: {  	s22 =	sand.u32 @!p0 $0x3F, s22;
	s23 =	smul.u32 @!p1 $0x6, s23  }
0x1a: {  	[tilespmem:s14], [sflag:$0x4] =	stream.indirect.gather [hbm4b:s3+s8], $0x40, s13, s8, $0xb8;
	[tilespmem:$0xF100] =	vst v63  }
0x1b: {  	s26 =	simm.s32 $0x200;
	s25 =	smul.u32 @!p0 $0x6, s22;
	s23 =	ssub.s32 @!p1 $0xFFFFFFFE, s23  }
0x1c: {  	s22 =	simm.s32 $0x1;
	s24 =	ssub.s32 $0x0, s24;
	s23 =	sand.u32 @!p1 $0xFF, s23  }
0x1d: {  	s28 =	ssub.s32 @!p0 $0x4, s25;
	s25 =	simm.s32 $0x2;
	s23 =	sadd.s32 @!p1 $0x7, s23  }
0x1e: {  	s30 =	sand.u32 $0xFF, s24;
	s28 =	sand.u32 @!p0 $0xFF, s28;
	_ =	swait.ge @!p1 [sflag:s23], $0x2000  }
0x1f: {  	s29 =	sshll.u32 @!p0 s28, $0xD;
	s28 =	sadd.s32 @!p0 $0x1, s28;
	[sflag:s23] =	ssyncset.done @!p1 $0x0  }
0x20: {  	s24 =	sadd.s32 @!p0 $0x3100, s29;
	[sflag:s23] =	ssyncadd.s32 @!p1 $0xFFFFE000;
	s23 =	simm.s32 @!p0 $0x80  }
0x21: {  	[tilespmem:s24], [sflag:s28] =	stream.indirect.gather @!p0 [hbm4b:s3+s23], $0x40, s26, s23, $0xb8;
	[tilespmem:$0xF100] =	vst v63  }
0x22: {  	s10 =	sadd.s32 $0x1, s30;
	s29 =	sshll.u32 s30, $0xD;
	s23 =	sadd.s32 $0x400, s6  }
0x23: {  	s24 =	simm.s32 $0x280;
	s28 =	simm.s32 $0x5;
	_ =	swait.ge [sflag:s10], $0x2000  }
0x24: {  	p0 =	por $0x0, $0x0;
	s26 =	smov.u32 s6;
	[sflag:s10] =	ssyncset.done $0x0  }
0x25: {  	p2 =	por @!p0 $0x1, $0x1;
	s31 =	smul.u32 @!p0 $0xAB, s28;
	[sflag:s10] =	ssyncadd.s32 $0xFFFFE000  }
.LBB2_2:
0x26: {  	p2 =	por p2, p0  }
0x27: {  	s0 =	sadd.s32 $0x7, s30;
	s1 =	smov.u32 s25;
	s25 =	sadd.s32 $0x1, s25  }
0x28: {  	s29 =	sadd.s32 $0x3100, s29;
	s30 =	sadd.s32 @!p2 $0xFFFFFFFE, s22;
	s31 =	sshrl.u32 @!p0 s31, $0xA  }
0x29: {  	s10 =	smul.u32 $0xAB, s22;
	s9 =	sand.u32 @!p2 $0xFF, s30;
	s31 =	sand.u32 @!p0 $0x3F, s31  }
0x2a: {  	p1 =	sne.s32 s25, $0x62;
	s9 =	smul.u32 @!p2 $0xAB, s9  }
0x2b: {  	[hbm4b:s26+s2] =	stream.linear.scatter [tilespmem:s29], [sflag:s0], $0x2000, $0x38;
	[tilespmem:$0xF100] =	vst v63  }
0x2c: {  	s10 =	sshrl.u32 s10, $0xA;
	s0 =	sshrl.u32 @!p2 s9, $0xA;
	s9 =	smul.u32 @!p0 $0x6, s31  }
0x2d: {  	s10 =	sand.u32 $0x3F, s10;
	s26 =	smov.u32 s23;
	s0 =	smul.u32 @!p2 $0x6, s0  }
0x2e: {  	s10 =	smul.u32 $0x6, s10;
	s9 =	ssub.s32 @!p0 s28, s9  }
0x2f: {  	s0 =	ssub.s32 @!p2 s30, s0;
	s9 =	sand.u32 @!p0 $0xFF, s9  }
0x30: {  	s0 =	sand.u32 @!p2 $0xFF, s0;
	s28 =	sshll.u32 @!p0 s9, $0xD;
	s9 =	sadd.s32 @!p0 $0x1, s9  }
0x31: {  	s10 =	ssub.s32 s22, s10;
	s0 =	sadd.s32 @!p2 $0x7, s0;
	s28 =	sadd.s32 @!p0 $0x3100, s28  }
0x32: {  	s22 =	smov.u32 s1;
	s30 =	sand.u32 $0xFF, s10;
	_ =	swait.ge @!p2 [sflag:s0], $0x2000  }
0x33: {  	s29 =	sshll.u32 s30, $0xD;
	s1 =	sadd.s32 $0x1, s30;
	[sflag:s0] =	ssyncset.done @!p2 $0x0  }
.Ltmp0:
0x34: {  	[sflag:s0] =	ssyncadd.s32 @!p2 $0xFFFFE000;
	s0 =	simm.s32 @!p0 $0x80;
	(pc) =	sbr.rel @p1 .LBB2_2-.Ltmp0, $4  }
0x35: {  	[tilespmem:s28], [sflag:s9] =	stream.indirect.gather @!p0 [hbm4b:s3+s0], $0x40, s24, s0, $0xb8;
	[tilespmem:$0xF100] =	vst v63  }
0x36: {  	s23 =	sadd.s32 $0x400, s23;
	s24 =	sadd.s32 $0x80, s24;
	_ =	swait.ge [sflag:s1], $0x2000  }
0x37: {  	s28 =	sadd.s32 $0x4, s22;
	p0 =	sgt.u32 s22, $0x5D;
	[sflag:s1] =	ssyncset.done $0x0  }
0x38: {  	p2 =	slt.u32 @!p0 s22, $0x2;
	s31 =	smul.u32 @!p0 $0xAB, s28;
	[sflag:s1] =	ssyncadd.s32 $0xFFFFE000  }
0x39: {  	p1 =	por p2, p0  }
0x3a: {  	s0 =	sadd.s32 $0x7, s30;
	s29 =	sadd.s32 $0x3100, s29;
	s1 =	sadd.s32 @!p1 $0xFFFFFFFE, s22  }
0x3b: {  	[hbm4b:s26+s2] =	stream.linear.scatter [tilespmem:s29], [sflag:s0], $0x2000, $0x38;
	[tilespmem:$0xF100] =	vst v63  }
0x3c: {  	s10 =	sand.u32 @!p1 $0xFF, s1  }
0x3d: {  	s9 =	sshrl.u32 @!p0 s31, $0xA;
	s10 =	smul.u32 @!p1 $0xAB, s10  }
0x3e: {  	s25 =	smul.u32 $0xAB, s22;
	s9 =	sand.u32 @!p0 $0x3F, s9  }
0x3f: {  	s9 =	smul.u32 @!p0 $0x6, s9;
	s0 =	sshrl.u32 @!p1 s10, $0xA  }
0x40: {  	s0 =	smul.u32 @!p1 $0x6, s0  }
0x41: {  	s26 =	sshrl.u32 s25, $0xA  }
0x42: {  	s10 =	sand.u32 $0x3F, s26;
	s9 =	ssub.s32 @!p0 s28, s9;
	s0 =	ssub.s32 @!p1 s1, s0  }
0x43: {  	s29 =	smul.u32 $0x6, s10;
	s9 =	sand.u32 @!p0 $0xFF, s9;
	s0 =	sand.u32 @!p1 $0xFF, s0  }
0x44: {  	s10 =	sshll.u32 @!p0 s9, $0xD;
	s0 =	sadd.s32 @!p1 $0x7, s0  }
0x45: {  	s9 =	sadd.s32 @!p0 $0x1, s9;
	s1 =	ssub.s32 s22, s29;
	_ =	swait.ge @!p1 [sflag:s0], $0x2000  }
0x46: {  	s10 =	sadd.s32 @!p0 $0x3100, s10;
	s1 =	sand.u32 $0xFF, s1;
	[sflag:s0] =	ssyncset.done @!p1 $0x0  }
0x47: {  	s30 =	sadd.s32 $0x1, s1;
	[sflag:s0] =	ssyncadd.s32 @!p1 $0xFFFFE000;
	s0 =	simm.s32 @!p0 $0x80  }
0x48: {  	[tilespmem:s10], [sflag:s9] =	stream.indirect.gather @!p0 [hbm4b:s3+s0], $0x40, s24, s0, $0xb8;
	[tilespmem:$0xF100] =	vst v63  }
0x49: {  	_ =	swait.ge [sflag:s30], $0x2000  }
0x4a: {  	s31 =	sshll.u32 s1, $0xD;
	[sflag:s30] =	ssyncset.done $0x0  }
0x4b: {  	s1 =	sadd.s32 $0x7, s1;
	s0 =	sadd.s32 $0x3100, s31;
	[sflag:s30] =	ssyncadd.s32 $0xFFFFE000  }
0x4c: {  	[hbm4b:s23+s2] =	stream.linear.scatter [tilespmem:s0], [sflag:s1], $0x2000, $0x38;
	[tilespmem:$0xF100] =	vst v63  }
0x4d: {  	_ =	swait.ge [sflag:s15], $0x2000  }
0x4e: {  	[sflag:s15] =	ssyncset.done $0x0  }
0x4f: {  	[sflag:s15] =	ssyncadd.s32 $0xFFFFE000  }
0x50: {  	_ =	swait.ge [sflag:s16], $0x2000  }
0x51: {  	[sflag:s16] =	ssyncset.done $0x0  }
0x52: {  	[sflag:s16] =	ssyncadd.s32 $0xFFFFE000  }
0x53: {  	_ =	swait.ge [sflag:s17], $0x2000  }
0x54: {  	[sflag:s17] =	ssyncset.done $0x0  }
0x55: {  	[sflag:s17] =	ssyncadd.s32 $0xFFFFE000  }
0x56: {  	_ =	swait.ge [sflag:s18], $0x2000  }
0x57: {  	[sflag:s18] =	ssyncset.done $0x0  }
0x58: {  	s21 =	sadd.s32 $0x1, s21;
	[sflag:s18] =	ssyncadd.s32 $0xFFFFE000  }
0x59: {  	p0 =	sne.s32 s21, s5;
	_ =	swait.ge [sflag:s19], $0x2000  }
.Ltmp1:
0x5a: {  	[sflag:s19] =	ssyncset.done $0x0;
	(pc) =	sbr.rel @p0 .LBB2_1-.Ltmp1, $4  }
0x5b: {  	[sflag:s19] =	ssyncadd.s32 $0xFFFFE000  }
0x5c: {  	_ =	swait.ge [sflag:s20], $0x2000  }
0x5d: {  	[sflag:s20] =	ssyncset.done $0x0  }
0x5e: {  	[sflag:s20] =	ssyncadd.s32 $0xFFFFE000  }
0x5f: {  	_ =	sfence.sel $0x180000  }
0x60: {  	[bflag:$0x0] =	sbarrier.arrive $0xFFFF  }
0x61: {  	_ =	strace $0x90000047  }
0x62: {  	s0 =	stileid.u32;
	[bflag:$0x2] =	sbarrier.arrive $0xFFFF  }
0x63: {  	p0 =	sne.s32 s0, $0x0;
	s0 =	rddreg [dreg:$0x1]  }
0x64: {  	s0 =	sadd.s32 @!p0 $0x100000, s0  }
0x65: {  	[sflag:s0] =	ssyncadd.tile.s32 @!p0 $0x1;
	_ =	shalt  }
.Lfunc_end2:
_tile_overlayer_lowered:
.L_overlay_start_2:
0x66: {  	(tag) =	ssettag $0x2  }
0x67: {  	s0 =	rddreg [dreg:$0x0];
	s2 =	stileid.u32  }
0x68: {  	s1 =	rddreg [dreg:$0x1];
	p0 =	sne.s32 s2, $0x0  }
0x69: {  	s3 =	rddreg [dreg:$0x2];
	[bflag:$0x3] =	sbarrier.arrive $0xFFFF;
	s2 =	simm.s32 @!p0 $0x1C0D  }
0x6a: {  	[timem:s3], [sflag:s2] =	dma.local @!p0 [hbm:s0], s1  }
0x6b: {  	s0 =	simm.s32 @!p0 $0xD  }
0x6c: {  	_ =	swait.ge @!p0 [sflag:s0], s1  }
0x6d: {  	s1 =	ssub.s32 @!p0 $0x0, s1;
	[sflag:s0] =	ssyncset.done @!p0 $0x0  }
0x6e: {  	[sflag:s0] =	ssyncadd.s32 @!p0 s1  }
0x6f: {  	[bflag:$0x3] =	sbarrier.arrive $0xFFFF  }
0x70: {  	_ =	shalt  }

// kernel: kernel.15.cloned.1.call-start
scs
__scs_entry_jumppad:
0x0: {  	(pc) =	sbr.rel $0x88, $3  }
0x1: {  	(tag) =	ssettag $0x0;
	lr =	simm.s32 $0x1  }
0x2: {  	[smem:$0x3F5F] =	sst lr;
	_ =	strace $0xD0000000  }
0x3: {  	_ = 	snop  }
0x4: {  	_ = 	snop  }
0x5: {  	_ = 	snop  }
0x6: {  	_ = 	snop  }
0x7: {  	_ = 	snop  }
__scs_overlays_trampoline_lowered:
0x8: {  	[smem:$0x3F6E] =	sst s0  }
0x9: {  	[smem:$0x3F6F] =	sst s1  }
0xa: {  	[smem:$0x3F70] =	sst s2  }
0xb: {  	[smem:$0x3F71] =	sst s3  }
0xc: {  	[smem:$0x3F72] =	sst s4  }
0xd: {  	[smem:$0x3F73] =	sst s5  }
0xe: {  	[smem:$0x3F74] =	sst s6  }
0xf: {  	[smem:$0x3F75] =	sst s7  }
0x10: {  	[smem:$0x3F76] =	sst s8  }
0x11: {  	[smem:$0x3F77] =	sst s9;
	s0 =	simm.s32 @!p0 $0x0  }
0x12: {  	s1 =	sld [smem:$0x3F5D];
	s0 =	simm.s32 @p0 $0x1  }
0x13: {  	[smem:$0x3F78] =	sst s0;
	s0 =	simm.s32 @!p1 $0x0  }
0x14: {  	s2 =	sld [smem:$0x3F5C];
	s0 =	simm.s32 @p1 $0x1  }
0x15: {  	[smem:$0x3F79] =	sst s0;
	s0 =	simm.s32 @!p2 $0x0  }
0x16: {  	s3 =	sld [smem:$0x3FDB];
	s0 =	simm.s32 @p2 $0x1  }
0x17: {  	s4 =	simm.s32 $0x1BF5;
	[smem:$0x3F7B] =	sst s0  }
0x18: {  	s0 =	sld [smem:$0x3F5E];
	_ =	swait.ge [sflag:s4], $0x0  }
0x19: {  	s7 =	sld [smem:$0x3F5F]  }
0x1a: {  	s8 =	sadd.s32 $0xFFFFE003, lr  }
0x1b: {  	s9 =	sadd.s32 $0xFFFFFEF7, lr;
	s5 =	simm.s32 $0xFFFFFFFF;
	p2 =	slt.u32 s8, $0xFFFFF086  }
0x1c: {  	p1 =	slt.u32 s9, $0xF7A;
	s5 =	simm.s32 @!p2 $0x0  }
0x1d: {  	s5 =	simm.s32 @p1 $0x1;
	p0 =	seq.s32 s7, s2  }
0x1e: {  	s7 =	smul.u32 @!p0 $0xF7A, s2;
	p2 =	seq.s32 @!p0 s5, $0x0  }
0x1f: {  	s9 =	smul.u32 $0xF7A, s1;
	s8 =	simm.s32 @!p0 $0x1BF5;
	p2 =	por !p2, p0  }
0x20: {  	[sflag:s8] =	ssyncset.s32 @!p0 $0xFFFFF086;
	s6 =	sadd.s32 @!p0 s3, s7;
	s7 =	simm.s32 @!p0 $0x108  }
0x21: {  	s3 =	sadd.s32 s3, s9;
	s6 =	sadd.s32 @!p0 $0x88, s6;
	s7 =	simm.s32 @p2 $0x1082  }
0x22: {  	[simem:s7], [sflag:s8] =	dma.local @!p0 [hbm:s6], $0xF7A  }
0x23: {  	s9 =	sor.u32 $0xD0000000, s2;
	s6 =	simm.s32 $0x108;
	_ =	swait.ge @!p0 [sflag:s8], $0x0  }
0x24: {  	s3 =	sadd.s32 $0x88, s3;
	s6 =	simm.s32 @!p1 $0x1082;
	[sflag:s4] =	ssyncset.s32 $0xFFFFF086  }
0x25: {  	[simem:s6], [sflag:s4] =	dma.local [hbm:s3], $0xF7A  }
0x26: {  	[smem:$0x3F5F] =	sst s1;
	(tag) =	ssettag s2;
	_ =	strace s9  }
0x27: {  	s1 =	sld [smem:$0x3F6F]  }
0x28: {  	s2 =	sld [smem:$0x3F70]  }
0x29: {  	s4 =	sld [smem:$0x3F72]  }
0x2a: {  	p0 =	seq.s32 s5, $0x0;
	s5 =	sld [smem:$0x3F73]  }
0x2b: {  	s6 =	sld [smem:$0x3F74]  }
0x2c: {  	s7 =	sld [smem:$0x3F75]  }
0x2d: {  	s3 =	simm.s32 $0x108;
	s8 =	sld [smem:$0x3F76]  }
0x2e: {  	s3 =	simm.s32 @!p0 $0x1082;
	s9 =	sld [smem:$0x3F77]  }
0x2f: {  	lr =	sadd.s32 s0, s3;
	s0 =	sld [smem:$0x3F6E]  }
0x30: {  	s3 =	sld [smem:$0x3F71]  }
0x31: {  	[smem:$0x3F7A] =	sst s10  }
0x32: {  	s10 =	sld [smem:$0x3F78];
	_ =	sdelay $0x3  }
0x33: {  	p0 =	seq.s32 s10, $0x1;
	s10 =	sld [smem:$0x3F7A];
	_ =	sdelay $0x3  }
0x34: {  	[smem:$0x3F7A] =	sst s10  }
0x35: {  	s10 =	sld [smem:$0x3F79];
	_ =	sdelay $0x3  }
0x36: {  	p1 =	seq.s32 s10, $0x1;
	s10 =	sld [smem:$0x3F7A];
	_ =	sdelay $0x3  }
0x37: {  	[smem:$0x3F7A] =	sst s10  }
0x38: {  	s10 =	sld [smem:$0x3F7B]  }
0x39: {  	_ = 	snop;
	(pc) =	sbr.ind lr, $3  }
0x3a: {  	_ = 	snop  }
0x3b: {  	_ = 	snop  }
0x3c: {  	p2 =	seq.s32 s10, $0x1;
	s10 =	sld [smem:$0x3F7A]  }
0x3d: {  	_ =	shalt  }
0x3e: {  	_ =	shalt  }
0x3f: {  	_ =	shalt  }
0x40: {  	_ =	shalt  }
0x41: {  	_ =	shalt  }
0x42: {  	_ =	shalt  }
0x43: {  	_ =	shalt  }
0x44: {  	_ =	shalt  }
0x45: {  	_ =	shalt  }
0x46: {  	_ =	shalt  }
0x47: {  	_ =	shalt  }
0x48: {  	_ =	shalt  }
0x49: {  	_ =	shalt  }
0x4a: {  	_ =	shalt  }
0x4b: {  	_ =	shalt  }
0x4c: {  	_ =	shalt  }
0x4d: {  	_ =	shalt  }
0x4e: {  	_ =	shalt  }
0x4f: {  	_ =	shalt  }
0x50: {  	_ =	shalt  }
0x51: {  	_ =	shalt  }
0x52: {  	_ =	shalt  }
0x53: {  	_ =	shalt  }
0x54: {  	_ =	shalt  }
0x55: {  	_ =	shalt  }
0x56: {  	_ =	shalt  }
0x57: {  	_ =	shalt  }
0x58: {  	_ =	shalt  }
0x59: {  	_ =	shalt  }
0x5a: {  	_ =	shalt  }
0x5b: {  	_ =	shalt  }
0x5c: {  	_ =	shalt  }
0x5d: {  	_ =	shalt  }
0x5e: {  	_ =	shalt  }
0x5f: {  	_ =	shalt  }
0x60: {  	_ =	shalt  }
0x61: {  	_ =	shalt  }
0x62: {  	_ =	shalt  }
0x63: {  	_ =	shalt  }
0x64: {  	_ =	shalt  }
0x65: {  	_ =	shalt  }
0x66: {  	_ =	shalt  }
0x67: {  	_ =	shalt  }
0x68: {  	_ =	shalt  }
0x69: {  	_ =	shalt  }
0x6a: {  	_ =	shalt  }
0x6b: {  	_ =	shalt  }
0x6c: {  	_ =	shalt  }
0x6d: {  	_ =	shalt  }
0x6e: {  	_ =	shalt  }
0x6f: {  	_ =	shalt  }
0x70: {  	_ =	shalt  }
0x71: {  	_ =	shalt  }
0x72: {  	_ =	shalt  }
0x73: {  	_ =	shalt  }
0x74: {  	_ =	shalt  }
0x75: {  	_ =	shalt  }
0x76: {  	_ =	shalt  }
0x77: {  	_ =	shalt  }
0x78: {  	_ =	shalt  }
0x79: {  	_ =	shalt  }
0x7a: {  	_ =	shalt  }
0x7b: {  	_ =	shalt  }
0x7c: {  	_ =	shalt  }
0x7d: {  	_ =	shalt  }
0x7e: {  	_ =	shalt  }
0x7f: {  	_ =	shalt  }
0x80: {  	_ =	shalt  }
0x81: {  	_ =	shalt  }
0x82: {  	_ =	shalt  }
0x83: {  	_ =	shalt  }
0x84: {  	_ =	shalt  }
0x85: {  	_ =	shalt  }
0x86: {  	_ =	shalt  }
0x87: {  	_ =	shalt  }
.Lfunc_end0:
.L_simem_size_0:
called_computation.1_lowered:
.L_overlay_start_0:
0x88: {  	s2 =	sld [smem:$0x3FD9]  }
0x89: {  	s3 =	sld [smem:$0x3FFE];
	_ =	sdelay $0x1  }
0x8a: {  	s1 =	srdreg.scid  }
0x8b: {  	s0 =	sand.u32 $0x1, s1  }
0x8c: {  	s16 =	sshll.u32 s0, $0xA;
	s2 =	sadd.s32 s3, s2  }
0x8d: {  	s2 =	sadd.s32 s2, s16  }
0x8e: {  	[smem:$0x3F86] =	sst s2  }
0x8f: {  	_ = 	snop  }
0x90: {  	(tm) =	ssettm $0x1  }
0x91: {  	s17 =	sld [smem:$0x3FFB];
	_ =	sdelay $0x3  }
0x92: {  	_ =	strace s17  }
0x93: {  	s2 =	sld [smem:$0x3FFC];
	_ =	sdelay $0x3  }
0x94: {  	_ =	strace s2  }
0x95: {  	s2 =	sld [smem:$0x3FFD];
	_ =	sdelay $0x3  }
0x96: {  	_ =	strace s2  }
0x97: {  	_ =	strace $0x8FFFFFFF  }
0x98: {  	s18 =	sld [smem:$0x3FDB];
	_ =	sdelay $0x1  }
0x99: {  	s19 =	simm.s32 $_scs_section_size  }
0x9a: {  	s4 =	simm.s32 $_size__tile_overlayer_lowered;
	s5 =	simm.s32 $_tile_overlayer_lowered  }
0x9b: {  	s22 =	simm.s32 $0x1BFF;
	s21 =	sshll.u32 s5, $0x1;
	s2 =	sadd.s32 s19, s18  }
0x9c: {  	s6 =	simm.s32 $0x0;
	s20 =	sshll.u32 s4, $0x1;
	s4 =	sadd.s32 s21, s2  }
0x9d: {  	[timem:s6], [sflag:s22] =	dma.local [hbm:s4], s20  }
0x9e: {  	_ =	swait.ge [sflag:s22], s20  }
0x9f: {  	s3 =	ssub.s32 $0x0, s20;
	[sflag:s22] =	ssyncset.done $0x0  }
0xa0: {  	[sflag:s22] =	ssyncadd.s32 s3;
	_ =	sdelay $0x1  }
0xa1: {  	s23 =	simm.s32 $0x1B8B  }
0xa2: {  	_ =	swait.ge [sflag:s23], $0x1  }
0xa3: {  	[sflag:s23] =	ssyncset.done $0x0  }
0xa4: {  	s25 =	simm.s32 $0x1B8E;
	s24 =	sld [smem:$0x3FFE];
	[sflag:s23] =	ssyncadd.s32 $0xFFFFFFFF  }
0xa5: {  	s26 =	simm.s32 $execute0_lowered;
	[smem:$0x3FD2] =	sst s25  }
0xa6: {  	s4 =	sshll.u32 s26, $0x1;
	_ =	strace $0x80000049;
	[dreg:$0x1] =	wrdreg $0xFFFFFFFF  }
0xa7: {  	s28 =	simm.s32 $_size_execute0_lowered;
	s2 =	sadd.s32 s2, s4;
	[dreg:$0x0] =	wrdreg $0x0  }
0xa8: {  	s4 =	sshll.u32 s28, $0x1;
	[dreg:$0x2] =	wrdreg s2  }
0xa9: {  	[dreg:$0x3] =	wrdreg s4  }
0xaa: {  	[dreg:$0x4] =	wrdreg $0xC0  }
0xab: {  	_ =	task [dreg:s6], $0x5FFFF  }
0xac: {  	[dreg:$0x1] =	wrdreg $0xFFFFFFFF  }
0xad: {  	[dreg:$0x0] =	wrdreg $0x60  }
0xae: {  	[dreg:$0x2] =	wrdreg s24  }
0xaf: {  	[dreg:$0x3] =	wrdreg $0x61800  }
0xb0: {  	[dreg:$0x4] =	wrdreg $0x9  }
0xb1: {  	_ =	task.clear_ibuf [dreg:s6], $0x5FFFF;
	_ =	strace $0x90000049  }
0xb2: {  	s29 =	simm.s32 $0x9;
	_ =	strace $0x8000004B  }
0xb3: {  	_ =	swait.ge [sflag:s29], $0x1  }
0xb4: {  	[sflag:s29] =	ssyncadd.s32 $0xFFFFFFFF  }
0xb5: {  	_ =	strace $0x9000004B  }
0xb6: {  	_ =	sfence  }
0xb7: {  	s30 =	sld [smem:$0x0];
	_ =	sdelay $0x2  }
0xb8: {  	s31 =	sshll.u32 s1, $0xD;
	s1 =	sshrl.u32 s1, $0x2  }
0xb9: {  	s3 =	sand.u32 $0x4000, s31;
	s1 =	sadd.s32 s1, s30  }
0xba: {  	s0 =	sor.u32 s3, s0;
	s1 =	sshll.u32 s1, $0x11  }
0xbb: {  	s0 =	sor.u32 s1, s0  }
0xbc: {  	s0 =	sadd.s32 $0x8F2B, s0  }
0xbd: {  	[sflag:s0] =	ssyncadd.remote.s32 $0x1  }
0xbe: {  	_ =	sfence.sel $0xFFFF  }
0xbf: {  	[dreg:$0x0] =	wrdreg $0xFFFFFFFF;
	(pc) =	sbr.abs _section_cstart, $3  }
0xc0: {  	[dreg:$0x1] =	wrdreg $0xFFFFFFFF  }
0xc1: {  	_ =	task.clear_ibuf [dreg:s6], $0x2FFFF;
	_ =	strace $0x9FFFFFFF  }
0xc2: {  	(tm) =	ssettm $0x7FFFFFFF  }
0xc3: {  	_ =	shalt  }
tec
execute0_lowered:
.L_overlay_start_1:
0x0: {  	(tag) =	ssettag $0x1  }
0x1: {  	s0 =	rddreg [dreg:$0x0];
	s17 =	stileid.u32  }
0x2: {  	s2 =	rddreg [dreg:$0x1];
	s3 =	simm.s32 $0x0;
	s1 =	smul.u32 $0x31000, s17  }
0x3: {  	s4 =	srdreg.scid;
	s20 =	simm.s32 $0x80;
	s5 =	smul.u32 $0x61A00, s17  }
0x4: {  	[smem:$0x7FF] =	sst s3;
	s4 =	sand.u32 $0x1, s4;
	s10 =	smul.u32 $0x61A, s17  }
0x5: {  	s15 =	sadd.s32 $0x76FC00, s0;
	s8 =	sadd.s32 $0x2D600, s0;
	s24 =	smul.u32 $0x6200, s17  }
0x6: {  	s23 =	sshll.u32 s17, $0x6;
	s18 =	sadd.s32 $0x186800, s2;
	s7 =	smul.u32 $0x61A8, s4  }
0x7: {  	p0 =	sne.s32 s17, $0xF;
	s17 =	simm.s32 $0xA;
	s22 =	smul.u32 $0x186A00, s4  }
0x8: {  	_ =	strace $0x8000004A;
	s6 =	ssub.s32 $0x2, s4;
	s4 =	smul.u32 $0x62000, s4  }
0x9: {  	s18 =	sshrl.u32 @!p0 s18, $0x3;
	s1 =	sadd.s32 s1, s0;
	s9 =	sshrl.u32 s6, $0x1  }
0xa: {  	s0 =	sadd.s32 $0x6AC600, s0;
	s5 =	sshrl.u32 s5, $0x2;
	s13 =	ssub.s32 s6, s9  }
0xb: {  	s7 =	sadd.s32 s10, s7;
	s16 =	sadd.s32 s5, s2;
	s5 =	sor.u32 $0x1C0A, s23  }
0xc: {  	s6 =	sshrl.u32 s22, $0x3;
	s4 =	sadd.s32 s24, s4;
	s29 =	sadd.s32 $0x788400, s1  }
0xd: {  	s10 =	sadd.s32 $0x788800, s1;
	s14 =	sadd.s32 $0x788C00, s1;
	s22 =	simm.s32 $0x8  }
0xe: {  	s23 =	simm.s32 $0x9;
	s24 =	simm.s32 $0x7;
	s11 =	sshll.u32 s7, $0x3  }
0xf: {  	s12 =	sadd.s32 $0x30D00, s6;
	s26 =	sshrl.u32 s4, $0x3;
	s9 =	sor.u32 $0x80, s4  }
0x10: {  	[dreg:$0x6] =	wrdreg s29;
	s31 =	sor.u32 $0x100, s4;
	s13 =	smax.u32 s13, $0x1  }
0x11: {  	s16 =	sshrl.u32 s16, $0x3;
	s25 =	sadd.s32 s8, s11;
	s6 =	sadd.s32 s8, s12  }
0x12: {  	s28 =	sadd.s32 s15, s26;
	s9 =	sshrl.u32 s9, $0x3;
	[dreg:$0x3] =	wrdreg s25  }
0x13: {  	s11 =	sadd.s32 s0, s11;
	s12 =	sadd.s32 s0, s12;
	[dreg:$0x4] =	wrdreg s6  }
0x14: {  	s0 =	sshrl.u32 s31, $0x3;
	[dreg:$0x5] =	wrdreg s28;
	s30 =	sadd.s32 s15, s9  }
0x15: {  	s15 =	sadd.s32 s0, s15;
	s25 =	simm.s32 $0x0;
	[dreg:$0x7] =	wrdreg s30  }
.LBB2_1:
0x16: {  	s0 =	rddreg [dreg:$0x3]  }
0x17: {  	[spmem:s16], [sflag:s5] =	dma.local [hbm:s0], $0x30D0  }
0x18: {  	_ =	swait.ge [sflag:s17], $0x30D0  }
0x19: {  	[sflag:s17] =	ssyncset.done $0x0  }
0x1a: {  	s0 =	rddreg [dreg:$0x4];
	[sflag:s17] =	ssyncadd.s32 $0xFFFFCF30  }
0x1b: {  	[spmem:s18], [sflag:s5] =	dma.local @!p0 [hbm:s0], $0x40  }
0x1c: {  	s0 =	simm.s32 @!p0 $0xA  }
0x1d: {  	p1 =	por $0x0, $0x0;
	_ =	swait.ge @!p0 [sflag:s0], $0x40  }
0x1e: {  	p2 =	por @!p1 $0x1, $0x1;
	[sflag:s0] =	ssyncset.done @!p0 $0x0  }
0x1f: {  	p2 =	por p2, p1;
	[sflag:s0] =	ssyncadd.s32 @!p0 $0xFFFFFFC0  }
0x20: {  	s0 =	simm.s32 @!p2 $0xFFFFFFFF;
	[bflag:$0x0] =	sbarrier.arrive $0xFFFF  }
0x21: {  	s0 =	sand.u32 @!p2 $0xFF, s0;
	s9 =	rddreg [dreg:$0x5]  }
0x22: {  	[tilespmem:s3], [sflag:$0x1] =	stream.linear.gather [hbm4b:s9+s3], $0x80, $0x38;
	[tilespmem:$0x1E840] =	vst v63  }
0x23: {  	s1 =	simm.s32 $0x180;
	s19 =	rddreg [dreg:$0x6];
	s0 =	smul.u32 @!p2 $0xAB, s0  }
0x24: {  	[tilespmem:s1], [sflag:$0x4] =	stream.linear.gather [hbm4b:s19+s3], $0x2000, $0x38;
	[tilespmem:$0x1E840] =	vst v63  }
0x25: {  	s26 =	simm.s32 $0x2180;
	s4 =	smul.u32 $0xAB, s3;
	s1 =	simm.s32 $0x2  }
0x26: {  	s21 =	rddreg [dreg:$0x7];
	s0 =	sshrl.u32 @!p2 s0, $0x9;
	s1 =	smul.u32 @!p1 $0xAB, s1  }
0x27: {  	[tilespmem:s20], [sflag:$0x2] =	stream.linear.gather [hbm4b:s21+s3], $0x80, $0x38;
	[tilespmem:$0x1E840] =	vst v63  }
0x28: {  	s30 =	simm.s32 $0x2;
	s0 =	smul.u32 @!p2 $0x3, s0;
	s1 =	sshrl.u32 @!p1 s1, $0x9  }
0x29: {  	[tilespmem:s26], [sflag:$0x5] =	stream.linear.gather [hbm4b:s10+s3], $0x2000, $0x38;
	[tilespmem:$0x1E840] =	vst v63  }
0x2a: {  	s28 =	sadd.s32 $0x10, s15;
	s0 =	ssub.s32 @!p2 $0xFFFFFFFF, s0;
	s1 =	sand.u32 @!p1 $0x7F, s1  }
0x2b: {  	s4 =	sshrl.u32 s4, $0x9;
	s0 =	sand.u32 @!p2 $0xFF, s0;
	s1 =	smul.u32 @!p1 $0x3, s1  }
0x2c: {  	s29 =	sadd.s32 $0x400, s14;
	s4 =	sand.u32 $0x7F, s4;
	s0 =	sadd.s32 @!p2 $0x7, s0  }
0x2d: {  	s4 =	smul.u32 $0x3, s4;
	_ =	swait.ge @!p2 [sflag:s0], $0x2000;
	s1 =	ssub.s32 @!p1 $0x2, s1  }
0x2e: {  	s19 =	simm.s32 @!p1 $0x0;
	[sflag:s0] =	ssyncset.done @!p2 $0x0;
	s1 =	sand.u32 @!p1 $0xFF, s1  }
0x2f: {  	[sflag:s0] =	ssyncadd.s32 @!p2 $0xFFFFE000;
	s0 =	sshll.u32 @!p1 s1, $0x7;
	s21 =	sadd.s32 @!p1 $0x1, s1  }
0x30: {  	[tilespmem:s0], [sflag:s21] =	stream.linear.gather @!p1 [hbm4b:s15+s19], $0x80, $0x38;
	[tilespmem:$0x1E840] =	vst v63  }
0x31: {  	s31 =	simm.s32 $0x3;
	s4 =	ssub.s32 $0x0, s4;
	s0 =	sshll.u32 @!p1 s1, $0xD  }
0x32: {  	s1 =	sor.u32 @!p1 $0x4, s1;
	s21 =	sor.u32 @!p1 $0x180, s0;
	s0 =	sand.u32 $0xFF, s4  }
0x33: {  	[tilespmem:s21], [sflag:s1] =	stream.linear.gather @!p1 [hbm4b:s14+s19], $0x2000, $0x38;
	[tilespmem:$0x1E840] =	vst v63  }
0x34: {  	s26 =	simm.s32 $0x1;
	p1 =	por $0x0, $0x0;
	s4 =	sadd.s32 $0x1, s0  }
0x35: {  	p2 =	por @!p1 $0x0, $0x0;
	s19 =	smul.u32 @!p1 $0xAB, s31;
	_ =	swait.ge [sflag:s4], $0x80  }
0x36: {  	s21 =	sor.u32 $0x4, s0;
	p2 =	por p2, p1;
	[sflag:s4] =	ssyncset.done $0x0  }
0x37: {  	s1 =	simm.s32 @!p2 $0x0;
	s19 =	sshrl.u32 @!p1 s19, $0x9;
	[sflag:s4] =	ssyncadd.s32 $0xFFFFFF80  }
0x38: {  	s4 =	sand.u32 @!p2 $0xFF, s1;
	s19 =	sand.u32 @!p1 $0x7F, s19;
	_ =	swait.ge [sflag:s21], $0x2000  }
.LBB2_2:
0x39: {  	s4 =	smul.u32 @!p2 $0xAB, s4;
	s6 =	sshll.u32 s0, $0xD;
	[sflag:s21] =	ssyncset.done $0x0  }
0x3a: {  	s7 =	smov.u32 s26;
	s26 =	smov.u32 s30;
	s8 =	smov.u32 s28  }
0x3b: {  	s30 =	sadd.s32 $0x1, s30;
	[sflag:s21] =	ssyncadd.s32 $0xFFFFE000;
	s21 =	sadd.s32 $0x7, s0  }
0x3c: {  	s0 =	sshll.u32 s0, $0x7;
	s6 =	sor.u32 $0x180, s6;
	s4 =	sshrl.u32 @!p2 s4, $0x9  }
0x3d: {  	s9 =	smov.u32 s29;
	p3 =	sne.s32 s30, $0xC4;
	s4 =	smul.u32 @!p2 $0x3, s4  }
0x3e: {  	[spmem:s2] =	stream.indirect.scatter.add.f32 [tilespmem:s6], [sflag:s21], $0x40, s0, s20, $0xb8;
	[tilespmem:$0x1E840] =	vst v63  }
0x3f: {  	s28 =	sadd.s32 $0x10, s28;
	s0 =	ssub.s32 @!p2 s1, s4;
	s1 =	smul.u32 $0xAB, s7  }
0x40: {  	s29 =	sadd.s32 $0x400, s29;
	s4 =	smul.u32 @!p1 $0x3, s19;
	s0 =	sand.u32 @!p2 $0xFF, s0  }
0x41: {  	s6 =	simm.s32 @!p1 $0x0;
	s0 =	sadd.s32 @!p2 $0x7, s0;
	s1 =	sshrl.u32 s1, $0x9  }
0x42: {  	s4 =	ssub.s32 @!p1 s31, s4;
	_ =	swait.ge @!p2 [sflag:s0], $0x2000;
	s1 =	sand.u32 $0x7F, s1  }
0x43: {  	s4 =	sand.u32 @!p1 $0xFF, s4;
	[sflag:s0] =	ssyncset.done @!p2 $0x0;
	s1 =	smul.u32 $0x3, s1  }
0x44: {  	s19 =	sadd.s32 @!p1 $0x1, s4;
	[sflag:s0] =	ssyncadd.s32 @!p2 $0xFFFFE000;
	s0 =	sshll.u32 @!p1 s4, $0x7  }
0x45: {  	[tilespmem:s0], [sflag:s19] =	stream.linear.gather @!p1 [hbm4b:s8+s6], $0x80, $0x38;
	[tilespmem:$0x1E840] =	vst v63  }
0x46: {  	s0 =	sshll.u32 @!p1 s4, $0xD;
	s4 =	sor.u32 @!p1 $0x4, s4;
	s1 =	ssub.s32 s7, s1  }
0x47: {  	s31 =	sadd.s32 $0x2, s26;
	s7 =	sor.u32 @!p1 $0x180, s0;
	s0 =	sand.u32 $0xFF, s1  }
0x48: {  	[tilespmem:s7], [sflag:s4] =	stream.linear.gather @!p1 [hbm4b:s9+s6], $0x2000, $0x38;
	[tilespmem:$0x1E840] =	vst v63  }
.Ltmp0:
0x49: {  	p1 =	sgt.u32 s26, $0xC1;
	s4 =	sadd.s32 $0x1, s0;
	(pc) =	sbr.rel @p3 .LBB2_2-.Ltmp0, $4  }
0x4a: {  	p2 =	seq.s32 @!p1 s26, $0x0;
	s6 =	smul.u32 @!p1 $0xAB, s31;
	_ =	swait.ge [sflag:s4], $0x80  }
0x4b: {  	s21 =	sor.u32 $0x4, s0;
	p2 =	por p2, p1;
	[sflag:s4] =	ssyncset.done $0x0  }
0x4c: {  	s1 =	sadd.s32 @!p2 $0xFFFFFFFF, s26;
	s6 =	sshrl.u32 @!p1 s6, $0x9;
	[sflag:s4] =	ssyncadd.s32 $0xFFFFFF80  }
0x4d: {  	s4 =	sand.u32 @!p2 $0xFF, s1;
	s19 =	sand.u32 @!p1 $0x7F, s6;
	_ =	swait.ge [sflag:s21], $0x2000  }
0x4e: {  	s4 =	smul.u32 @!p2 $0xAB, s4  }
0x4f: {  	s6 =	sshll.u32 s0, $0xD;
	[sflag:s21] =	ssyncset.done $0x0;
	s7 =	sadd.s32 $0x7, s0  }
0x50: {  	[sflag:s21] =	ssyncadd.s32 $0xFFFFE000;
	s21 =	smul.u32 $0xAB, s26;
	s4 =	sshrl.u32 @!p2 s4, $0x9  }
0x51: {  	s9 =	sshll.u32 s0, $0x7;
	s6 =	sor.u32 $0x180, s6;
	s4 =	smul.u32 @!p2 $0x3, s4  }
0x52: {  	[spmem:s2] =	stream.indirect.scatter.add.f32 [tilespmem:s6], [sflag:s7], $0x40, s9, s20, $0xb8;
	[tilespmem:$0x1E840] =	vst v63  }
0x53: {  	s0 =	ssub.s32 @!p2 s1, s4;
	s4 =	smul.u32 @!p1 $0x3, s19  }
0x54: {  	s1 =	sshrl.u32 s21, $0x9;
	s0 =	sand.u32 @!p2 $0xFF, s0  }
0x55: {  	s1 =	sand.u32 $0x7F, s1;
	s0 =	sadd.s32 @!p2 $0x7, s0;
	s4 =	ssub.s32 @!p1 s31, s4  }
0x56: {  	s1 =	smul.u32 $0x3, s1;
	_ =	swait.ge @!p2 [sflag:s0], $0x2000;
	s4 =	sand.u32 @!p1 $0xFF, s4  }
0x57: {  	s6 =	simm.s32 @!p1 $0x0;
	[sflag:s0] =	ssyncset.done @!p2 $0x0;
	s7 =	sadd.s32 @!p1 $0x1, s4  }
0x58: {  	s1 =	ssub.s32 s26, s1;
	[sflag:s0] =	ssyncadd.s32 @!p2 $0xFFFFE000;
	s0 =	sshll.u32 @!p1 s4, $0x7  }
0x59: {  	[tilespmem:s0], [sflag:s7] =	stream.linear.gather @!p1 [hbm4b:s28+s6], $0x80, $0x38;
	[tilespmem:$0x1E840] =	vst v63  }
0x5a: {  	s1 =	sand.u32 $0xFF, s1;
	s0 =	sshll.u32 @!p1 s4, $0xD  }
0x5b: {  	s4 =	sor.u32 @!p1 $0x4, s4;
	s28 =	sadd.s32 $0x1, s1;
	s0 =	sor.u32 @!p1 $0x180, s0  }
0x5c: {  	[tilespmem:s0], [sflag:s4] =	stream.linear.gather @!p1 [hbm4b:s29+s6], $0x2000, $0x38;
	[tilespmem:$0x1E840] =	vst v63  }
0x5d: {  	_ =	swait.ge [sflag:s28], $0x80  }
0x5e: {  	[sflag:s28] =	ssyncset.done $0x0  }
0x5f: {  	s29 =	sor.u32 $0x4, s1;
	[sflag:s28] =	ssyncadd.s32 $0xFFFFFF80  }
0x60: {  	_ =	swait.ge [sflag:s29], $0x2000  }
0x61: {  	s30 =	sshll.u32 s1, $0xD;
	s31 =	sadd.s32 $0x7, s1;
	[sflag:s29] =	ssyncset.done $0x0  }
0x62: {  	s1 =	sshll.u32 s1, $0x7;
	s0 =	sor.u32 $0x180, s30;
	[sflag:s29] =	ssyncadd.s32 $0xFFFFE000  }
0x63: {  	[spmem:s2] =	stream.indirect.scatter.add.f32 [tilespmem:s0], [sflag:s31], $0x40, s1, s20, $0xb8;
	[tilespmem:$0x1E840] =	vst v63  }
0x64: {  	_ =	swait.ge [sflag:s22], $0x2000  }
0x65: {  	[sflag:s22] =	ssyncset.done $0x0  }
0x66: {  	[sflag:s22] =	ssyncadd.s32 $0xFFFFE000  }
0x67: {  	_ =	swait.ge [sflag:s23], $0x2000  }
0x68: {  	[sflag:s23] =	ssyncset.done $0x0  }
0x69: {  	[sflag:s23] =	ssyncadd.s32 $0xFFFFE000  }
0x6a: {  	_ =	swait.ge [sflag:s24], $0x2000  }
0x6b: {  	[sflag:s24] =	ssyncset.done $0x0  }
0x6c: {  	[sflag:s24] =	ssyncadd.s32 $0xFFFFE000  }
0x6d: {  	[bflag:$0x0] =	sbarrier.arrive $0xFFFF  }
0x6e: {  	[hbm:s11], [sflag:s5] =	dma.local [spmem:s16], $0x30D0  }
0x6f: {  	s25 =	sadd.s32 $0x1, s25;
	_ =	swait.ge [sflag:s17], $0x30D0  }
0x70: {  	p1 =	sne.s32 s25, s13;
	[sflag:s17] =	ssyncset.done $0x0  }
.Ltmp1:
0x71: {  	s0 =	simm.s32 @!p0 $0xA;
	[sflag:s17] =	ssyncadd.s32 $0xFFFFCF30;
	(pc) =	sbr.rel @p1 .LBB2_1-.Ltmp1, $4  }
0x72: {  	[hbm:s12], [sflag:s5] =	dma.local @!p0 [spmem:s18], $0x40  }
0x73: {  	_ =	swait.ge @!p0 [sflag:s0], $0x40  }
0x74: {  	[sflag:s0] =	ssyncset.done @!p0 $0x0  }
0x75: {  	[sflag:s0] =	ssyncadd.s32 @!p0 $0xFFFFFFC0  }
0x76: {  	_ =	sfence.sel $0x180000  }
0x77: {  	[bflag:$0x0] =	sbarrier.arrive $0xFFFF  }
0x78: {  	_ =	strace $0x9000004A  }
0x79: {  	s0 =	stileid.u32;
	[bflag:$0x2] =	sbarrier.arrive $0xFFFF  }
0x7a: {  	p0 =	sne.s32 s0, $0x0;
	s0 =	rddreg [dreg:$0x2]  }
0x7b: {  	s0 =	sadd.s32 @!p0 $0x100000, s0  }
0x7c: {  	[sflag:s0] =	ssyncadd.tile.s32 @!p0 $0x1;
	_ =	shalt  }
.Lfunc_end2:
_tile_overlayer_lowered:
.L_overlay_start_2:
0x7d: {  	(tag) =	ssettag $0x2  }
0x7e: {  	s0 =	rddreg [dreg:$0x0];
	s2 =	stileid.u32  }
0x7f: {  	s1 =	rddreg [dreg:$0x1];
	p0 =	sne.s32 s2, $0x0  }
0x80: {  	s3 =	rddreg [dreg:$0x2];
	[bflag:$0x3] =	sbarrier.arrive $0xFFFF;
	s2 =	simm.s32 @!p0 $0x1C0A  }
0x81: {  	[timem:s3], [sflag:s2] =	dma.local @!p0 [hbm:s0], s1  }
0x82: {  	s0 =	simm.s32 @!p0 $0xA  }
0x83: {  	_ =	swait.ge @!p0 [sflag:s0], s1  }
0x84: {  	s1 =	ssub.s32 @!p0 $0x0, s1;
	[sflag:s0] =	ssyncset.done @!p0 $0x0  }
0x85: {  	[sflag:s0] =	ssyncadd.s32 @!p0 s1  }
0x86: {  	[bflag:$0x3] =	sbarrier.arrive $0xFFFF  }
0x87: {  	_ =	shalt  }

// kernel: kernel.18.cloned.1.call-start
scs
__scs_entry_jumppad:
0x0: {  	(pc) =	sbr.rel $0x88, $3  }
0x1: {  	(tag) =	ssettag $0x0;
	lr =	simm.s32 $0x1  }
0x2: {  	[smem:$0x3F5F] =	sst lr;
	_ =	strace $0xD0000000  }
0x3: {  	_ = 	snop  }
0x4: {  	_ = 	snop  }
0x5: {  	_ = 	snop  }
0x6: {  	_ = 	snop  }
0x7: {  	_ = 	snop  }
__scs_overlays_trampoline_lowered:
0x8: {  	[smem:$0x3F6E] =	sst s0  }
0x9: {  	[smem:$0x3F6F] =	sst s1  }
0xa: {  	[smem:$0x3F70] =	sst s2  }
0xb: {  	[smem:$0x3F71] =	sst s3  }
0xc: {  	[smem:$0x3F72] =	sst s4  }
0xd: {  	[smem:$0x3F73] =	sst s5  }
0xe: {  	[smem:$0x3F74] =	sst s6  }
0xf: {  	[smem:$0x3F75] =	sst s7  }
0x10: {  	[smem:$0x3F76] =	sst s8  }
0x11: {  	[smem:$0x3F77] =	sst s9;
	s0 =	simm.s32 @!p0 $0x0  }
0x12: {  	s1 =	sld [smem:$0x3F5D];
	s0 =	simm.s32 @p0 $0x1  }
0x13: {  	[smem:$0x3F78] =	sst s0;
	s0 =	simm.s32 @!p1 $0x0  }
0x14: {  	s2 =	sld [smem:$0x3F5C];
	s0 =	simm.s32 @p1 $0x1  }
0x15: {  	[smem:$0x3F79] =	sst s0;
	s0 =	simm.s32 @!p2 $0x0  }
0x16: {  	s3 =	sld [smem:$0x3FDB];
	s0 =	simm.s32 @p2 $0x1  }
0x17: {  	s4 =	simm.s32 $0x1BF5;
	[smem:$0x3F7B] =	sst s0  }
0x18: {  	s0 =	sld [smem:$0x3F5E];
	_ =	swait.ge [sflag:s4], $0x0  }
0x19: {  	s7 =	sld [smem:$0x3F5F]  }
0x1a: {  	s8 =	sadd.s32 $0xFFFFE003, lr  }
0x1b: {  	s9 =	sadd.s32 $0xFFFFFEF7, lr;
	s5 =	simm.s32 $0xFFFFFFFF;
	p2 =	slt.u32 s8, $0xFFFFF086  }
0x1c: {  	p1 =	slt.u32 s9, $0xF7A;
	s5 =	simm.s32 @!p2 $0x0  }
0x1d: {  	s5 =	simm.s32 @p1 $0x1;
	p0 =	seq.s32 s7, s2  }
0x1e: {  	s7 =	smul.u32 @!p0 $0xF7A, s2;
	p2 =	seq.s32 @!p0 s5, $0x0  }
0x1f: {  	s9 =	smul.u32 $0xF7A, s1;
	s8 =	simm.s32 @!p0 $0x1BF5;
	p2 =	por !p2, p0  }
0x20: {  	[sflag:s8] =	ssyncset.s32 @!p0 $0xFFFFF086;
	s6 =	sadd.s32 @!p0 s3, s7;
	s7 =	simm.s32 @!p0 $0x108  }
0x21: {  	s3 =	sadd.s32 s3, s9;
	s6 =	sadd.s32 @!p0 $0x88, s6;
	s7 =	simm.s32 @p2 $0x1082  }
0x22: {  	[simem:s7], [sflag:s8] =	dma.local @!p0 [hbm:s6], $0xF7A  }
0x23: {  	s9 =	sor.u32 $0xD0000000, s2;
	s6 =	simm.s32 $0x108;
	_ =	swait.ge @!p0 [sflag:s8], $0x0  }
0x24: {  	s3 =	sadd.s32 $0x88, s3;
	s6 =	simm.s32 @!p1 $0x1082;
	[sflag:s4] =	ssyncset.s32 $0xFFFFF086  }
0x25: {  	[simem:s6], [sflag:s4] =	dma.local [hbm:s3], $0xF7A  }
0x26: {  	[smem:$0x3F5F] =	sst s1;
	(tag) =	ssettag s2;
	_ =	strace s9  }
0x27: {  	s1 =	sld [smem:$0x3F6F]  }
0x28: {  	s2 =	sld [smem:$0x3F70]  }
0x29: {  	s4 =	sld [smem:$0x3F72]  }
0x2a: {  	p0 =	seq.s32 s5, $0x0;
	s5 =	sld [smem:$0x3F73]  }
0x2b: {  	s6 =	sld [smem:$0x3F74]  }
0x2c: {  	s7 =	sld [smem:$0x3F75]  }
0x2d: {  	s3 =	simm.s32 $0x108;
	s8 =	sld [smem:$0x3F76]  }
0x2e: {  	s3 =	simm.s32 @!p0 $0x1082;
	s9 =	sld [smem:$0x3F77]  }
0x2f: {  	lr =	sadd.s32 s0, s3;
	s0 =	sld [smem:$0x3F6E]  }
0x30: {  	s3 =	sld [smem:$0x3F71]  }
0x31: {  	[smem:$0x3F7A] =	sst s10  }
0x32: {  	s10 =	sld [smem:$0x3F78];
	_ =	sdelay $0x3  }
0x33: {  	p0 =	seq.s32 s10, $0x1;
	s10 =	sld [smem:$0x3F7A];
	_ =	sdelay $0x3  }
0x34: {  	[smem:$0x3F7A] =	sst s10  }
0x35: {  	s10 =	sld [smem:$0x3F79];
	_ =	sdelay $0x3  }
0x36: {  	p1 =	seq.s32 s10, $0x1;
	s10 =	sld [smem:$0x3F7A];
	_ =	sdelay $0x3  }
0x37: {  	[smem:$0x3F7A] =	sst s10  }
0x38: {  	s10 =	sld [smem:$0x3F7B]  }
0x39: {  	_ = 	snop;
	(pc) =	sbr.ind lr, $3  }
0x3a: {  	_ = 	snop  }
0x3b: {  	_ = 	snop  }
0x3c: {  	p2 =	seq.s32 s10, $0x1;
	s10 =	sld [smem:$0x3F7A]  }
0x3d: {  	_ =	shalt  }
0x3e: {  	_ =	shalt  }
0x3f: {  	_ =	shalt  }
0x40: {  	_ =	shalt  }
0x41: {  	_ =	shalt  }
0x42: {  	_ =	shalt  }
0x43: {  	_ =	shalt  }
0x44: {  	_ =	shalt  }
0x45: {  	_ =	shalt  }
0x46: {  	_ =	shalt  }
0x47: {  	_ =	shalt  }
0x48: {  	_ =	shalt  }
0x49: {  	_ =	shalt  }
0x4a: {  	_ =	shalt  }
0x4b: {  	_ =	shalt  }
0x4c: {  	_ =	shalt  }
0x4d: {  	_ =	shalt  }
0x4e: {  	_ =	shalt  }
0x4f: {  	_ =	shalt  }
0x50: {  	_ =	shalt  }
0x51: {  	_ =	shalt  }
0x52: {  	_ =	shalt  }
0x53: {  	_ =	shalt  }
0x54: {  	_ =	shalt  }
0x55: {  	_ =	shalt  }
0x56: {  	_ =	shalt  }
0x57: {  	_ =	shalt  }
0x58: {  	_ =	shalt  }
0x59: {  	_ =	shalt  }
0x5a: {  	_ =	shalt  }
0x5b: {  	_ =	shalt  }
0x5c: {  	_ =	shalt  }
0x5d: {  	_ =	shalt  }
0x5e: {  	_ =	shalt  }
0x5f: {  	_ =	shalt  }
0x60: {  	_ =	shalt  }
0x61: {  	_ =	shalt  }
0x62: {  	_ =	shalt  }
0x63: {  	_ =	shalt  }
0x64: {  	_ =	shalt  }
0x65: {  	_ =	shalt  }
0x66: {  	_ =	shalt  }
0x67: {  	_ =	shalt  }
0x68: {  	_ =	shalt  }
0x69: {  	_ =	shalt  }
0x6a: {  	_ =	shalt  }
0x6b: {  	_ =	shalt  }
0x6c: {  	_ =	shalt  }
0x6d: {  	_ =	shalt  }
0x6e: {  	_ =	shalt  }
0x6f: {  	_ =	shalt  }
0x70: {  	_ =	shalt  }
0x71: {  	_ =	shalt  }
0x72: {  	_ =	shalt  }
0x73: {  	_ =	shalt  }
0x74: {  	_ =	shalt  }
0x75: {  	_ =	shalt  }
0x76: {  	_ =	shalt  }
0x77: {  	_ =	shalt  }
0x78: {  	_ =	shalt  }
0x79: {  	_ =	shalt  }
0x7a: {  	_ =	shalt  }
0x7b: {  	_ =	shalt  }
0x7c: {  	_ =	shalt  }
0x7d: {  	_ =	shalt  }
0x7e: {  	_ =	shalt  }
0x7f: {  	_ =	shalt  }
0x80: {  	_ =	shalt  }
0x81: {  	_ =	shalt  }
0x82: {  	_ =	shalt  }
0x83: {  	_ =	shalt  }
0x84: {  	_ =	shalt  }
0x85: {  	_ =	shalt  }
0x86: {  	_ =	shalt  }
0x87: {  	_ =	shalt  }
.Lfunc_end0:
.L_simem_size_0:
called_computation.2_lowered:
.L_overlay_start_0:
0x88: {  	s2 =	sld [smem:$0x3FD9]  }
0x89: {  	s3 =	sld [smem:$0x3FFE];
	_ =	sdelay $0x1  }
0x8a: {  	s1 =	srdreg.scid  }
0x8b: {  	s0 =	sand.u32 $0x1, s1  }
0x8c: {  	s16 =	sshll.u32 s0, $0xA;
	s2 =	sadd.s32 s3, s2  }
0x8d: {  	s2 =	sadd.s32 s2, s16  }
0x8e: {  	[smem:$0x3F86] =	sst s2  }
0x8f: {  	_ = 	snop  }
0x90: {  	(tm) =	ssettm $0x1  }
0x91: {  	s17 =	sld [smem:$0x3FFB];
	_ =	sdelay $0x3  }
0x92: {  	_ =	strace s17  }
0x93: {  	s2 =	sld [smem:$0x3FFC];
	_ =	sdelay $0x3  }
0x94: {  	_ =	strace s2  }
0x95: {  	s2 =	sld [smem:$0x3FFD];
	_ =	sdelay $0x3  }
0x96: {  	_ =	strace s2  }
0x97: {  	_ =	strace $0x8FFFFFFF  }
0x98: {  	s18 =	sld [smem:$0x3FDB];
	_ =	sdelay $0x1  }
0x99: {  	s19 =	simm.s32 $_scs_section_size  }
0x9a: {  	s4 =	simm.s32 $_size__tile_overlayer_lowered;
	s5 =	simm.s32 $_tile_overlayer_lowered  }
0x9b: {  	s22 =	simm.s32 $0x1BFF;
	s21 =	sshll.u32 s5, $0x1;
	s2 =	sadd.s32 s19, s18  }
0x9c: {  	s6 =	simm.s32 $0x0;
	s20 =	sshll.u32 s4, $0x1;
	s4 =	sadd.s32 s21, s2  }
0x9d: {  	[timem:s6], [sflag:s22] =	dma.local [hbm:s4], s20  }
0x9e: {  	_ =	swait.ge [sflag:s22], s20  }
0x9f: {  	s3 =	ssub.s32 $0x0, s20;
	[sflag:s22] =	ssyncset.done $0x0  }
0xa0: {  	[sflag:s22] =	ssyncadd.s32 s3;
	_ =	sdelay $0x1  }
0xa1: {  	s23 =	simm.s32 $0x1B8B  }
0xa2: {  	_ =	swait.ge [sflag:s23], $0x1  }
0xa3: {  	[sflag:s23] =	ssyncset.done $0x0  }
0xa4: {  	s25 =	simm.s32 $0x1B8E;
	s24 =	sld [smem:$0x3FFE];
	[sflag:s23] =	ssyncadd.s32 $0xFFFFFFFF  }
0xa5: {  	s26 =	simm.s32 $execute0_lowered;
	[smem:$0x3FD2] =	sst s25  }
0xa6: {  	s4 =	sshll.u32 s26, $0x1;
	_ =	strace $0x8000004C;
	[dreg:$0x1] =	wrdreg $0xFFFFFFFF  }
0xa7: {  	s28 =	simm.s32 $_size_execute0_lowered;
	s2 =	sadd.s32 s2, s4;
	[dreg:$0x0] =	wrdreg $0x0  }
0xa8: {  	s4 =	sshll.u32 s28, $0x1;
	[dreg:$0x2] =	wrdreg s2  }
0xa9: {  	[dreg:$0x3] =	wrdreg s4  }
0xaa: {  	[dreg:$0x4] =	wrdreg $0xC0  }
0xab: {  	_ =	task [dreg:s6], $0x5FFFF  }
0xac: {  	[dreg:$0x1] =	wrdreg $0xFFFFFFFF  }
0xad: {  	[dreg:$0x0] =	wrdreg $0x60  }
0xae: {  	[dreg:$0x2] =	wrdreg s24  }
0xaf: {  	[dreg:$0x3] =	wrdreg $0x9  }
0xb0: {  	_ =	task.clear_ibuf [dreg:s6], $0x4FFFF;
	_ =	strace $0x9000004C  }
0xb1: {  	s29 =	simm.s32 $0x9;
	_ =	strace $0x8000004E  }
0xb2: {  	_ =	swait.ge [sflag:s29], $0x1  }
0xb3: {  	[sflag:s29] =	ssyncadd.s32 $0xFFFFFFFF  }
0xb4: {  	_ =	strace $0x9000004E  }
0xb5: {  	_ =	sfence  }
0xb6: {  	s30 =	sld [smem:$0x0];
	_ =	sdelay $0x2  }
0xb7: {  	s31 =	sshll.u32 s1, $0xD;
	s1 =	sshrl.u32 s1, $0x2  }
0xb8: {  	s3 =	sand.u32 $0x4000, s31;
	s1 =	sadd.s32 s1, s30  }
0xb9: {  	s0 =	sor.u32 s3, s0;
	s1 =	sshll.u32 s1, $0x11  }
0xba: {  	s0 =	sor.u32 s1, s0  }
0xbb: {  	s0 =	sadd.s32 $0x8F2B, s0  }
0xbc: {  	[sflag:s0] =	ssyncadd.remote.s32 $0x1  }
0xbd: {  	_ =	sfence.sel $0xFFFF  }
0xbe: {  	[dreg:$0x0] =	wrdreg $0xFFFFFFFF;
	(pc) =	sbr.abs _section_cstart, $3  }
0xbf: {  	[dreg:$0x1] =	wrdreg $0xFFFFFFFF  }
0xc0: {  	_ =	task.clear_ibuf [dreg:s6], $0x2FFFF;
	_ =	strace $0x9FFFFFFF  }
0xc1: {  	(tm) =	ssettm $0x7FFFFFFF  }
tec
execute0_lowered:
.L_overlay_start_1:
0x0: {  	(tag) =	ssettag $0x1  }
0x1: {  	s4 =	rddreg [dreg:$0x0]  }
0x2: {  	s3 =	srdreg.scid;
	s0 =	stileid.u32  }
0x3: {  	s2 =	simm.s32 $0x0;
	s11 =	simm.s32 $0x100;
	s12 =	simm.s32 $0x7100  }
0x4: {  	s13 =	simm.s32 $0x180;
	s14 =	simm.s32 $0x9100;
	s15 =	simm.s32 $0x9  }
0x5: {  	s16 =	simm.s32 $0xA;
	s17 =	simm.s32 $0xB;
	s18 =	simm.s32 $0xC  }
0x6: {  	s19 =	simm.s32 $0x7;
	s20 =	simm.s32 $0x8;
	s21 =	simm.s32 $0x0  }
0x7: {  	s3 =	sand.u32 $0x1, s3;
	s5 =	smul.u32 $0x188000, s0;
	[smem:$0x7FF] =	sst s2  }
0x8: {  	s6 =	sshll.u32 s0, $0x1;
	s7 =	smul.u32 $0xC4000, s3;
	_ =	strace $0x8000004D  }
0x9: {  	s6 =	sor.u32 s3, s6;
	s30 =	ssub.s32 $0x2, s3;
	s3 =	sadd.s32 $0x6AC600, s4  }
0xa: {  	s6 =	smul.u32 $0x620, s6;
	s8 =	sshrl.u32 s30, $0x1;
	s5 =	sadd.s32 s7, s5  }
0xb: {  	s31 =	ssub.s32 s30, s8;
	s7 =	simm.s32 $0xD;
	s5 =	sshrl.u32 s5, $0x3  }
0xc: {  	s8 =	simm.s32 $0x80;
	s6 =	sadd.s32 s6, s4;
	s9 =	sadd.s32 s5, s4  }
0xd: {  	s4 =	sadd.s32 $0x21200, s6;
	s5 =	smax.u32 s31, $0x1;
	s6 =	sadd.s32 $0x2D600, s9  }
.LBB2_1:
0xe: {  	[tilespmem:s2], [sflag:$0xD] =	stream.linear.gather [hbm4b:s4+s2], $0x3100, $0x38;
	[tilespmem:$0xF100] =	vst v63  }
0xf: {  	p0 =	por $0x0, $0x0  }
0x10: {  	s0 =	simm.s32 $0x3100;
	_ =	swait.ge [sflag:s7], $0x3100;
	p1 =	por @!p0 $0x1, $0x1  }
0x11: {  	s22 =	simm.s32 $0x4;
	[sflag:s7] =	ssyncset.done $0x0;
	p1 =	por p1, p0  }
0x12: {  	s24 =	smul.u32 $0xAB, s2;
	[sflag:s7] =	ssyncadd.s32 $0xFFFFCF00;
	s23 =	simm.s32 @!p1 $0xFFFFFFFE  }
0x13: {  	[tilespmem:s0], [sflag:$0x1] =	stream.indirect.gather [hbm4b:s3+s8], $0x40, s2, s8, $0xb8;
	[tilespmem:$0xF100] =	vst v63  }
0x14: {  	s22 =	smul.u32 @!p0 $0xAB, s22;
	s24 =	sshrl.u32 s24, $0xA;
	s23 =	sand.u32 @!p1 $0xFF, s23  }
0x15: {  	s9 =	simm.s32 $0x5100;
	s24 =	sand.u32 $0x3F, s24;
	s23 =	smul.u32 @!p1 $0xAB, s23  }
0x16: {  	[tilespmem:s9], [sflag:$0x2] =	stream.indirect.gather [hbm4b:s3+s8], $0x40, s8, s8, $0xb8;
	[tilespmem:$0xF100] =	vst v63  }
0x17: {  	s22 =	sshrl.u32 @!p0 s22, $0xA;
	s24 =	smul.u32 $0x6, s24;
	s23 =	sshrl.u32 @!p1 s23, $0xA  }
0x18: {  	[tilespmem:s12], [sflag:$0x3] =	stream.indirect.gather [hbm4b:s3+s8], $0x40, s11, s8, $0xb8;
	[tilespmem:$0xF100] =	vst v63  }
0x19: {  	s22 =	sand.u32 @!p0 $0x3F, s22;
	s23 =	smul.u32 @!p1 $0x6, s23  }
0x1a: {  	[tilespmem:s14], [sflag:$0x4] =	stream.indirect.gather [hbm4b:s3+s8], $0x40, s13, s8, $0xb8;
	[tilespmem:$0xF100] =	vst v63  }
0x1b: {  	s26 =	simm.s32 $0x200;
	s25 =	smul.u32 @!p0 $0x6, s22;
	s23 =	ssub.s32 @!p1 $0xFFFFFFFE, s23  }
0x1c: {  	s22 =	simm.s32 $0x1;
	s24 =	ssub.s32 $0x0, s24;
	s23 =	sand.u32 @!p1 $0xFF, s23  }
0x1d: {  	s28 =	ssub.s32 @!p0 $0x4, s25;
	s25 =	simm.s32 $0x2;
	s23 =	sadd.s32 @!p1 $0x7, s23  }
0x1e: {  	s30 =	sand.u32 $0xFF, s24;
	s28 =	sand.u32 @!p0 $0xFF, s28;
	_ =	swait.ge @!p1 [sflag:s23], $0x2000  }
0x1f: {  	s29 =	sshll.u32 @!p0 s28, $0xD;
	s28 =	sadd.s32 @!p0 $0x1, s28;
	[sflag:s23] =	ssyncset.done @!p1 $0x0  }
0x20: {  	s24 =	sadd.s32 @!p0 $0x3100, s29;
	[sflag:s23] =	ssyncadd.s32 @!p1 $0xFFFFE000;
	s23 =	simm.s32 @!p0 $0x80  }
0x21: {  	[tilespmem:s24], [sflag:s28] =	stream.indirect.gather @!p0 [hbm4b:s3+s23], $0x40, s26, s23, $0xb8;
	[tilespmem:$0xF100] =	vst v63  }
0x22: {  	s10 =	sadd.s32 $0x1, s30;
	s29 =	sshll.u32 s30, $0xD;
	s23 =	sadd.s32 $0x400, s6  }
0x23: {  	s24 =	simm.s32 $0x280;
	s28 =	simm.s32 $0x5;
	_ =	swait.ge [sflag:s10], $0x2000  }
0x24: {  	p0 =	por $0x0, $0x0;
	s26 =	smov.u32 s6;
	[sflag:s10] =	ssyncset.done $0x0  }
0x25: {  	p2 =	por @!p0 $0x1, $0x1;
	s31 =	smul.u32 @!p0 $0xAB, s28;
	[sflag:s10] =	ssyncadd.s32 $0xFFFFE000  }
.LBB2_2:
0x26: {  	p2 =	por p2, p0  }
0x27: {  	s0 =	sadd.s32 $0x7, s30;
	s1 =	smov.u32 s25;
	s25 =	sadd.s32 $0x1, s25  }
0x28: {  	s29 =	sadd.s32 $0x3100, s29;
	s30 =	sadd.s32 @!p2 $0xFFFFFFFE, s22;
	s31 =	sshrl.u32 @!p0 s31, $0xA  }
0x29: {  	s10 =	smul.u32 $0xAB, s22;
	s9 =	sand.u32 @!p2 $0xFF, s30;
	s31 =	sand.u32 @!p0 $0x3F, s31  }
0x2a: {  	p1 =	sne.s32 s25, $0x62;
	s9 =	smul.u32 @!p2 $0xAB, s9  }
0x2b: {  	[hbm4b:s26+s2] =	stream.linear.scatter [tilespmem:s29], [sflag:s0], $0x2000, $0x38;
	[tilespmem:$0xF100] =	vst v63  }
0x2c: {  	s10 =	sshrl.u32 s10, $0xA;
	s0 =	sshrl.u32 @!p2 s9, $0xA;
	s9 =	smul.u32 @!p0 $0x6, s31  }
0x2d: {  	s10 =	sand.u32 $0x3F, s10;
	s26 =	smov.u32 s23;
	s0 =	smul.u32 @!p2 $0x6, s0  }
0x2e: {  	s10 =	smul.u32 $0x6, s10;
	s9 =	ssub.s32 @!p0 s28, s9  }
0x2f: {  	s0 =	ssub.s32 @!p2 s30, s0;
	s9 =	sand.u32 @!p0 $0xFF, s9  }
0x30: {  	s0 =	sand.u32 @!p2 $0xFF, s0;
	s28 =	sshll.u32 @!p0 s9, $0xD;
	s9 =	sadd.s32 @!p0 $0x1, s9  }
0x31: {  	s10 =	ssub.s32 s22, s10;
	s0 =	sadd.s32 @!p2 $0x7, s0;
	s28 =	sadd.s32 @!p0 $0x3100, s28  }
0x32: {  	s22 =	smov.u32 s1;
	s30 =	sand.u32 $0xFF, s10;
	_ =	swait.ge @!p2 [sflag:s0], $0x2000  }
0x33: {  	s29 =	sshll.u32 s30, $0xD;
	s1 =	sadd.s32 $0x1, s30;
	[sflag:s0] =	ssyncset.done @!p2 $0x0  }
.Ltmp0:
0x34: {  	[sflag:s0] =	ssyncadd.s32 @!p2 $0xFFFFE000;
	s0 =	simm.s32 @!p0 $0x80;
	(pc) =	sbr.rel @p1 .LBB2_2-.Ltmp0, $4  }
0x35: {  	[tilespmem:s28], [sflag:s9] =	stream.indirect.gather @!p0 [hbm4b:s3+s0], $0x40, s24, s0, $0xb8;
	[tilespmem:$0xF100] =	vst v63  }
0x36: {  	s23 =	sadd.s32 $0x400, s23;
	s24 =	sadd.s32 $0x80, s24;
	_ =	swait.ge [sflag:s1], $0x2000  }
0x37: {  	s28 =	sadd.s32 $0x4, s22;
	p0 =	sgt.u32 s22, $0x5D;
	[sflag:s1] =	ssyncset.done $0x0  }
0x38: {  	p2 =	slt.u32 @!p0 s22, $0x2;
	s31 =	smul.u32 @!p0 $0xAB, s28;
	[sflag:s1] =	ssyncadd.s32 $0xFFFFE000  }
0x39: {  	p1 =	por p2, p0  }
0x3a: {  	s0 =	sadd.s32 $0x7, s30;
	s29 =	sadd.s32 $0x3100, s29;
	s1 =	sadd.s32 @!p1 $0xFFFFFFFE, s22  }
0x3b: {  	[hbm4b:s26+s2] =	stream.linear.scatter [tilespmem:s29], [sflag:s0], $0x2000, $0x38;
	[tilespmem:$0xF100] =	vst v63  }
0x3c: {  	s10 =	sand.u32 @!p1 $0xFF, s1  }
0x3d: {  	s9 =	sshrl.u32 @!p0 s31, $0xA;
	s10 =	smul.u32 @!p1 $0xAB, s10  }
0x3e: {  	s25 =	smul.u32 $0xAB, s22;
	s9 =	sand.u32 @!p0 $0x3F, s9  }
0x3f: {  	s9 =	smul.u32 @!p0 $0x6, s9;
	s0 =	sshrl.u32 @!p1 s10, $0xA  }
0x40: {  	s0 =	smul.u32 @!p1 $0x6, s0  }
0x41: {  	s26 =	sshrl.u32 s25, $0xA  }
0x42: {  	s10 =	sand.u32 $0x3F, s26;
	s9 =	ssub.s32 @!p0 s28, s9;
	s0 =	ssub.s32 @!p1 s1, s0  }
0x43: {  	s29 =	smul.u32 $0x6, s10;
	s9 =	sand.u32 @!p0 $0xFF, s9;
	s0 =	sand.u32 @!p1 $0xFF, s0  }
0x44: {  	s10 =	sshll.u32 @!p0 s9, $0xD;
	s0 =	sadd.s32 @!p1 $0x7, s0  }
0x45: {  	s9 =	sadd.s32 @!p0 $0x1, s9;
	s1 =	ssub.s32 s22, s29;
	_ =	swait.ge @!p1 [sflag:s0], $0x2000  }
0x46: {  	s10 =	sadd.s32 @!p0 $0x3100, s10;
	s1 =	sand.u32 $0xFF, s1;
	[sflag:s0] =	ssyncset.done @!p1 $0x0  }
0x47: {  	s30 =	sadd.s32 $0x1, s1;
	[sflag:s0] =	ssyncadd.s32 @!p1 $0xFFFFE000;
	s0 =	simm.s32 @!p0 $0x80  }
0x48: {  	[tilespmem:s10], [sflag:s9] =	stream.indirect.gather @!p0 [hbm4b:s3+s0], $0x40, s24, s0, $0xb8;
	[tilespmem:$0xF100] =	vst v63  }
0x49: {  	_ =	swait.ge [sflag:s30], $0x2000  }
0x4a: {  	s31 =	sshll.u32 s1, $0xD;
	[sflag:s30] =	ssyncset.done $0x0  }
0x4b: {  	s1 =	sadd.s32 $0x7, s1;
	s0 =	sadd.s32 $0x3100, s31;
	[sflag:s30] =	ssyncadd.s32 $0xFFFFE000  }
0x4c: {  	[hbm4b:s23+s2] =	stream.linear.scatter [tilespmem:s0], [sflag:s1], $0x2000, $0x38;
	[tilespmem:$0xF100] =	vst v63  }
0x4d: {  	_ =	swait.ge [sflag:s15], $0x2000  }
0x4e: {  	[sflag:s15] =	ssyncset.done $0x0  }
0x4f: {  	[sflag:s15] =	ssyncadd.s32 $0xFFFFE000  }
0x50: {  	_ =	swait.ge [sflag:s16], $0x2000  }
0x51: {  	[sflag:s16] =	ssyncset.done $0x0  }
0x52: {  	[sflag:s16] =	ssyncadd.s32 $0xFFFFE000  }
0x53: {  	_ =	swait.ge [sflag:s17], $0x2000  }
0x54: {  	[sflag:s17] =	ssyncset.done $0x0  }
0x55: {  	[sflag:s17] =	ssyncadd.s32 $0xFFFFE000  }
0x56: {  	_ =	swait.ge [sflag:s18], $0x2000  }
0x57: {  	[sflag:s18] =	ssyncset.done $0x0  }
0x58: {  	s21 =	sadd.s32 $0x1, s21;
	[sflag:s18] =	ssyncadd.s32 $0xFFFFE000  }
0x59: {  	p0 =	sne.s32 s21, s5;
	_ =	swait.ge [sflag:s19], $0x2000  }
.Ltmp1:
0x5a: {  	[sflag:s19] =	ssyncset.done $0x0;
	(pc) =	sbr.rel @p0 .LBB2_1-.Ltmp1, $4  }
0x5b: {  	[sflag:s19] =	ssyncadd.s32 $0xFFFFE000  }
0x5c: {  	_ =	swait.ge [sflag:s20], $0x2000  }
0x5d: {  	[sflag:s20] =	ssyncset.done $0x0  }
0x5e: {  	[sflag:s20] =	ssyncadd.s32 $0xFFFFE000  }
0x5f: {  	_ =	sfence.sel $0x180000  }
0x60: {  	[bflag:$0x0] =	sbarrier.arrive $0xFFFF  }
0x61: {  	_ =	strace $0x9000004D  }
0x62: {  	s0 =	stileid.u32;
	[bflag:$0x2] =	sbarrier.arrive $0xFFFF  }
0x63: {  	p0 =	sne.s32 s0, $0x0;
	s0 =	rddreg [dreg:$0x1]  }
0x64: {  	s0 =	sadd.s32 @!p0 $0x100000, s0  }
0x65: {  	[sflag:s0] =	ssyncadd.tile.s32 @!p0 $0x1;
	_ =	shalt  }
.Lfunc_end2:
_tile_overlayer_lowered:
.L_overlay_start_2:
0x66: {  	(tag) =	ssettag $0x2  }
0x67: {  	s0 =	rddreg [dreg:$0x0];
	s2 =	stileid.u32  }
0x68: {  	s1 =	rddreg [dreg:$0x1];
	p0 =	sne.s32 s2, $0x0  }
0x69: {  	s3 =	rddreg [dreg:$0x2];
	[bflag:$0x3] =	sbarrier.arrive $0xFFFF;
	s2 =	simm.s32 @!p0 $0x1C0D  }
0x6a: {  	[timem:s3], [sflag:s2] =	dma.local @!p0 [hbm:s0], s1  }
0x6b: {  	s0 =	simm.s32 @!p0 $0xD  }
0x6c: {  	_ =	swait.ge @!p0 [sflag:s0], s1  }
0x6d: {  	s1 =	ssub.s32 @!p0 $0x0, s1;
	[sflag:s0] =	ssyncset.done @!p0 $0x0  }
0x6e: {  	[sflag:s0] =	ssyncadd.s32 @!p0 s1  }
0x6f: {  	[bflag:$0x3] =	sbarrier.arrive $0xFFFF  }
0x70: {  	_ =	shalt  }

// kernel: kernel.21.cloned.1.call-start
scs
__scs_entry_jumppad:
0x0: {  	(pc) =	sbr.rel $0x88, $3  }
0x1: {  	(tag) =	ssettag $0x0;
	lr =	simm.s32 $0x1  }
0x2: {  	[smem:$0x3F5F] =	sst lr;
	_ =	strace $0xD0000000  }
0x3: {  	_ = 	snop  }
0x4: {  	_ = 	snop  }
0x5: {  	_ = 	snop  }
0x6: {  	_ = 	snop  }
0x7: {  	_ = 	snop  }
__scs_overlays_trampoline_lowered:
0x8: {  	[smem:$0x3F6E] =	sst s0  }
0x9: {  	[smem:$0x3F6F] =	sst s1  }
0xa: {  	[smem:$0x3F70] =	sst s2  }
0xb: {  	[smem:$0x3F71] =	sst s3  }
0xc: {  	[smem:$0x3F72] =	sst s4  }
0xd: {  	[smem:$0x3F73] =	sst s5  }
0xe: {  	[smem:$0x3F74] =	sst s6  }
0xf: {  	[smem:$0x3F75] =	sst s7  }
0x10: {  	[smem:$0x3F76] =	sst s8  }
0x11: {  	[smem:$0x3F77] =	sst s9;
	s0 =	simm.s32 @!p0 $0x0  }
0x12: {  	s1 =	sld [smem:$0x3F5D];
	s0 =	simm.s32 @p0 $0x1  }
0x13: {  	[smem:$0x3F78] =	sst s0;
	s0 =	simm.s32 @!p1 $0x0  }
0x14: {  	s2 =	sld [smem:$0x3F5C];
	s0 =	simm.s32 @p1 $0x1  }
0x15: {  	[smem:$0x3F79] =	sst s0;
	s0 =	simm.s32 @!p2 $0x0  }
0x16: {  	s3 =	sld [smem:$0x3FDB];
	s0 =	simm.s32 @p2 $0x1  }
0x17: {  	s4 =	simm.s32 $0x1BF5;
	[smem:$0x3F7B] =	sst s0  }
0x18: {  	s0 =	sld [smem:$0x3F5E];
	_ =	swait.ge [sflag:s4], $0x0  }
0x19: {  	s7 =	sld [smem:$0x3F5F]  }
0x1a: {  	s8 =	sadd.s32 $0xFFFFE003, lr  }
0x1b: {  	s9 =	sadd.s32 $0xFFFFFEF7, lr;
	s5 =	simm.s32 $0xFFFFFFFF;
	p2 =	slt.u32 s8, $0xFFFFF086  }
0x1c: {  	p1 =	slt.u32 s9, $0xF7A;
	s5 =	simm.s32 @!p2 $0x0  }
0x1d: {  	s5 =	simm.s32 @p1 $0x1;
	p0 =	seq.s32 s7, s2  }
0x1e: {  	s7 =	smul.u32 @!p0 $0xF7A, s2;
	p2 =	seq.s32 @!p0 s5, $0x0  }
0x1f: {  	s9 =	smul.u32 $0xF7A, s1;
	s8 =	simm.s32 @!p0 $0x1BF5;
	p2 =	por !p2, p0  }
0x20: {  	[sflag:s8] =	ssyncset.s32 @!p0 $0xFFFFF086;
	s6 =	sadd.s32 @!p0 s3, s7;
	s7 =	simm.s32 @!p0 $0x108  }
0x21: {  	s3 =	sadd.s32 s3, s9;
	s6 =	sadd.s32 @!p0 $0x88, s6;
	s7 =	simm.s32 @p2 $0x1082  }
0x22: {  	[simem:s7], [sflag:s8] =	dma.local @!p0 [hbm:s6], $0xF7A  }
0x23: {  	s9 =	sor.u32 $0xD0000000, s2;
	s6 =	simm.s32 $0x108;
	_ =	swait.ge @!p0 [sflag:s8], $0x0  }
0x24: {  	s3 =	sadd.s32 $0x88, s3;
	s6 =	simm.s32 @!p1 $0x1082;
	[sflag:s4] =	ssyncset.s32 $0xFFFFF086  }
0x25: {  	[simem:s6], [sflag:s4] =	dma.local [hbm:s3], $0xF7A  }
0x26: {  	[smem:$0x3F5F] =	sst s1;
	(tag) =	ssettag s2;
	_ =	strace s9  }
0x27: {  	s1 =	sld [smem:$0x3F6F]  }
0x28: {  	s2 =	sld [smem:$0x3F70]  }
0x29: {  	s4 =	sld [smem:$0x3F72]  }
0x2a: {  	p0 =	seq.s32 s5, $0x0;
	s5 =	sld [smem:$0x3F73]  }
0x2b: {  	s6 =	sld [smem:$0x3F74]  }
0x2c: {  	s7 =	sld [smem:$0x3F75]  }
0x2d: {  	s3 =	simm.s32 $0x108;
	s8 =	sld [smem:$0x3F76]  }
0x2e: {  	s3 =	simm.s32 @!p0 $0x1082;
	s9 =	sld [smem:$0x3F77]  }
0x2f: {  	lr =	sadd.s32 s0, s3;
	s0 =	sld [smem:$0x3F6E]  }
0x30: {  	s3 =	sld [smem:$0x3F71]  }
0x31: {  	[smem:$0x3F7A] =	sst s10  }
0x32: {  	s10 =	sld [smem:$0x3F78];
	_ =	sdelay $0x3  }
0x33: {  	p0 =	seq.s32 s10, $0x1;
	s10 =	sld [smem:$0x3F7A];
	_ =	sdelay $0x3  }
0x34: {  	[smem:$0x3F7A] =	sst s10  }
0x35: {  	s10 =	sld [smem:$0x3F79];
	_ =	sdelay $0x3  }
0x36: {  	p1 =	seq.s32 s10, $0x1;
	s10 =	sld [smem:$0x3F7A];
	_ =	sdelay $0x3  }
0x37: {  	[smem:$0x3F7A] =	sst s10  }
0x38: {  	s10 =	sld [smem:$0x3F7B]  }
0x39: {  	_ = 	snop;
	(pc) =	sbr.ind lr, $3  }
0x3a: {  	_ = 	snop  }
0x3b: {  	_ = 	snop  }
0x3c: {  	p2 =	seq.s32 s10, $0x1;
	s10 =	sld [smem:$0x3F7A]  }
0x3d: {  	_ =	shalt  }
0x3e: {  	_ =	shalt  }
0x3f: {  	_ =	shalt  }
0x40: {  	_ =	shalt  }
0x41: {  	_ =	shalt  }
0x42: {  	_ =	shalt  }
0x43: {  	_ =	shalt  }
0x44: {  	_ =	shalt  }
0x45: {  	_ =	shalt  }
0x46: {  	_ =	shalt  }
0x47: {  	_ =	shalt  }
0x48: {  	_ =	shalt  }
0x49: {  	_ =	shalt  }
0x4a: {  	_ =	shalt  }
0x4b: {  	_ =	shalt  }
0x4c: {  	_ =	shalt  }
0x4d: {  	_ =	shalt  }
0x4e: {  	_ =	shalt  }
0x4f: {  	_ =	shalt  }
0x50: {  	_ =	shalt  }
0x51: {  	_ =	shalt  }
0x52: {  	_ =	shalt  }
0x53: {  	_ =	shalt  }
0x54: {  	_ =	shalt  }
0x55: {  	_ =	shalt  }
0x56: {  	_ =	shalt  }
0x57: {  	_ =	shalt  }
0x58: {  	_ =	shalt  }
0x59: {  	_ =	shalt  }
0x5a: {  	_ =	shalt  }
0x5b: {  	_ =	shalt  }
0x5c: {  	_ =	shalt  }
0x5d: {  	_ =	shalt  }
0x5e: {  	_ =	shalt  }
0x5f: {  	_ =	shalt  }
0x60: {  	_ =	shalt  }
0x61: {  	_ =	shalt  }
0x62: {  	_ =	shalt  }
0x63: {  	_ =	shalt  }
0x64: {  	_ =	shalt  }
0x65: {  	_ =	shalt  }
0x66: {  	_ =	shalt  }
0x67: {  	_ =	shalt  }
0x68: {  	_ =	shalt  }
0x69: {  	_ =	shalt  }
0x6a: {  	_ =	shalt  }
0x6b: {  	_ =	shalt  }
0x6c: {  	_ =	shalt  }
0x6d: {  	_ =	shalt  }
0x6e: {  	_ =	shalt  }
0x6f: {  	_ =	shalt  }
0x70: {  	_ =	shalt  }
0x71: {  	_ =	shalt  }
0x72: {  	_ =	shalt  }
0x73: {  	_ =	shalt  }
0x74: {  	_ =	shalt  }
0x75: {  	_ =	shalt  }
0x76: {  	_ =	shalt  }
0x77: {  	_ =	shalt  }
0x78: {  	_ =	shalt  }
0x79: {  	_ =	shalt  }
0x7a: {  	_ =	shalt  }
0x7b: {  	_ =	shalt  }
0x7c: {  	_ =	shalt  }
0x7d: {  	_ =	shalt  }
0x7e: {  	_ =	shalt  }
0x7f: {  	_ =	shalt  }
0x80: {  	_ =	shalt  }
0x81: {  	_ =	shalt  }
0x82: {  	_ =	shalt  }
0x83: {  	_ =	shalt  }
0x84: {  	_ =	shalt  }
0x85: {  	_ =	shalt  }
0x86: {  	_ =	shalt  }
0x87: {  	_ =	shalt  }
.Lfunc_end0:
.L_simem_size_0:
called_computation.3_lowered:
.L_overlay_start_0:
0x88: {  	s2 =	sld [smem:$0x3FD9]  }
0x89: {  	s3 =	sld [smem:$0x3FFE];
	_ =	sdelay $0x1  }
0x8a: {  	s1 =	srdreg.scid  }
0x8b: {  	s0 =	sand.u32 $0x1, s1  }
0x8c: {  	s17 =	sshll.u32 s0, $0xA;
	s2 =	sadd.s32 s3, s2  }
0x8d: {  	s2 =	sadd.s32 s2, s17  }
0x8e: {  	[smem:$0x3F86] =	sst s2  }
0x8f: {  	_ = 	snop  }
0x90: {  	s2 =	sld [smem:$0x3FD0];
	(tm) =	ssettm $0x1  }
0x91: {  	s18 =	sld [smem:$0x3FFB];
	_ =	sdelay $0x3  }
0x92: {  	_ =	strace s18  }
0x93: {  	s3 =	sld [smem:$0x3FFC];
	_ =	sdelay $0x3  }
0x94: {  	_ =	strace s3  }
0x95: {  	s3 =	sld [smem:$0x3FFD];
	_ =	sdelay $0x3  }
0x96: {  	_ =	strace s3  }
0x97: {  	_ =	strace $0x8FFFFFFF  }
0x98: {  	s19 =	sld [smem:$0x3FDB];
	_ =	sdelay $0x1  }
0x99: {  	s4 =	simm.s32 $_scs_section_size  }
0x9a: {  	s5 =	simm.s32 $_size__tile_overlayer_lowered;
	s6 =	simm.s32 $_tile_overlayer_lowered  }
0x9b: {  	s22 =	simm.s32 $0x1BFF;
	s21 =	sshll.u32 s6, $0x1;
	s3 =	sadd.s32 s4, s19  }
0x9c: {  	s7 =	simm.s32 $0x0;
	s20 =	sshll.u32 s5, $0x1;
	s5 =	sadd.s32 s21, s3  }
0x9d: {  	[timem:s7], [sflag:s22] =	dma.local [hbm:s5], s20  }
0x9e: {  	_ =	swait.ge [sflag:s22], s20  }
0x9f: {  	s4 =	ssub.s32 $0x0, s20;
	[sflag:s22] =	ssyncset.done $0x0  }
0xa0: {  	[sflag:s22] =	ssyncadd.s32 s4;
	_ =	sdelay $0x1  }
0xa1: {  	s23 =	simm.s32 $0x1B8B  }
0xa2: {  	_ =	swait.ge [sflag:s23], $0x1  }
0xa3: {  	[sflag:s23] =	ssyncset.done $0x0  }
0xa4: {  	s25 =	simm.s32 $0x1B8E;
	s24 =	sld [smem:$0x3FFE];
	[sflag:s23] =	ssyncadd.s32 $0xFFFFFFFF  }
0xa5: {  	s26 =	simm.s32 $execute0_lowered;
	[smem:$0x3FD2] =	sst s25  }
0xa6: {  	s5 =	sshll.u32 s26, $0x1;
	_ =	strace $0x8000004F;
	[dreg:$0x1] =	wrdreg $0xFFFFFFFF  }
0xa7: {  	s28 =	simm.s32 $_size_execute0_lowered;
	s3 =	sadd.s32 s3, s5;
	[dreg:$0x0] =	wrdreg $0x0  }
0xa8: {  	s5 =	sshll.u32 s28, $0x1;
	[dreg:$0x2] =	wrdreg s3  }
0xa9: {  	[dreg:$0x3] =	wrdreg s5  }
0xaa: {  	[dreg:$0x4] =	wrdreg $0xC0  }
0xab: {  	_ =	task [dreg:s7], $0x5FFFF  }
0xac: {  	[dreg:$0x1] =	wrdreg $0xFFFFFFFF  }
0xad: {  	[dreg:$0x0] =	wrdreg $0x60  }
0xae: {  	[dreg:$0x2] =	wrdreg s24  }
0xaf: {  	[dreg:$0x3] =	wrdreg s2  }
0xb0: {  	[dreg:$0x4] =	wrdreg $0x61800  }
0xb1: {  	[dreg:$0x5] =	wrdreg $0x9  }
0xb2: {  	_ =	task.clear_ibuf [dreg:s7], $0x6FFFF;
	_ =	strace $0x9000004F  }
0xb3: {  	s29 =	simm.s32 $0x9;
	_ =	strace $0x80000051  }
0xb4: {  	_ =	swait.ge [sflag:s29], $0x1  }
0xb5: {  	[sflag:s29] =	ssyncadd.s32 $0xFFFFFFFF  }
0xb6: {  	_ =	strace $0x90000051  }
0xb7: {  	_ =	sfence  }
0xb8: {  	s30 =	sld [smem:$0x0];
	_ =	sdelay $0x2  }
0xb9: {  	s31 =	sshll.u32 s1, $0xD;
	s1 =	sshrl.u32 s1, $0x2  }
0xba: {  	s3 =	sand.u32 $0x4000, s31;
	s1 =	sadd.s32 s1, s30  }
0xbb: {  	s0 =	sor.u32 s3, s0;
	s1 =	sshll.u32 s1, $0x11  }
0xbc: {  	s0 =	sor.u32 s1, s0  }
0xbd: {  	s0 =	sadd.s32 $0x8F2B, s0  }
0xbe: {  	[sflag:s0] =	ssyncadd.remote.s32 $0x1  }
0xbf: {  	_ =	sfence.sel $0xFFFF  }
0xc0: {  	[dreg:$0x0] =	wrdreg $0xFFFFFFFF;
	(pc) =	sbr.abs _section_cstart, $3  }
0xc1: {  	[dreg:$0x1] =	wrdreg $0xFFFFFFFF  }
0xc2: {  	_ =	task.clear_ibuf [dreg:s7], $0x2FFFF;
	_ =	strace $0x9FFFFFFF  }
0xc3: {  	(tm) =	ssettm $0x7FFFFFFF  }
tec
execute0_lowered:
.L_overlay_start_1:
0x0: {  	(tag) =	ssettag $0x1  }
0x1: {  	s0 =	rddreg [dreg:$0x0]  }
0x2: {  	s2 =	rddreg [dreg:$0x2];
	s17 =	stileid.u32  }
0x3: {  	s3 =	simm.s32 $0x0;
	s5 =	srdreg.scid;
	s4 =	smul.u32 $0x31000, s17  }
0x4: {  	[smem:$0x7FF] =	sst s3;
	s6 =	smul.u32 $0x61A00, s17  }
0x5: {  	s5 =	sand.u32 $0x1, s5;
	s15 =	sadd.s32 $0x76FC00, s0;
	s10 =	smul.u32 $0x61A, s17  }
0x6: {  	s22 =	sshll.u32 s17, $0x6;
	s23 =	smul.u32 $0x6200, s17;
	s18 =	sadd.s32 $0x186800, s2  }
0x7: {  	p0 =	sne.s32 s17, $0xF;
	s17 =	simm.s32 $0xA;
	s8 =	smul.u32 $0x61A8, s5  }
0x8: {  	s1 =	rddreg [dreg:$0x1];
	_ =	strace $0x80000050;
	s20 =	smul.u32 $0x186A00, s5  }
0x9: {  	s7 =	ssub.s32 $0x2, s5;
	s21 =	smul.u32 $0x62000, s5;
	s5 =	sor.u32 $0x1C0A, s22  }
0xa: {  	s18 =	sshrl.u32 @!p0 s18, $0x3;
	s22 =	simm.s32 $0x8;
	s4 =	sadd.s32 s4, s0  }
0xb: {  	s9 =	sshrl.u32 s7, $0x1;
	s0 =	sadd.s32 $0x6AC600, s0;
	s6 =	sshrl.u32 s6, $0x2  }
0xc: {  	s13 =	ssub.s32 s7, s9;
	s8 =	sadd.s32 s10, s8;
	s16 =	sadd.s32 s6, s2  }
0xd: {  	s25 =	sshrl.u32 s20, $0x3;
	s14 =	sadd.s32 s23, s21;
	s30 =	sadd.s32 $0x84BA00, s4  }
0xe: {  	s10 =	sadd.s32 $0x84BE00, s4;
	s20 =	simm.s32 $0x80;
	s23 =	simm.s32 $0x9  }
0xf: {  	s11 =	sshll.u32 s8, $0x3;
	s12 =	sadd.s32 $0x30D00, s25;
	s26 =	sshrl.u32 s14, $0x3  }
0x10: {  	s8 =	sor.u32 $0x80, s14;
	[dreg:$0x7] =	wrdreg s30;
	s31 =	sor.u32 $0x100, s14  }
0x11: {  	s13 =	smax.u32 s13, $0x1;
	s14 =	sadd.s32 $0x84C200, s4;
	s16 =	sshrl.u32 s16, $0x3  }
0x12: {  	s25 =	simm.s32 $0x0;
	s24 =	sadd.s32 s0, s11;
	s0 =	sadd.s32 s0, s12  }
0x13: {  	s28 =	sadd.s32 s15, s26;
	s29 =	sshrl.u32 s8, $0x3;
	[dreg:$0x4] =	wrdreg s24  }
0x14: {  	s11 =	sadd.s32 s1, s11;
	[dreg:$0x5] =	wrdreg s0;
	s0 =	sadd.s32 s15, s29  }
0x15: {  	s12 =	sadd.s32 s1, s12;
	[dreg:$0x8] =	wrdreg s0;
	s0 =	sshrl.u32 s31, $0x3  }
0x16: {  	[dreg:$0x6] =	wrdreg s28;
	s24 =	simm.s32 $0x7;
	s15 =	sadd.s32 s0, s15  }
.LBB2_1:
0x17: {  	s0 =	rddreg [dreg:$0x4]  }
0x18: {  	[spmem:s16], [sflag:s5] =	dma.local [hbm:s0], $0x30D0  }
0x19: {  	_ =	swait.ge [sflag:s17], $0x30D0  }
0x1a: {  	[sflag:s17] =	ssyncset.done $0x0  }
0x1b: {  	s0 =	rddreg [dreg:$0x5];
	[sflag:s17] =	ssyncadd.s32 $0xFFFFCF30  }
0x1c: {  	[spmem:s18], [sflag:s5] =	dma.local @!p0 [hbm:s0], $0x40  }
0x1d: {  	s0 =	simm.s32 @!p0 $0xA  }
0x1e: {  	p1 =	por $0x0, $0x0;
	_ =	swait.ge @!p0 [sflag:s0], $0x40  }
0x1f: {  	p2 =	por @!p1 $0x1, $0x1;
	[sflag:s0] =	ssyncset.done @!p0 $0x0  }
0x20: {  	p2 =	por p2, p1;
	[sflag:s0] =	ssyncadd.s32 @!p0 $0xFFFFFFC0  }
0x21: {  	s0 =	simm.s32 @!p2 $0xFFFFFFFF;
	[bflag:$0x0] =	sbarrier.arrive $0xFFFF  }
0x22: {  	s0 =	sand.u32 @!p2 $0xFF, s0;
	s9 =	rddreg [dreg:$0x6]  }
0x23: {  	[tilespmem:s3], [sflag:$0x1] =	stream.linear.gather [hbm4b:s9+s3], $0x80, $0x38;
	[tilespmem:$0x1E840] =	vst v63  }
0x24: {  	s1 =	simm.s32 $0x180;
	s19 =	rddreg [dreg:$0x7];
	s0 =	smul.u32 @!p2 $0xAB, s0  }
0x25: {  	[tilespmem:s1], [sflag:$0x4] =	stream.linear.gather [hbm4b:s19+s3], $0x2000, $0x38;
	[tilespmem:$0x1E840] =	vst v63  }
0x26: {  	s26 =	simm.s32 $0x2180;
	s4 =	smul.u32 $0xAB, s3;
	s1 =	simm.s32 $0x2  }
0x27: {  	s21 =	rddreg [dreg:$0x8];
	s0 =	sshrl.u32 @!p2 s0, $0x9;
	s1 =	smul.u32 @!p1 $0xAB, s1  }
0x28: {  	[tilespmem:s20], [sflag:$0x2] =	stream.linear.gather [hbm4b:s21+s3], $0x80, $0x38;
	[tilespmem:$0x1E840] =	vst v63  }
0x29: {  	s30 =	simm.s32 $0x2;
	s0 =	smul.u32 @!p2 $0x3, s0;
	s1 =	sshrl.u32 @!p1 s1, $0x9  }
0x2a: {  	[tilespmem:s26], [sflag:$0x5] =	stream.linear.gather [hbm4b:s10+s3], $0x2000, $0x38;
	[tilespmem:$0x1E840] =	vst v63  }
0x2b: {  	s28 =	sadd.s32 $0x10, s15;
	s0 =	ssub.s32 @!p2 $0xFFFFFFFF, s0;
	s1 =	sand.u32 @!p1 $0x7F, s1  }
0x2c: {  	s4 =	sshrl.u32 s4, $0x9;
	s0 =	sand.u32 @!p2 $0xFF, s0;
	s1 =	smul.u32 @!p1 $0x3, s1  }
0x2d: {  	s29 =	sadd.s32 $0x400, s14;
	s4 =	sand.u32 $0x7F, s4;
	s0 =	sadd.s32 @!p2 $0x7, s0  }
0x2e: {  	s4 =	smul.u32 $0x3, s4;
	_ =	swait.ge @!p2 [sflag:s0], $0x2000;
	s1 =	ssub.s32 @!p1 $0x2, s1  }
0x2f: {  	s19 =	simm.s32 @!p1 $0x0;
	[sflag:s0] =	ssyncset.done @!p2 $0x0;
	s1 =	sand.u32 @!p1 $0xFF, s1  }
0x30: {  	[sflag:s0] =	ssyncadd.s32 @!p2 $0xFFFFE000;
	s0 =	sshll.u32 @!p1 s1, $0x7;
	s21 =	sadd.s32 @!p1 $0x1, s1  }
0x31: {  	[tilespmem:s0], [sflag:s21] =	stream.linear.gather @!p1 [hbm4b:s15+s19], $0x80, $0x38;
	[tilespmem:$0x1E840] =	vst v63  }
0x32: {  	s31 =	simm.s32 $0x3;
	s4 =	ssub.s32 $0x0, s4;
	s0 =	sshll.u32 @!p1 s1, $0xD  }
0x33: {  	s1 =	sor.u32 @!p1 $0x4, s1;
	s21 =	sor.u32 @!p1 $0x180, s0;
	s0 =	sand.u32 $0xFF, s4  }
0x34: {  	[tilespmem:s21], [sflag:s1] =	stream.linear.gather @!p1 [hbm4b:s14+s19], $0x2000, $0x38;
	[tilespmem:$0x1E840] =	vst v63  }
0x35: {  	s26 =	simm.s32 $0x1;
	p1 =	por $0x0, $0x0;
	s4 =	sadd.s32 $0x1, s0  }
0x36: {  	p2 =	por @!p1 $0x0, $0x0;
	s19 =	smul.u32 @!p1 $0xAB, s31;
	_ =	swait.ge [sflag:s4], $0x80  }
0x37: {  	s21 =	sor.u32 $0x4, s0;
	p2 =	por p2, p1;
	[sflag:s4] =	ssyncset.done $0x0  }
0x38: {  	s1 =	simm.s32 @!p2 $0x0;
	s19 =	sshrl.u32 @!p1 s19, $0x9;
	[sflag:s4] =	ssyncadd.s32 $0xFFFFFF80  }
0x39: {  	s4 =	sand.u32 @!p2 $0xFF, s1;
	s19 =	sand.u32 @!p1 $0x7F, s19;
	_ =	swait.ge [sflag:s21], $0x2000  }
.LBB2_2:
0x3a: {  	s4 =	smul.u32 @!p2 $0xAB, s4;
	s6 =	sshll.u32 s0, $0xD;
	[sflag:s21] =	ssyncset.done $0x0  }
0x3b: {  	s7 =	smov.u32 s26;
	s26 =	smov.u32 s30;
	s8 =	smov.u32 s28  }
0x3c: {  	s30 =	sadd.s32 $0x1, s30;
	[sflag:s21] =	ssyncadd.s32 $0xFFFFE000;
	s21 =	sadd.s32 $0x7, s0  }
0x3d: {  	s0 =	sshll.u32 s0, $0x7;
	s6 =	sor.u32 $0x180, s6;
	s4 =	sshrl.u32 @!p2 s4, $0x9  }
0x3e: {  	s9 =	smov.u32 s29;
	p3 =	sne.s32 s30, $0xC4;
	s4 =	smul.u32 @!p2 $0x3, s4  }
0x3f: {  	[spmem:s2] =	stream.indirect.scatter.add.f32 [tilespmem:s6], [sflag:s21], $0x40, s0, s20, $0xb8;
	[tilespmem:$0x1E840] =	vst v63  }
0x40: {  	s28 =	sadd.s32 $0x10, s28;
	s0 =	ssub.s32 @!p2 s1, s4;
	s1 =	smul.u32 $0xAB, s7  }
0x41: {  	s29 =	sadd.s32 $0x400, s29;
	s4 =	smul.u32 @!p1 $0x3, s19;
	s0 =	sand.u32 @!p2 $0xFF, s0  }
0x42: {  	s6 =	simm.s32 @!p1 $0x0;
	s0 =	sadd.s32 @!p2 $0x7, s0;
	s1 =	sshrl.u32 s1, $0x9  }
0x43: {  	s4 =	ssub.s32 @!p1 s31, s4;
	_ =	swait.ge @!p2 [sflag:s0], $0x2000;
	s1 =	sand.u32 $0x7F, s1  }
0x44: {  	s4 =	sand.u32 @!p1 $0xFF, s4;
	[sflag:s0] =	ssyncset.done @!p2 $0x0;
	s1 =	smul.u32 $0x3, s1  }
0x45: {  	s19 =	sadd.s32 @!p1 $0x1, s4;
	[sflag:s0] =	ssyncadd.s32 @!p2 $0xFFFFE000;
	s0 =	sshll.u32 @!p1 s4, $0x7  }
0x46: {  	[tilespmem:s0], [sflag:s19] =	stream.linear.gather @!p1 [hbm4b:s8+s6], $0x80, $0x38;
	[tilespmem:$0x1E840] =	vst v63  }
0x47: {  	s0 =	sshll.u32 @!p1 s4, $0xD;
	s4 =	sor.u32 @!p1 $0x4, s4;
	s1 =	ssub.s32 s7, s1  }
0x48: {  	s31 =	sadd.s32 $0x2, s26;
	s7 =	sor.u32 @!p1 $0x180, s0;
	s0 =	sand.u32 $0xFF, s1  }
0x49: {  	[tilespmem:s7], [sflag:s4] =	stream.linear.gather @!p1 [hbm4b:s9+s6], $0x2000, $0x38;
	[tilespmem:$0x1E840] =	vst v63  }
.Ltmp0:
0x4a: {  	p1 =	sgt.u32 s26, $0xC1;
	s4 =	sadd.s32 $0x1, s0;
	(pc) =	sbr.rel @p3 .LBB2_2-.Ltmp0, $4  }
0x4b: {  	p2 =	seq.s32 @!p1 s26, $0x0;
	s6 =	smul.u32 @!p1 $0xAB, s31;
	_ =	swait.ge [sflag:s4], $0x80  }
0x4c: {  	s21 =	sor.u32 $0x4, s0;
	p2 =	por p2, p1;
	[sflag:s4] =	ssyncset.done $0x0  }
0x4d: {  	s1 =	sadd.s32 @!p2 $0xFFFFFFFF, s26;
	s6 =	sshrl.u32 @!p1 s6, $0x9;
	[sflag:s4] =	ssyncadd.s32 $0xFFFFFF80  }
0x4e: {  	s4 =	sand.u32 @!p2 $0xFF, s1;
	s19 =	sand.u32 @!p1 $0x7F, s6;
	_ =	swait.ge [sflag:s21], $0x2000  }
0x4f: {  	s4 =	smul.u32 @!p2 $0xAB, s4  }
0x50: {  	s6 =	sshll.u32 s0, $0xD;
	[sflag:s21] =	ssyncset.done $0x0;
	s7 =	sadd.s32 $0x7, s0  }
0x51: {  	[sflag:s21] =	ssyncadd.s32 $0xFFFFE000;
	s21 =	smul.u32 $0xAB, s26;
	s4 =	sshrl.u32 @!p2 s4, $0x9  }
0x52: {  	s9 =	sshll.u32 s0, $0x7;
	s6 =	sor.u32 $0x180, s6;
	s4 =	smul.u32 @!p2 $0x3, s4  }
0x53: {  	[spmem:s2] =	stream.indirect.scatter.add.f32 [tilespmem:s6], [sflag:s7], $0x40, s9, s20, $0xb8;
	[tilespmem:$0x1E840] =	vst v63  }
0x54: {  	s0 =	ssub.s32 @!p2 s1, s4;
	s4 =	smul.u32 @!p1 $0x3, s19  }
0x55: {  	s1 =	sshrl.u32 s21, $0x9;
	s0 =	sand.u32 @!p2 $0xFF, s0  }
0x56: {  	s1 =	sand.u32 $0x7F, s1;
	s0 =	sadd.s32 @!p2 $0x7, s0;
	s4 =	ssub.s32 @!p1 s31, s4  }
0x57: {  	s1 =	smul.u32 $0x3, s1;
	_ =	swait.ge @!p2 [sflag:s0], $0x2000;
	s4 =	sand.u32 @!p1 $0xFF, s4  }
0x58: {  	s6 =	simm.s32 @!p1 $0x0;
	[sflag:s0] =	ssyncset.done @!p2 $0x0;
	s7 =	sadd.s32 @!p1 $0x1, s4  }
0x59: {  	s1 =	ssub.s32 s26, s1;
	[sflag:s0] =	ssyncadd.s32 @!p2 $0xFFFFE000;
	s0 =	sshll.u32 @!p1 s4, $0x7  }
0x5a: {  	[tilespmem:s0], [sflag:s7] =	stream.linear.gather @!p1 [hbm4b:s28+s6], $0x80, $0x38;
	[tilespmem:$0x1E840] =	vst v63  }
0x5b: {  	s1 =	sand.u32 $0xFF, s1;
	s0 =	sshll.u32 @!p1 s4, $0xD  }
0x5c: {  	s4 =	sor.u32 @!p1 $0x4, s4;
	s28 =	sadd.s32 $0x1, s1;
	s0 =	sor.u32 @!p1 $0x180, s0  }
0x5d: {  	[tilespmem:s0], [sflag:s4] =	stream.linear.gather @!p1 [hbm4b:s29+s6], $0x2000, $0x38;
	[tilespmem:$0x1E840] =	vst v63  }
0x5e: {  	_ =	swait.ge [sflag:s28], $0x80  }
0x5f: {  	[sflag:s28] =	ssyncset.done $0x0  }
0x60: {  	s29 =	sor.u32 $0x4, s1;
	[sflag:s28] =	ssyncadd.s32 $0xFFFFFF80  }
0x61: {  	_ =	swait.ge [sflag:s29], $0x2000  }
0x62: {  	s30 =	sshll.u32 s1, $0xD;
	s31 =	sadd.s32 $0x7, s1;
	[sflag:s29] =	ssyncset.done $0x0  }
0x63: {  	s1 =	sshll.u32 s1, $0x7;
	s0 =	sor.u32 $0x180, s30;
	[sflag:s29] =	ssyncadd.s32 $0xFFFFE000  }
0x64: {  	[spmem:s2] =	stream.indirect.scatter.add.f32 [tilespmem:s0], [sflag:s31], $0x40, s1, s20, $0xb8;
	[tilespmem:$0x1E840] =	vst v63  }
0x65: {  	_ =	swait.ge [sflag:s22], $0x2000  }
0x66: {  	[sflag:s22] =	ssyncset.done $0x0  }
0x67: {  	[sflag:s22] =	ssyncadd.s32 $0xFFFFE000  }
0x68: {  	_ =	swait.ge [sflag:s23], $0x2000  }
0x69: {  	[sflag:s23] =	ssyncset.done $0x0  }
0x6a: {  	[sflag:s23] =	ssyncadd.s32 $0xFFFFE000  }
0x6b: {  	_ =	swait.ge [sflag:s24], $0x2000  }
0x6c: {  	[sflag:s24] =	ssyncset.done $0x0  }
0x6d: {  	[sflag:s24] =	ssyncadd.s32 $0xFFFFE000  }
0x6e: {  	[bflag:$0x0] =	sbarrier.arrive $0xFFFF  }
0x6f: {  	[hbm:s11], [sflag:s5] =	dma.local [spmem:s16], $0x30D0  }
0x70: {  	s25 =	sadd.s32 $0x1, s25;
	_ =	swait.ge [sflag:s17], $0x30D0  }
0x71: {  	p1 =	sne.s32 s25, s13;
	[sflag:s17] =	ssyncset.done $0x0  }
.Ltmp1:
0x72: {  	s0 =	simm.s32 @!p0 $0xA;
	[sflag:s17] =	ssyncadd.s32 $0xFFFFCF30;
	(pc) =	sbr.rel @p1 .LBB2_1-.Ltmp1, $4  }
0x73: {  	[hbm:s12], [sflag:s5] =	dma.local @!p0 [spmem:s18], $0x40  }
0x74: {  	_ =	swait.ge @!p0 [sflag:s0], $0x40  }
0x75: {  	[sflag:s0] =	ssyncset.done @!p0 $0x0  }
0x76: {  	[sflag:s0] =	ssyncadd.s32 @!p0 $0xFFFFFFC0  }
0x77: {  	_ =	sfence.sel $0x180000  }
0x78: {  	[bflag:$0x0] =	sbarrier.arrive $0xFFFF  }
0x79: {  	_ =	strace $0x90000050  }
0x7a: {  	s0 =	stileid.u32;
	[bflag:$0x2] =	sbarrier.arrive $0xFFFF  }
0x7b: {  	p0 =	sne.s32 s0, $0x0;
	s0 =	rddreg [dreg:$0x3]  }
0x7c: {  	s0 =	sadd.s32 @!p0 $0x100000, s0  }
0x7d: {  	[sflag:s0] =	ssyncadd.tile.s32 @!p0 $0x1;
	_ =	shalt  }
.Lfunc_end2:
_tile_overlayer_lowered:
.L_overlay_start_2:
0x7e: {  	(tag) =	ssettag $0x2  }
0x7f: {  	s0 =	rddreg [dreg:$0x0];
	s2 =	stileid.u32  }
0x80: {  	s1 =	rddreg [dreg:$0x1];
	p0 =	sne.s32 s2, $0x0  }
0x81: {  	s3 =	rddreg [dreg:$0x2];
	[bflag:$0x3] =	sbarrier.arrive $0xFFFF;
	s2 =	simm.s32 @!p0 $0x1C0A  }
0x82: {  	[timem:s3], [sflag:s2] =	dma.local @!p0 [hbm:s0], s1  }
0x83: {  	s0 =	simm.s32 @!p0 $0xA  }
0x84: {  	_ =	swait.ge @!p0 [sflag:s0], s1  }
0x85: {  	s1 =	ssub.s32 @!p0 $0x0, s1;
	[sflag:s0] =	ssyncset.done @!p0 $0x0  }
0x86: {  	[sflag:s0] =	ssyncadd.s32 @!p0 s1  }
0x87: {  	[bflag:$0x3] =	sbarrier.arrive $0xFFFF  }
0x88: {  	_ =	shalt  }

</sc_bundles>
